<compile_context>
chip_gen: v7x
topology: tpu7x:2x2x1
jax: 0.10.2.dev20260603
libtpu: 0.0.44.dev20260713+nightly
codegen_flags: <defaults>
</compile_context>

<pallas_src>
import functools

import jax
import jax.numpy as jnp
from jax import lax
from jax.experimental import pallas as pl
from jax.experimental.pallas import tpu as pltpu
from jax.experimental.pallas import tpu_sc as plsc

LANES = 16
NC, NS = 2, 16
NW = NC * NS
CHUNK = 128
WAVE = 4 * CHUNK
HALF = WAVE // 2
TCP = 128


def _make_sc_gather(n_tokens, vocab, emb, n_pos):
    per_w = n_tokens // NW
    n_waves = per_w // WAVE
    groups_per_half = HALF // LANES
    nsub = emb // LANES
    assert per_w % WAVE == 0
    mesh = plsc.VectorSubcoreMesh(core_axis_name="c", subcore_axis_name="s")

    @functools.partial(
        pl.kernel,
        out_type=jax.ShapeDtypeStruct((n_tokens * emb,), jnp.float32),
        mesh=mesh,
        compiler_params=pltpu.CompilerParams(
            use_tc_tiling_on_sc=False, needs_layout_passes=False),
        scratch_types=[
            pltpu.VMEM((WAVE,), jnp.int32),
            pltpu.VMEM((WAVE,), jnp.int32),
            pltpu.VMEM((WAVE,), jnp.int32),
            pltpu.VMEM((WAVE,), jnp.int32),
            pltpu.VMEM((WAVE, emb), jnp.float32),
            pltpu.VMEM((HALF * emb,), jnp.float32),
            pltpu.VMEM((HALF * emb,), jnp.float32),
            pltpu.VMEM((n_pos, emb), jnp.float32),
            pltpu.SemaphoreType.DMA,
            pltpu.SemaphoreType.DMA,
            pltpu.SemaphoreType.DMA,
            pltpu.SemaphoreType.DMA,
            pltpu.SemaphoreType.DMA,
            pltpu.SemaphoreType.DMA,
        ],
    )
    def sc_kernel(src_h, seg_h, word_h, pos_h, out_h,
                  idxn, segb, pidxn, pidxc, wbuf, obuf0, obuf1, posv,
                  g0, g1, g2, g3, s0, s1):
        wid = lax.axis_index("s") * NC + lax.axis_index("c")
        pltpu.sync_copy(pos_h, posv)
        base0 = wid * per_w
        iota = lax.iota(jnp.int32, LANES)
        gsems = (g0, g1, g2, g3)
        obufs = (obuf0, obuf1)
        ssems = (s0, s1)

        def gather_q(b):
            return pltpu.make_async_copy(
                word_h.at[idxn.at[pl.ds(b * CHUNK, CHUNK)]],
                wbuf.at[pl.ds(b * CHUNK, CHUNK)],
                gsems[b])

        def store_h(h, w):
            base = (base0 + w * WAVE + h * HALF) * emb
            return pltpu.make_async_copy(
                obufs[h], out_h.at[pl.ds(base, HALF * emb)], ssems[h])

        def stage(w):
            base = base0 + w * WAVE
            pltpu.sync_copy(src_h.at[pl.ds(base, WAVE)], idxn)
            pltpu.sync_copy(seg_h.at[pl.ds(base, WAVE)], segb)

            def pix_body(j):
                s = segb[pl.ds(j * LANES, LANES)]
                q = (s.astype(jnp.float32) * jnp.float32(1.0 / 10000.0)).astype(jnp.int32)
                r = s - q * 10000
                q = jnp.where(r >= 10000, q + 1, q)
                q = jnp.where(r < 0, q - 1, q)
                pidxn[pl.ds(j * LANES, LANES)] = q

            plsc.parallel_loop(0, WAVE // LANES, 1)(pix_body)

        def compute_half(h):
            obuf = obufs[h]

            def group_body(g):
                lrow = g * LANES
                wrow = h * HALF + lrow
                pvec = pidxc[pl.ds(wrow, LANES)]
                for i in range(LANES):
                    t = lrow + i
                    pt = pvec[i]
                    for k in range(nsub):
                        obuf[pl.ds(t * emb + LANES * k, LANES)] = (
                            wbuf[wrow + i, pl.ds(LANES * k, LANES)]
                            + posv[pt, pl.ds(LANES * k, LANES)])

            plsc.parallel_loop(0, groups_per_half, 1)(group_body)

        def copy_pidx():
            def cp(j):
                pidxc[pl.ds(j * LANES, LANES)] = pidxn[pl.ds(j * LANES, LANES)]
            plsc.parallel_loop(0, WAVE // LANES, 1)(cp)

        stage(0)
        for b in range(4):
            gather_q(b).start()

        def wave_body(w, _):
            copy_pidx()

            gather_q(0).wait()
            gather_q(1).wait()

            @pl.when(w >= 1)
            def _():
                store_h(0, w - 1).wait()

            compute_half(0)
            store_h(0, w).start()

            gather_q(2).wait()
            gather_q(3).wait()

            @pl.when(w < n_waves - 1)
            def _():
                stage(w + 1)
                gather_q(0).start()
                gather_q(1).start()

            @pl.when(w >= 1)
            def _():
                store_h(1, w - 1).wait()

            compute_half(1)
            store_h(1, w).start()

            @pl.when(w < n_waves - 1)
            def _():
                gather_q(2).start()
                gather_q(3).start()

            return 0

        lax.fori_loop(0, n_waves, wave_body, 0)
        store_h(0, n_waves - 1).wait()
        store_h(1, n_waves - 1).wait()

    return sc_kernel


def _make_tc_layernorm(n_rows, emb):
    blk = 1024
    assert n_rows % blk == 0
    inv_e = float(1.0 / emb)

    def body(x_ref, sm_ref, g_ref, b_ref, o_ref):
        x = x_ref[...]
        sm = sm_ref[...]
        s1 = jax.lax.dot(x, sm, precision=jax.lax.Precision.HIGHEST)
        s2 = jax.lax.dot(x * x, sm, precision=jax.lax.Precision.HIGHEST)
        m = s1 * inv_e
        v = s2 * inv_e - m * m
        o_ref[...] = ((x - m) * jax.lax.rsqrt(v + jnp.float32(1e-6))
                      * g_ref[...] + b_ref[...])

    return pl.pallas_call(
        body,
        grid=(n_rows // blk,),
        in_specs=[
            pl.BlockSpec((blk, TCP), lambda i: (i, 0)),
            pl.BlockSpec((TCP, TCP), lambda i: (0, 0)),
            pl.BlockSpec((1, TCP), lambda i: (0, 0)),
            pl.BlockSpec((1, TCP), lambda i: (0, 0)),
        ],
        out_specs=pl.BlockSpec((blk, TCP), lambda i: (i, 0)),
        out_shape=jax.ShapeDtypeStruct((n_rows, TCP), jnp.float32),
    )


def kernel(src, seg, word_table, pos_table, gamma, beta):
    b, l = src.shape
    vocab, emb = word_table.shape
    n_pos = pos_table.shape[0]
    n = b * l
    assert TCP % emb == 0 and (n * emb) % TCP == 0
    flat_src = src.reshape(n).astype(jnp.int32)
    flat_seg = seg.reshape(n).astype(jnp.int32)

    sc = _make_sc_gather(n, vocab, emb, n_pos)
    rows = sc(flat_src, flat_seg, word_table, pos_table)

    n_rows = n * emb // TCP
    x2 = rows.reshape(n_rows, TCP)
    seg_ids = jnp.arange(TCP, dtype=jnp.int32) // emb
    segm = (seg_ids[:, None] == seg_ids[None, :]).astype(jnp.float32)
    rep = TCP // emb
    g2 = jnp.tile(gamma, rep).reshape(1, TCP).astype(jnp.float32)
    b2 = jnp.tile(beta, rep).reshape(1, TCP).astype(jnp.float32)

    ln = _make_tc_layernorm(n_rows, emb)
    y = ln(x2, segm, g2, b2)
    return y.reshape(b, l, emb)

# --- scband reference (transcript-rebuilt; emitter-appended) ---
"""Pipeline reference for scband-tab-embedding-26963804685083 (READ-ONLY COPY).

The authoritative reference and input builder live on the scoring server;
editing this copy changes nothing except your own understanding.
"""

import jax, jax.numpy as jnp
import numpy as np

VOCAB = 1000000
EMB = 64
MAX_LEN = 512
B, L = 4096, 200

def setup_inputs(seed: int = 0) -> dict:
    key = jax.random.key(seed)
    ks = jax.random.split(key, 4)
    src = jax.random.randint(ks[0], (B, L), 0, VOCAB)
    # seg values are divided by 10000 inside forward, so keep them < MAX_LEN*10000
    seg = jax.random.randint(ks[1], (B, L), 0, MAX_LEN * 10000)
    word_table = (jax.random.normal(ks[2], (VOCAB, EMB), dtype=jnp.float32) * 0.02)
    pos_table = (jax.random.normal(ks[3], (MAX_LEN, EMB), dtype=jnp.float32) * 0.02)
    gamma = jnp.ones((EMB,), dtype=jnp.float32)
    beta = jnp.zeros((EMB,), dtype=jnp.float32)
    return {"src": src, "seg": seg, "word_table": word_table, "pos_table": pos_table, "gamma": gamma, "beta": beta}

def _layer_norm(x, gamma, beta, eps=1e-6):
    mean = jnp.mean(x, axis=-1, keepdims=True)
    var = jnp.mean((x - mean) ** 2, axis=-1, keepdims=True)
    return gamma * (x - mean) / jnp.sqrt(var + eps) + beta

def reference(src, seg, word_table, pos_table, gamma, beta):
    # word embedding lookup (SparseCore gather)
    word_emb = jnp.take(word_table, src, axis=0)
    # position embedding lookup after integer division
    pos_emb = jnp.take(pos_table, seg // 10000, axis=0)
    emb = word_emb + pos_emb
    emb = _layer_norm(emb, gamma, beta)
    # dropout is identity in eval mode
    return emb

if __name__ == "__main__":
    import jax
    _d = setup_inputs()
    print(jax.jit(kernel)(*tuple(_d.values())))

</pallas_src>

<mosaic_0001>
#map = affine_map<(d0, d1) -> (0)>
#map1 = affine_map<(d0, d1) -> (0, 0)>
module attributes {stable_mosaic.version = 14 : i64} {
  func.func @sc_kernel(%arg0: i32, %arg1: i32, %arg2: memref<819200xi32, #tpu.memory_space<hbm>>, %arg3: memref<819200xi32, #tpu.memory_space<hbm>>, %arg4: memref<1000000x64xf32, #tpu.memory_space<hbm>>, %arg5: memref<512x64xf32, #tpu.memory_space<hbm>>, %arg6: memref<52428800xf32, #tpu.memory_space<hbm>>, %arg7: memref<512xi32, #tpu.memory_space<vmem>>, %arg8: memref<512xi32, #tpu.memory_space<vmem>>, %arg9: memref<512xi32, #tpu.memory_space<vmem>>, %arg10: memref<512xi32, #tpu.memory_space<vmem>>, %arg11: memref<512x64xf32, #tpu.memory_space<vmem>>, %arg12: memref<16384xf32, #tpu.memory_space<vmem>>, %arg13: memref<16384xf32, #tpu.memory_space<vmem>>, %arg14: memref<512x64xf32, #tpu.memory_space<vmem>>, %arg15: memref<!tpu.dma_semaphore, #tpu.memory_space<semaphore_mem>>, %arg16: memref<!tpu.dma_semaphore, #tpu.memory_space<semaphore_mem>>, %arg17: memref<!tpu.dma_semaphore, #tpu.memory_space<semaphore_mem>>, %arg18: memref<!tpu.dma_semaphore, #tpu.memory_space<semaphore_mem>>, %arg19: memref<!tpu.dma_semaphore, #tpu.memory_space<semaphore_mem>>, %arg20: memref<!tpu.dma_semaphore, #tpu.memory_space<semaphore_mem>>) attributes {dimension_semantics = [#tpu.dimension_semantics<core_parallel>, #tpu.dimension_semantics<subcore_parallel>], iteration_bounds = array<i64: 2, 16>, scalar_prefetch = 0 : i64, scratch_operands = 14 : i64, tpu.core_type = #tpu.core_type<sc_vector_subcore>, window_params = [{transform_indices = #map}, {transform_indices = #map}, {transform_indices = #map1}, {transform_indices = #map1}, {transform_indices = #map}]} {
    %mul3A = arith.constant 2 : i32
    %mul3A_0 = arith.muli %arg1, %mul3A : i32
    %add3A = arith.addi %mul3A_0, %arg0 : i32
    "tpu.region"() ({
      %run_scoped3A = tpu.sem_alloc : memref<!tpu.dma_semaphore, #tpu.memory_space<semaphore_mem>>
      tpu.enqueue_dma source(%arg5 : memref<512x64xf32, #tpu.memory_space<hbm>>) target(%arg14 : memref<512x64xf32, #tpu.memory_space<vmem>>) target_semaphore(%run_scoped3A : memref<!tpu.dma_semaphore, #tpu.memory_space<semaphore_mem>>)
      tpu.wait_dma2 semaphore(%run_scoped3A : memref<!tpu.dma_semaphore, #tpu.memory_space<semaphore_mem>>) src(%arg5 : memref<512x64xf32, #tpu.memory_space<hbm>>) dst(%arg14 : memref<512x64xf32, #tpu.memory_space<vmem>>)
      tpu.yield
    }) : () -> ()
    %mul3A_1 = arith.constant 25600 : i32
    %mul3A_2 = arith.muli %add3A, %mul3A_1 : i32
    %iota3A = tpu.iota {dimensions = array<i32: 0>} : vector<16xi32>
    %add3A_3 = arith.constant 0 : i32
    %add3A_4 = arith.addi %mul3A_2, %add3A_3 : i32
    "tpu.region"() ({
      %run_scoped3A = tpu.sem_alloc : memref<!tpu.dma_semaphore, #tpu.memory_space<semaphore_mem>>
      %dma_start3A_59 = tpu.memref_slice %arg2[%add3A_4] : memref<819200xi32, #tpu.memory_space<hbm>> -> memref<512xi32, #tpu.memory_space<hbm>>
      %dma_start3A_60 = tpu.memref_slice %arg2[%add3A_4] : memref<819200xi32, #tpu.memory_space<hbm>> -> memref<512xi32, #tpu.memory_space<hbm>>
      tpu.enqueue_dma source(%dma_start3A_60 : memref<512xi32, #tpu.memory_space<hbm>>) target(%arg7 : memref<512xi32, #tpu.memory_space<vmem>>) target_semaphore(%run_scoped3A : memref<!tpu.dma_semaphore, #tpu.memory_space<semaphore_mem>>)
      %dma_wait3A_61 = tpu.memref_slice %arg2[%add3A_4] : memref<819200xi32, #tpu.memory_space<hbm>> -> memref<512xi32, #tpu.memory_space<hbm>>
      %dma_wait3A_62 = tpu.memref_slice %arg2[%add3A_4] : memref<819200xi32, #tpu.memory_space<hbm>> -> memref<512xi32, #tpu.memory_space<hbm>>
      tpu.wait_dma2 semaphore(%run_scoped3A : memref<!tpu.dma_semaphore, #tpu.memory_space<semaphore_mem>>) src(%dma_wait3A_62 : memref<512xi32, #tpu.memory_space<hbm>>) dst(%arg7 : memref<512xi32, #tpu.memory_space<vmem>>)
      tpu.yield
    }) : () -> ()
    "tpu.region"() ({
      %run_scoped3A = tpu.sem_alloc : memref<!tpu.dma_semaphore, #tpu.memory_space<semaphore_mem>>
      %dma_start3A_59 = tpu.memref_slice %arg3[%add3A_4] : memref<819200xi32, #tpu.memory_space<hbm>> -> memref<512xi32, #tpu.memory_space<hbm>>
      %dma_start3A_60 = tpu.memref_slice %arg3[%add3A_4] : memref<819200xi32, #tpu.memory_space<hbm>> -> memref<512xi32, #tpu.memory_space<hbm>>
      tpu.enqueue_dma source(%dma_start3A_60 : memref<512xi32, #tpu.memory_space<hbm>>) target(%arg8 : memref<512xi32, #tpu.memory_space<vmem>>) target_semaphore(%run_scoped3A : memref<!tpu.dma_semaphore, #tpu.memory_space<semaphore_mem>>)
      %dma_wait3A_61 = tpu.memref_slice %arg3[%add3A_4] : memref<819200xi32, #tpu.memory_space<hbm>> -> memref<512xi32, #tpu.memory_space<hbm>>
      %dma_wait3A_62 = tpu.memref_slice %arg3[%add3A_4] : memref<819200xi32, #tpu.memory_space<hbm>> -> memref<512xi32, #tpu.memory_space<hbm>>
      tpu.wait_dma2 semaphore(%run_scoped3A : memref<!tpu.dma_semaphore, #tpu.memory_space<semaphore_mem>>) src(%dma_wait3A_62 : memref<512xi32, #tpu.memory_space<hbm>>) dst(%arg8 : memref<512xi32, #tpu.memory_space<vmem>>)
      tpu.yield
    }) : () -> ()
    %parallel_loop3A = arith.constant 0 : i32
    %parallel_loop3A_5 = arith.constant 32 : i32
    %parallel_loop3A_6 = arith.constant 1 : i32
    scf.for %parallel_loop3A_59 = %parallel_loop3A to %parallel_loop3A_5 step %parallel_loop3A_6  : i32 {
      %parallel_loop3A_60 = arith.constant 16 : i32
      %parallel_loop3A_61 = arith.muli %parallel_loop3A_59, %parallel_loop3A_60 : i32
      %parallel_loop3A_62 = arith.index_cast %parallel_loop3A_61 : i32 to index
      %parallel_loop3A_63 = tpu.vector_load %arg8[%parallel_loop3A_62] {strides = array<i32>} : memref<512xi32, #tpu.memory_space<vmem>>, vector<16xi32>,
      %parallel_loop3A_64 = arith.sitofp %parallel_loop3A_63 : vector<16xi32> to vector<16xf32>
      %parallel_loop3A_65 = arith.constant 9.99999974E-5 : f32
      %parallel_loop3A_66 = vector.broadcast %parallel_loop3A_65 : f32 to vector<16xf32>
      %parallel_loop3A_67 = arith.mulf %parallel_loop3A_64, %parallel_loop3A_66 : vector<16xf32>
      %parallel_loop3A_68 = arith.fptosi %parallel_loop3A_67 : vector<16xf32> to vector<16xi32>
      %parallel_loop3A_69 = arith.constant 10000 : i32
      %parallel_loop3A_70 = vector.broadcast %parallel_loop3A_69 : i32 to vector<16xi32>
      %parallel_loop3A_71 = arith.muli %parallel_loop3A_68, %parallel_loop3A_70 : vector<16xi32>
      %parallel_loop3A_72 = arith.subi %parallel_loop3A_63, %parallel_loop3A_71 : vector<16xi32>
      %parallel_loop3A_73 = arith.constant 10000 : i32
      %parallel_loop3A_74 = vector.broadcast %parallel_loop3A_73 : i32 to vector<16xi32>
      %parallel_loop3A_75 = arith.cmpi sge, %parallel_loop3A_72, %parallel_loop3A_74 : vector<16xi32>
      %parallel_loop3A_76 = arith.constant 1 : i32
      %parallel_loop3A_77 = vector.broadcast %parallel_loop3A_76 : i32 to vector<16xi32>
      %parallel_loop3A_78 = arith.addi %parallel_loop3A_68, %parallel_loop3A_77 : vector<16xi32>
      %parallel_loop3A_79 = arith.select %parallel_loop3A_75, %parallel_loop3A_78, %parallel_loop3A_68 : vector<16xi1>, vector<16xi32>
      %parallel_loop3A_80 = arith.constant 0 : i32
      %parallel_loop3A_81 = vector.broadcast %parallel_loop3A_80 : i32 to vector<16xi32>
      %parallel_loop3A_82 = arith.cmpi slt, %parallel_loop3A_72, %parallel_loop3A_81 : vector<16xi32>
      %parallel_loop3A_83 = arith.constant 1 : i32
      %parallel_loop3A_84 = vector.broadcast %parallel_loop3A_83 : i32 to vector<16xi32>
      %parallel_loop3A_85 = arith.subi %parallel_loop3A_79, %parallel_loop3A_84 : vector<16xi32>
      %parallel_loop3A_86 = arith.select %parallel_loop3A_82, %parallel_loop3A_85, %parallel_loop3A_79 : vector<16xi1>, vector<16xi32>
      %parallel_loop3A_87 = arith.constant 16 : i32
      %parallel_loop3A_88 = arith.muli %parallel_loop3A_59, %parallel_loop3A_87 : i32
      %parallel_loop3A_89 = arith.index_cast %parallel_loop3A_88 : i32 to index
      %parallel_loop3A_90 = tpu.vector_load %arg9[%parallel_loop3A_89] {strides = array<i32>} : memref<512xi32, #tpu.memory_space<vmem>>, vector<16xi32>,
      tpu.vector_store %arg9[%parallel_loop3A_89], %parallel_loop3A_86 {strides = array<i32>} : memref<512xi32, #tpu.memory_space<vmem>>, vector<16xi32>,
    } {sc.loop_unroll_factor = 1 : i64, sc.parallel_access}
    %dma_start3A = arith.constant 0 : i32
    %dma_start3A_7 = arith.constant 0 : i32
    %dma_start3A_8 = tpu.memref_slice %arg11[%dma_start3A, %dma_start3A_7] : memref<512x64xf32, #tpu.memory_space<vmem>> -> memref<128x64xf32, #tpu.memory_space<vmem>>
    %dma_start3A_9 = arith.constant 0 : i32
    %dma_start3A_10 = tpu.memref_slice %arg7[%dma_start3A_9] : memref<512xi32, #tpu.memory_space<vmem>> -> memref<128xi32, #tpu.memory_space<vmem>>
    %dma_start3A_11 = arith.constant 0 : i32
    %dma_start3A_12 = arith.constant 0 : i32
    %dma_start3A_13 = tpu.memref_slice %arg4[%dma_start3A_11, %dma_start3A_12] : memref<1000000x64xf32, #tpu.memory_space<hbm>> -> memref<1000000x64xf32, #tpu.memory_space<hbm>>
    tpu.enqueue_indirect_dma source(%dma_start3A_13 : memref<1000000x64xf32, #tpu.memory_space<hbm>>) target(%dma_start3A_8 : memref<128x64xf32, #tpu.memory_space<vmem>>) offsets(%dma_start3A_10 : memref<128xi32, #tpu.memory_space<vmem>>) semaphore(%arg15 : memref<!tpu.dma_semaphore, #tpu.memory_space<semaphore_mem>>)
    %dma_start3A_14 = arith.constant 128 : i32
    %dma_start3A_15 = arith.constant 0 : i32
    %dma_start3A_16 = tpu.memref_slice %arg11[%dma_start3A_14, %dma_start3A_15] : memref<512x64xf32, #tpu.memory_space<vmem>> -> memref<128x64xf32, #tpu.memory_space<vmem>>
    %dma_start3A_17 = arith.constant 128 : i32
    %dma_start3A_18 = tpu.memref_slice %arg7[%dma_start3A_17] : memref<512xi32, #tpu.memory_space<vmem>> -> memref<128xi32, #tpu.memory_space<vmem>>
    %dma_start3A_19 = arith.constant 0 : i32
    %dma_start3A_20 = arith.constant 0 : i32
    %dma_start3A_21 = tpu.memref_slice %arg4[%dma_start3A_19, %dma_start3A_20] : memref<1000000x64xf32, #tpu.memory_space<hbm>> -> memref<1000000x64xf32, #tpu.memory_space<hbm>>
    tpu.enqueue_indirect_dma source(%dma_start3A_21 : memref<1000000x64xf32, #tpu.memory_space<hbm>>) target(%dma_start3A_16 : memref<128x64xf32, #tpu.memory_space<vmem>>) offsets(%dma_start3A_18 : memref<128xi32, #tpu.memory_space<vmem>>) semaphore(%arg16 : memref<!tpu.dma_semaphore, #tpu.memory_space<semaphore_mem>>)
    %dma_start3A_22 = arith.constant 256 : i32
    %dma_start3A_23 = arith.constant 0 : i32
    %dma_start3A_24 = tpu.memref_slice %arg11[%dma_start3A_22, %dma_start3A_23] : memref<512x64xf32, #tpu.memory_space<vmem>> -> memref<128x64xf32, #tpu.memory_space<vmem>>
    %dma_start3A_25 = arith.constant 256 : i32
    %dma_start3A_26 = tpu.memref_slice %arg7[%dma_start3A_25] : memref<512xi32, #tpu.memory_space<vmem>> -> memref<128xi32, #tpu.memory_space<vmem>>
    %dma_start3A_27 = arith.constant 0 : i32
    %dma_start3A_28 = arith.constant 0 : i32
    %dma_start3A_29 = tpu.memref_slice %arg4[%dma_start3A_27, %dma_start3A_28] : memref<1000000x64xf32, #tpu.memory_space<hbm>> -> memref<1000000x64xf32, #tpu.memory_space<hbm>>
    tpu.enqueue_indirect_dma source(%dma_start3A_29 : memref<1000000x64xf32, #tpu.memory_space<hbm>>) target(%dma_start3A_24 : memref<128x64xf32, #tpu.memory_space<vmem>>) offsets(%dma_start3A_26 : memref<128xi32, #tpu.memory_space<vmem>>) semaphore(%arg17 : memref<!tpu.dma_semaphore, #tpu.memory_space<semaphore_mem>>)
    %dma_start3A_30 = arith.constant 384 : i32
    %dma_start3A_31 = arith.constant 0 : i32
    %dma_start3A_32 = tpu.memref_slice %arg11[%dma_start3A_30, %dma_start3A_31] : memref<512x64xf32, #tpu.memory_space<vmem>> -> memref<128x64xf32, #tpu.memory_space<vmem>>
    %dma_start3A_33 = arith.constant 384 : i32
    %dma_start3A_34 = tpu.memref_slice %arg7[%dma_start3A_33] : memref<512xi32, #tpu.memory_space<vmem>> -> memref<128xi32, #tpu.memory_space<vmem>>
    %dma_start3A_35 = arith.constant 0 : i32
    %dma_start3A_36 = arith.constant 0 : i32
    %dma_start3A_37 = tpu.memref_slice %arg4[%dma_start3A_35, %dma_start3A_36] : memref<1000000x64xf32, #tpu.memory_space<hbm>> -> memref<1000000x64xf32, #tpu.memory_space<hbm>>
    tpu.enqueue_indirect_dma source(%dma_start3A_37 : memref<1000000x64xf32, #tpu.memory_space<hbm>>) target(%dma_start3A_32 : memref<128x64xf32, #tpu.memory_space<vmem>>) offsets(%dma_start3A_34 : memref<128xi32, #tpu.memory_space<vmem>>) semaphore(%arg18 : memref<!tpu.dma_semaphore, #tpu.memory_space<semaphore_mem>>)
    %scan3A = arith.constant 0 : i32
    %scan3A_38 = arith.constant 0 : i32
    %scan3A_39 = arith.constant 50 : i32
    %scan3A_40 = arith.addi %scan3A_38, %scan3A_39 : i32
    %scan3A_41 = arith.constant 1 : i32
    %scan3A_42 = scf.for %scan3A_59 = %scan3A_38 to %scan3A_40 step %scan3A_41 iter_args(%scan3A_60 = %scan3A) -> (i32)  : i32 {
      %parallel_loop3A_61 = arith.constant 0 : i32
      %parallel_loop3A_62 = arith.constant 32 : i32
      %parallel_loop3A_63 = arith.constant 1 : i32
      scf.for %parallel_loop3A_137 = %parallel_loop3A_61 to %parallel_loop3A_62 step %parallel_loop3A_63  : i32 {
        %parallel_loop3A_138 = arith.constant 16 : i32
        %parallel_loop3A_139 = arith.muli %parallel_loop3A_137, %parallel_loop3A_138 : i32
        %parallel_loop3A_140 = arith.index_cast %parallel_loop3A_139 : i32 to index
        %parallel_loop3A_141 = tpu.vector_load %arg9[%parallel_loop3A_140] {strides = array<i32>} : memref<512xi32, #tpu.memory_space<vmem>>, vector<16xi32>,
        %parallel_loop3A_142 = arith.constant 16 : i32
        %parallel_loop3A_143 = arith.muli %parallel_loop3A_137, %parallel_loop3A_142 : i32
        %parallel_loop3A_144 = arith.index_cast %parallel_loop3A_143 : i32 to index
        %parallel_loop3A_145 = tpu.vector_load %arg10[%parallel_loop3A_144] {strides = array<i32>} : memref<512xi32, #tpu.memory_space<vmem>>, vector<16xi32>,
        tpu.vector_store %arg10[%parallel_loop3A_144], %parallel_loop3A_141 {strides = array<i32>} : memref<512xi32, #tpu.memory_space<vmem>>, vector<16xi32>,
      } {sc.loop_unroll_factor = 1 : i64, sc.parallel_access}
      %dma_wait3A_64 = arith.constant 0 : i32
      %dma_wait3A_65 = arith.constant 0 : i32
      %dma_wait3A_66 = tpu.memref_slice %arg11[%dma_wait3A_64, %dma_wait3A_65] : memref<512x64xf32, #tpu.memory_space<vmem>> -> memref<128x64xf32, #tpu.memory_space<vmem>>
      %dma_wait3A_67 = arith.constant 0 : i32
      %dma_wait3A_68 = tpu.memref_slice %arg7[%dma_wait3A_67] : memref<512xi32, #tpu.memory_space<vmem>> -> memref<128xi32, #tpu.memory_space<vmem>>
      %dma_wait3A_69 = arith.constant 0 : i32
      %dma_wait3A_70 = arith.constant 0 : i32
      %dma_wait3A_71 = tpu.memref_slice %arg4[%dma_wait3A_69, %dma_wait3A_70] : memref<1000000x64xf32, #tpu.memory_space<hbm>> -> memref<1000000x64xf32, #tpu.memory_space<hbm>>
      tpu.wait_indirect_dma semaphore(%arg15 : memref<!tpu.dma_semaphore, #tpu.memory_space<semaphore_mem>>) src(%dma_wait3A_71 : memref<1000000x64xf32, #tpu.memory_space<hbm>>) dst(%dma_wait3A_66 : memref<128x64xf32, #tpu.memory_space<vmem>>)
      %dma_wait3A_72 = arith.constant 128 : i32
      %dma_wait3A_73 = arith.constant 0 : i32
      %dma_wait3A_74 = tpu.memref_slice %arg11[%dma_wait3A_72, %dma_wait3A_73] : memref<512x64xf32, #tpu.memory_space<vmem>> -> memref<128x64xf32, #tpu.memory_space<vmem>>
      %dma_wait3A_75 = arith.constant 128 : i32
      %dma_wait3A_76 = tpu.memref_slice %arg7[%dma_wait3A_75] : memref<512xi32, #tpu.memory_space<vmem>> -> memref<128xi32, #tpu.memory_space<vmem>>
      %dma_wait3A_77 = arith.constant 0 : i32
      %dma_wait3A_78 = arith.constant 0 : i32
      %dma_wait3A_79 = tpu.memref_slice %arg4[%dma_wait3A_77, %dma_wait3A_78] : memref<1000000x64xf32, #tpu.memory_space<hbm>> -> memref<1000000x64xf32, #tpu.memory_space<hbm>>
      tpu.wait_indirect_dma semaphore(%arg16 : memref<!tpu.dma_semaphore, #tpu.memory_space<semaphore_mem>>) src(%dma_wait3A_79 : memref<1000000x64xf32, #tpu.memory_space<hbm>>) dst(%dma_wait3A_74 : memref<128x64xf32, #tpu.memory_space<vmem>>)
      %ge3A = arith.constant 1 : i32
      %ge3A_80 = arith.cmpi sge, %scan3A_59, %ge3A : i32
      %convert_element_type3A = arith.extui %ge3A_80 : i1 to i32
      %cond3A = arith.constant 0 : i32
      %cond3A_81 = arith.cmpi ne, %convert_element_type3A, %cond3A : i32
      scf.if %cond3A_81 {
        %sub3A = arith.constant 1 : i32
        %sub3A_137 = arith.subi %scan3A_59, %sub3A : i32
        %mul3A_138 = arith.constant 512 : i32
        %mul3A_139 = arith.muli %sub3A_137, %mul3A_138 : i32
        %add3A_140 = arith.addi %mul3A_2, %mul3A_139 : i32
        %add3A_141 = arith.constant 0 : i32
        %add3A_142 = arith.addi %add3A_140, %add3A_141 : i32
        %mul3A_143 = arith.constant 64 : i32
        %mul3A_144 = arith.muli %add3A_142, %mul3A_143 : i32
        %dma_wait3A_145 = tpu.memref_slice %arg6[%mul3A_144] : memref<52428800xf32, #tpu.memory_space<hbm>> -> memref<16384xf32, #tpu.memory_space<hbm>>
        %dma_wait3A_146 = tpu.memref_slice %arg6[%mul3A_144] : memref<52428800xf32, #tpu.memory_space<hbm>> -> memref<16384xf32, #tpu.memory_space<hbm>>
        tpu.wait_dma2 semaphore(%arg19 : memref<!tpu.dma_semaphore, #tpu.memory_space<semaphore_mem>>) src(%arg12 : memref<16384xf32, #tpu.memory_space<vmem>>) dst(%dma_wait3A_146 : memref<16384xf32, #tpu.memory_space<hbm>>)
      } else {
      }
      %parallel_loop3A_82 = arith.constant 0 : i32
      %parallel_loop3A_83 = arith.constant 16 : i32
      %parallel_loop3A_84 = arith.constant 1 : i32
      scf.for %parallel_loop3A_137 = %parallel_loop3A_82 to %parallel_loop3A_83 step %parallel_loop3A_84  : i32 {
        %parallel_loop3A_138 = arith.constant 16 : i32
        %parallel_loop3A_139 = arith.muli %parallel_loop3A_137, %parallel_loop3A_138 : i32
        %parallel_loop3A_140 = arith.constant 0 : i32
        %parallel_loop3A_141 = arith.addi %parallel_loop3A_140, %parallel_loop3A_139 : i32
        %parallel_loop3A_142 = arith.index_cast %parallel_loop3A_141 : i32 to index
        %parallel_loop3A_143 = tpu.vector_load %arg10[%parallel_loop3A_142] {strides = array<i32>} : memref<512xi32, #tpu.memory_space<vmem>>, vector<16xi32>,
        %parallel_loop3A_144 = arith.constant 0 : i32
        %parallel_loop3A_145 = arith.addi %parallel_loop3A_139, %parallel_loop3A_144 : i32
        %parallel_loop3A_146 = vector.extract_strided_slice %parallel_loop3A_143 {offsets = [0], sizes = [1], strides = [1]} : vector<16xi32> to vector<1xi32>
        %parallel_loop3A_147 = vector.extract %parallel_loop3A_146[0] : i32 from vector<1xi32>
        %parallel_loop3A_148 = arith.constant 0 : i32
        %parallel_loop3A_149 = arith.addi %parallel_loop3A_141, %parallel_loop3A_148 : i32
        %parallel_loop3A_150 = arith.index_cast %parallel_loop3A_149 : i32 to index
        %parallel_loop3A_151 = arith.constant 0 : index
        %parallel_loop3A_152 = tpu.vector_load %arg11[%parallel_loop3A_150, %parallel_loop3A_151] {strides = array<i32>} : memref<512x64xf32, #tpu.memory_space<vmem>>, vector<16xf32>,
        %parallel_loop3A_153 = arith.index_cast %parallel_loop3A_147 : i32 to index
        %parallel_loop3A_154 = arith.constant 0 : index
        %parallel_loop3A_155 = tpu.vector_load %arg14[%parallel_loop3A_153, %parallel_loop3A_154] {strides = array<i32>} : memref<512x64xf32, #tpu.memory_space<vmem>>, vector<16xf32>,
        %parallel_loop3A_156 = arith.addf %parallel_loop3A_152, %parallel_loop3A_155 : vector<16xf32>
        %parallel_loop3A_157 = arith.constant 64 : i32
        %parallel_loop3A_158 = arith.muli %parallel_loop3A_145, %parallel_loop3A_157 : i32
        %parallel_loop3A_159 = arith.constant 0 : i32
        %parallel_loop3A_160 = arith.addi %parallel_loop3A_158, %parallel_loop3A_159 : i32
        %parallel_loop3A_161 = arith.index_cast %parallel_loop3A_160 : i32 to index
        %parallel_loop3A_162 = tpu.vector_load %arg12[%parallel_loop3A_161] {strides = array<i32>} : memref<16384xf32, #tpu.memory_space<vmem>>, vector<16xf32>,
        tpu.vector_store %arg12[%parallel_loop3A_161], %parallel_loop3A_156 {strides = array<i32>} : memref<16384xf32, #tpu.memory_space<vmem>>, vector<16xf32>,
        %parallel_loop3A_163 = arith.constant 0 : i32
        %parallel_loop3A_164 = arith.addi %parallel_loop3A_141, %parallel_loop3A_163 : i32
        %parallel_loop3A_165 = arith.index_cast %parallel_loop3A_164 : i32 to index
        %parallel_loop3A_166 = arith.constant 16 : index
        %parallel_loop3A_167 = tpu.vector_load %arg11[%parallel_loop3A_165, %parallel_loop3A_166] {strides = array<i32>} : memref<512x64xf32, #tpu.memory_space<vmem>>, vector<16xf32>,
        %parallel_loop3A_168 = arith.index_cast %parallel_loop3A_147 : i32 to index
        %parallel_loop3A_169 = arith.constant 16 : index
        %parallel_loop3A_170 = tpu.vector_load %arg14[%parallel_loop3A_168, %parallel_loop3A_169] {strides = array<i32>} : memref<512x64xf32, #tpu.memory_space<vmem>>, vector<16xf32>,
        %parallel_loop3A_171 = arith.addf %parallel_loop3A_167, %parallel_loop3A_170 : vector<16xf32>
        %parallel_loop3A_172 = arith.constant 64 : i32
        %parallel_loop3A_173 = arith.muli %parallel_loop3A_145, %parallel_loop3A_172 : i32
        %parallel_loop3A_174 = arith.constant 16 : i32
        %parallel_loop3A_175 = arith.addi %parallel_loop3A_173, %parallel_loop3A_174 : i32
        %parallel_loop3A_176 = arith.index_cast %parallel_loop3A_175 : i32 to index
        %parallel_loop3A_177 = tpu.vector_load %arg12[%parallel_loop3A_176] {strides = array<i32>} : memref<16384xf32, #tpu.memory_space<vmem>>, vector<16xf32>,
        tpu.vector_store %arg12[%parallel_loop3A_176], %parallel_loop3A_171 {strides = array<i32>} : memref<16384xf32, #tpu.memory_space<vmem>>, vector<16xf32>,
        %parallel_loop3A_178 = arith.constant 0 : i32
        %parallel_loop3A_179 = arith.addi %parallel_loop3A_141, %parallel_loop3A_178 : i32
        %parallel_loop3A_180 = arith.index_cast %parallel_loop3A_179 : i32 to index
        %parallel_loop3A_181 = arith.constant 32 : index
        %parallel_loop3A_182 = tpu.vector_load %arg11[%parallel_loop3A_180, %parallel_loop3A_181] {strides = array<i32>} : memref<512x64xf32, #tpu.memory_space<vmem>>, vector<16xf32>,
        %parallel_loop3A_183 = arith.index_cast %parallel_loop3A_147 : i32 to index
        %parallel_loop3A_184 = arith.constant 32 : index
        %parallel_loop3A_185 = tpu.vector_load %arg14[%parallel_loop3A_183, %parallel_loop3A_184] {strides = array<i32>} : memref<512x64xf32, #tpu.memory_space<vmem>>, vector<16xf32>,
        %parallel_loop3A_186 = arith.addf %parallel_loop3A_182, %parallel_loop3A_185 : vector<16xf32>
        %parallel_loop3A_187 = arith.constant 64 : i32
        %parallel_loop3A_188 = arith.muli %parallel_loop3A_145, %parallel_loop3A_187 : i32
        %parallel_loop3A_189 = arith.constant 32 : i32
        %parallel_loop3A_190 = arith.addi %parallel_loop3A_188, %parallel_loop3A_189 : i32
        %parallel_loop3A_191 = arith.index_cast %parallel_loop3A_190 : i32 to index
        %parallel_loop3A_192 = tpu.vector_load %arg12[%parallel_loop3A_191] {strides = array<i32>} : memref<16384xf32, #tpu.memory_space<vmem>>, vector<16xf32>,
        tpu.vector_store %arg12[%parallel_loop3A_191], %parallel_loop3A_186 {strides = array<i32>} : memref<16384xf32, #tpu.memory_space<vmem>>, vector<16xf32>,
        %parallel_loop3A_193 = arith.constant 0 : i32
        %parallel_loop3A_194 = arith.addi %parallel_loop3A_141, %parallel_loop3A_193 : i32
        %parallel_loop3A_195 = arith.index_cast %parallel_loop3A_194 : i32 to index
        %parallel_loop3A_196 = arith.constant 48 : index
        %parallel_loop3A_197 = tpu.vector_load %arg11[%parallel_loop3A_195, %parallel_loop3A_196] {strides = array<i32>} : memref<512x64xf32, #tpu.memory_space<vmem>>, vector<16xf32>,
        %parallel_loop3A_198 = arith.index_cast %parallel_loop3A_147 : i32 to index
        %parallel_loop3A_199 = arith.constant 48 : index
        %parallel_loop3A_200 = tpu.vector_load %arg14[%parallel_loop3A_198, %parallel_loop3A_199] {strides = array<i32>} : memref<512x64xf32, #tpu.memory_space<vmem>>, vector<16xf32>,
        %parallel_loop3A_201 = arith.addf %parallel_loop3A_197, %parallel_loop3A_200 : vector<16xf32>
        %parallel_loop3A_202 = arith.constant 64 : i32
        %parallel_loop3A_203 = arith.muli %parallel_loop3A_145, %parallel_loop3A_202 : i32
        %parallel_loop3A_204 = arith.constant 48 : i32
        %parallel_loop3A_205 = arith.addi %parallel_loop3A_203, %parallel_loop3A_204 : i32
        %parallel_loop3A_206 = arith.index_cast %parallel_loop3A_205 : i32 to index
        %parallel_loop3A_207 = tpu.vector_load %arg12[%parallel_loop3A_206] {strides = array<i32>} : memref<16384xf32, #tpu.memory_space<vmem>>, vector<16xf32>,
        tpu.vector_store %arg12[%parallel_loop3A_206], %parallel_loop3A_201 {strides = array<i32>} : memref<16384xf32, #tpu.memory_space<vmem>>, vector<16xf32>,
        %parallel_loop3A_208 = arith.constant 1 : i32
        %parallel_loop3A_209 = arith.addi %parallel_loop3A_139, %parallel_loop3A_208 : i32
        %parallel_loop3A_210 = vector.extract_strided_slice %parallel_loop3A_143 {offsets = [1], sizes = [1], strides = [1]} : vector<16xi32> to vector<1xi32>
        %parallel_loop3A_211 = vector.extract %parallel_loop3A_210[0] : i32 from vector<1xi32>
        %parallel_loop3A_212 = arith.constant 1 : i32
        %parallel_loop3A_213 = arith.addi %parallel_loop3A_141, %parallel_loop3A_212 : i32
        %parallel_loop3A_214 = arith.index_cast %parallel_loop3A_213 : i32 to index
        %parallel_loop3A_215 = arith.constant 0 : index
        %parallel_loop3A_216 = tpu.vector_load %arg11[%parallel_loop3A_214, %parallel_loop3A_215] {strides = array<i32>} : memref<512x64xf32, #tpu.memory_space<vmem>>, vector<16xf32>,
        %parallel_loop3A_217 = arith.index_cast %parallel_loop3A_211 : i32 to index
        %parallel_loop3A_218 = arith.constant 0 : index
        %parallel_loop3A_219 = tpu.vector_load %arg14[%parallel_loop3A_217, %parallel_loop3A_218] {strides = array<i32>} : memref<512x64xf32, #tpu.memory_space<vmem>>, vector<16xf32>,
        %parallel_loop3A_220 = arith.addf %parallel_loop3A_216, %parallel_loop3A_219 : vector<16xf32>
        %parallel_loop3A_221 = arith.constant 64 : i32
        %parallel_loop3A_222 = arith.muli %parallel_loop3A_209, %parallel_loop3A_221 : i32
        %parallel_loop3A_223 = arith.constant 0 : i32
        %parallel_loop3A_224 = arith.addi %parallel_loop3A_222, %parallel_loop3A_223 : i32
        %parallel_loop3A_225 = arith.index_cast %parallel_loop3A_224 : i32 to index
        %parallel_loop3A_226 = tpu.vector_load %arg12[%parallel_loop3A_225] {strides = array<i32>} : memref<16384xf32, #tpu.memory_space<vmem>>, vector<16xf32>,
        tpu.vector_store %arg12[%parallel_loop3A_225], %parallel_loop3A_220 {strides = array<i32>} : memref<16384xf32, #tpu.memory_space<vmem>>, vector<16xf32>,
        %parallel_loop3A_227 = arith.constant 1 : i32
        %parallel_loop3A_228 = arith.addi %parallel_loop3A_141, %parallel_loop3A_227 : i32
        %parallel_loop3A_229 = arith.index_cast %parallel_loop3A_228 : i32 to index
        %parallel_loop3A_230 = arith.constant 16 : index
        %parallel_loop3A_231 = tpu.vector_load %arg11[%parallel_loop3A_229, %parallel_loop3A_230] {strides = array<i32>} : memref<512x64xf32, #tpu.memory_space<vmem>>, vector<16xf32>,
        %parallel_loop3A_232 = arith.index_cast %parallel_loop3A_211 : i32 to index
        %parallel_loop3A_233 = arith.constant 16 : index
        %parallel_loop3A_234 = tpu.vector_load %arg14[%parallel_loop3A_232, %parallel_loop3A_233] {strides = array<i32>} : memref<512x64xf32, #tpu.memory_space<vmem>>, vector<16xf32>,
        %parallel_loop3A_235 = arith.addf %parallel_loop3A_231, %parallel_loop3A_234 : vector<16xf32>
        %parallel_loop3A_236 = arith.constant 64 : i32
        %parallel_loop3A_237 = arith.muli %parallel_loop3A_209, %parallel_loop3A_236 : i32
        %parallel_loop3A_238 = arith.constant 16 : i32
        %parallel_loop3A_239 = arith.addi %parallel_loop3A_237, %parallel_loop3A_238 : i32
        %parallel_loop3A_240 = arith.index_cast %parallel_loop3A_239 : i32 to index
        %parallel_loop3A_241 = tpu.vector_load %arg12[%parallel_loop3A_240] {strides = array<i32>} : memref<16384xf32, #tpu.memory_space<vmem>>, vector<16xf32>,
        tpu.vector_store %arg12[%parallel_loop3A_240], %parallel_loop3A_235 {strides = array<i32>} : memref<16384xf32, #tpu.memory_space<vmem>>, vector<16xf32>,
        %parallel_loop3A_242 = arith.constant 1 : i32
        %parallel_loop3A_243 = arith.addi %parallel_loop3A_141, %parallel_loop3A_242 : i32
        %parallel_loop3A_244 = arith.index_cast %parallel_loop3A_243 : i32 to index
        %parallel_loop3A_245 = arith.constant 32 : index
        %parallel_loop3A_246 = tpu.vector_load %arg11[%parallel_loop3A_244, %parallel_loop3A_245] {strides = array<i32>} : memref<512x64xf32, #tpu.memory_space<vmem>>, vector<16xf32>,
        %parallel_loop3A_247 = arith.index_cast %parallel_loop3A_211 : i32 to index
        %parallel_loop3A_248 = arith.constant 32 : index
        %parallel_loop3A_249 = tpu.vector_load %arg14[%parallel_loop3A_247, %parallel_loop3A_248] {strides = array<i32>} : memref<512x64xf32, #tpu.memory_space<vmem>>, vector<16xf32>,
        %parallel_loop3A_250 = arith.addf %parallel_loop3A_246, %parallel_loop3A_249 : vector<16xf32>
        %parallel_loop3A_251 = arith.constant 64 : i32
        %parallel_loop3A_252 = arith.muli %parallel_loop3A_209, %parallel_loop3A_251 : i32
        %parallel_loop3A_253 = arith.constant 32 : i32
        %parallel_loop3A_254 = arith.addi %parallel_loop3A_252, %parallel_loop3A_253 : i32
        %parallel_loop3A_255 = arith.index_cast %parallel_loop3A_254 : i32 to index
        %parallel_loop3A_256 = tpu.vector_load %arg12[%parallel_loop3A_255] {strides = array<i32>} : memref<16384xf32, #tpu.memory_space<vmem>>, vector<16xf32>,
        tpu.vector_store %arg12[%parallel_loop3A_255], %parallel_loop3A_250 {strides = array<i32>} : memref<16384xf32, #tpu.memory_space<vmem>>, vector<16xf32>,
        %parallel_loop3A_257 = arith.constant 1 : i32
        %parallel_loop3A_258 = arith.addi %parallel_loop3A_141, %parallel_loop3A_257 : i32
        %parallel_loop3A_259 = arith.index_cast %parallel_loop3A_258 : i32 to index
        %parallel_loop3A_260 = arith.constant 48 : index
        %parallel_loop3A_261 = tpu.vector_load %arg11[%parallel_loop3A_259, %parallel_loop3A_260] {strides = array<i32>} : memref<512x64xf32, #tpu.memory_space<vmem>>, vector<16xf32>,
        %parallel_loop3A_262 = arith.index_cast %parallel_loop3A_211 : i32 to index
        %parallel_loop3A_263 = arith.constant 48 : index
        %parallel_loop3A_264 = tpu.vector_load %arg14[%parallel_loop3A_262, %parallel_loop3A_263] {strides = array<i32>} : memref<512x64xf32, #tpu.memory_space<vmem>>, vector<16xf32>,
        %parallel_loop3A_265 = arith.addf %parallel_loop3A_261, %parallel_loop3A_264 : vector<16xf32>
        %parallel_loop3A_266 = arith.constant 64 : i32
        %parallel_loop3A_267 = arith.muli %parallel_loop3A_209, %parallel_loop3A_266 : i32
        %parallel_loop3A_268 = arith.constant 48 : i32
        %parallel_loop3A_269 = arith.addi %parallel_loop3A_267, %parallel_loop3A_268 : i32
        %parallel_loop3A_270 = arith.index_cast %parallel_loop3A_269 : i32 to index
        %parallel_loop3A_271 = tpu.vector_load %arg12[%parallel_loop3A_270] {strides = array<i32>} : memref<16384xf32, #tpu.memory_space<vmem>>, vector<16xf32>,
        tpu.vector_store %arg12[%parallel_loop3A_270], %parallel_loop3A_265 {strides = array<i32>} : memref<16384xf32, #tpu.memory_space<vmem>>, vector<16xf32>,
        %parallel_loop3A_272 = arith.constant 2 : i32
        %parallel_loop3A_273 = arith.addi %parallel_loop3A_139, %parallel_loop3A_272 : i32
        %parallel_loop3A_274 = vector.extract_strided_slice %parallel_loop3A_143 {offsets = [2], sizes = [1], strides = [1]} : vector<16xi32> to vector<1xi32>
        %parallel_loop3A_275 = vector.extract %parallel_loop3A_274[0] : i32 from vector<1xi32>
        %parallel_loop3A_276 = arith.constant 2 : i32
        %parallel_loop3A_277 = arith.addi %parallel_loop3A_141, %parallel_loop3A_276 : i32
        %parallel_loop3A_278 = arith.index_cast %parallel_loop3A_277 : i32 to index
        %parallel_loop3A_279 = arith.constant 0 : index
        %parallel_loop3A_280 = tpu.vector_load %arg11[%parallel_loop3A_278, %parallel_loop3A_279] {strides = array<i32>} : memref<512x64xf32, #tpu.memory_space<vmem>>, vector<16xf32>,
        %parallel_loop3A_281 = arith.index_cast %parallel_loop3A_275 : i32 to index
        %parallel_loop3A_282 = arith.constant 0 : index
        %parallel_loop3A_283 = tpu.vector_load %arg14[%parallel_loop3A_281, %parallel_loop3A_282] {strides = array<i32>} : memref<512x64xf32, #tpu.memory_space<vmem>>, vector<16xf32>,
        %parallel_loop3A_284 = arith.addf %parallel_loop3A_280, %parallel_loop3A_283 : vector<16xf32>
        %parallel_loop3A_285 = arith.constant 64 : i32
        %parallel_loop3A_286 = arith.muli %parallel_loop3A_273, %parallel_loop3A_285 : i32
        %parallel_loop3A_287 = arith.constant 0 : i32
        %parallel_loop3A_288 = arith.addi %parallel_loop3A_286, %parallel_loop3A_287 : i32
        %parallel_loop3A_289 = arith.index_cast %parallel_loop3A_288 : i32 to index
        %parallel_loop3A_290 = tpu.vector_load %arg12[%parallel_loop3A_289] {strides = array<i32>} : memref<16384xf32, #tpu.memory_space<vmem>>, vector<16xf32>,
        tpu.vector_store %arg12[%parallel_loop3A_289], %parallel_loop3A_284 {strides = array<i32>} : memref<16384xf32, #tpu.memory_space<vmem>>, vector<16xf32>,
        %parallel_loop3A_291 = arith.constant 2 : i32
        %parallel_loop3A_292 = arith.addi %parallel_loop3A_141, %parallel_loop3A_291 : i32
        %parallel_loop3A_293 = arith.index_cast %parallel_loop3A_292 : i32 to index
        %parallel_loop3A_294 = arith.constant 16 : index
        %parallel_loop3A_295 = tpu.vector_load %arg11[%parallel_loop3A_293, %parallel_loop3A_294] {strides = array<i32>} : memref<512x64xf32, #tpu.memory_space<vmem>>, vector<16xf32>,
        %parallel_loop3A_296 = arith.index_cast %parallel_loop3A_275 : i32 to index
        %parallel_loop3A_297 = arith.constant 16 : index
        %parallel_loop3A_298 = tpu.vector_load %arg14[%parallel_loop3A_296, %parallel_loop3A_297] {strides = array<i32>} : memref<512x64xf32, #tpu.memory_space<vmem>>, vector<16xf32>,
        %parallel_loop3A_299 = arith.addf %parallel_loop3A_295, %parallel_loop3A_298 : vector<16xf32>
        %parallel_loop3A_300 = arith.constant 64 : i32
        %parallel_loop3A_301 = arith.muli %parallel_loop3A_273, %parallel_loop3A_300 : i32
        %parallel_loop3A_302 = arith.constant 16 : i32
        %parallel_loop3A_303 = arith.addi %parallel_loop3A_301, %parallel_loop3A_302 : i32
        %parallel_loop3A_304 = arith.index_cast %parallel_loop3A_303 : i32 to index
        %parallel_loop3A_305 = tpu.vector_load %arg12[%parallel_loop3A_304] {strides = array<i32>} : memref<16384xf32, #tpu.memory_space<vmem>>, vector<16xf32>,
        tpu.vector_store %arg12[%parallel_loop3A_304], %parallel_loop3A_299 {strides = array<i32>} : memref<16384xf32, #tpu.memory_space<vmem>>, vector<16xf32>,
        %parallel_loop3A_306 = arith.constant 2 : i32
        %parallel_loop3A_307 = arith.addi %parallel_loop3A_141, %parallel_loop3A_306 : i32
        %parallel_loop3A_308 = arith.index_cast %parallel_loop3A_307 : i32 to index
        %parallel_loop3A_309 = arith.constant 32 : index
        %parallel_loop3A_310 = tpu.vector_load %arg11[%parallel_loop3A_308, %parallel_loop3A_309] {strides = array<i32>} : memref<512x64xf32, #tpu.memory_space<vmem>>, vector<16xf32>,
        %parallel_loop3A_311 = arith.index_cast %parallel_loop3A_275 : i32 to index
        %parallel_loop3A_312 = arith.constant 32 : index
        %parallel_loop3A_313 = tpu.vector_load %arg14[%parallel_loop3A_311, %parallel_loop3A_312] {strides = array<i32>} : memref<512x64xf32, #tpu.memory_space<vmem>>, vector<16xf32>,
        %parallel_loop3A_314 = arith.addf %parallel_loop3A_310, %parallel_loop3A_313 : vector<16xf32>
        %parallel_loop3A_315 = arith.constant 64 : i32
        %parallel_loop3A_316 = arith.muli %parallel_loop3A_273, %parallel_loop3A_315 : i32
        %parallel_loop3A_317 = arith.constant 32 : i32
        %parallel_loop3A_318 = arith.addi %parallel_loop3A_316, %parallel_loop3A_317 : i32
        %parallel_loop3A_319 = arith.index_cast %parallel_loop3A_318 : i32 to index
        %parallel_loop3A_320 = tpu.vector_load %arg12[%parallel_loop3A_319] {strides = array<i32>} : memref<16384xf32, #tpu.memory_space<vmem>>, vector<16xf32>,
        tpu.vector_store %arg12[%parallel_loop3A_319], %parallel_loop3A_314 {strides = array<i32>} : memref<16384xf32, #tpu.memory_space<vmem>>, vector<16xf32>,
        %parallel_loop3A_321 = arith.constant 2 : i32
        %parallel_loop3A_322 = arith.addi %parallel_loop3A_141, %parallel_loop3A_321 : i32
        %parallel_loop3A_323 = arith.index_cast %parallel_loop3A_322 : i32 to index
        %parallel_loop3A_324 = arith.constant 48 : index
        %parallel_loop3A_325 = tpu.vector_load %arg11[%parallel_loop3A_323, %parallel_loop3A_324] {strides = array<i32>} : memref<512x64xf32, #tpu.memory_space<vmem>>, vector<16xf32>,
        %parallel_loop3A_326 = arith.index_cast %parallel_loop3A_275 : i32 to index
        %parallel_loop3A_327 = arith.constant 48 : index
        %parallel_loop3A_328 = tpu.vector_load %arg14[%parallel_loop3A_326, %parallel_loop3A_327] {strides = array<i32>} : memref<512x64xf32, #tpu.memory_space<vmem>>, vector<16xf32>,
        %parallel_loop3A_329 = arith.addf %parallel_loop3A_325, %parallel_loop3A_328 : vector<16xf32>
        %parallel_loop3A_330 = arith.constant 64 : i32
        %parallel_loop3A_331 = arith.muli %parallel_loop3A_273, %parallel_loop3A_330 : i32
        %parallel_loop3A_332 = arith.constant 48 : i32
        %parallel_loop3A_333 = arith.addi %parallel_loop3A_331, %parallel_loop3A_332 : i32
        %parallel_loop3A_334 = arith.index_cast %parallel_loop3A_333 : i32 to index
        %parallel_loop3A_335 = tpu.vector_load %arg12[%parallel_loop3A_334] {strides = array<i32>} : memref<16384xf32, #tpu.memory_space<vmem>>, vector<16xf32>,
        tpu.vector_store %arg12[%parallel_loop3A_334], %parallel_loop3A_329 {strides = array<i32>} : memref<16384xf32, #tpu.memory_space<vmem>>, vector<16xf32>,
        %parallel_loop3A_336 = arith.constant 3 : i32
        %parallel_loop3A_337 = arith.addi %parallel_loop3A_139, %parallel_loop3A_336 : i32
        %parallel_loop3A_338 = vector.extract_strided_slice %parallel_loop3A_143 {offsets = [3], sizes = [1], strides = [1]} : vector<16xi32> to vector<1xi32>
        %parallel_loop3A_339 = vector.extract %parallel_loop3A_338[0] : i32 from vector<1xi32>
        %parallel_loop3A_340 = arith.constant 3 : i32
        %parallel_loop3A_341 = arith.addi %parallel_loop3A_141, %parallel_loop3A_340 : i32
        %parallel_loop3A_342 = arith.index_cast %parallel_loop3A_341 : i32 to index
        %parallel_loop3A_343 = arith.constant 0 : index
        %parallel_loop3A_344 = tpu.vector_load %arg11[%parallel_loop3A_342, %parallel_loop3A_343] {strides = array<i32>} : memref<512x64xf32, #tpu.memory_space<vmem>>, vector<16xf32>,
        %parallel_loop3A_345 = arith.index_cast %parallel_loop3A_339 : i32 to index
        %parallel_loop3A_346 = arith.constant 0 : index
        %parallel_loop3A_347 = tpu.vector_load %arg14[%parallel_loop3A_345, %parallel_loop3A_346] {strides = array<i32>} : memref<512x64xf32, #tpu.memory_space<vmem>>, vector<16xf32>,
        %parallel_loop3A_348 = arith.addf %parallel_loop3A_344, %parallel_loop3A_347 : vector<16xf32>
        %parallel_loop3A_349 = arith.constant 64 : i32
        %parallel_loop3A_350 = arith.muli %parallel_loop3A_337, %parallel_loop3A_349 : i32
        %parallel_loop3A_351 = arith.constant 0 : i32
        %parallel_loop3A_352 = arith.addi %parallel_loop3A_350, %parallel_loop3A_351 : i32
        %parallel_loop3A_353 = arith.index_cast %parallel_loop3A_352 : i32 to index
        %parallel_loop3A_354 = tpu.vector_load %arg12[%parallel_loop3A_353] {strides = array<i32>} : memref<16384xf32, #tpu.memory_space<vmem>>, vector<16xf32>,
        tpu.vector_store %arg12[%parallel_loop3A_353], %parallel_loop3A_348 {strides = array<i32>} : memref<16384xf32, #tpu.memory_space<vmem>>, vector<16xf32>,
        %parallel_loop3A_355 = arith.constant 3 : i32
        %parallel_loop3A_356 = arith.addi %parallel_loop3A_141, %parallel_loop3A_355 : i32
        %parallel_loop3A_357 = arith.index_cast %parallel_loop3A_356 : i32 to index
        %parallel_loop3A_358 = arith.constant 16 : index
        %parallel_loop3A_359 = tpu.vector_load %arg11[%parallel_loop3A_357, %parallel_loop3A_358] {strides = array<i32>} : memref<512x64xf32, #tpu.memory_space<vmem>>, vector<16xf32>,
        %parallel_loop3A_360 = arith.index_cast %parallel_loop3A_339 : i32 to index
        %parallel_loop3A_361 = arith.constant 16 : index
        %parallel_loop3A_362 = tpu.vector_load %arg14[%parallel_loop3A_360, %parallel_loop3A_361] {strides = array<i32>} : memref<512x64xf32, #tpu.memory_space<vmem>>, vector<16xf32>,
        %parallel_loop3A_363 = arith.addf %parallel_loop3A_359, %parallel_loop3A_362 : vector<16xf32>
        %parallel_loop3A_364 = arith.constant 64 : i32
        %parallel_loop3A_365 = arith.muli %parallel_loop3A_337, %parallel_loop3A_364 : i32
        %parallel_loop3A_366 = arith.constant 16 : i32
        %parallel_loop3A_367 = arith.addi %parallel_loop3A_365, %parallel_loop3A_366 : i32
        %parallel_loop3A_368 = arith.index_cast %parallel_loop3A_367 : i32 to index
        %parallel_loop3A_369 = tpu.vector_load %arg12[%parallel_loop3A_368] {strides = array<i32>} : memref<16384xf32, #tpu.memory_space<vmem>>, vector<16xf32>,
        tpu.vector_store %arg12[%parallel_loop3A_368], %parallel_loop3A_363 {strides = array<i32>} : memref<16384xf32, #tpu.memory_space<vmem>>, vector<16xf32>,
        %parallel_loop3A_370 = arith.constant 3 : i32
        %parallel_loop3A_371 = arith.addi %parallel_loop3A_141, %parallel_loop3A_370 : i32
        %parallel_loop3A_372 = arith.index_cast %parallel_loop3A_371 : i32 to index
        %parallel_loop3A_373 = arith.constant 32 : index
        %parallel_loop3A_374 = tpu.vector_load %arg11[%parallel_loop3A_372, %parallel_loop3A_373] {strides = array<i32>} : memref<512x64xf32, #tpu.memory_space<vmem>>, vector<16xf32>,
        %parallel_loop3A_375 = arith.index_cast %parallel_loop3A_339 : i32 to index
        %parallel_loop3A_376 = arith.constant 32 : index
        %parallel_loop3A_377 = tpu.vector_load %arg14[%parallel_loop3A_375, %parallel_loop3A_376] {strides = array<i32>} : memref<512x64xf32, #tpu.memory_space<vmem>>, vector<16xf32>,
        %parallel_loop3A_378 = arith.addf %parallel_loop3A_374, %parallel_loop3A_377 : vector<16xf32>
        %parallel_loop3A_379 = arith.constant 64 : i32
        %parallel_loop3A_380 = arith.muli %parallel_loop3A_337, %parallel_loop3A_379 : i32
        %parallel_loop3A_381 = arith.constant 32 : i32
        %parallel_loop3A_382 = arith.addi %parallel_loop3A_380, %parallel_loop3A_381 : i32
        %parallel_loop3A_383 = arith.index_cast %parallel_loop3A_382 : i32 to index
        %parallel_loop3A_384 = tpu.vector_load %arg12[%parallel_loop3A_383] {strides = array<i32>} : memref<16384xf32, #tpu.memory_space<vmem>>, vector<16xf32>,
        tpu.vector_store %arg12[%parallel_loop3A_383], %parallel_loop3A_378 {strides = array<i32>} : memref<16384xf32, #tpu.memory_space<vmem>>, vector<16xf32>,
        %parallel_loop3A_385 = arith.constant 3 : i32
        %parallel_loop3A_386 = arith.addi %parallel_loop3A_141, %parallel_loop3A_385 : i32
        %parallel_loop3A_387 = arith.index_cast %parallel_loop3A_386 : i32 to index
        %parallel_loop3A_388 = arith.constant 48 : index
        %parallel_loop3A_389 = tpu.vector_load %arg11[%parallel_loop3A_387, %parallel_loop3A_388] {strides = array<i32>} : memref<512x64xf32, #tpu.memory_space<vmem>>, vector<16xf32>,
        %parallel_loop3A_390 = arith.index_cast %parallel_loop3A_339 : i32 to index
        %parallel_loop3A_391 = arith.constant 48 : index
        %parallel_loop3A_392 = tpu.vector_load %arg14[%parallel_loop3A_390, %parallel_loop3A_391] {strides = array<i32>} : memref<512x64xf32, #tpu.memory_space<vmem>>, vector<16xf32>,
        %parallel_loop3A_393 = arith.addf %parallel_loop3A_389, %parallel_loop3A_392 : vector<16xf32>
        %parallel_loop3A_394 = arith.constant 64 : i32
        %parallel_loop3A_395 = arith.muli %parallel_loop3A_337, %parallel_loop3A_394 : i32
        %parallel_loop3A_396 = arith.constant 48 : i32
        %parallel_loop3A_397 = arith.addi %parallel_loop3A_395, %parallel_loop3A_396 : i32
        %parallel_loop3A_398 = arith.index_cast %parallel_loop3A_397 : i32 to index
        %parallel_loop3A_399 = tpu.vector_load %arg12[%parallel_loop3A_398] {strides = array<i32>} : memref<16384xf32, #tpu.memory_space<vmem>>, vector<16xf32>,
        tpu.vector_store %arg12[%parallel_loop3A_398], %parallel_loop3A_393 {strides = array<i32>} : memref<16384xf32, #tpu.memory_space<vmem>>, vector<16xf32>,
        %parallel_loop3A_400 = arith.constant 4 : i32
        %parallel_loop3A_401 = arith.addi %parallel_loop3A_139, %parallel_loop3A_400 : i32
        %parallel_loop3A_402 = vector.extract_strided_slice %parallel_loop3A_143 {offsets = [4], sizes = [1], strides = [1]} : vector<16xi32> to vector<1xi32>
        %parallel_loop3A_403 = vector.extract %parallel_loop3A_402[0] : i32 from vector<1xi32>
        %parallel_loop3A_404 = arith.constant 4 : i32
        %parallel_loop3A_405 = arith.addi %parallel_loop3A_141, %parallel_loop3A_404 : i32
        %parallel_loop3A_406 = arith.index_cast %parallel_loop3A_405 : i32 to index
        %parallel_loop3A_407 = arith.constant 0 : index
        %parallel_loop3A_408 = tpu.vector_load %arg11[%parallel_loop3A_406, %parallel_loop3A_407] {strides = array<i32>} : memref<512x64xf32, #tpu.memory_space<vmem>>, vector<16xf32>,
        %parallel_loop3A_409 = arith.index_cast %parallel_loop3A_403 : i32 to index
        %parallel_loop3A_410 = arith.constant 0 : index
        %parallel_loop3A_411 = tpu.vector_load %arg14[%parallel_loop3A_409, %parallel_loop3A_410] {strides = array<i32>} : memref<512x64xf32, #tpu.memory_space<vmem>>, vector<16xf32>,
        %parallel_loop3A_412 = arith.addf %parallel_loop3A_408, %parallel_loop3A_411 : vector<16xf32>
        %parallel_loop3A_413 = arith.constant 64 : i32
        %parallel_loop3A_414 = arith.muli %parallel_loop3A_401, %parallel_loop3A_413 : i32
        %parallel_loop3A_415 = arith.constant 0 : i32
        %parallel_loop3A_416 = arith.addi %parallel_loop3A_414, %parallel_loop3A_415 : i32
        %parallel_loop3A_417 = arith.index_cast %parallel_loop3A_416 : i32 to index
        %parallel_loop3A_418 = tpu.vector_load %arg12[%parallel_loop3A_417] {strides = array<i32>} : memref<16384xf32, #tpu.memory_space<vmem>>, vector<16xf32>,
        tpu.vector_store %arg12[%parallel_loop3A_417], %parallel_loop3A_412 {strides = array<i32>} : memref<16384xf32, #tpu.memory_space<vmem>>, vector<16xf32>,
        %parallel_loop3A_419 = arith.constant 4 : i32
        %parallel_loop3A_420 = arith.addi %parallel_loop3A_141, %parallel_loop3A_419 : i32
        %parallel_loop3A_421 = arith.index_cast %parallel_loop3A_420 : i32 to index
        %parallel_loop3A_422 = arith.constant 16 : index
        %parallel_loop3A_423 = tpu.vector_load %arg11[%parallel_loop3A_421, %parallel_loop3A_422] {strides = array<i32>} : memref<512x64xf32, #tpu.memory_space<vmem>>, vector<16xf32>,
        %parallel_loop3A_424 = arith.index_cast %parallel_loop3A_403 : i32 to index
        %parallel_loop3A_425 = arith.constant 16 : index
        %parallel_loop3A_426 = tpu.vector_load %arg14[%parallel_loop3A_424, %parallel_loop3A_425] {strides = array<i32>} : memref<512x64xf32, #tpu.memory_space<vmem>>, vector<16xf32>,
        %parallel_loop3A_427 = arith.addf %parallel_loop3A_423, %parallel_loop3A_426 : vector<16xf32>
        %parallel_loop3A_428 = arith.constant 64 : i32
        %parallel_loop3A_429 = arith.muli %parallel_loop3A_401, %parallel_loop3A_428 : i32
        %parallel_loop3A_430 = arith.constant 16 : i32
        %parallel_loop3A_431 = arith.addi %parallel_loop3A_429, %parallel_loop3A_430 : i32
        %parallel_loop3A_432 = arith.index_cast %parallel_loop3A_431 : i32 to index
        %parallel_loop3A_433 = tpu.vector_load %arg12[%parallel_loop3A_432] {strides = array<i32>} : memref<16384xf32, #tpu.memory_space<vmem>>, vector<16xf32>,
        tpu.vector_store %arg12[%parallel_loop3A_432], %parallel_loop3A_427 {strides = array<i32>} : memref<16384xf32, #tpu.memory_space<vmem>>, vector<16xf32>,
        %parallel_loop3A_434 = arith.constant 4 : i32
        %parallel_loop3A_435 = arith.addi %parallel_loop3A_141, %parallel_loop3A_434 : i32
        %parallel_loop3A_436 = arith.index_cast %parallel_loop3A_435 : i32 to index
        %parallel_loop3A_437 = arith.constant 32 : index
        %parallel_loop3A_438 = tpu.vector_load %arg11[%parallel_loop3A_436, %parallel_loop3A_437] {strides = array<i32>} : memref<512x64xf32, #tpu.memory_space<vmem>>, vector<16xf32>,
        %parallel_loop3A_439 = arith.index_cast %parallel_loop3A_403 : i32 to index
        %parallel_loop3A_440 = arith.constant 32 : index
        %parallel_loop3A_441 = tpu.vector_load %arg14[%parallel_loop3A_439, %parallel_loop3A_440] {strides = array<i32>} : memref<512x64xf32, #tpu.memory_space<vmem>>, vector<16xf32>,
        %parallel_loop3A_442 = arith.addf %parallel_loop3A_438, %parallel_loop3A_441 : vector<16xf32>
        %parallel_loop3A_443 = arith.constant 64 : i32
        %parallel_loop3A_444 = arith.muli %parallel_loop3A_401, %parallel_loop3A_443 : i32
        %parallel_loop3A_445 = arith.constant 32 : i32
        %parallel_loop3A_446 = arith.addi %parallel_loop3A_444, %parallel_loop3A_445 : i32
        %parallel_loop3A_447 = arith.index_cast %parallel_loop3A_446 : i32 to index
        %parallel_loop3A_448 = tpu.vector_load %arg12[%parallel_loop3A_447] {strides = array<i32>} : memref<16384xf32, #tpu.memory_space<vmem>>, vector<16xf32>,
        tpu.vector_store %arg12[%parallel_loop3A_447], %parallel_loop3A_442 {strides = array<i32>} : memref<16384xf32, #tpu.memory_space<vmem>>, vector<16xf32>,
        %parallel_loop3A_449 = arith.constant 4 : i32
        %parallel_loop3A_450 = arith.addi %parallel_loop3A_141, %parallel_loop3A_449 : i32
        %parallel_loop3A_451 = arith.index_cast %parallel_loop3A_450 : i32 to index
        %parallel_loop3A_452 = arith.constant 48 : index
        %parallel_loop3A_453 = tpu.vector_load %arg11[%parallel_loop3A_451, %parallel_loop3A_452] {strides = array<i32>} : memref<512x64xf32, #tpu.memory_space<vmem>>, vector<16xf32>,
        %parallel_loop3A_454 = arith.index_cast %parallel_loop3A_403 : i32 to index
        %parallel_loop3A_455 = arith.constant 48 : index
        %parallel_loop3A_456 = tpu.vector_load %arg14[%parallel_loop3A_454, %parallel_loop3A_455] {strides = array<i32>} : memref<512x64xf32, #tpu.memory_space<vmem>>, vector<16xf32>,
        %parallel_loop3A_457 = arith.addf %parallel_loop3A_453, %parallel_loop3A_456 : vector<16xf32>
        %parallel_loop3A_458 = arith.constant 64 : i32
        %parallel_loop3A_459 = arith.muli %parallel_loop3A_401, %parallel_loop3A_458 : i32
        %parallel_loop3A_460 = arith.constant 48 : i32
        %parallel_loop3A_461 = arith.addi %parallel_loop3A_459, %parallel_loop3A_460 : i32
        %parallel_loop3A_462 = arith.index_cast %parallel_loop3A_461 : i32 to index
        %parallel_loop3A_463 = tpu.vector_load %arg12[%parallel_loop3A_462] {strides = array<i32>} : memref<16384xf32, #tpu.memory_space<vmem>>, vector<16xf32>,
        tpu.vector_store %arg12[%parallel_loop3A_462], %parallel_loop3A_457 {strides = array<i32>} : memref<16384xf32, #tpu.memory_space<vmem>>, vector<16xf32>,
        %parallel_loop3A_464 = arith.constant 5 : i32
        %parallel_loop3A_465 = arith.addi %parallel_loop3A_139, %parallel_loop3A_464 : i32
        %parallel_loop3A_466 = vector.extract_strided_slice %parallel_loop3A_143 {offsets = [5], sizes = [1], strides = [1]} : vector<16xi32> to vector<1xi32>
        %parallel_loop3A_467 = vector.extract %parallel_loop3A_466[0] : i32 from vector<1xi32>
        %parallel_loop3A_468 = arith.constant 5 : i32
        %parallel_loop3A_469 = arith.addi %parallel_loop3A_141, %parallel_loop3A_468 : i32
        %parallel_loop3A_470 = arith.index_cast %parallel_loop3A_469 : i32 to index
        %parallel_loop3A_471 = arith.constant 0 : index
        %parallel_loop3A_472 = tpu.vector_load %arg11[%parallel_loop3A_470, %parallel_loop3A_471] {strides = array<i32>} : memref<512x64xf32, #tpu.memory_space<vmem>>, vector<16xf32>,
        %parallel_loop3A_473 = arith.index_cast %parallel_loop3A_467 : i32 to index
        %parallel_loop3A_474 = arith.constant 0 : index
        %parallel_loop3A_475 = tpu.vector_load %arg14[%parallel_loop3A_473, %parallel_loop3A_474] {strides = array<i32>} : memref<512x64xf32, #tpu.memory_space<vmem>>, vector<16xf32>,
        %parallel_loop3A_476 = arith.addf %parallel_loop3A_472, %parallel_loop3A_475 : vector<16xf32>
        %parallel_loop3A_477 = arith.constant 64 : i32
        %parallel_loop3A_478 = arith.muli %parallel_loop3A_465, %parallel_loop3A_477 : i32
        %parallel_loop3A_479 = arith.constant 0 : i32
        %parallel_loop3A_480 = arith.addi %parallel_loop3A_478, %parallel_loop3A_479 : i32
        %parallel_loop3A_481 = arith.index_cast %parallel_loop3A_480 : i32 to index
        %parallel_loop3A_482 = tpu.vector_load %arg12[%parallel_loop3A_481] {strides = array<i32>} : memref<16384xf32, #tpu.memory_space<vmem>>, vector<16xf32>,
        tpu.vector_store %arg12[%parallel_loop3A_481], %parallel_loop3A_476 {strides = array<i32>} : memref<16384xf32, #tpu.memory_space<vmem>>, vector<16xf32>,
        %parallel_loop3A_483 = arith.constant 5 : i32
        %parallel_loop3A_484 = arith.addi %parallel_loop3A_141, %parallel_loop3A_483 : i32
        %parallel_loop3A_485 = arith.index_cast %parallel_loop3A_484 : i32 to index
        %parallel_loop3A_486 = arith.constant 16 : index
        %parallel_loop3A_487 = tpu.vector_load %arg11[%parallel_loop3A_485, %parallel_loop3A_486] {strides = array<i32>} : memref<512x64xf32, #tpu.memory_space<vmem>>, vector<16xf32>,
        %parallel_loop3A_488 = arith.index_cast %parallel_loop3A_467 : i32 to index
        %parallel_loop3A_489 = arith.constant 16 : index
        %parallel_loop3A_490 = tpu.vector_load %arg14[%parallel_loop3A_488, %parallel_loop3A_489] {strides = array<i32>} : memref<512x64xf32, #tpu.memory_space<vmem>>, vector<16xf32>,
        %parallel_loop3A_491 = arith.addf %parallel_loop3A_487, %parallel_loop3A_490 : vector<16xf32>
        %parallel_loop3A_492 = arith.constant 64 : i32
        %parallel_loop3A_493 = arith.muli %parallel_loop3A_465, %parallel_loop3A_492 : i32
        %parallel_loop3A_494 = arith.constant 16 : i32
        %parallel_loop3A_495 = arith.addi %parallel_loop3A_493, %parallel_loop3A_494 : i32
        %parallel_loop3A_496 = arith.index_cast %parallel_loop3A_495 : i32 to index
        %parallel_loop3A_497 = tpu.vector_load %arg12[%parallel_loop3A_496] {strides = array<i32>} : memref<16384xf32, #tpu.memory_space<vmem>>, vector<16xf32>,
        tpu.vector_store %arg12[%parallel_loop3A_496], %parallel_loop3A_491 {strides = array<i32>} : memref<16384xf32, #tpu.memory_space<vmem>>, vector<16xf32>,
        %parallel_loop3A_498 = arith.constant 5 : i32
        %parallel_loop3A_499 = arith.addi %parallel_loop3A_141, %parallel_loop3A_498 : i32
        %parallel_loop3A_500 = arith.index_cast %parallel_loop3A_499 : i32 to index
        %parallel_loop3A_501 = arith.constant 32 : index
        %parallel_loop3A_502 = tpu.vector_load %arg11[%parallel_loop3A_500, %parallel_loop3A_501] {strides = array<i32>} : memref<512x64xf32, #tpu.memory_space<vmem>>, vector<16xf32>,
        %parallel_loop3A_503 = arith.index_cast %parallel_loop3A_467 : i32 to index
        %parallel_loop3A_504 = arith.constant 32 : index
        %parallel_loop3A_505 = tpu.vector_load %arg14[%parallel_loop3A_503, %parallel_loop3A_504] {strides = array<i32>} : memref<512x64xf32, #tpu.memory_space<vmem>>, vector<16xf32>,
        %parallel_loop3A_506 = arith.addf %parallel_loop3A_502, %parallel_loop3A_505 : vector<16xf32>
        %parallel_loop3A_507 = arith.constant 64 : i32
        %parallel_loop3A_508 = arith.muli %parallel_loop3A_465, %parallel_loop3A_507 : i32
        %parallel_loop3A_509 = arith.constant 32 : i32
        %parallel_loop3A_510 = arith.addi %parallel_loop3A_508, %parallel_loop3A_509 : i32
        %parallel_loop3A_511 = arith.index_cast %parallel_loop3A_510 : i32 to index
        %parallel_loop3A_512 = tpu.vector_load %arg12[%parallel_loop3A_511] {strides = array<i32>} : memref<16384xf32, #tpu.memory_space<vmem>>, vector<16xf32>,
        tpu.vector_store %arg12[%parallel_loop3A_511], %parallel_loop3A_506 {strides = array<i32>} : memref<16384xf32, #tpu.memory_space<vmem>>, vector<16xf32>,
        %parallel_loop3A_513 = arith.constant 5 : i32
        %parallel_loop3A_514 = arith.addi %parallel_loop3A_141, %parallel_loop3A_513 : i32
        %parallel_loop3A_515 = arith.index_cast %parallel_loop3A_514 : i32 to index
        %parallel_loop3A_516 = arith.constant 48 : index
        %parallel_loop3A_517 = tpu.vector_load %arg11[%parallel_loop3A_515, %parallel_loop3A_516] {strides = array<i32>} : memref<512x64xf32, #tpu.memory_space<vmem>>, vector<16xf32>,
        %parallel_loop3A_518 = arith.index_cast %parallel_loop3A_467 : i32 to index
        %parallel_loop3A_519 = arith.constant 48 : index
        %parallel_loop3A_520 = tpu.vector_load %arg14[%parallel_loop3A_518, %parallel_loop3A_519] {strides = array<i32>} : memref<512x64xf32, #tpu.memory_space<vmem>>, vector<16xf32>,
        %parallel_loop3A_521 = arith.addf %parallel_loop3A_517, %parallel_loop3A_520 : vector<16xf32>
        %parallel_loop3A_522 = arith.constant 64 : i32
        %parallel_loop3A_523 = arith.muli %parallel_loop3A_465, %parallel_loop3A_522 : i32
        %parallel_loop3A_524 = arith.constant 48 : i32
        %parallel_loop3A_525 = arith.addi %parallel_loop3A_523, %parallel_loop3A_524 : i32
        %parallel_loop3A_526 = arith.index_cast %parallel_loop3A_525 : i32 to index
        %parallel_loop3A_527 = tpu.vector_load %arg12[%parallel_loop3A_526] {strides = array<i32>} : memref<16384xf32, #tpu.memory_space<vmem>>, vector<16xf32>,
        tpu.vector_store %arg12[%parallel_loop3A_526], %parallel_loop3A_521 {strides = array<i32>} : memref<16384xf32, #tpu.memory_space<vmem>>, vector<16xf32>,
        %parallel_loop3A_528 = arith.constant 6 : i32
        %parallel_loop3A_529 = arith.addi %parallel_loop3A_139, %parallel_loop3A_528 : i32
        %parallel_loop3A_530 = vector.extract_strided_slice %parallel_loop3A_143 {offsets = [6], sizes = [1], strides = [1]} : vector<16xi32> to vector<1xi32>
        %parallel_loop3A_531 = vector.extract %parallel_loop3A_530[0] : i32 from vector<1xi32>
        %parallel_loop3A_532 = arith.constant 6 : i32
        %parallel_loop3A_533 = arith.addi %parallel_loop3A_141, %parallel_loop3A_532 : i32
        %parallel_loop3A_534 = arith.index_cast %parallel_loop3A_533 : i32 to index
        %parallel_loop3A_535 = arith.constant 0 : index
        %parallel_loop3A_536 = tpu.vector_load %arg11[%parallel_loop3A_534, %parallel_loop3A_535] {strides = array<i32>} : memref<512x64xf32, #tpu.memory_space<vmem>>, vector<16xf32>,
        %parallel_loop3A_537 = arith.index_cast %parallel_loop3A_531 : i32 to index
        %parallel_loop3A_538 = arith.constant 0 : index
        %parallel_loop3A_539 = tpu.vector_load %arg14[%parallel_loop3A_537, %parallel_loop3A_538] {strides = array<i32>} : memref<512x64xf32, #tpu.memory_space<vmem>>, vector<16xf32>,
        %parallel_loop3A_540 = arith.addf %parallel_loop3A_536, %parallel_loop3A_539 : vector<16xf32>
        %parallel_loop3A_541 = arith.constant 64 : i32
        %parallel_loop3A_542 = arith.muli %parallel_loop3A_529, %parallel_loop3A_541 : i32
        %parallel_loop3A_543 = arith.constant 0 : i32
        %parallel_loop3A_544 = arith.addi %parallel_loop3A_542, %parallel_loop3A_543 : i32
        %parallel_loop3A_545 = arith.index_cast %parallel_loop3A_544 : i32 to index
        %parallel_loop3A_546 = tpu.vector_load %arg12[%parallel_loop3A_545] {strides = array<i32>} : memref<16384xf32, #tpu.memory_space<vmem>>, vector<16xf32>,
        tpu.vector_store %arg12[%parallel_loop3A_545], %parallel_loop3A_540 {strides = array<i32>} : memref<16384xf32, #tpu.memory_space<vmem>>, vector<16xf32>,
        %parallel_loop3A_547 = arith.constant 6 : i32
        %parallel_loop3A_548 = arith.addi %parallel_loop3A_141, %parallel_loop3A_547 : i32
        %parallel_loop3A_549 = arith.index_cast %parallel_loop3A_548 : i32 to index
        %parallel_loop3A_550 = arith.constant 16 : index
        %parallel_loop3A_551 = tpu.vector_load %arg11[%parallel_loop3A_549, %parallel_loop3A_550] {strides = array<i32>} : memref<512x64xf32, #tpu.memory_space<vmem>>, vector<16xf32>,
        %parallel_loop3A_552 = arith.index_cast %parallel_loop3A_531 : i32 to index
        %parallel_loop3A_553 = arith.constant 16 : index
        %parallel_loop3A_554 = tpu.vector_load %arg14[%parallel_loop3A_552, %parallel_loop3A_553] {strides = array<i32>} : memref<512x64xf32, #tpu.memory_space<vmem>>, vector<16xf32>,
        %parallel_loop3A_555 = arith.addf %parallel_loop3A_551, %parallel_loop3A_554 : vector<16xf32>
        %parallel_loop3A_556 = arith.constant 64 : i32
        %parallel_loop3A_557 = arith.muli %parallel_loop3A_529, %parallel_loop3A_556 : i32
        %parallel_loop3A_558 = arith.constant 16 : i32
        %parallel_loop3A_559 = arith.addi %parallel_loop3A_557, %parallel_loop3A_558 : i32
        %parallel_loop3A_560 = arith.index_cast %parallel_loop3A_559 : i32 to index
        %parallel_loop3A_561 = tpu.vector_load %arg12[%parallel_loop3A_560] {strides = array<i32>} : memref<16384xf32, #tpu.memory_space<vmem>>, vector<16xf32>,
        tpu.vector_store %arg12[%parallel_loop3A_560], %parallel_loop3A_555 {strides = array<i32>} : memref<16384xf32, #tpu.memory_space<vmem>>, vector<16xf32>,
        %parallel_loop3A_562 = arith.constant 6 : i32
        %parallel_loop3A_563 = arith.addi %parallel_loop3A_141, %parallel_loop3A_562 : i32
        %parallel_loop3A_564 = arith.index_cast %parallel_loop3A_563 : i32 to index
        %parallel_loop3A_565 = arith.constant 32 : index
        %parallel_loop3A_566 = tpu.vector_load %arg11[%parallel_loop3A_564, %parallel_loop3A_565] {strides = array<i32>} : memref<512x64xf32, #tpu.memory_space<vmem>>, vector<16xf32>,
        %parallel_loop3A_567 = arith.index_cast %parallel_loop3A_531 : i32 to index
        %parallel_loop3A_568 = arith.constant 32 : index
        %parallel_loop3A_569 = tpu.vector_load %arg14[%parallel_loop3A_567, %parallel_loop3A_568] {strides = array<i32>} : memref<512x64xf32, #tpu.memory_space<vmem>>, vector<16xf32>,
        %parallel_loop3A_570 = arith.addf %parallel_loop3A_566, %parallel_loop3A_569 : vector<16xf32>
        %parallel_loop3A_571 = arith.constant 64 : i32
        %parallel_loop3A_572 = arith.muli %parallel_loop3A_529, %parallel_loop3A_571 : i32
        %parallel_loop3A_573 = arith.constant 32 : i32
        %parallel_loop3A_574 = arith.addi %parallel_loop3A_572, %parallel_loop3A_573 : i32
        %parallel_loop3A_575 = arith.index_cast %parallel_loop3A_574 : i32 to index
        %parallel_loop3A_576 = tpu.vector_load %arg12[%parallel_loop3A_575] {strides = array<i32>} : memref<16384xf32, #tpu.memory_space<vmem>>, vector<16xf32>,
        tpu.vector_store %arg12[%parallel_loop3A_575], %parallel_loop3A_570 {strides = array<i32>} : memref<16384xf32, #tpu.memory_space<vmem>>, vector<16xf32>,
        %parallel_loop3A_577 = arith.constant 6 : i32
        %parallel_loop3A_578 = arith.addi %parallel_loop3A_141, %parallel_loop3A_577 : i32
        %parallel_loop3A_579 = arith.index_cast %parallel_loop3A_578 : i32 to index
        %parallel_loop3A_580 = arith.constant 48 : index
        %parallel_loop3A_581 = tpu.vector_load %arg11[%parallel_loop3A_579, %parallel_loop3A_580] {strides = array<i32>} : memref<512x64xf32, #tpu.memory_space<vmem>>, vector<16xf32>,
        %parallel_loop3A_582 = arith.index_cast %parallel_loop3A_531 : i32 to index
        %parallel_loop3A_583 = arith.constant 48 : index
        %parallel_loop3A_584 = tpu.vector_load %arg14[%parallel_loop3A_582, %parallel_loop3A_583] {strides = array<i32>} : memref<512x64xf32, #tpu.memory_space<vmem>>, vector<16xf32>,
        %parallel_loop3A_585 = arith.addf %parallel_loop3A_581, %parallel_loop3A_584 : vector<16xf32>
        %parallel_loop3A_586 = arith.constant 64 : i32
        %parallel_loop3A_587 = arith.muli %parallel_loop3A_529, %parallel_loop3A_586 : i32
        %parallel_loop3A_588 = arith.constant 48 : i32
        %parallel_loop3A_589 = arith.addi %parallel_loop3A_587, %parallel_loop3A_588 : i32
        %parallel_loop3A_590 = arith.index_cast %parallel_loop3A_589 : i32 to index
        %parallel_loop3A_591 = tpu.vector_load %arg12[%parallel_loop3A_590] {strides = array<i32>} : memref<16384xf32, #tpu.memory_space<vmem>>, vector<16xf32>,
        tpu.vector_store %arg12[%parallel_loop3A_590], %parallel_loop3A_585 {strides = array<i32>} : memref<16384xf32, #tpu.memory_space<vmem>>, vector<16xf32>,
        %parallel_loop3A_592 = arith.constant 7 : i32
        %parallel_loop3A_593 = arith.addi %parallel_loop3A_139, %parallel_loop3A_592 : i32
        %parallel_loop3A_594 = vector.extract_strided_slice %parallel_loop3A_143 {offsets = [7], sizes = [1], strides = [1]} : vector<16xi32> to vector<1xi32>
        %parallel_loop3A_595 = vector.extract %parallel_loop3A_594[0] : i32 from vector<1xi32>
        %parallel_loop3A_596 = arith.constant 7 : i32
        %parallel_loop3A_597 = arith.addi %parallel_loop3A_141, %parallel_loop3A_596 : i32
        %parallel_loop3A_598 = arith.index_cast %parallel_loop3A_597 : i32 to index
        %parallel_loop3A_599 = arith.constant 0 : index
        %parallel_loop3A_600 = tpu.vector_load %arg11[%parallel_loop3A_598, %parallel_loop3A_599] {strides = array<i32>} : memref<512x64xf32, #tpu.memory_space<vmem>>, vector<16xf32>,
        %parallel_loop3A_601 = arith.index_cast %parallel_loop3A_595 : i32 to index
        %parallel_loop3A_602 = arith.constant 0 : index
        %parallel_loop3A_603 = tpu.vector_load %arg14[%parallel_loop3A_601, %parallel_loop3A_602] {strides = array<i32>} : memref<512x64xf32, #tpu.memory_space<vmem>>, vector<16xf32>,
        %parallel_loop3A_604 = arith.addf %parallel_loop3A_600, %parallel_loop3A_603 : vector<16xf32>
        %parallel_loop3A_605 = arith.constant 64 : i32
        %parallel_loop3A_606 = arith.muli %parallel_loop3A_593, %parallel_loop3A_605 : i32
        %parallel_loop3A_607 = arith.constant 0 : i32
        %parallel_loop3A_608 = arith.addi %parallel_loop3A_606, %parallel_loop3A_607 : i32
        %parallel_loop3A_609 = arith.index_cast %parallel_loop3A_608 : i32 to index
        %parallel_loop3A_610 = tpu.vector_load %arg12[%parallel_loop3A_609] {strides = array<i32>} : memref<16384xf32, #tpu.memory_space<vmem>>, vector<16xf32>,
        tpu.vector_store %arg12[%parallel_loop3A_609], %parallel_loop3A_604 {strides = array<i32>} : memref<16384xf32, #tpu.memory_space<vmem>>, vector<16xf32>,
        %parallel_loop3A_611 = arith.constant 7 : i32
        %parallel_loop3A_612 = arith.addi %parallel_loop3A_141, %parallel_loop3A_611 : i32
        %parallel_loop3A_613 = arith.index_cast %parallel_loop3A_612 : i32 to index
        %parallel_loop3A_614 = arith.constant 16 : index
        %parallel_loop3A_615 = tpu.vector_load %arg11[%parallel_loop3A_613, %parallel_loop3A_614] {strides = array<i32>} : memref<512x64xf32, #tpu.memory_space<vmem>>, vector<16xf32>,
        %parallel_loop3A_616 = arith.index_cast %parallel_loop3A_595 : i32 to index
        %parallel_loop3A_617 = arith.constant 16 : index
        %parallel_loop3A_618 = tpu.vector_load %arg14[%parallel_loop3A_616, %parallel_loop3A_617] {strides = array<i32>} : memref<512x64xf32, #tpu.memory_space<vmem>>, vector<16xf32>,
        %parallel_loop3A_619 = arith.addf %parallel_loop3A_615, %parallel_loop3A_618 : vector<16xf32>
        %parallel_loop3A_620 = arith.constant 64 : i32
        %parallel_loop3A_621 = arith.muli %parallel_loop3A_593, %parallel_loop3A_620 : i32
        %parallel_loop3A_622 = arith.constant 16 : i32
        %parallel_loop3A_623 = arith.addi %parallel_loop3A_621, %parallel_loop3A_622 : i32
        %parallel_loop3A_624 = arith.index_cast %parallel_loop3A_623 : i32 to index
        %parallel_loop3A_625 = tpu.vector_load %arg12[%parallel_loop3A_624] {strides = array<i32>} : memref<16384xf32, #tpu.memory_space<vmem>>, vector<16xf32>,
        tpu.vector_store %arg12[%parallel_loop3A_624], %parallel_loop3A_619 {strides = array<i32>} : memref<16384xf32, #tpu.memory_space<vmem>>, vector<16xf32>,
        %parallel_loop3A_626 = arith.constant 7 : i32
        %parallel_loop3A_627 = arith.addi %parallel_loop3A_141, %parallel_loop3A_626 : i32
        %parallel_loop3A_628 = arith.index_cast %parallel_loop3A_627 : i32 to index
        %parallel_loop3A_629 = arith.constant 32 : index
        %parallel_loop3A_630 = tpu.vector_load %arg11[%parallel_loop3A_628, %parallel_loop3A_629] {strides = array<i32>} : memref<512x64xf32, #tpu.memory_space<vmem>>, vector<16xf32>,
        %parallel_loop3A_631 = arith.index_cast %parallel_loop3A_595 : i32 to index
        %parallel_loop3A_632 = arith.constant 32 : index
        %parallel_loop3A_633 = tpu.vector_load %arg14[%parallel_loop3A_631, %parallel_loop3A_632] {strides = array<i32>} : memref<512x64xf32, #tpu.memory_space<vmem>>, vector<16xf32>,
        %parallel_loop3A_634 = arith.addf %parallel_loop3A_630, %parallel_loop3A_633 : vector<16xf32>
        %parallel_loop3A_635 = arith.constant 64 : i32
        %parallel_loop3A_636 = arith.muli %parallel_loop3A_593, %parallel_loop3A_635 : i32
        %parallel_loop3A_637 = arith.constant 32 : i32
        %parallel_loop3A_638 = arith.addi %parallel_loop3A_636, %parallel_loop3A_637 : i32
        %parallel_loop3A_639 = arith.index_cast %parallel_loop3A_638 : i32 to index
        %parallel_loop3A_640 = tpu.vector_load %arg12[%parallel_loop3A_639] {strides = array<i32>} : memref<16384xf32, #tpu.memory_space<vmem>>, vector<16xf32>,
        tpu.vector_store %arg12[%parallel_loop3A_639], %parallel_loop3A_634 {strides = array<i32>} : memref<16384xf32, #tpu.memory_space<vmem>>, vector<16xf32>,
        %parallel_loop3A_641 = arith.constant 7 : i32
        %parallel_loop3A_642 = arith.addi %parallel_loop3A_141, %parallel_loop3A_641 : i32
        %parallel_loop3A_643 = arith.index_cast %parallel_loop3A_642 : i32 to index
        %parallel_loop3A_644 = arith.constant 48 : index
        %parallel_loop3A_645 = tpu.vector_load %arg11[%parallel_loop3A_643, %parallel_loop3A_644] {strides = array<i32>} : memref<512x64xf32, #tpu.memory_space<vmem>>, vector<16xf32>,
        %parallel_loop3A_646 = arith.index_cast %parallel_loop3A_595 : i32 to index
        %parallel_loop3A_647 = arith.constant 48 : index
        %parallel_loop3A_648 = tpu.vector_load %arg14[%parallel_loop3A_646, %parallel_loop3A_647] {strides = array<i32>} : memref<512x64xf32, #tpu.memory_space<vmem>>, vector<16xf32>,
        %parallel_loop3A_649 = arith.addf %parallel_loop3A_645, %parallel_loop3A_648 : vector<16xf32>
        %parallel_loop3A_650 = arith.constant 64 : i32
        %parallel_loop3A_651 = arith.muli %parallel_loop3A_593, %parallel_loop3A_650 : i32
        %parallel_loop3A_652 = arith.constant 48 : i32
        %parallel_loop3A_653 = arith.addi %parallel_loop3A_651, %parallel_loop3A_652 : i32
        %parallel_loop3A_654 = arith.index_cast %parallel_loop3A_653 : i32 to index
        %parallel_loop3A_655 = tpu.vector_load %arg12[%parallel_loop3A_654] {strides = array<i32>} : memref<16384xf32, #tpu.memory_space<vmem>>, vector<16xf32>,
        tpu.vector_store %arg12[%parallel_loop3A_654], %parallel_loop3A_649 {strides = array<i32>} : memref<16384xf32, #tpu.memory_space<vmem>>, vector<16xf32>,
        %parallel_loop3A_656 = arith.constant 8 : i32
        %parallel_loop3A_657 = arith.addi %parallel_loop3A_139, %parallel_loop3A_656 : i32
        %parallel_loop3A_658 = vector.extract_strided_slice %parallel_loop3A_143 {offsets = [8], sizes = [1], strides = [1]} : vector<16xi32> to vector<1xi32>
        %parallel_loop3A_659 = vector.extract %parallel_loop3A_658[0] : i32 from vector<1xi32>
        %parallel_loop3A_660 = arith.constant 8 : i32
        %parallel_loop3A_661 = arith.addi %parallel_loop3A_141, %parallel_loop3A_660 : i32
        %parallel_loop3A_662 = arith.index_cast %parallel_loop3A_661 : i32 to index
        %parallel_loop3A_663 = arith.constant 0 : index
        %parallel_loop3A_664 = tpu.vector_load %arg11[%parallel_loop3A_662, %parallel_loop3A_663] {strides = array<i32>} : memref<512x64xf32, #tpu.memory_space<vmem>>, vector<16xf32>,
        %parallel_loop3A_665 = arith.index_cast %parallel_loop3A_659 : i32 to index
        %parallel_loop3A_666 = arith.constant 0 : index
        %parallel_loop3A_667 = tpu.vector_load %arg14[%parallel_loop3A_665, %parallel_loop3A_666] {strides = array<i32>} : memref<512x64xf32, #tpu.memory_space<vmem>>, vector<16xf32>,
        %parallel_loop3A_668 = arith.addf %parallel_loop3A_664, %parallel_loop3A_667 : vector<16xf32>
        %parallel_loop3A_669 = arith.constant 64 : i32
        %parallel_loop3A_670 = arith.muli %parallel_loop3A_657, %parallel_loop3A_669 : i32
        %parallel_loop3A_671 = arith.constant 0 : i32
        %parallel_loop3A_672 = arith.addi %parallel_loop3A_670, %parallel_loop3A_671 : i32
        %parallel_loop3A_673 = arith.index_cast %parallel_loop3A_672 : i32 to index
        %parallel_loop3A_674 = tpu.vector_load %arg12[%parallel_loop3A_673] {strides = array<i32>} : memref<16384xf32, #tpu.memory_space<vmem>>, vector<16xf32>,
        tpu.vector_store %arg12[%parallel_loop3A_673], %parallel_loop3A_668 {strides = array<i32>} : memref<16384xf32, #tpu.memory_space<vmem>>, vector<16xf32>,
        %parallel_loop3A_675 = arith.constant 8 : i32
        %parallel_loop3A_676 = arith.addi %parallel_loop3A_141, %parallel_loop3A_675 : i32
        %parallel_loop3A_677 = arith.index_cast %parallel_loop3A_676 : i32 to index
        %parallel_loop3A_678 = arith.constant 16 : index
        %parallel_loop3A_679 = tpu.vector_load %arg11[%parallel_loop3A_677, %parallel_loop3A_678] {strides = array<i32>} : memref<512x64xf32, #tpu.memory_space<vmem>>, vector<16xf32>,
        %parallel_loop3A_680 = arith.index_cast %parallel_loop3A_659 : i32 to index
        %parallel_loop3A_681 = arith.constant 16 : index
        %parallel_loop3A_682 = tpu.vector_load %arg14[%parallel_loop3A_680, %parallel_loop3A_681] {strides = array<i32>} : memref<512x64xf32, #tpu.memory_space<vmem>>, vector<16xf32>,
        %parallel_loop3A_683 = arith.addf %parallel_loop3A_679, %parallel_loop3A_682 : vector<16xf32>
        %parallel_loop3A_684 = arith.constant 64 : i32
        %parallel_loop3A_685 = arith.muli %parallel_loop3A_657, %parallel_loop3A_684 : i32
        %parallel_loop3A_686 = arith.constant 16 : i32
        %parallel_loop3A_687 = arith.addi %parallel_loop3A_685, %parallel_loop3A_686 : i32
        %parallel_loop3A_688 = arith.index_cast %parallel_loop3A_687 : i32 to index
        %parallel_loop3A_689 = tpu.vector_load %arg12[%parallel_loop3A_688] {strides = array<i32>} : memref<16384xf32, #tpu.memory_space<vmem>>, vector<16xf32>,
        tpu.vector_store %arg12[%parallel_loop3A_688], %parallel_loop3A_683 {strides = array<i32>} : memref<16384xf32, #tpu.memory_space<vmem>>, vector<16xf32>,
        %parallel_loop3A_690 = arith.constant 8 : i32
        %parallel_loop3A_691 = arith.addi %parallel_loop3A_141, %parallel_loop3A_690 : i32
        %parallel_loop3A_692 = arith.index_cast %parallel_loop3A_691 : i32 to index
        %parallel_loop3A_693 = arith.constant 32 : index
        %parallel_loop3A_694 = tpu.vector_load %arg11[%parallel_loop3A_692, %parallel_loop3A_693] {strides = array<i32>} : memref<512x64xf32, #tpu.memory_space<vmem>>, vector<16xf32>,
        %parallel_loop3A_695 = arith.index_cast %parallel_loop3A_659 : i32 to index
        %parallel_loop3A_696 = arith.constant 32 : index
        %parallel_loop3A_697 = tpu.vector_load %arg14[%parallel_loop3A_695, %parallel_loop3A_696] {strides = array<i32>} : memref<512x64xf32, #tpu.memory_space<vmem>>, vector<16xf32>,
        %parallel_loop3A_698 = arith.addf %parallel_loop3A_694, %parallel_loop3A_697 : vector<16xf32>
        %parallel_loop3A_699 = arith.constant 64 : i32
        %parallel_loop3A_700 = arith.muli %parallel_loop3A_657, %parallel_loop3A_699 : i32
        %parallel_loop3A_701 = arith.constant 32 : i32
        %parallel_loop3A_702 = arith.addi %parallel_loop3A_700, %parallel_loop3A_701 : i32
        %parallel_loop3A_703 = arith.index_cast %parallel_loop3A_702 : i32 to index
        %parallel_loop3A_704 = tpu.vector_load %arg12[%parallel_loop3A_703] {strides = array<i32>} : memref<16384xf32, #tpu.memory_space<vmem>>, vector<16xf32>,
        tpu.vector_store %arg12[%parallel_loop3A_703], %parallel_loop3A_698 {strides = array<i32>} : memref<16384xf32, #tpu.memory_space<vmem>>, vector<16xf32>,
        %parallel_loop3A_705 = arith.constant 8 : i32
        %parallel_loop3A_706 = arith.addi %parallel_loop3A_141, %parallel_loop3A_705 : i32
        %parallel_loop3A_707 = arith.index_cast %parallel_loop3A_706 : i32 to index
        %parallel_loop3A_708 = arith.constant 48 : index
        %parallel_loop3A_709 = tpu.vector_load %arg11[%parallel_loop3A_707, %parallel_loop3A_708] {strides = array<i32>} : memref<512x64xf32, #tpu.memory_space<vmem>>, vector<16xf32>,
        %parallel_loop3A_710 = arith.index_cast %parallel_loop3A_659 : i32 to index
        %parallel_loop3A_711 = arith.constant 48 : index
        %parallel_loop3A_712 = tpu.vector_load %arg14[%parallel_loop3A_710, %parallel_loop3A_711] {strides = array<i32>} : memref<512x64xf32, #tpu.memory_space<vmem>>, vector<16xf32>,
        %parallel_loop3A_713 = arith.addf %parallel_loop3A_709, %parallel_loop3A_712 : vector<16xf32>
        %parallel_loop3A_714 = arith.constant 64 : i32
        %parallel_loop3A_715 = arith.muli %parallel_loop3A_657, %parallel_loop3A_714 : i32
        %parallel_loop3A_716 = arith.constant 48 : i32
        %parallel_loop3A_717 = arith.addi %parallel_loop3A_715, %parallel_loop3A_716 : i32
        %parallel_loop3A_718 = arith.index_cast %parallel_loop3A_717 : i32 to index
        %parallel_loop3A_719 = tpu.vector_load %arg12[%parallel_loop3A_718] {strides = array<i32>} : memref<16384xf32, #tpu.memory_space<vmem>>, vector<16xf32>,
        tpu.vector_store %arg12[%parallel_loop3A_718], %parallel_loop3A_713 {strides = array<i32>} : memref<16384xf32, #tpu.memory_space<vmem>>, vector<16xf32>,
        %parallel_loop3A_720 = arith.constant 9 : i32
        %parallel_loop3A_721 = arith.addi %parallel_loop3A_139, %parallel_loop3A_720 : i32
        %parallel_loop3A_722 = vector.extract_strided_slice %parallel_loop3A_143 {offsets = [9], sizes = [1], strides = [1]} : vector<16xi32> to vector<1xi32>
        %parallel_loop3A_723 = vector.extract %parallel_loop3A_722[0] : i32 from vector<1xi32>
        %parallel_loop3A_724 = arith.constant 9 : i32
        %parallel_loop3A_725 = arith.addi %parallel_loop3A_141, %parallel_loop3A_724 : i32
        %parallel_loop3A_726 = arith.index_cast %parallel_loop3A_725 : i32 to index
        %parallel_loop3A_727 = arith.constant 0 : index
        %parallel_loop3A_728 = tpu.vector_load %arg11[%parallel_loop3A_726, %parallel_loop3A_727] {strides = array<i32>} : memref<512x64xf32, #tpu.memory_space<vmem>>, vector<16xf32>,
        %parallel_loop3A_729 = arith.index_cast %parallel_loop3A_723 : i32 to index
        %parallel_loop3A_730 = arith.constant 0 : index
        %parallel_loop3A_731 = tpu.vector_load %arg14[%parallel_loop3A_729, %parallel_loop3A_730] {strides = array<i32>} : memref<512x64xf32, #tpu.memory_space<vmem>>, vector<16xf32>,
        %parallel_loop3A_732 = arith.addf %parallel_loop3A_728, %parallel_loop3A_731 : vector<16xf32>
        %parallel_loop3A_733 = arith.constant 64 : i32
        %parallel_loop3A_734 = arith.muli %parallel_loop3A_721, %parallel_loop3A_733 : i32
        %parallel_loop3A_735 = arith.constant 0 : i32
        %parallel_loop3A_736 = arith.addi %parallel_loop3A_734, %parallel_loop3A_735 : i32
        %parallel_loop3A_737 = arith.index_cast %parallel_loop3A_736 : i32 to index
        %parallel_loop3A_738 = tpu.vector_load %arg12[%parallel_loop3A_737] {strides = array<i32>} : memref<16384xf32, #tpu.memory_space<vmem>>, vector<16xf32>,
        tpu.vector_store %arg12[%parallel_loop3A_737], %parallel_loop3A_732 {strides = array<i32>} : memref<16384xf32, #tpu.memory_space<vmem>>, vector<16xf32>,
        %parallel_loop3A_739 = arith.constant 9 : i32
        %parallel_loop3A_740 = arith.addi %parallel_loop3A_141, %parallel_loop3A_739 : i32
        %parallel_loop3A_741 = arith.index_cast %parallel_loop3A_740 : i32 to index
        %parallel_loop3A_742 = arith.constant 16 : index
        %parallel_loop3A_743 = tpu.vector_load %arg11[%parallel_loop3A_741, %parallel_loop3A_742] {strides = array<i32>} : memref<512x64xf32, #tpu.memory_space<vmem>>, vector<16xf32>,
        %parallel_loop3A_744 = arith.index_cast %parallel_loop3A_723 : i32 to index
        %parallel_loop3A_745 = arith.constant 16 : index
        %parallel_loop3A_746 = tpu.vector_load %arg14[%parallel_loop3A_744, %parallel_loop3A_745] {strides = array<i32>} : memref<512x64xf32, #tpu.memory_space<vmem>>, vector<16xf32>,
        %parallel_loop3A_747 = arith.addf %parallel_loop3A_743, %parallel_loop3A_746 : vector<16xf32>
        %parallel_loop3A_748 = arith.constant 64 : i32
        %parallel_loop3A_749 = arith.muli %parallel_loop3A_721, %parallel_loop3A_748 : i32
        %parallel_loop3A_750 = arith.constant 16 : i32
        %parallel_loop3A_751 = arith.addi %parallel_loop3A_749, %parallel_loop3A_750 : i32
        %parallel_loop3A_752 = arith.index_cast %parallel_loop3A_751 : i32 to index
        %parallel_loop3A_753 = tpu.vector_load %arg12[%parallel_loop3A_752] {strides = array<i32>} : memref<16384xf32, #tpu.memory_space<vmem>>, vector<16xf32>,
        tpu.vector_store %arg12[%parallel_loop3A_752], %parallel_loop3A_747 {strides = array<i32>} : memref<16384xf32, #tpu.memory_space<vmem>>, vector<16xf32>,
        %parallel_loop3A_754 = arith.constant 9 : i32
        %parallel_loop3A_755 = arith.addi %parallel_loop3A_141, %parallel_loop3A_754 : i32
        %parallel_loop3A_756 = arith.index_cast %parallel_loop3A_755 : i32 to index
        %parallel_loop3A_757 = arith.constant 32 : index
        %parallel_loop3A_758 = tpu.vector_load %arg11[%parallel_loop3A_756, %parallel_loop3A_757] {strides = array<i32>} : memref<512x64xf32, #tpu.memory_space<vmem>>, vector<16xf32>,
        %parallel_loop3A_759 = arith.index_cast %parallel_loop3A_723 : i32 to index
        %parallel_loop3A_760 = arith.constant 32 : index
        %parallel_loop3A_761 = tpu.vector_load %arg14[%parallel_loop3A_759, %parallel_loop3A_760] {strides = array<i32>} : memref<512x64xf32, #tpu.memory_space<vmem>>, vector<16xf32>,
        %parallel_loop3A_762 = arith.addf %parallel_loop3A_758, %parallel_loop3A_761 : vector<16xf32>
        %parallel_loop3A_763 = arith.constant 64 : i32
        %parallel_loop3A_764 = arith.muli %parallel_loop3A_721, %parallel_loop3A_763 : i32
        %parallel_loop3A_765 = arith.constant 32 : i32
        %parallel_loop3A_766 = arith.addi %parallel_loop3A_764, %parallel_loop3A_765 : i32
        %parallel_loop3A_767 = arith.index_cast %parallel_loop3A_766 : i32 to index
        %parallel_loop3A_768 = tpu.vector_load %arg12[%parallel_loop3A_767] {strides = array<i32>} : memref<16384xf32, #tpu.memory_space<vmem>>, vector<16xf32>,
        tpu.vector_store %arg12[%parallel_loop3A_767], %parallel_loop3A_762 {strides = array<i32>} : memref<16384xf32, #tpu.memory_space<vmem>>, vector<16xf32>,
        %parallel_loop3A_769 = arith.constant 9 : i32
        %parallel_loop3A_770 = arith.addi %parallel_loop3A_141, %parallel_loop3A_769 : i32
        %parallel_loop3A_771 = arith.index_cast %parallel_loop3A_770 : i32 to index
        %parallel_loop3A_772 = arith.constant 48 : index
        %parallel_loop3A_773 = tpu.vector_load %arg11[%parallel_loop3A_771, %parallel_loop3A_772] {strides = array<i32>} : memref<512x64xf32, #tpu.memory_space<vmem>>, vector<16xf32>,
        %parallel_loop3A_774 = arith.index_cast %parallel_loop3A_723 : i32 to index
        %parallel_loop3A_775 = arith.constant 48 : index
        %parallel_loop3A_776 = tpu.vector_load %arg14[%parallel_loop3A_774, %parallel_loop3A_775] {strides = array<i32>} : memref<512x64xf32, #tpu.memory_space<vmem>>, vector<16xf32>,
        %parallel_loop3A_777 = arith.addf %parallel_loop3A_773, %parallel_loop3A_776 : vector<16xf32>
        %parallel_loop3A_778 = arith.constant 64 : i32
        %parallel_loop3A_779 = arith.muli %parallel_loop3A_721, %parallel_loop3A_778 : i32
        %parallel_loop3A_780 = arith.constant 48 : i32
        %parallel_loop3A_781 = arith.addi %parallel_loop3A_779, %parallel_loop3A_780 : i32
        %parallel_loop3A_782 = arith.index_cast %parallel_loop3A_781 : i32 to index
        %parallel_loop3A_783 = tpu.vector_load %arg12[%parallel_loop3A_782] {strides = array<i32>} : memref<16384xf32, #tpu.memory_space<vmem>>, vector<16xf32>,
        tpu.vector_store %arg12[%parallel_loop3A_782], %parallel_loop3A_777 {strides = array<i32>} : memref<16384xf32, #tpu.memory_space<vmem>>, vector<16xf32>,
        %parallel_loop3A_784 = arith.constant 10 : i32
        %parallel_loop3A_785 = arith.addi %parallel_loop3A_139, %parallel_loop3A_784 : i32
        %parallel_loop3A_786 = vector.extract_strided_slice %parallel_loop3A_143 {offsets = [10], sizes = [1], strides = [1]} : vector<16xi32> to vector<1xi32>
        %parallel_loop3A_787 = vector.extract %parallel_loop3A_786[0] : i32 from vector<1xi32>
        %parallel_loop3A_788 = arith.constant 10 : i32
        %parallel_loop3A_789 = arith.addi %parallel_loop3A_141, %parallel_loop3A_788 : i32
        %parallel_loop3A_790 = arith.index_cast %parallel_loop3A_789 : i32 to index
        %parallel_loop3A_791 = arith.constant 0 : index
        %parallel_loop3A_792 = tpu.vector_load %arg11[%parallel_loop3A_790, %parallel_loop3A_791] {strides = array<i32>} : memref<512x64xf32, #tpu.memory_space<vmem>>, vector<16xf32>,
        %parallel_loop3A_793 = arith.index_cast %parallel_loop3A_787 : i32 to index
        %parallel_loop3A_794 = arith.constant 0 : index
        %parallel_loop3A_795 = tpu.vector_load %arg14[%parallel_loop3A_793, %parallel_loop3A_794] {strides = array<i32>} : memref<512x64xf32, #tpu.memory_space<vmem>>, vector<16xf32>,
        %parallel_loop3A_796 = arith.addf %parallel_loop3A_792, %parallel_loop3A_795 : vector<16xf32>
        %parallel_loop3A_797 = arith.constant 64 : i32
        %parallel_loop3A_798 = arith.muli %parallel_loop3A_785, %parallel_loop3A_797 : i32
        %parallel_loop3A_799 = arith.constant 0 : i32
        %parallel_loop3A_800 = arith.addi %parallel_loop3A_798, %parallel_loop3A_799 : i32
        %parallel_loop3A_801 = arith.index_cast %parallel_loop3A_800 : i32 to index
        %parallel_loop3A_802 = tpu.vector_load %arg12[%parallel_loop3A_801] {strides = array<i32>} : memref<16384xf32, #tpu.memory_space<vmem>>, vector<16xf32>,
        tpu.vector_store %arg12[%parallel_loop3A_801], %parallel_loop3A_796 {strides = array<i32>} : memref<16384xf32, #tpu.memory_space<vmem>>, vector<16xf32>,
        %parallel_loop3A_803 = arith.constant 10 : i32
        %parallel_loop3A_804 = arith.addi %parallel_loop3A_141, %parallel_loop3A_803 : i32
        %parallel_loop3A_805 = arith.index_cast %parallel_loop3A_804 : i32 to index
        %parallel_loop3A_806 = arith.constant 16 : index
        %parallel_loop3A_807 = tpu.vector_load %arg11[%parallel_loop3A_805, %parallel_loop3A_806] {strides = array<i32>} : memref<512x64xf32, #tpu.memory_space<vmem>>, vector<16xf32>,
        %parallel_loop3A_808 = arith.index_cast %parallel_loop3A_787 : i32 to index
        %parallel_loop3A_809 = arith.constant 16 : index
        %parallel_loop3A_810 = tpu.vector_load %arg14[%parallel_loop3A_808, %parallel_loop3A_809] {strides = array<i32>} : memref<512x64xf32, #tpu.memory_space<vmem>>, vector<16xf32>,
        %parallel_loop3A_811 = arith.addf %parallel_loop3A_807, %parallel_loop3A_810 : vector<16xf32>
        %parallel_loop3A_812 = arith.constant 64 : i32
        %parallel_loop3A_813 = arith.muli %parallel_loop3A_785, %parallel_loop3A_812 : i32
        %parallel_loop3A_814 = arith.constant 16 : i32
        %parallel_loop3A_815 = arith.addi %parallel_loop3A_813, %parallel_loop3A_814 : i32
        %parallel_loop3A_816 = arith.index_cast %parallel_loop3A_815 : i32 to index
        %parallel_loop3A_817 = tpu.vector_load %arg12[%parallel_loop3A_816] {strides = array<i32>} : memref<16384xf32, #tpu.memory_space<vmem>>, vector<16xf32>,
        tpu.vector_store %arg12[%parallel_loop3A_816], %parallel_loop3A_811 {strides = array<i32>} : memref<16384xf32, #tpu.memory_space<vmem>>, vector<16xf32>,
        %parallel_loop3A_818 = arith.constant 10 : i32
        %parallel_loop3A_819 = arith.addi %parallel_loop3A_141, %parallel_loop3A_818 : i32
        %parallel_loop3A_820 = arith.index_cast %parallel_loop3A_819 : i32 to index
        %parallel_loop3A_821 = arith.constant 32 : index
        %parallel_loop3A_822 = tpu.vector_load %arg11[%parallel_loop3A_820, %parallel_loop3A_821] {strides = array<i32>} : memref<512x64xf32, #tpu.memory_space<vmem>>, vector<16xf32>,
        %parallel_loop3A_823 = arith.index_cast %parallel_loop3A_787 : i32 to index
        %parallel_loop3A_824 = arith.constant 32 : index
        %parallel_loop3A_825 = tpu.vector_load %arg14[%parallel_loop3A_823, %parallel_loop3A_824] {strides = array<i32>} : memref<512x64xf32, #tpu.memory_space<vmem>>, vector<16xf32>,
        %parallel_loop3A_826 = arith.addf %parallel_loop3A_822, %parallel_loop3A_825 : vector<16xf32>
        %parallel_loop3A_827 = arith.constant 64 : i32
        %parallel_loop3A_828 = arith.muli %parallel_loop3A_785, %parallel_loop3A_827 : i32
        %parallel_loop3A_829 = arith.constant 32 : i32
        %parallel_loop3A_830 = arith.addi %parallel_loop3A_828, %parallel_loop3A_829 : i32
        %parallel_loop3A_831 = arith.index_cast %parallel_loop3A_830 : i32 to index
        %parallel_loop3A_832 = tpu.vector_load %arg12[%parallel_loop3A_831] {strides = array<i32>} : memref<16384xf32, #tpu.memory_space<vmem>>, vector<16xf32>,
        tpu.vector_store %arg12[%parallel_loop3A_831], %parallel_loop3A_826 {strides = array<i32>} : memref<16384xf32, #tpu.memory_space<vmem>>, vector<16xf32>,
        %parallel_loop3A_833 = arith.constant 10 : i32
        %parallel_loop3A_834 = arith.addi %parallel_loop3A_141, %parallel_loop3A_833 : i32
        %parallel_loop3A_835 = arith.index_cast %parallel_loop3A_834 : i32 to index
        %parallel_loop3A_836 = arith.constant 48 : index
        %parallel_loop3A_837 = tpu.vector_load %arg11[%parallel_loop3A_835, %parallel_loop3A_836] {strides = array<i32>} : memref<512x64xf32, #tpu.memory_space<vmem>>, vector<16xf32>,
        %parallel_loop3A_838 = arith.index_cast %parallel_loop3A_787 : i32 to index
        %parallel_loop3A_839 = arith.constant 48 : index
        %parallel_loop3A_840 = tpu.vector_load %arg14[%parallel_loop3A_838, %parallel_loop3A_839] {strides = array<i32>} : memref<512x64xf32, #tpu.memory_space<vmem>>, vector<16xf32>,
        %parallel_loop3A_841 = arith.addf %parallel_loop3A_837, %parallel_loop3A_840 : vector<16xf32>
        %parallel_loop3A_842 = arith.constant 64 : i32
        %parallel_loop3A_843 = arith.muli %parallel_loop3A_785, %parallel_loop3A_842 : i32
        %parallel_loop3A_844 = arith.constant 48 : i32
        %parallel_loop3A_845 = arith.addi %parallel_loop3A_843, %parallel_loop3A_844 : i32
        %parallel_loop3A_846 = arith.index_cast %parallel_loop3A_845 : i32 to index
        %parallel_loop3A_847 = tpu.vector_load %arg12[%parallel_loop3A_846] {strides = array<i32>} : memref<16384xf32, #tpu.memory_space<vmem>>, vector<16xf32>,
        tpu.vector_store %arg12[%parallel_loop3A_846], %parallel_loop3A_841 {strides = array<i32>} : memref<16384xf32, #tpu.memory_space<vmem>>, vector<16xf32>,
        %parallel_loop3A_848 = arith.constant 11 : i32
        %parallel_loop3A_849 = arith.addi %parallel_loop3A_139, %parallel_loop3A_848 : i32
        %parallel_loop3A_850 = vector.extract_strided_slice %parallel_loop3A_143 {offsets = [11], sizes = [1], strides = [1]} : vector<16xi32> to vector<1xi32>
        %parallel_loop3A_851 = vector.extract %parallel_loop3A_850[0] : i32 from vector<1xi32>
        %parallel_loop3A_852 = arith.constant 11 : i32
        %parallel_loop3A_853 = arith.addi %parallel_loop3A_141, %parallel_loop3A_852 : i32
        %parallel_loop3A_854 = arith.index_cast %parallel_loop3A_853 : i32 to index
        %parallel_loop3A_855 = arith.constant 0 : index
        %parallel_loop3A_856 = tpu.vector_load %arg11[%parallel_loop3A_854, %parallel_loop3A_855] {strides = array<i32>} : memref<512x64xf32, #tpu.memory_space<vmem>>, vector<16xf32>,
        %parallel_loop3A_857 = arith.index_cast %parallel_loop3A_851 : i32 to index
        %parallel_loop3A_858 = arith.constant 0 : index
        %parallel_loop3A_859 = tpu.vector_load %arg14[%parallel_loop3A_857, %parallel_loop3A_858] {strides = array<i32>} : memref<512x64xf32, #tpu.memory_space<vmem>>, vector<16xf32>,
        %parallel_loop3A_860 = arith.addf %parallel_loop3A_856, %parallel_loop3A_859 : vector<16xf32>
        %parallel_loop3A_861 = arith.constant 64 : i32
        %parallel_loop3A_862 = arith.muli %parallel_loop3A_849, %parallel_loop3A_861 : i32
        %parallel_loop3A_863 = arith.constant 0 : i32
        %parallel_loop3A_864 = arith.addi %parallel_loop3A_862, %parallel_loop3A_863 : i32
        %parallel_loop3A_865 = arith.index_cast %parallel_loop3A_864 : i32 to index
        %parallel_loop3A_866 = tpu.vector_load %arg12[%parallel_loop3A_865] {strides = array<i32>} : memref<16384xf32, #tpu.memory_space<vmem>>, vector<16xf32>,
        tpu.vector_store %arg12[%parallel_loop3A_865], %parallel_loop3A_860 {strides = array<i32>} : memref<16384xf32, #tpu.memory_space<vmem>>, vector<16xf32>,
        %parallel_loop3A_867 = arith.constant 11 : i32
        %parallel_loop3A_868 = arith.addi %parallel_loop3A_141, %parallel_loop3A_867 : i32
        %parallel_loop3A_869 = arith.index_cast %parallel_loop3A_868 : i32 to index
        %parallel_loop3A_870 = arith.constant 16 : index
        %parallel_loop3A_871 = tpu.vector_load %arg11[%parallel_loop3A_869, %parallel_loop3A_870] {strides = array<i32>} : memref<512x64xf32, #tpu.memory_space<vmem>>, vector<16xf32>,
        %parallel_loop3A_872 = arith.index_cast %parallel_loop3A_851 : i32 to index
        %parallel_loop3A_873 = arith.constant 16 : index
        %parallel_loop3A_874 = tpu.vector_load %arg14[%parallel_loop3A_872, %parallel_loop3A_873] {strides = array<i32>} : memref<512x64xf32, #tpu.memory_space<vmem>>, vector<16xf32>,
        %parallel_loop3A_875 = arith.addf %parallel_loop3A_871, %parallel_loop3A_874 : vector<16xf32>
        %parallel_loop3A_876 = arith.constant 64 : i32
        %parallel_loop3A_877 = arith.muli %parallel_loop3A_849, %parallel_loop3A_876 : i32
        %parallel_loop3A_878 = arith.constant 16 : i32
        %parallel_loop3A_879 = arith.addi %parallel_loop3A_877, %parallel_loop3A_878 : i32
        %parallel_loop3A_880 = arith.index_cast %parallel_loop3A_879 : i32 to index
        %parallel_loop3A_881 = tpu.vector_load %arg12[%parallel_loop3A_880] {strides = array<i32>} : memref<16384xf32, #tpu.memory_space<vmem>>, vector<16xf32>,
        tpu.vector_store %arg12[%parallel_loop3A_880], %parallel_loop3A_875 {strides = array<i32>} : memref<16384xf32, #tpu.memory_space<vmem>>, vector<16xf32>,
        %parallel_loop3A_882 = arith.constant 11 : i32
        %parallel_loop3A_883 = arith.addi %parallel_loop3A_141, %parallel_loop3A_882 : i32
        %parallel_loop3A_884 = arith.index_cast %parallel_loop3A_883 : i32 to index
        %parallel_loop3A_885 = arith.constant 32 : index
        %parallel_loop3A_886 = tpu.vector_load %arg11[%parallel_loop3A_884, %parallel_loop3A_885] {strides = array<i32>} : memref<512x64xf32, #tpu.memory_space<vmem>>, vector<16xf32>,
        %parallel_loop3A_887 = arith.index_cast %parallel_loop3A_851 : i32 to index
        %parallel_loop3A_888 = arith.constant 32 : index
        %parallel_loop3A_889 = tpu.vector_load %arg14[%parallel_loop3A_887, %parallel_loop3A_888] {strides = array<i32>} : memref<512x64xf32, #tpu.memory_space<vmem>>, vector<16xf32>,
        %parallel_loop3A_890 = arith.addf %parallel_loop3A_886, %parallel_loop3A_889 : vector<16xf32>
        %parallel_loop3A_891 = arith.constant 64 : i32
        %parallel_loop3A_892 = arith.muli %parallel_loop3A_849, %parallel_loop3A_891 : i32
        %parallel_loop3A_893 = arith.constant 32 : i32
        %parallel_loop3A_894 = arith.addi %parallel_loop3A_892, %parallel_loop3A_893 : i32
        %parallel_loop3A_895 = arith.index_cast %parallel_loop3A_894 : i32 to index
        %parallel_loop3A_896 = tpu.vector_load %arg12[%parallel_loop3A_895] {strides = array<i32>} : memref<16384xf32, #tpu.memory_space<vmem>>, vector<16xf32>,
        tpu.vector_store %arg12[%parallel_loop3A_895], %parallel_loop3A_890 {strides = array<i32>} : memref<16384xf32, #tpu.memory_space<vmem>>, vector<16xf32>,
        %parallel_loop3A_897 = arith.constant 11 : i32
        %parallel_loop3A_898 = arith.addi %parallel_loop3A_141, %parallel_loop3A_897 : i32
        %parallel_loop3A_899 = arith.index_cast %parallel_loop3A_898 : i32 to index
        %parallel_loop3A_900 = arith.constant 48 : index
        %parallel_loop3A_901 = tpu.vector_load %arg11[%parallel_loop3A_899, %parallel_loop3A_900] {strides = array<i32>} : memref<512x64xf32, #tpu.memory_space<vmem>>, vector<16xf32>,
        %parallel_loop3A_902 = arith.index_cast %parallel_loop3A_851 : i32 to index
        %parallel_loop3A_903 = arith.constant 48 : index
        %parallel_loop3A_904 = tpu.vector_load %arg14[%parallel_loop3A_902, %parallel_loop3A_903] {strides = array<i32>} : memref<512x64xf32, #tpu.memory_space<vmem>>, vector<16xf32>,
        %parallel_loop3A_905 = arith.addf %parallel_loop3A_901, %parallel_loop3A_904 : vector<16xf32>
        %parallel_loop3A_906 = arith.constant 64 : i32
        %parallel_loop3A_907 = arith.muli %parallel_loop3A_849, %parallel_loop3A_906 : i32
        %parallel_loop3A_908 = arith.constant 48 : i32
        %parallel_loop3A_909 = arith.addi %parallel_loop3A_907, %parallel_loop3A_908 : i32
        %parallel_loop3A_910 = arith.index_cast %parallel_loop3A_909 : i32 to index
        %parallel_loop3A_911 = tpu.vector_load %arg12[%parallel_loop3A_910] {strides = array<i32>} : memref<16384xf32, #tpu.memory_space<vmem>>, vector<16xf32>,
        tpu.vector_store %arg12[%parallel_loop3A_910], %parallel_loop3A_905 {strides = array<i32>} : memref<16384xf32, #tpu.memory_space<vmem>>, vector<16xf32>,
        %parallel_loop3A_912 = arith.constant 12 : i32
        %parallel_loop3A_913 = arith.addi %parallel_loop3A_139, %parallel_loop3A_912 : i32
        %parallel_loop3A_914 = vector.extract_strided_slice %parallel_loop3A_143 {offsets = [12], sizes = [1], strides = [1]} : vector<16xi32> to vector<1xi32>
        %parallel_loop3A_915 = vector.extract %parallel_loop3A_914[0] : i32 from vector<1xi32>
        %parallel_loop3A_916 = arith.constant 12 : i32
        %parallel_loop3A_917 = arith.addi %parallel_loop3A_141, %parallel_loop3A_916 : i32
        %parallel_loop3A_918 = arith.index_cast %parallel_loop3A_917 : i32 to index
        %parallel_loop3A_919 = arith.constant 0 : index
        %parallel_loop3A_920 = tpu.vector_load %arg11[%parallel_loop3A_918, %parallel_loop3A_919] {strides = array<i32>} : memref<512x64xf32, #tpu.memory_space<vmem>>, vector<16xf32>,
        %parallel_loop3A_921 = arith.index_cast %parallel_loop3A_915 : i32 to index
        %parallel_loop3A_922 = arith.constant 0 : index
        %parallel_loop3A_923 = tpu.vector_load %arg14[%parallel_loop3A_921, %parallel_loop3A_922] {strides = array<i32>} : memref<512x64xf32, #tpu.memory_space<vmem>>, vector<16xf32>,
        %parallel_loop3A_924 = arith.addf %parallel_loop3A_920, %parallel_loop3A_923 : vector<16xf32>
        %parallel_loop3A_925 = arith.constant 64 : i32
        %parallel_loop3A_926 = arith.muli %parallel_loop3A_913, %parallel_loop3A_925 : i32
        %parallel_loop3A_927 = arith.constant 0 : i32
        %parallel_loop3A_928 = arith.addi %parallel_loop3A_926, %parallel_loop3A_927 : i32
        %parallel_loop3A_929 = arith.index_cast %parallel_loop3A_928 : i32 to index
        %parallel_loop3A_930 = tpu.vector_load %arg12[%parallel_loop3A_929] {strides = array<i32>} : memref<16384xf32, #tpu.memory_space<vmem>>, vector<16xf32>,
        tpu.vector_store %arg12[%parallel_loop3A_929], %parallel_loop3A_924 {strides = array<i32>} : memref<16384xf32, #tpu.memory_space<vmem>>, vector<16xf32>,
        %parallel_loop3A_931 = arith.constant 12 : i32
        %parallel_loop3A_932 = arith.addi %parallel_loop3A_141, %parallel_loop3A_931 : i32
        %parallel_loop3A_933 = arith.index_cast %parallel_loop3A_932 : i32 to index
        %parallel_loop3A_934 = arith.constant 16 : index
        %parallel_loop3A_935 = tpu.vector_load %arg11[%parallel_loop3A_933, %parallel_loop3A_934] {strides = array<i32>} : memref<512x64xf32, #tpu.memory_space<vmem>>, vector<16xf32>,
        %parallel_loop3A_936 = arith.index_cast %parallel_loop3A_915 : i32 to index
        %parallel_loop3A_937 = arith.constant 16 : index
        %parallel_loop3A_938 = tpu.vector_load %arg14[%parallel_loop3A_936, %parallel_loop3A_937] {strides = array<i32>} : memref<512x64xf32, #tpu.memory_space<vmem>>, vector<16xf32>,
        %parallel_loop3A_939 = arith.addf %parallel_loop3A_935, %parallel_loop3A_938 : vector<16xf32>
        %parallel_loop3A_940 = arith.constant 64 : i32
        %parallel_loop3A_941 = arith.muli %parallel_loop3A_913, %parallel_loop3A_940 : i32
        %parallel_loop3A_942 = arith.constant 16 : i32
        %parallel_loop3A_943 = arith.addi %parallel_loop3A_941, %parallel_loop3A_942 : i32
        %parallel_loop3A_944 = arith.index_cast %parallel_loop3A_943 : i32 to index
        %parallel_loop3A_945 = tpu.vector_load %arg12[%parallel_loop3A_944] {strides = array<i32>} : memref<16384xf32, #tpu.memory_space<vmem>>, vector<16xf32>,
        tpu.vector_store %arg12[%parallel_loop3A_944], %parallel_loop3A_939 {strides = array<i32>} : memref<16384xf32, #tpu.memory_space<vmem>>, vector<16xf32>,
        %parallel_loop3A_946 = arith.constant 12 : i32
        %parallel_loop3A_947 = arith.addi %parallel_loop3A_141, %parallel_loop3A_946 : i32
        %parallel_loop3A_948 = arith.index_cast %parallel_loop3A_947 : i32 to index
        %parallel_loop3A_949 = arith.constant 32 : index
        %parallel_loop3A_950 = tpu.vector_load %arg11[%parallel_loop3A_948, %parallel_loop3A_949] {strides = array<i32>} : memref<512x64xf32, #tpu.memory_space<vmem>>, vector<16xf32>,
        %parallel_loop3A_951 = arith.index_cast %parallel_loop3A_915 : i32 to index
        %parallel_loop3A_952 = arith.constant 32 : index
        %parallel_loop3A_953 = tpu.vector_load %arg14[%parallel_loop3A_951, %parallel_loop3A_952] {strides = array<i32>} : memref<512x64xf32, #tpu.memory_space<vmem>>, vector<16xf32>,
        %parallel_loop3A_954 = arith.addf %parallel_loop3A_950, %parallel_loop3A_953 : vector<16xf32>
        %parallel_loop3A_955 = arith.constant 64 : i32
        %parallel_loop3A_956 = arith.muli %parallel_loop3A_913, %parallel_loop3A_955 : i32
        %parallel_loop3A_957 = arith.constant 32 : i32
        %parallel_loop3A_958 = arith.addi %parallel_loop3A_956, %parallel_loop3A_957 : i32
        %parallel_loop3A_959 = arith.index_cast %parallel_loop3A_958 : i32 to index
        %parallel_loop3A_960 = tpu.vector_load %arg12[%parallel_loop3A_959] {strides = array<i32>} : memref<16384xf32, #tpu.memory_space<vmem>>, vector<16xf32>,
        tpu.vector_store %arg12[%parallel_loop3A_959], %parallel_loop3A_954 {strides = array<i32>} : memref<16384xf32, #tpu.memory_space<vmem>>, vector<16xf32>,
        %parallel_loop3A_961 = arith.constant 12 : i32
        %parallel_loop3A_962 = arith.addi %parallel_loop3A_141, %parallel_loop3A_961 : i32
        %parallel_loop3A_963 = arith.index_cast %parallel_loop3A_962 : i32 to index
        %parallel_loop3A_964 = arith.constant 48 : index
        %parallel_loop3A_965 = tpu.vector_load %arg11[%parallel_loop3A_963, %parallel_loop3A_964] {strides = array<i32>} : memref<512x64xf32, #tpu.memory_space<vmem>>, vector<16xf32>,
        %parallel_loop3A_966 = arith.index_cast %parallel_loop3A_915 : i32 to index
        %parallel_loop3A_967 = arith.constant 48 : index
        %parallel_loop3A_968 = tpu.vector_load %arg14[%parallel_loop3A_966, %parallel_loop3A_967] {strides = array<i32>} : memref<512x64xf32, #tpu.memory_space<vmem>>, vector<16xf32>,
        %parallel_loop3A_969 = arith.addf %parallel_loop3A_965, %parallel_loop3A_968 : vector<16xf32>
        %parallel_loop3A_970 = arith.constant 64 : i32
        %parallel_loop3A_971 = arith.muli %parallel_loop3A_913, %parallel_loop3A_970 : i32
        %parallel_loop3A_972 = arith.constant 48 : i32
        %parallel_loop3A_973 = arith.addi %parallel_loop3A_971, %parallel_loop3A_972 : i32
        %parallel_loop3A_974 = arith.index_cast %parallel_loop3A_973 : i32 to index
        %parallel_loop3A_975 = tpu.vector_load %arg12[%parallel_loop3A_974] {strides = array<i32>} : memref<16384xf32, #tpu.memory_space<vmem>>, vector<16xf32>,
        tpu.vector_store %arg12[%parallel_loop3A_974], %parallel_loop3A_969 {strides = array<i32>} : memref<16384xf32, #tpu.memory_space<vmem>>, vector<16xf32>,
        %parallel_loop3A_976 = arith.constant 13 : i32
        %parallel_loop3A_977 = arith.addi %parallel_loop3A_139, %parallel_loop3A_976 : i32
        %parallel_loop3A_978 = vector.extract_strided_slice %parallel_loop3A_143 {offsets = [13], sizes = [1], strides = [1]} : vector<16xi32> to vector<1xi32>
        %parallel_loop3A_979 = vector.extract %parallel_loop3A_978[0] : i32 from vector<1xi32>
        %parallel_loop3A_980 = arith.constant 13 : i32
        %parallel_loop3A_981 = arith.addi %parallel_loop3A_141, %parallel_loop3A_980 : i32
        %parallel_loop3A_982 = arith.index_cast %parallel_loop3A_981 : i32 to index
        %parallel_loop3A_983 = arith.constant 0 : index
        %parallel_loop3A_984 = tpu.vector_load %arg11[%parallel_loop3A_982, %parallel_loop3A_983] {strides = array<i32>} : memref<512x64xf32, #tpu.memory_space<vmem>>, vector<16xf32>,
        %parallel_loop3A_985 = arith.index_cast %parallel_loop3A_979 : i32 to index
        %parallel_loop3A_986 = arith.constant 0 : index
        %parallel_loop3A_987 = tpu.vector_load %arg14[%parallel_loop3A_985, %parallel_loop3A_986] {strides = array<i32>} : memref<512x64xf32, #tpu.memory_space<vmem>>, vector<16xf32>,
        %parallel_loop3A_988 = arith.addf %parallel_loop3A_984, %parallel_loop3A_987 : vector<16xf32>
        %parallel_loop3A_989 = arith.constant 64 : i32
        %parallel_loop3A_990 = arith.muli %parallel_loop3A_977, %parallel_loop3A_989 : i32
        %parallel_loop3A_991 = arith.constant 0 : i32
        %parallel_loop3A_992 = arith.addi %parallel_loop3A_990, %parallel_loop3A_991 : i32
        %parallel_loop3A_993 = arith.index_cast %parallel_loop3A_992 : i32 to index
        %parallel_loop3A_994 = tpu.vector_load %arg12[%parallel_loop3A_993] {strides = array<i32>} : memref<16384xf32, #tpu.memory_space<vmem>>, vector<16xf32>,
        tpu.vector_store %arg12[%parallel_loop3A_993], %parallel_loop3A_988 {strides = array<i32>} : memref<16384xf32, #tpu.memory_space<vmem>>, vector<16xf32>,
        %parallel_loop3A_995 = arith.constant 13 : i32
        %parallel_loop3A_996 = arith.addi %parallel_loop3A_141, %parallel_loop3A_995 : i32
        %parallel_loop3A_997 = arith.index_cast %parallel_loop3A_996 : i32 to index
        %parallel_loop3A_998 = arith.constant 16 : index
        %parallel_loop3A_999 = tpu.vector_load %arg11[%parallel_loop3A_997, %parallel_loop3A_998] {strides = array<i32>} : memref<512x64xf32, #tpu.memory_space<vmem>>, vector<16xf32>,
        %parallel_loop3A_1000 = arith.index_cast %parallel_loop3A_979 : i32 to index
        %parallel_loop3A_1001 = arith.constant 16 : index
        %parallel_loop3A_1002 = tpu.vector_load %arg14[%parallel_loop3A_1000, %parallel_loop3A_1001] {strides = array<i32>} : memref<512x64xf32, #tpu.memory_space<vmem>>, vector<16xf32>,
        %parallel_loop3A_1003 = arith.addf %parallel_loop3A_999, %parallel_loop3A_1002 : vector<16xf32>
        %parallel_loop3A_1004 = arith.constant 64 : i32
        %parallel_loop3A_1005 = arith.muli %parallel_loop3A_977, %parallel_loop3A_1004 : i32
        %parallel_loop3A_1006 = arith.constant 16 : i32
        %parallel_loop3A_1007 = arith.addi %parallel_loop3A_1005, %parallel_loop3A_1006 : i32
        %parallel_loop3A_1008 = arith.index_cast %parallel_loop3A_1007 : i32 to index
        %parallel_loop3A_1009 = tpu.vector_load %arg12[%parallel_loop3A_1008] {strides = array<i32>} : memref<16384xf32, #tpu.memory_space<vmem>>, vector<16xf32>,
        tpu.vector_store %arg12[%parallel_loop3A_1008], %parallel_loop3A_1003 {strides = array<i32>} : memref<16384xf32, #tpu.memory_space<vmem>>, vector<16xf32>,
        %parallel_loop3A_1010 = arith.constant 13 : i32
        %parallel_loop3A_1011 = arith.addi %parallel_loop3A_141, %parallel_loop3A_1010 : i32
        %parallel_loop3A_1012 = arith.index_cast %parallel_loop3A_1011 : i32 to index
        %parallel_loop3A_1013 = arith.constant 32 : index
        %parallel_loop3A_1014 = tpu.vector_load %arg11[%parallel_loop3A_1012, %parallel_loop3A_1013] {strides = array<i32>} : memref<512x64xf32, #tpu.memory_space<vmem>>, vector<16xf32>,
        %parallel_loop3A_1015 = arith.index_cast %parallel_loop3A_979 : i32 to index
        %parallel_loop3A_1016 = arith.constant 32 : index
        %parallel_loop3A_1017 = tpu.vector_load %arg14[%parallel_loop3A_1015, %parallel_loop3A_1016] {strides = array<i32>} : memref<512x64xf32, #tpu.memory_space<vmem>>, vector<16xf32>,
        %parallel_loop3A_1018 = arith.addf %parallel_loop3A_1014, %parallel_loop3A_1017 : vector<16xf32>
        %parallel_loop3A_1019 = arith.constant 64 : i32
        %parallel_loop3A_1020 = arith.muli %parallel_loop3A_977, %parallel_loop3A_1019 : i32
        %parallel_loop3A_1021 = arith.constant 32 : i32
        %parallel_loop3A_1022 = arith.addi %parallel_loop3A_1020, %parallel_loop3A_1021 : i32
        %parallel_loop3A_1023 = arith.index_cast %parallel_loop3A_1022 : i32 to index
        %parallel_loop3A_1024 = tpu.vector_load %arg12[%parallel_loop3A_1023] {strides = array<i32>} : memref<16384xf32, #tpu.memory_space<vmem>>, vector<16xf32>,
        tpu.vector_store %arg12[%parallel_loop3A_1023], %parallel_loop3A_1018 {strides = array<i32>} : memref<16384xf32, #tpu.memory_space<vmem>>, vector<16xf32>,
        %parallel_loop3A_1025 = arith.constant 13 : i32
        %parallel_loop3A_1026 = arith.addi %parallel_loop3A_141, %parallel_loop3A_1025 : i32
        %parallel_loop3A_1027 = arith.index_cast %parallel_loop3A_1026 : i32 to index
        %parallel_loop3A_1028 = arith.constant 48 : index
        %parallel_loop3A_1029 = tpu.vector_load %arg11[%parallel_loop3A_1027, %parallel_loop3A_1028] {strides = array<i32>} : memref<512x64xf32, #tpu.memory_space<vmem>>, vector<16xf32>,
        %parallel_loop3A_1030 = arith.index_cast %parallel_loop3A_979 : i32 to index
        %parallel_loop3A_1031 = arith.constant 48 : index
        %parallel_loop3A_1032 = tpu.vector_load %arg14[%parallel_loop3A_1030, %parallel_loop3A_1031] {strides = array<i32>} : memref<512x64xf32, #tpu.memory_space<vmem>>, vector<16xf32>,
        %parallel_loop3A_1033 = arith.addf %parallel_loop3A_1029, %parallel_loop3A_1032 : vector<16xf32>
        %parallel_loop3A_1034 = arith.constant 64 : i32
        %parallel_loop3A_1035 = arith.muli %parallel_loop3A_977, %parallel_loop3A_1034 : i32
        %parallel_loop3A_1036 = arith.constant 48 : i32
        %parallel_loop3A_1037 = arith.addi %parallel_loop3A_1035, %parallel_loop3A_1036 : i32
        %parallel_loop3A_1038 = arith.index_cast %parallel_loop3A_1037 : i32 to index
        %parallel_loop3A_1039 = tpu.vector_load %arg12[%parallel_loop3A_1038] {strides = array<i32>} : memref<16384xf32, #tpu.memory_space<vmem>>, vector<16xf32>,
        tpu.vector_store %arg12[%parallel_loop3A_1038], %parallel_loop3A_1033 {strides = array<i32>} : memref<16384xf32, #tpu.memory_space<vmem>>, vector<16xf32>,
        %parallel_loop3A_1040 = arith.constant 14 : i32
        %parallel_loop3A_1041 = arith.addi %parallel_loop3A_139, %parallel_loop3A_1040 : i32
        %parallel_loop3A_1042 = vector.extract_strided_slice %parallel_loop3A_143 {offsets = [14], sizes = [1], strides = [1]} : vector<16xi32> to vector<1xi32>
        %parallel_loop3A_1043 = vector.extract %parallel_loop3A_1042[0] : i32 from vector<1xi32>
        %parallel_loop3A_1044 = arith.constant 14 : i32
        %parallel_loop3A_1045 = arith.addi %parallel_loop3A_141, %parallel_loop3A_1044 : i32
        %parallel_loop3A_1046 = arith.index_cast %parallel_loop3A_1045 : i32 to index
        %parallel_loop3A_1047 = arith.constant 0 : index
        %parallel_loop3A_1048 = tpu.vector_load %arg11[%parallel_loop3A_1046, %parallel_loop3A_1047] {strides = array<i32>} : memref<512x64xf32, #tpu.memory_space<vmem>>, vector<16xf32>,
        %parallel_loop3A_1049 = arith.index_cast %parallel_loop3A_1043 : i32 to index
        %parallel_loop3A_1050 = arith.constant 0 : index
        %parallel_loop3A_1051 = tpu.vector_load %arg14[%parallel_loop3A_1049, %parallel_loop3A_1050] {strides = array<i32>} : memref<512x64xf32, #tpu.memory_space<vmem>>, vector<16xf32>,
        %parallel_loop3A_1052 = arith.addf %parallel_loop3A_1048, %parallel_loop3A_1051 : vector<16xf32>
        %parallel_loop3A_1053 = arith.constant 64 : i32
        %parallel_loop3A_1054 = arith.muli %parallel_loop3A_1041, %parallel_loop3A_1053 : i32
        %parallel_loop3A_1055 = arith.constant 0 : i32
        %parallel_loop3A_1056 = arith.addi %parallel_loop3A_1054, %parallel_loop3A_1055 : i32
        %parallel_loop3A_1057 = arith.index_cast %parallel_loop3A_1056 : i32 to index
        %parallel_loop3A_1058 = tpu.vector_load %arg12[%parallel_loop3A_1057] {strides = array<i32>} : memref<16384xf32, #tpu.memory_space<vmem>>, vector<16xf32>,
        tpu.vector_store %arg12[%parallel_loop3A_1057], %parallel_loop3A_1052 {strides = array<i32>} : memref<16384xf32, #tpu.memory_space<vmem>>, vector<16xf32>,
        %parallel_loop3A_1059 = arith.constant 14 : i32
        %parallel_loop3A_1060 = arith.addi %parallel_loop3A_141, %parallel_loop3A_1059 : i32
        %parallel_loop3A_1061 = arith.index_cast %parallel_loop3A_1060 : i32 to index
        %parallel_loop3A_1062 = arith.constant 16 : index
        %parallel_loop3A_1063 = tpu.vector_load %arg11[%parallel_loop3A_1061, %parallel_loop3A_1062] {strides = array<i32>} : memref<512x64xf32, #tpu.memory_space<vmem>>, vector<16xf32>,
        %parallel_loop3A_1064 = arith.index_cast %parallel_loop3A_1043 : i32 to index
        %parallel_loop3A_1065 = arith.constant 16 : index
        %parallel_loop3A_1066 = tpu.vector_load %arg14[%parallel_loop3A_1064, %parallel_loop3A_1065] {strides = array<i32>} : memref<512x64xf32, #tpu.memory_space<vmem>>, vector<16xf32>,
        %parallel_loop3A_1067 = arith.addf %parallel_loop3A_1063, %parallel_loop3A_1066 : vector<16xf32>
        %parallel_loop3A_1068 = arith.constant 64 : i32
        %parallel_loop3A_1069 = arith.muli %parallel_loop3A_1041, %parallel_loop3A_1068 : i32
        %parallel_loop3A_1070 = arith.constant 16 : i32
        %parallel_loop3A_1071 = arith.addi %parallel_loop3A_1069, %parallel_loop3A_1070 : i32
        %parallel_loop3A_1072 = arith.index_cast %parallel_loop3A_1071 : i32 to index
        %parallel_loop3A_1073 = tpu.vector_load %arg12[%parallel_loop3A_1072] {strides = array<i32>} : memref<16384xf32, #tpu.memory_space<vmem>>, vector<16xf32>,
        tpu.vector_store %arg12[%parallel_loop3A_1072], %parallel_loop3A_1067 {strides = array<i32>} : memref<16384xf32, #tpu.memory_space<vmem>>, vector<16xf32>,
        %parallel_loop3A_1074 = arith.constant 14 : i32
        %parallel_loop3A_1075 = arith.addi %parallel_loop3A_141, %parallel_loop3A_1074 : i32
        %parallel_loop3A_1076 = arith.index_cast %parallel_loop3A_1075 : i32 to index
        %parallel_loop3A_1077 = arith.constant 32 : index
        %parallel_loop3A_1078 = tpu.vector_load %arg11[%parallel_loop3A_1076, %parallel_loop3A_1077] {strides = array<i32>} : memref<512x64xf32, #tpu.memory_space<vmem>>, vector<16xf32>,
        %parallel_loop3A_1079 = arith.index_cast %parallel_loop3A_1043 : i32 to index
        %parallel_loop3A_1080 = arith.constant 32 : index
        %parallel_loop3A_1081 = tpu.vector_load %arg14[%parallel_loop3A_1079, %parallel_loop3A_1080] {strides = array<i32>} : memref<512x64xf32, #tpu.memory_space<vmem>>, vector<16xf32>,
        %parallel_loop3A_1082 = arith.addf %parallel_loop3A_1078, %parallel_loop3A_1081 : vector<16xf32>
        %parallel_loop3A_1083 = arith.constant 64 : i32
        %parallel_loop3A_1084 = arith.muli %parallel_loop3A_1041, %parallel_loop3A_1083 : i32
        %parallel_loop3A_1085 = arith.constant 32 : i32
        %parallel_loop3A_1086 = arith.addi %parallel_loop3A_1084, %parallel_loop3A_1085 : i32
        %parallel_loop3A_1087 = arith.index_cast %parallel_loop3A_1086 : i32 to index
        %parallel_loop3A_1088 = tpu.vector_load %arg12[%parallel_loop3A_1087] {strides = array<i32>} : memref<16384xf32, #tpu.memory_space<vmem>>, vector<16xf32>,
        tpu.vector_store %arg12[%parallel_loop3A_1087], %parallel_loop3A_1082 {strides = array<i32>} : memref<16384xf32, #tpu.memory_space<vmem>>, vector<16xf32>,
        %parallel_loop3A_1089 = arith.constant 14 : i32
        %parallel_loop3A_1090 = arith.addi %parallel_loop3A_141, %parallel_loop3A_1089 : i32
        %parallel_loop3A_1091 = arith.index_cast %parallel_loop3A_1090 : i32 to index
        %parallel_loop3A_1092 = arith.constant 48 : index
        %parallel_loop3A_1093 = tpu.vector_load %arg11[%parallel_loop3A_1091, %parallel_loop3A_1092] {strides = array<i32>} : memref<512x64xf32, #tpu.memory_space<vmem>>, vector<16xf32>,
        %parallel_loop3A_1094 = arith.index_cast %parallel_loop3A_1043 : i32 to index
        %parallel_loop3A_1095 = arith.constant 48 : index
        %parallel_loop3A_1096 = tpu.vector_load %arg14[%parallel_loop3A_1094, %parallel_loop3A_1095] {strides = array<i32>} : memref<512x64xf32, #tpu.memory_space<vmem>>, vector<16xf32>,
        %parallel_loop3A_1097 = arith.addf %parallel_loop3A_1093, %parallel_loop3A_1096 : vector<16xf32>
        %parallel_loop3A_1098 = arith.constant 64 : i32
        %parallel_loop3A_1099 = arith.muli %parallel_loop3A_1041, %parallel_loop3A_1098 : i32
        %parallel_loop3A_1100 = arith.constant 48 : i32
        %parallel_loop3A_1101 = arith.addi %parallel_loop3A_1099, %parallel_loop3A_1100 : i32
        %parallel_loop3A_1102 = arith.index_cast %parallel_loop3A_1101 : i32 to index
        %parallel_loop3A_1103 = tpu.vector_load %arg12[%parallel_loop3A_1102] {strides = array<i32>} : memref<16384xf32, #tpu.memory_space<vmem>>, vector<16xf32>,
        tpu.vector_store %arg12[%parallel_loop3A_1102], %parallel_loop3A_1097 {strides = array<i32>} : memref<16384xf32, #tpu.memory_space<vmem>>, vector<16xf32>,
        %parallel_loop3A_1104 = arith.constant 15 : i32
        %parallel_loop3A_1105 = arith.addi %parallel_loop3A_139, %parallel_loop3A_1104 : i32
        %parallel_loop3A_1106 = vector.extract_strided_slice %parallel_loop3A_143 {offsets = [15], sizes = [1], strides = [1]} : vector<16xi32> to vector<1xi32>
        %parallel_loop3A_1107 = vector.extract %parallel_loop3A_1106[0] : i32 from vector<1xi32>
        %parallel_loop3A_1108 = arith.constant 15 : i32
        %parallel_loop3A_1109 = arith.addi %parallel_loop3A_141, %parallel_loop3A_1108 : i32
        %parallel_loop3A_1110 = arith.index_cast %parallel_loop3A_1109 : i32 to index
        %parallel_loop3A_1111 = arith.constant 0 : index
        %parallel_loop3A_1112 = tpu.vector_load %arg11[%parallel_loop3A_1110, %parallel_loop3A_1111] {strides = array<i32>} : memref<512x64xf32, #tpu.memory_space<vmem>>, vector<16xf32>,
        %parallel_loop3A_1113 = arith.index_cast %parallel_loop3A_1107 : i32 to index
        %parallel_loop3A_1114 = arith.constant 0 : index
        %parallel_loop3A_1115 = tpu.vector_load %arg14[%parallel_loop3A_1113, %parallel_loop3A_1114] {strides = array<i32>} : memref<512x64xf32, #tpu.memory_space<vmem>>, vector<16xf32>,
        %parallel_loop3A_1116 = arith.addf %parallel_loop3A_1112, %parallel_loop3A_1115 : vector<16xf32>
        %parallel_loop3A_1117 = arith.constant 64 : i32
        %parallel_loop3A_1118 = arith.muli %parallel_loop3A_1105, %parallel_loop3A_1117 : i32
        %parallel_loop3A_1119 = arith.constant 0 : i32
        %parallel_loop3A_1120 = arith.addi %parallel_loop3A_1118, %parallel_loop3A_1119 : i32
        %parallel_loop3A_1121 = arith.index_cast %parallel_loop3A_1120 : i32 to index
        %parallel_loop3A_1122 = tpu.vector_load %arg12[%parallel_loop3A_1121] {strides = array<i32>} : memref<16384xf32, #tpu.memory_space<vmem>>, vector<16xf32>,
        tpu.vector_store %arg12[%parallel_loop3A_1121], %parallel_loop3A_1116 {strides = array<i32>} : memref<16384xf32, #tpu.memory_space<vmem>>, vector<16xf32>,
        %parallel_loop3A_1123 = arith.constant 15 : i32
        %parallel_loop3A_1124 = arith.addi %parallel_loop3A_141, %parallel_loop3A_1123 : i32
        %parallel_loop3A_1125 = arith.index_cast %parallel_loop3A_1124 : i32 to index
        %parallel_loop3A_1126 = arith.constant 16 : index
        %parallel_loop3A_1127 = tpu.vector_load %arg11[%parallel_loop3A_1125, %parallel_loop3A_1126] {strides = array<i32>} : memref<512x64xf32, #tpu.memory_space<vmem>>, vector<16xf32>,
        %parallel_loop3A_1128 = arith.index_cast %parallel_loop3A_1107 : i32 to index
        %parallel_loop3A_1129 = arith.constant 16 : index
        %parallel_loop3A_1130 = tpu.vector_load %arg14[%parallel_loop3A_1128, %parallel_loop3A_1129] {strides = array<i32>} : memref<512x64xf32, #tpu.memory_space<vmem>>, vector<16xf32>,
        %parallel_loop3A_1131 = arith.addf %parallel_loop3A_1127, %parallel_loop3A_1130 : vector<16xf32>
        %parallel_loop3A_1132 = arith.constant 64 : i32
        %parallel_loop3A_1133 = arith.muli %parallel_loop3A_1105, %parallel_loop3A_1132 : i32
        %parallel_loop3A_1134 = arith.constant 16 : i32
        %parallel_loop3A_1135 = arith.addi %parallel_loop3A_1133, %parallel_loop3A_1134 : i32
        %parallel_loop3A_1136 = arith.index_cast %parallel_loop3A_1135 : i32 to index
        %parallel_loop3A_1137 = tpu.vector_load %arg12[%parallel_loop3A_1136] {strides = array<i32>} : memref<16384xf32, #tpu.memory_space<vmem>>, vector<16xf32>,
        tpu.vector_store %arg12[%parallel_loop3A_1136], %parallel_loop3A_1131 {strides = array<i32>} : memref<16384xf32, #tpu.memory_space<vmem>>, vector<16xf32>,
        %parallel_loop3A_1138 = arith.constant 15 : i32
        %parallel_loop3A_1139 = arith.addi %parallel_loop3A_141, %parallel_loop3A_1138 : i32
        %parallel_loop3A_1140 = arith.index_cast %parallel_loop3A_1139 : i32 to index
        %parallel_loop3A_1141 = arith.constant 32 : index
        %parallel_loop3A_1142 = tpu.vector_load %arg11[%parallel_loop3A_1140, %parallel_loop3A_1141] {strides = array<i32>} : memref<512x64xf32, #tpu.memory_space<vmem>>, vector<16xf32>,
        %parallel_loop3A_1143 = arith.index_cast %parallel_loop3A_1107 : i32 to index
        %parallel_loop3A_1144 = arith.constant 32 : index
        %parallel_loop3A_1145 = tpu.vector_load %arg14[%parallel_loop3A_1143, %parallel_loop3A_1144] {strides = array<i32>} : memref<512x64xf32, #tpu.memory_space<vmem>>, vector<16xf32>,
        %parallel_loop3A_1146 = arith.addf %parallel_loop3A_1142, %parallel_loop3A_1145 : vector<16xf32>
        %parallel_loop3A_1147 = arith.constant 64 : i32
        %parallel_loop3A_1148 = arith.muli %parallel_loop3A_1105, %parallel_loop3A_1147 : i32
        %parallel_loop3A_1149 = arith.constant 32 : i32
        %parallel_loop3A_1150 = arith.addi %parallel_loop3A_1148, %parallel_loop3A_1149 : i32
        %parallel_loop3A_1151 = arith.index_cast %parallel_loop3A_1150 : i32 to index
        %parallel_loop3A_1152 = tpu.vector_load %arg12[%parallel_loop3A_1151] {strides = array<i32>} : memref<16384xf32, #tpu.memory_space<vmem>>, vector<16xf32>,
        tpu.vector_store %arg12[%parallel_loop3A_1151], %parallel_loop3A_1146 {strides = array<i32>} : memref<16384xf32, #tpu.memory_space<vmem>>, vector<16xf32>,
        %parallel_loop3A_1153 = arith.constant 15 : i32
        %parallel_loop3A_1154 = arith.addi %parallel_loop3A_141, %parallel_loop3A_1153 : i32
        %parallel_loop3A_1155 = arith.index_cast %parallel_loop3A_1154 : i32 to index
        %parallel_loop3A_1156 = arith.constant 48 : index
        %parallel_loop3A_1157 = tpu.vector_load %arg11[%parallel_loop3A_1155, %parallel_loop3A_1156] {strides = array<i32>} : memref<512x64xf32, #tpu.memory_space<vmem>>, vector<16xf32>,
        %parallel_loop3A_1158 = arith.index_cast %parallel_loop3A_1107 : i32 to index
        %parallel_loop3A_1159 = arith.constant 48 : index
        %parallel_loop3A_1160 = tpu.vector_load %arg14[%parallel_loop3A_1158, %parallel_loop3A_1159] {strides = array<i32>} : memref<512x64xf32, #tpu.memory_space<vmem>>, vector<16xf32>,
        %parallel_loop3A_1161 = arith.addf %parallel_loop3A_1157, %parallel_loop3A_1160 : vector<16xf32>
        %parallel_loop3A_1162 = arith.constant 64 : i32
        %parallel_loop3A_1163 = arith.muli %parallel_loop3A_1105, %parallel_loop3A_1162 : i32
        %parallel_loop3A_1164 = arith.constant 48 : i32
        %parallel_loop3A_1165 = arith.addi %parallel_loop3A_1163, %parallel_loop3A_1164 : i32
        %parallel_loop3A_1166 = arith.index_cast %parallel_loop3A_1165 : i32 to index
        %parallel_loop3A_1167 = tpu.vector_load %arg12[%parallel_loop3A_1166] {strides = array<i32>} : memref<16384xf32, #tpu.memory_space<vmem>>, vector<16xf32>,
        tpu.vector_store %arg12[%parallel_loop3A_1166], %parallel_loop3A_1161 {strides = array<i32>} : memref<16384xf32, #tpu.memory_space<vmem>>, vector<16xf32>,
      } {sc.loop_unroll_factor = 1 : i64, sc.parallel_access}
      %mul3A_85 = arith.constant 512 : i32
      %mul3A_86 = arith.muli %scan3A_59, %mul3A_85 : i32
      %add3A_87 = arith.addi %mul3A_2, %mul3A_86 : i32
      %add3A_88 = arith.constant 0 : i32
      %add3A_89 = arith.addi %add3A_87, %add3A_88 : i32
      %mul3A_90 = arith.constant 64 : i32
      %mul3A_91 = arith.muli %add3A_89, %mul3A_90 : i32
      %dma_start3A_92 = tpu.memref_slice %arg6[%mul3A_91] : memref<52428800xf32, #tpu.memory_space<hbm>> -> memref<16384xf32, #tpu.memory_space<hbm>>
      %dma_start3A_93 = tpu.memref_slice %arg6[%mul3A_91] : memref<52428800xf32, #tpu.memory_space<hbm>> -> memref<16384xf32, #tpu.memory_space<hbm>>
      tpu.enqueue_dma source(%arg12 : memref<16384xf32, #tpu.memory_space<vmem>>) target(%dma_start3A_93 : memref<16384xf32, #tpu.memory_space<hbm>>) target_semaphore(%arg19 : memref<!tpu.dma_semaphore, #tpu.memory_space<semaphore_mem>>)
      %dma_wait3A_94 = arith.constant 256 : i32
      %dma_wait3A_95 = arith.constant 0 : i32
      %dma_wait3A_96 = tpu.memref_slice %arg11[%dma_wait3A_94, %dma_wait3A_95] : memref<512x64xf32, #tpu.memory_space<vmem>> -> memref<128x64xf32, #tpu.memory_space<vmem>>
      %dma_wait3A_97 = arith.constant 256 : i32
      %dma_wait3A_98 = tpu.memref_slice %arg7[%dma_wait3A_97] : memref<512xi32, #tpu.memory_space<vmem>> -> memref<128xi32, #tpu.memory_space<vmem>>
      %dma_wait3A_99 = arith.constant 0 : i32
      %dma_wait3A_100 = arith.constant 0 : i32
      %dma_wait3A_101 = tpu.memref_slice %arg4[%dma_wait3A_99, %dma_wait3A_100] : memref<1000000x64xf32, #tpu.memory_space<hbm>> -> memref<1000000x64xf32, #tpu.memory_space<hbm>>
      tpu.wait_indirect_dma semaphore(%arg17 : memref<!tpu.dma_semaphore, #tpu.memory_space<semaphore_mem>>) src(%dma_wait3A_101 : memref<1000000x64xf32, #tpu.memory_space<hbm>>) dst(%dma_wait3A_96 : memref<128x64xf32, #tpu.memory_space<vmem>>)
      %dma_wait3A_102 = arith.constant 384 : i32
      %dma_wait3A_103 = arith.constant 0 : i32
      %dma_wait3A_104 = tpu.memref_slice %arg11[%dma_wait3A_102, %dma_wait3A_103] : memref<512x64xf32, #tpu.memory_space<vmem>> -> memref<128x64xf32, #tpu.memory_space<vmem>>
      %dma_wait3A_105 = arith.constant 384 : i32
      %dma_wait3A_106 = tpu.memref_slice %arg7[%dma_wait3A_105] : memref<512xi32, #tpu.memory_space<vmem>> -> memref<128xi32, #tpu.memory_space<vmem>>
      %dma_wait3A_107 = arith.constant 0 : i32
      %dma_wait3A_108 = arith.constant 0 : i32
      %dma_wait3A_109 = tpu.memref_slice %arg4[%dma_wait3A_107, %dma_wait3A_108] : memref<1000000x64xf32, #tpu.memory_space<hbm>> -> memref<1000000x64xf32, #tpu.memory_space<hbm>>
      tpu.wait_indirect_dma semaphore(%arg18 : memref<!tpu.dma_semaphore, #tpu.memory_space<semaphore_mem>>) src(%dma_wait3A_109 : memref<1000000x64xf32, #tpu.memory_space<hbm>>) dst(%dma_wait3A_104 : memref<128x64xf32, #tpu.memory_space<vmem>>)
      %lt3A = arith.constant 49 : i32
      %lt3A_110 = arith.cmpi slt, %scan3A_59, %lt3A : i32
      %convert_element_type3A_111 = arith.extui %lt3A_110 : i1 to i32
      %cond3A_112 = arith.constant 0 : i32
      %cond3A_113 = arith.cmpi ne, %convert_element_type3A_111, %cond3A_112 : i32
      scf.if %cond3A_113 {
        %add3A_137 = arith.constant 1 : i32
        %add3A_138 = arith.addi %scan3A_59, %add3A_137 : i32
        %mul3A_139 = arith.constant 512 : i32
        %mul3A_140 = arith.muli %add3A_138, %mul3A_139 : i32
        %add3A_141 = arith.addi %mul3A_2, %mul3A_140 : i32
        "tpu.region"() ({
          %run_scoped3A = tpu.sem_alloc : memref<!tpu.dma_semaphore, #tpu.memory_space<semaphore_mem>>
          %dma_start3A_161 = tpu.memref_slice %arg2[%add3A_141] : memref<819200xi32, #tpu.memory_space<hbm>> -> memref<512xi32, #tpu.memory_space<hbm>>
          %dma_start3A_162 = tpu.memref_slice %arg2[%add3A_141] : memref<819200xi32, #tpu.memory_space<hbm>> -> memref<512xi32, #tpu.memory_space<hbm>>
          tpu.enqueue_dma source(%dma_start3A_162 : memref<512xi32, #tpu.memory_space<hbm>>) target(%arg7 : memref<512xi32, #tpu.memory_space<vmem>>) target_semaphore(%run_scoped3A : memref<!tpu.dma_semaphore, #tpu.memory_space<semaphore_mem>>)
          %dma_wait3A_163 = tpu.memref_slice %arg2[%add3A_141] : memref<819200xi32, #tpu.memory_space<hbm>> -> memref<512xi32, #tpu.memory_space<hbm>>
          %dma_wait3A_164 = tpu.memref_slice %arg2[%add3A_141] : memref<819200xi32, #tpu.memory_space<hbm>> -> memref<512xi32, #tpu.memory_space<hbm>>
          tpu.wait_dma2 semaphore(%run_scoped3A : memref<!tpu.dma_semaphore, #tpu.memory_space<semaphore_mem>>) src(%dma_wait3A_164 : memref<512xi32, #tpu.memory_space<hbm>>) dst(%arg7 : memref<512xi32, #tpu.memory_space<vmem>>)
          tpu.yield
        }) : () -> ()
        "tpu.region"() ({
          %run_scoped3A = tpu.sem_alloc : memref<!tpu.dma_semaphore, #tpu.memory_space<semaphore_mem>>
          %dma_start3A_161 = tpu.memref_slice %arg3[%add3A_141] : memref<819200xi32, #tpu.memory_space<hbm>> -> memref<512xi32, #tpu.memory_space<hbm>>
          %dma_start3A_162 = tpu.memref_slice %arg3[%add3A_141] : memref<819200xi32, #tpu.memory_space<hbm>> -> memref<512xi32, #tpu.memory_space<hbm>>
          tpu.enqueue_dma source(%dma_start3A_162 : memref<512xi32, #tpu.memory_space<hbm>>) target(%arg8 : memref<512xi32, #tpu.memory_space<vmem>>) target_semaphore(%run_scoped3A : memref<!tpu.dma_semaphore, #tpu.memory_space<semaphore_mem>>)
          %dma_wait3A_163 = tpu.memref_slice %arg3[%add3A_141] : memref<819200xi32, #tpu.memory_space<hbm>> -> memref<512xi32, #tpu.memory_space<hbm>>
          %dma_wait3A_164 = tpu.memref_slice %arg3[%add3A_141] : memref<819200xi32, #tpu.memory_space<hbm>> -> memref<512xi32, #tpu.memory_space<hbm>>
          tpu.wait_dma2 semaphore(%run_scoped3A : memref<!tpu.dma_semaphore, #tpu.memory_space<semaphore_mem>>) src(%dma_wait3A_164 : memref<512xi32, #tpu.memory_space<hbm>>) dst(%arg8 : memref<512xi32, #tpu.memory_space<vmem>>)
          tpu.yield
        }) : () -> ()
        %parallel_loop3A_142 = arith.constant 0 : i32
        %parallel_loop3A_143 = arith.constant 32 : i32
        %parallel_loop3A_144 = arith.constant 1 : i32
        scf.for %parallel_loop3A_161 = %parallel_loop3A_142 to %parallel_loop3A_143 step %parallel_loop3A_144  : i32 {
          %parallel_loop3A_162 = arith.constant 16 : i32
          %parallel_loop3A_163 = arith.muli %parallel_loop3A_161, %parallel_loop3A_162 : i32
          %parallel_loop3A_164 = arith.index_cast %parallel_loop3A_163 : i32 to index
          %parallel_loop3A_165 = tpu.vector_load %arg8[%parallel_loop3A_164] {strides = array<i32>} : memref<512xi32, #tpu.memory_space<vmem>>, vector<16xi32>,
          %parallel_loop3A_166 = arith.sitofp %parallel_loop3A_165 : vector<16xi32> to vector<16xf32>
          %parallel_loop3A_167 = arith.constant 9.99999974E-5 : f32
          %parallel_loop3A_168 = vector.broadcast %parallel_loop3A_167 : f32 to vector<16xf32>
          %parallel_loop3A_169 = arith.mulf %parallel_loop3A_166, %parallel_loop3A_168 : vector<16xf32>
          %parallel_loop3A_170 = arith.fptosi %parallel_loop3A_169 : vector<16xf32> to vector<16xi32>
          %parallel_loop3A_171 = arith.constant 10000 : i32
          %parallel_loop3A_172 = vector.broadcast %parallel_loop3A_171 : i32 to vector<16xi32>
          %parallel_loop3A_173 = arith.muli %parallel_loop3A_170, %parallel_loop3A_172 : vector<16xi32>
          %parallel_loop3A_174 = arith.subi %parallel_loop3A_165, %parallel_loop3A_173 : vector<16xi32>
          %parallel_loop3A_175 = arith.constant 10000 : i32
          %parallel_loop3A_176 = vector.broadcast %parallel_loop3A_175 : i32 to vector<16xi32>
          %parallel_loop3A_177 = arith.cmpi sge, %parallel_loop3A_174, %parallel_loop3A_176 : vector<16xi32>
          %parallel_loop3A_178 = arith.constant 1 : i32
          %parallel_loop3A_179 = vector.broadcast %parallel_loop3A_178 : i32 to vector<16xi32>
          %parallel_loop3A_180 = arith.addi %parallel_loop3A_170, %parallel_loop3A_179 : vector<16xi32>
          %parallel_loop3A_181 = arith.select %parallel_loop3A_177, %parallel_loop3A_180, %parallel_loop3A_170 : vector<16xi1>, vector<16xi32>
          %parallel_loop3A_182 = arith.constant 0 : i32
          %parallel_loop3A_183 = vector.broadcast %parallel_loop3A_182 : i32 to vector<16xi32>
          %parallel_loop3A_184 = arith.cmpi slt, %parallel_loop3A_174, %parallel_loop3A_183 : vector<16xi32>
          %parallel_loop3A_185 = arith.constant 1 : i32
          %parallel_loop3A_186 = vector.broadcast %parallel_loop3A_185 : i32 to vector<16xi32>
          %parallel_loop3A_187 = arith.subi %parallel_loop3A_181, %parallel_loop3A_186 : vector<16xi32>
          %parallel_loop3A_188 = arith.select %parallel_loop3A_184, %parallel_loop3A_187, %parallel_loop3A_181 : vector<16xi1>, vector<16xi32>
          %parallel_loop3A_189 = arith.constant 16 : i32
          %parallel_loop3A_190 = arith.muli %parallel_loop3A_161, %parallel_loop3A_189 : i32
          %parallel_loop3A_191 = arith.index_cast %parallel_loop3A_190 : i32 to index
          %parallel_loop3A_192 = tpu.vector_load %arg9[%parallel_loop3A_191] {strides = array<i32>} : memref<512xi32, #tpu.memory_space<vmem>>, vector<16xi32>,
          tpu.vector_store %arg9[%parallel_loop3A_191], %parallel_loop3A_188 {strides = array<i32>} : memref<512xi32, #tpu.memory_space<vmem>>, vector<16xi32>,
        } {sc.loop_unroll_factor = 1 : i64, sc.parallel_access}
        %dma_start3A_145 = arith.constant 0 : i32
        %dma_start3A_146 = arith.constant 0 : i32
        %dma_start3A_147 = tpu.memref_slice %arg11[%dma_start3A_145, %dma_start3A_146] : memref<512x64xf32, #tpu.memory_space<vmem>> -> memref<128x64xf32, #tpu.memory_space<vmem>>
        %dma_start3A_148 = arith.constant 0 : i32
        %dma_start3A_149 = tpu.memref_slice %arg7[%dma_start3A_148] : memref<512xi32, #tpu.memory_space<vmem>> -> memref<128xi32, #tpu.memory_space<vmem>>
        %dma_start3A_150 = arith.constant 0 : i32
        %dma_start3A_151 = arith.constant 0 : i32
        %dma_start3A_152 = tpu.memref_slice %arg4[%dma_start3A_150, %dma_start3A_151] : memref<1000000x64xf32, #tpu.memory_space<hbm>> -> memref<1000000x64xf32, #tpu.memory_space<hbm>>
        tpu.enqueue_indirect_dma source(%dma_start3A_152 : memref<1000000x64xf32, #tpu.memory_space<hbm>>) target(%dma_start3A_147 : memref<128x64xf32, #tpu.memory_space<vmem>>) offsets(%dma_start3A_149 : memref<128xi32, #tpu.memory_space<vmem>>) semaphore(%arg15 : memref<!tpu.dma_semaphore, #tpu.memory_space<semaphore_mem>>)
        %dma_start3A_153 = arith.constant 128 : i32
        %dma_start3A_154 = arith.constant 0 : i32
        %dma_start3A_155 = tpu.memref_slice %arg11[%dma_start3A_153, %dma_start3A_154] : memref<512x64xf32, #tpu.memory_space<vmem>> -> memref<128x64xf32, #tpu.memory_space<vmem>>
        %dma_start3A_156 = arith.constant 128 : i32
        %dma_start3A_157 = tpu.memref_slice %arg7[%dma_start3A_156] : memref<512xi32, #tpu.memory_space<vmem>> -> memref<128xi32, #tpu.memory_space<vmem>>
        %dma_start3A_158 = arith.constant 0 : i32
        %dma_start3A_159 = arith.constant 0 : i32
        %dma_start3A_160 = tpu.memref_slice %arg4[%dma_start3A_158, %dma_start3A_159] : memref<1000000x64xf32, #tpu.memory_space<hbm>> -> memref<1000000x64xf32, #tpu.memory_space<hbm>>
        tpu.enqueue_indirect_dma source(%dma_start3A_160 : memref<1000000x64xf32, #tpu.memory_space<hbm>>) target(%dma_start3A_155 : memref<128x64xf32, #tpu.memory_space<vmem>>) offsets(%dma_start3A_157 : memref<128xi32, #tpu.memory_space<vmem>>) semaphore(%arg16 : memref<!tpu.dma_semaphore, #tpu.memory_space<semaphore_mem>>)
      } else {
      }
      %ge3A_114 = arith.constant 1 : i32
      %ge3A_115 = arith.cmpi sge, %scan3A_59, %ge3A_114 : i32
      %convert_element_type3A_116 = arith.extui %ge3A_115 : i1 to i32
      %cond3A_117 = arith.constant 0 : i32
      %cond3A_118 = arith.cmpi ne, %convert_element_type3A_116, %cond3A_117 : i32
      scf.if %cond3A_118 {
        %sub3A = arith.constant 1 : i32
        %sub3A_137 = arith.subi %scan3A_59, %sub3A : i32
        %mul3A_138 = arith.constant 512 : i32
        %mul3A_139 = arith.muli %sub3A_137, %mul3A_138 : i32
        %add3A_140 = arith.addi %mul3A_2, %mul3A_139 : i32
        %add3A_141 = arith.constant 256 : i32
        %add3A_142 = arith.addi %add3A_140, %add3A_141 : i32
        %mul3A_143 = arith.constant 64 : i32
        %mul3A_144 = arith.muli %add3A_142, %mul3A_143 : i32
        %dma_wait3A_145 = tpu.memref_slice %arg6[%mul3A_144] : memref<52428800xf32, #tpu.memory_space<hbm>> -> memref<16384xf32, #tpu.memory_space<hbm>>
        %dma_wait3A_146 = tpu.memref_slice %arg6[%mul3A_144] : memref<52428800xf32, #tpu.memory_space<hbm>> -> memref<16384xf32, #tpu.memory_space<hbm>>
        tpu.wait_dma2 semaphore(%arg20 : memref<!tpu.dma_semaphore, #tpu.memory_space<semaphore_mem>>) src(%arg13 : memref<16384xf32, #tpu.memory_space<vmem>>) dst(%dma_wait3A_146 : memref<16384xf32, #tpu.memory_space<hbm>>)
      } else {
      }
      %parallel_loop3A_119 = arith.constant 0 : i32
      %parallel_loop3A_120 = arith.constant 16 : i32
      %parallel_loop3A_121 = arith.constant 1 : i32
      scf.for %parallel_loop3A_137 = %parallel_loop3A_119 to %parallel_loop3A_120 step %parallel_loop3A_121  : i32 {
        %parallel_loop3A_138 = arith.constant 16 : i32
        %parallel_loop3A_139 = arith.muli %parallel_loop3A_137, %parallel_loop3A_138 : i32
        %parallel_loop3A_140 = arith.constant 256 : i32
        %parallel_loop3A_141 = arith.addi %parallel_loop3A_140, %parallel_loop3A_139 : i32
        %parallel_loop3A_142 = arith.index_cast %parallel_loop3A_141 : i32 to index
        %parallel_loop3A_143 = tpu.vector_load %arg10[%parallel_loop3A_142] {strides = array<i32>} : memref<512xi32, #tpu.memory_space<vmem>>, vector<16xi32>,
        %parallel_loop3A_144 = arith.constant 0 : i32
        %parallel_loop3A_145 = arith.addi %parallel_loop3A_139, %parallel_loop3A_144 : i32
        %parallel_loop3A_146 = vector.extract_strided_slice %parallel_loop3A_143 {offsets = [0], sizes = [1], strides = [1]} : vector<16xi32> to vector<1xi32>
        %parallel_loop3A_147 = vector.extract %parallel_loop3A_146[0] : i32 from vector<1xi32>
        %parallel_loop3A_148 = arith.constant 0 : i32
        %parallel_loop3A_149 = arith.addi %parallel_loop3A_141, %parallel_loop3A_148 : i32
        %parallel_loop3A_150 = arith.index_cast %parallel_loop3A_149 : i32 to index
        %parallel_loop3A_151 = arith.constant 0 : index
        %parallel_loop3A_152 = tpu.vector_load %arg11[%parallel_loop3A_150, %parallel_loop3A_151] {strides = array<i32>} : memref<512x64xf32, #tpu.memory_space<vmem>>, vector<16xf32>,
        %parallel_loop3A_153 = arith.index_cast %parallel_loop3A_147 : i32 to index
        %parallel_loop3A_154 = arith.constant 0 : index
        %parallel_loop3A_155 = tpu.vector_load %arg14[%parallel_loop3A_153, %parallel_loop3A_154] {strides = array<i32>} : memref<512x64xf32, #tpu.memory_space<vmem>>, vector<16xf32>,
        %parallel_loop3A_156 = arith.addf %parallel_loop3A_152, %parallel_loop3A_155 : vector<16xf32>
        %parallel_loop3A_157 = arith.constant 64 : i32
        %parallel_loop3A_158 = arith.muli %parallel_loop3A_145, %parallel_loop3A_157 : i32
        %parallel_loop3A_159 = arith.constant 0 : i32
        %parallel_loop3A_160 = arith.addi %parallel_loop3A_158, %parallel_loop3A_159 : i32
        %parallel_loop3A_161 = arith.index_cast %parallel_loop3A_160 : i32 to index
        %parallel_loop3A_162 = tpu.vector_load %arg13[%parallel_loop3A_161] {strides = array<i32>} : memref<16384xf32, #tpu.memory_space<vmem>>, vector<16xf32>,
        tpu.vector_store %arg13[%parallel_loop3A_161], %parallel_loop3A_156 {strides = array<i32>} : memref<16384xf32, #tpu.memory_space<vmem>>, vector<16xf32>,
        %parallel_loop3A_163 = arith.constant 0 : i32
        %parallel_loop3A_164 = arith.addi %parallel_loop3A_141, %parallel_loop3A_163 : i32
        %parallel_loop3A_165 = arith.index_cast %parallel_loop3A_164 : i32 to index
        %parallel_loop3A_166 = arith.constant 16 : index
        %parallel_loop3A_167 = tpu.vector_load %arg11[%parallel_loop3A_165, %parallel_loop3A_166] {strides = array<i32>} : memref<512x64xf32, #tpu.memory_space<vmem>>, vector<16xf32>,
        %parallel_loop3A_168 = arith.index_cast %parallel_loop3A_147 : i32 to index
        %parallel_loop3A_169 = arith.constant 16 : index
        %parallel_loop3A_170 = tpu.vector_load %arg14[%parallel_loop3A_168, %parallel_loop3A_169] {strides = array<i32>} : memref<512x64xf32, #tpu.memory_space<vmem>>, vector<16xf32>,
        %parallel_loop3A_171 = arith.addf %parallel_loop3A_167, %parallel_loop3A_170 : vector<16xf32>
        %parallel_loop3A_172 = arith.constant 64 : i32
        %parallel_loop3A_173 = arith.muli %parallel_loop3A_145, %parallel_loop3A_172 : i32
        %parallel_loop3A_174 = arith.constant 16 : i32
        %parallel_loop3A_175 = arith.addi %parallel_loop3A_173, %parallel_loop3A_174 : i32
        %parallel_loop3A_176 = arith.index_cast %parallel_loop3A_175 : i32 to index
        %parallel_loop3A_177 = tpu.vector_load %arg13[%parallel_loop3A_176] {strides = array<i32>} : memref<16384xf32, #tpu.memory_space<vmem>>, vector<16xf32>,
        tpu.vector_store %arg13[%parallel_loop3A_176], %parallel_loop3A_171 {strides = array<i32>} : memref<16384xf32, #tpu.memory_space<vmem>>, vector<16xf32>,
        %parallel_loop3A_178 = arith.constant 0 : i32
        %parallel_loop3A_179 = arith.addi %parallel_loop3A_141, %parallel_loop3A_178 : i32
        %parallel_loop3A_180 = arith.index_cast %parallel_loop3A_179 : i32 to index
        %parallel_loop3A_181 = arith.constant 32 : index
        %parallel_loop3A_182 = tpu.vector_load %arg11[%parallel_loop3A_180, %parallel_loop3A_181] {strides = array<i32>} : memref<512x64xf32, #tpu.memory_space<vmem>>, vector<16xf32>,
        %parallel_loop3A_183 = arith.index_cast %parallel_loop3A_147 : i32 to index
        %parallel_loop3A_184 = arith.constant 32 : index
        %parallel_loop3A_185 = tpu.vector_load %arg14[%parallel_loop3A_183, %parallel_loop3A_184] {strides = array<i32>} : memref<512x64xf32, #tpu.memory_space<vmem>>, vector<16xf32>,
        %parallel_loop3A_186 = arith.addf %parallel_loop3A_182, %parallel_loop3A_185 : vector<16xf32>
        %parallel_loop3A_187 = arith.constant 64 : i32
        %parallel_loop3A_188 = arith.muli %parallel_loop3A_145, %parallel_loop3A_187 : i32
        %parallel_loop3A_189 = arith.constant 32 : i32
        %parallel_loop3A_190 = arith.addi %parallel_loop3A_188, %parallel_loop3A_189 : i32
        %parallel_loop3A_191 = arith.index_cast %parallel_loop3A_190 : i32 to index
        %parallel_loop3A_192 = tpu.vector_load %arg13[%parallel_loop3A_191] {strides = array<i32>} : memref<16384xf32, #tpu.memory_space<vmem>>, vector<16xf32>,
        tpu.vector_store %arg13[%parallel_loop3A_191], %parallel_loop3A_186 {strides = array<i32>} : memref<16384xf32, #tpu.memory_space<vmem>>, vector<16xf32>,
        %parallel_loop3A_193 = arith.constant 0 : i32
        %parallel_loop3A_194 = arith.addi %parallel_loop3A_141, %parallel_loop3A_193 : i32
        %parallel_loop3A_195 = arith.index_cast %parallel_loop3A_194 : i32 to index
        %parallel_loop3A_196 = arith.constant 48 : index
        %parallel_loop3A_197 = tpu.vector_load %arg11[%parallel_loop3A_195, %parallel_loop3A_196] {strides = array<i32>} : memref<512x64xf32, #tpu.memory_space<vmem>>, vector<16xf32>,
        %parallel_loop3A_198 = arith.index_cast %parallel_loop3A_147 : i32 to index
        %parallel_loop3A_199 = arith.constant 48 : index
        %parallel_loop3A_200 = tpu.vector_load %arg14[%parallel_loop3A_198, %parallel_loop3A_199] {strides = array<i32>} : memref<512x64xf32, #tpu.memory_space<vmem>>, vector<16xf32>,
        %parallel_loop3A_201 = arith.addf %parallel_loop3A_197, %parallel_loop3A_200 : vector<16xf32>
        %parallel_loop3A_202 = arith.constant 64 : i32
        %parallel_loop3A_203 = arith.muli %parallel_loop3A_145, %parallel_loop3A_202 : i32
        %parallel_loop3A_204 = arith.constant 48 : i32
        %parallel_loop3A_205 = arith.addi %parallel_loop3A_203, %parallel_loop3A_204 : i32
        %parallel_loop3A_206 = arith.index_cast %parallel_loop3A_205 : i32 to index
        %parallel_loop3A_207 = tpu.vector_load %arg13[%parallel_loop3A_206] {strides = array<i32>} : memref<16384xf32, #tpu.memory_space<vmem>>, vector<16xf32>,
        tpu.vector_store %arg13[%parallel_loop3A_206], %parallel_loop3A_201 {strides = array<i32>} : memref<16384xf32, #tpu.memory_space<vmem>>, vector<16xf32>,
        %parallel_loop3A_208 = arith.constant 1 : i32
        %parallel_loop3A_209 = arith.addi %parallel_loop3A_139, %parallel_loop3A_208 : i32
        %parallel_loop3A_210 = vector.extract_strided_slice %parallel_loop3A_143 {offsets = [1], sizes = [1], strides = [1]} : vector<16xi32> to vector<1xi32>
        %parallel_loop3A_211 = vector.extract %parallel_loop3A_210[0] : i32 from vector<1xi32>
        %parallel_loop3A_212 = arith.constant 1 : i32
        %parallel_loop3A_213 = arith.addi %parallel_loop3A_141, %parallel_loop3A_212 : i32
        %parallel_loop3A_214 = arith.index_cast %parallel_loop3A_213 : i32 to index
        %parallel_loop3A_215 = arith.constant 0 : index
        %parallel_loop3A_216 = tpu.vector_load %arg11[%parallel_loop3A_214, %parallel_loop3A_215] {strides = array<i32>} : memref<512x64xf32, #tpu.memory_space<vmem>>, vector<16xf32>,
        %parallel_loop3A_217 = arith.index_cast %parallel_loop3A_211 : i32 to index
        %parallel_loop3A_218 = arith.constant 0 : index
        %parallel_loop3A_219 = tpu.vector_load %arg14[%parallel_loop3A_217, %parallel_loop3A_218] {strides = array<i32>} : memref<512x64xf32, #tpu.memory_space<vmem>>, vector<16xf32>,
        %parallel_loop3A_220 = arith.addf %parallel_loop3A_216, %parallel_loop3A_219 : vector<16xf32>
        %parallel_loop3A_221 = arith.constant 64 : i32
        %parallel_loop3A_222 = arith.muli %parallel_loop3A_209, %parallel_loop3A_221 : i32
        %parallel_loop3A_223 = arith.constant 0 : i32
        %parallel_loop3A_224 = arith.addi %parallel_loop3A_222, %parallel_loop3A_223 : i32
        %parallel_loop3A_225 = arith.index_cast %parallel_loop3A_224 : i32 to index
        %parallel_loop3A_226 = tpu.vector_load %arg13[%parallel_loop3A_225] {strides = array<i32>} : memref<16384xf32, #tpu.memory_space<vmem>>, vector<16xf32>,
        tpu.vector_store %arg13[%parallel_loop3A_225], %parallel_loop3A_220 {strides = array<i32>} : memref<16384xf32, #tpu.memory_space<vmem>>, vector<16xf32>,
        %parallel_loop3A_227 = arith.constant 1 : i32
        %parallel_loop3A_228 = arith.addi %parallel_loop3A_141, %parallel_loop3A_227 : i32
        %parallel_loop3A_229 = arith.index_cast %parallel_loop3A_228 : i32 to index
        %parallel_loop3A_230 = arith.constant 16 : index
        %parallel_loop3A_231 = tpu.vector_load %arg11[%parallel_loop3A_229, %parallel_loop3A_230] {strides = array<i32>} : memref<512x64xf32, #tpu.memory_space<vmem>>, vector<16xf32>,
        %parallel_loop3A_232 = arith.index_cast %parallel_loop3A_211 : i32 to index
        %parallel_loop3A_233 = arith.constant 16 : index
        %parallel_loop3A_234 = tpu.vector_load %arg14[%parallel_loop3A_232, %parallel_loop3A_233] {strides = array<i32>} : memref<512x64xf32, #tpu.memory_space<vmem>>, vector<16xf32>,
        %parallel_loop3A_235 = arith.addf %parallel_loop3A_231, %parallel_loop3A_234 : vector<16xf32>
        %parallel_loop3A_236 = arith.constant 64 : i32
        %parallel_loop3A_237 = arith.muli %parallel_loop3A_209, %parallel_loop3A_236 : i32
        %parallel_loop3A_238 = arith.constant 16 : i32
        %parallel_loop3A_239 = arith.addi %parallel_loop3A_237, %parallel_loop3A_238 : i32
        %parallel_loop3A_240 = arith.index_cast %parallel_loop3A_239 : i32 to index
        %parallel_loop3A_241 = tpu.vector_load %arg13[%parallel_loop3A_240] {strides = array<i32>} : memref<16384xf32, #tpu.memory_space<vmem>>, vector<16xf32>,
        tpu.vector_store %arg13[%parallel_loop3A_240], %parallel_loop3A_235 {strides = array<i32>} : memref<16384xf32, #tpu.memory_space<vmem>>, vector<16xf32>,
        %parallel_loop3A_242 = arith.constant 1 : i32
        %parallel_loop3A_243 = arith.addi %parallel_loop3A_141, %parallel_loop3A_242 : i32
        %parallel_loop3A_244 = arith.index_cast %parallel_loop3A_243 : i32 to index
        %parallel_loop3A_245 = arith.constant 32 : index
        %parallel_loop3A_246 = tpu.vector_load %arg11[%parallel_loop3A_244, %parallel_loop3A_245] {strides = array<i32>} : memref<512x64xf32, #tpu.memory_space<vmem>>, vector<16xf32>,
        %parallel_loop3A_247 = arith.index_cast %parallel_loop3A_211 : i32 to index
        %parallel_loop3A_248 = arith.constant 32 : index
        %parallel_loop3A_249 = tpu.vector_load %arg14[%parallel_loop3A_247, %parallel_loop3A_248] {strides = array<i32>} : memref<512x64xf32, #tpu.memory_space<vmem>>, vector<16xf32>,
        %parallel_loop3A_250 = arith.addf %parallel_loop3A_246, %parallel_loop3A_249 : vector<16xf32>
        %parallel_loop3A_251 = arith.constant 64 : i32
        %parallel_loop3A_252 = arith.muli %parallel_loop3A_209, %parallel_loop3A_251 : i32
        %parallel_loop3A_253 = arith.constant 32 : i32
        %parallel_loop3A_254 = arith.addi %parallel_loop3A_252, %parallel_loop3A_253 : i32
        %parallel_loop3A_255 = arith.index_cast %parallel_loop3A_254 : i32 to index
        %parallel_loop3A_256 = tpu.vector_load %arg13[%parallel_loop3A_255] {strides = array<i32>} : memref<16384xf32, #tpu.memory_space<vmem>>, vector<16xf32>,
        tpu.vector_store %arg13[%parallel_loop3A_255], %parallel_loop3A_250 {strides = array<i32>} : memref<16384xf32, #tpu.memory_space<vmem>>, vector<16xf32>,
        %parallel_loop3A_257 = arith.constant 1 : i32
        %parallel_loop3A_258 = arith.addi %parallel_loop3A_141, %parallel_loop3A_257 : i32
        %parallel_loop3A_259 = arith.index_cast %parallel_loop3A_258 : i32 to index
        %parallel_loop3A_260 = arith.constant 48 : index
        %parallel_loop3A_261 = tpu.vector_load %arg11[%parallel_loop3A_259, %parallel_loop3A_260] {strides = array<i32>} : memref<512x64xf32, #tpu.memory_space<vmem>>, vector<16xf32>,
        %parallel_loop3A_262 = arith.index_cast %parallel_loop3A_211 : i32 to index
        %parallel_loop3A_263 = arith.constant 48 : index
        %parallel_loop3A_264 = tpu.vector_load %arg14[%parallel_loop3A_262, %parallel_loop3A_263] {strides = array<i32>} : memref<512x64xf32, #tpu.memory_space<vmem>>, vector<16xf32>,
        %parallel_loop3A_265 = arith.addf %parallel_loop3A_261, %parallel_loop3A_264 : vector<16xf32>
        %parallel_loop3A_266 = arith.constant 64 : i32
        %parallel_loop3A_267 = arith.muli %parallel_loop3A_209, %parallel_loop3A_266 : i32
        %parallel_loop3A_268 = arith.constant 48 : i32
        %parallel_loop3A_269 = arith.addi %parallel_loop3A_267, %parallel_loop3A_268 : i32
        %parallel_loop3A_270 = arith.index_cast %parallel_loop3A_269 : i32 to index
        %parallel_loop3A_271 = tpu.vector_load %arg13[%parallel_loop3A_270] {strides = array<i32>} : memref<16384xf32, #tpu.memory_space<vmem>>, vector<16xf32>,
        tpu.vector_store %arg13[%parallel_loop3A_270], %parallel_loop3A_265 {strides = array<i32>} : memref<16384xf32, #tpu.memory_space<vmem>>, vector<16xf32>,
        %parallel_loop3A_272 = arith.constant 2 : i32
        %parallel_loop3A_273 = arith.addi %parallel_loop3A_139, %parallel_loop3A_272 : i32
        %parallel_loop3A_274 = vector.extract_strided_slice %parallel_loop3A_143 {offsets = [2], sizes = [1], strides = [1]} : vector<16xi32> to vector<1xi32>
        %parallel_loop3A_275 = vector.extract %parallel_loop3A_274[0] : i32 from vector<1xi32>
        %parallel_loop3A_276 = arith.constant 2 : i32
        %parallel_loop3A_277 = arith.addi %parallel_loop3A_141, %parallel_loop3A_276 : i32
        %parallel_loop3A_278 = arith.index_cast %parallel_loop3A_277 : i32 to index
        %parallel_loop3A_279 = arith.constant 0 : index
        %parallel_loop3A_280 = tpu.vector_load %arg11[%parallel_loop3A_278, %parallel_loop3A_279] {strides = array<i32>} : memref<512x64xf32, #tpu.memory_space<vmem>>, vector<16xf32>,
        %parallel_loop3A_281 = arith.index_cast %parallel_loop3A_275 : i32 to index
        %parallel_loop3A_282 = arith.constant 0 : index
        %parallel_loop3A_283 = tpu.vector_load %arg14[%parallel_loop3A_281, %parallel_loop3A_282] {strides = array<i32>} : memref<512x64xf32, #tpu.memory_space<vmem>>, vector<16xf32>,
        %parallel_loop3A_284 = arith.addf %parallel_loop3A_280, %parallel_loop3A_283 : vector<16xf32>
        %parallel_loop3A_285 = arith.constant 64 : i32
        %parallel_loop3A_286 = arith.muli %parallel_loop3A_273, %parallel_loop3A_285 : i32
        %parallel_loop3A_287 = arith.constant 0 : i32
        %parallel_loop3A_288 = arith.addi %parallel_loop3A_286, %parallel_loop3A_287 : i32
        %parallel_loop3A_289 = arith.index_cast %parallel_loop3A_288 : i32 to index
        %parallel_loop3A_290 = tpu.vector_load %arg13[%parallel_loop3A_289] {strides = array<i32>} : memref<16384xf32, #tpu.memory_space<vmem>>, vector<16xf32>,
        tpu.vector_store %arg13[%parallel_loop3A_289], %parallel_loop3A_284 {strides = array<i32>} : memref<16384xf32, #tpu.memory_space<vmem>>, vector<16xf32>,
        %parallel_loop3A_291 = arith.constant 2 : i32
        %parallel_loop3A_292 = arith.addi %parallel_loop3A_141, %parallel_loop3A_291 : i32
        %parallel_loop3A_293 = arith.index_cast %parallel_loop3A_292 : i32 to index
        %parallel_loop3A_294 = arith.constant 16 : index
        %parallel_loop3A_295 = tpu.vector_load %arg11[%parallel_loop3A_293, %parallel_loop3A_294] {strides = array<i32>} : memref<512x64xf32, #tpu.memory_space<vmem>>, vector<16xf32>,
        %parallel_loop3A_296 = arith.index_cast %parallel_loop3A_275 : i32 to index
        %parallel_loop3A_297 = arith.constant 16 : index
        %parallel_loop3A_298 = tpu.vector_load %arg14[%parallel_loop3A_296, %parallel_loop3A_297] {strides = array<i32>} : memref<512x64xf32, #tpu.memory_space<vmem>>, vector<16xf32>,
        %parallel_loop3A_299 = arith.addf %parallel_loop3A_295, %parallel_loop3A_298 : vector<16xf32>
        %parallel_loop3A_300 = arith.constant 64 : i32
        %parallel_loop3A_301 = arith.muli %parallel_loop3A_273, %parallel_loop3A_300 : i32
        %parallel_loop3A_302 = arith.constant 16 : i32
        %parallel_loop3A_303 = arith.addi %parallel_loop3A_301, %parallel_loop3A_302 : i32
        %parallel_loop3A_304 = arith.index_cast %parallel_loop3A_303 : i32 to index
        %parallel_loop3A_305 = tpu.vector_load %arg13[%parallel_loop3A_304] {strides = array<i32>} : memref<16384xf32, #tpu.memory_space<vmem>>, vector<16xf32>,
        tpu.vector_store %arg13[%parallel_loop3A_304], %parallel_loop3A_299 {strides = array<i32>} : memref<16384xf32, #tpu.memory_space<vmem>>, vector<16xf32>,
        %parallel_loop3A_306 = arith.constant 2 : i32
        %parallel_loop3A_307 = arith.addi %parallel_loop3A_141, %parallel_loop3A_306 : i32
        %parallel_loop3A_308 = arith.index_cast %parallel_loop3A_307 : i32 to index
        %parallel_loop3A_309 = arith.constant 32 : index
        %parallel_loop3A_310 = tpu.vector_load %arg11[%parallel_loop3A_308, %parallel_loop3A_309] {strides = array<i32>} : memref<512x64xf32, #tpu.memory_space<vmem>>, vector<16xf32>,
        %parallel_loop3A_311 = arith.index_cast %parallel_loop3A_275 : i32 to index
        %parallel_loop3A_312 = arith.constant 32 : index
        %parallel_loop3A_313 = tpu.vector_load %arg14[%parallel_loop3A_311, %parallel_loop3A_312] {strides = array<i32>} : memref<512x64xf32, #tpu.memory_space<vmem>>, vector<16xf32>,
        %parallel_loop3A_314 = arith.addf %parallel_loop3A_310, %parallel_loop3A_313 : vector<16xf32>
        %parallel_loop3A_315 = arith.constant 64 : i32
        %parallel_loop3A_316 = arith.muli %parallel_loop3A_273, %parallel_loop3A_315 : i32
        %parallel_loop3A_317 = arith.constant 32 : i32
        %parallel_loop3A_318 = arith.addi %parallel_loop3A_316, %parallel_loop3A_317 : i32
        %parallel_loop3A_319 = arith.index_cast %parallel_loop3A_318 : i32 to index
        %parallel_loop3A_320 = tpu.vector_load %arg13[%parallel_loop3A_319] {strides = array<i32>} : memref<16384xf32, #tpu.memory_space<vmem>>, vector<16xf32>,
        tpu.vector_store %arg13[%parallel_loop3A_319], %parallel_loop3A_314 {strides = array<i32>} : memref<16384xf32, #tpu.memory_space<vmem>>, vector<16xf32>,
        %parallel_loop3A_321 = arith.constant 2 : i32
        %parallel_loop3A_322 = arith.addi %parallel_loop3A_141, %parallel_loop3A_321 : i32
        %parallel_loop3A_323 = arith.index_cast %parallel_loop3A_322 : i32 to index
        %parallel_loop3A_324 = arith.constant 48 : index
        %parallel_loop3A_325 = tpu.vector_load %arg11[%parallel_loop3A_323, %parallel_loop3A_324] {strides = array<i32>} : memref<512x64xf32, #tpu.memory_space<vmem>>, vector<16xf32>,
        %parallel_loop3A_326 = arith.index_cast %parallel_loop3A_275 : i32 to index
        %parallel_loop3A_327 = arith.constant 48 : index
        %parallel_loop3A_328 = tpu.vector_load %arg14[%parallel_loop3A_326, %parallel_loop3A_327] {strides = array<i32>} : memref<512x64xf32, #tpu.memory_space<vmem>>, vector<16xf32>,
        %parallel_loop3A_329 = arith.addf %parallel_loop3A_325, %parallel_loop3A_328 : vector<16xf32>
        %parallel_loop3A_330 = arith.constant 64 : i32
        %parallel_loop3A_331 = arith.muli %parallel_loop3A_273, %parallel_loop3A_330 : i32
        %parallel_loop3A_332 = arith.constant 48 : i32
        %parallel_loop3A_333 = arith.addi %parallel_loop3A_331, %parallel_loop3A_332 : i32
        %parallel_loop3A_334 = arith.index_cast %parallel_loop3A_333 : i32 to index
        %parallel_loop3A_335 = tpu.vector_load %arg13[%parallel_loop3A_334] {strides = array<i32>} : memref<16384xf32, #tpu.memory_space<vmem>>, vector<16xf32>,
        tpu.vector_store %arg13[%parallel_loop3A_334], %parallel_loop3A_329 {strides = array<i32>} : memref<16384xf32, #tpu.memory_space<vmem>>, vector<16xf32>,
        %parallel_loop3A_336 = arith.constant 3 : i32
        %parallel_loop3A_337 = arith.addi %parallel_loop3A_139, %parallel_loop3A_336 : i32
        %parallel_loop3A_338 = vector.extract_strided_slice %parallel_loop3A_143 {offsets = [3], sizes = [1], strides = [1]} : vector<16xi32> to vector<1xi32>
        %parallel_loop3A_339 = vector.extract %parallel_loop3A_338[0] : i32 from vector<1xi32>
        %parallel_loop3A_340 = arith.constant 3 : i32
        %parallel_loop3A_341 = arith.addi %parallel_loop3A_141, %parallel_loop3A_340 : i32
        %parallel_loop3A_342 = arith.index_cast %parallel_loop3A_341 : i32 to index
        %parallel_loop3A_343 = arith.constant 0 : index
        %parallel_loop3A_344 = tpu.vector_load %arg11[%parallel_loop3A_342, %parallel_loop3A_343] {strides = array<i32>} : memref<512x64xf32, #tpu.memory_space<vmem>>, vector<16xf32>,
        %parallel_loop3A_345 = arith.index_cast %parallel_loop3A_339 : i32 to index
        %parallel_loop3A_346 = arith.constant 0 : index
        %parallel_loop3A_347 = tpu.vector_load %arg14[%parallel_loop3A_345, %parallel_loop3A_346] {strides = array<i32>} : memref<512x64xf32, #tpu.memory_space<vmem>>, vector<16xf32>,
        %parallel_loop3A_348 = arith.addf %parallel_loop3A_344, %parallel_loop3A_347 : vector<16xf32>
        %parallel_loop3A_349 = arith.constant 64 : i32
        %parallel_loop3A_350 = arith.muli %parallel_loop3A_337, %parallel_loop3A_349 : i32
        %parallel_loop3A_351 = arith.constant 0 : i32
        %parallel_loop3A_352 = arith.addi %parallel_loop3A_350, %parallel_loop3A_351 : i32
        %parallel_loop3A_353 = arith.index_cast %parallel_loop3A_352 : i32 to index
        %parallel_loop3A_354 = tpu.vector_load %arg13[%parallel_loop3A_353] {strides = array<i32>} : memref<16384xf32, #tpu.memory_space<vmem>>, vector<16xf32>,
        tpu.vector_store %arg13[%parallel_loop3A_353], %parallel_loop3A_348 {strides = array<i32>} : memref<16384xf32, #tpu.memory_space<vmem>>, vector<16xf32>,
        %parallel_loop3A_355 = arith.constant 3 : i32
        %parallel_loop3A_356 = arith.addi %parallel_loop3A_141, %parallel_loop3A_355 : i32
        %parallel_loop3A_357 = arith.index_cast %parallel_loop3A_356 : i32 to index
        %parallel_loop3A_358 = arith.constant 16 : index
        %parallel_loop3A_359 = tpu.vector_load %arg11[%parallel_loop3A_357, %parallel_loop3A_358] {strides = array<i32>} : memref<512x64xf32, #tpu.memory_space<vmem>>, vector<16xf32>,
        %parallel_loop3A_360 = arith.index_cast %parallel_loop3A_339 : i32 to index
        %parallel_loop3A_361 = arith.constant 16 : index
        %parallel_loop3A_362 = tpu.vector_load %arg14[%parallel_loop3A_360, %parallel_loop3A_361] {strides = array<i32>} : memref<512x64xf32, #tpu.memory_space<vmem>>, vector<16xf32>,
        %parallel_loop3A_363 = arith.addf %parallel_loop3A_359, %parallel_loop3A_362 : vector<16xf32>
        %parallel_loop3A_364 = arith.constant 64 : i32
        %parallel_loop3A_365 = arith.muli %parallel_loop3A_337, %parallel_loop3A_364 : i32
        %parallel_loop3A_366 = arith.constant 16 : i32
        %parallel_loop3A_367 = arith.addi %parallel_loop3A_365, %parallel_loop3A_366 : i32
        %parallel_loop3A_368 = arith.index_cast %parallel_loop3A_367 : i32 to index
        %parallel_loop3A_369 = tpu.vector_load %arg13[%parallel_loop3A_368] {strides = array<i32>} : memref<16384xf32, #tpu.memory_space<vmem>>, vector<16xf32>,
        tpu.vector_store %arg13[%parallel_loop3A_368], %parallel_loop3A_363 {strides = array<i32>} : memref<16384xf32, #tpu.memory_space<vmem>>, vector<16xf32>,
        %parallel_loop3A_370 = arith.constant 3 : i32
        %parallel_loop3A_371 = arith.addi %parallel_loop3A_141, %parallel_loop3A_370 : i32
        %parallel_loop3A_372 = arith.index_cast %parallel_loop3A_371 : i32 to index
        %parallel_loop3A_373 = arith.constant 32 : index
        %parallel_loop3A_374 = tpu.vector_load %arg11[%parallel_loop3A_372, %parallel_loop3A_373] {strides = array<i32>} : memref<512x64xf32, #tpu.memory_space<vmem>>, vector<16xf32>,
        %parallel_loop3A_375 = arith.index_cast %parallel_loop3A_339 : i32 to index
        %parallel_loop3A_376 = arith.constant 32 : index
        %parallel_loop3A_377 = tpu.vector_load %arg14[%parallel_loop3A_375, %parallel_loop3A_376] {strides = array<i32>} : memref<512x64xf32, #tpu.memory_space<vmem>>, vector<16xf32>,
        %parallel_loop3A_378 = arith.addf %parallel_loop3A_374, %parallel_loop3A_377 : vector<16xf32>
        %parallel_loop3A_379 = arith.constant 64 : i32
        %parallel_loop3A_380 = arith.muli %parallel_loop3A_337, %parallel_loop3A_379 : i32
        %parallel_loop3A_381 = arith.constant 32 : i32
        %parallel_loop3A_382 = arith.addi %parallel_loop3A_380, %parallel_loop3A_381 : i32
        %parallel_loop3A_383 = arith.index_cast %parallel_loop3A_382 : i32 to index
        %parallel_loop3A_384 = tpu.vector_load %arg13[%parallel_loop3A_383] {strides = array<i32>} : memref<16384xf32, #tpu.memory_space<vmem>>, vector<16xf32>,
        tpu.vector_store %arg13[%parallel_loop3A_383], %parallel_loop3A_378 {strides = array<i32>} : memref<16384xf32, #tpu.memory_space<vmem>>, vector<16xf32>,
        %parallel_loop3A_385 = arith.constant 3 : i32
        %parallel_loop3A_386 = arith.addi %parallel_loop3A_141, %parallel_loop3A_385 : i32
        %parallel_loop3A_387 = arith.index_cast %parallel_loop3A_386 : i32 to index
        %parallel_loop3A_388 = arith.constant 48 : index
        %parallel_loop3A_389 = tpu.vector_load %arg11[%parallel_loop3A_387, %parallel_loop3A_388] {strides = array<i32>} : memref<512x64xf32, #tpu.memory_space<vmem>>, vector<16xf32>,
        %parallel_loop3A_390 = arith.index_cast %parallel_loop3A_339 : i32 to index
        %parallel_loop3A_391 = arith.constant 48 : index
        %parallel_loop3A_392 = tpu.vector_load %arg14[%parallel_loop3A_390, %parallel_loop3A_391] {strides = array<i32>} : memref<512x64xf32, #tpu.memory_space<vmem>>, vector<16xf32>,
        %parallel_loop3A_393 = arith.addf %parallel_loop3A_389, %parallel_loop3A_392 : vector<16xf32>
        %parallel_loop3A_394 = arith.constant 64 : i32
        %parallel_loop3A_395 = arith.muli %parallel_loop3A_337, %parallel_loop3A_394 : i32
        %parallel_loop3A_396 = arith.constant 48 : i32
        %parallel_loop3A_397 = arith.addi %parallel_loop3A_395, %parallel_loop3A_396 : i32
        %parallel_loop3A_398 = arith.index_cast %parallel_loop3A_397 : i32 to index
        %parallel_loop3A_399 = tpu.vector_load %arg13[%parallel_loop3A_398] {strides = array<i32>} : memref<16384xf32, #tpu.memory_space<vmem>>, vector<16xf32>,
        tpu.vector_store %arg13[%parallel_loop3A_398], %parallel_loop3A_393 {strides = array<i32>} : memref<16384xf32, #tpu.memory_space<vmem>>, vector<16xf32>,
        %parallel_loop3A_400 = arith.constant 4 : i32
        %parallel_loop3A_401 = arith.addi %parallel_loop3A_139, %parallel_loop3A_400 : i32
        %parallel_loop3A_402 = vector.extract_strided_slice %parallel_loop3A_143 {offsets = [4], sizes = [1], strides = [1]} : vector<16xi32> to vector<1xi32>
        %parallel_loop3A_403 = vector.extract %parallel_loop3A_402[0] : i32 from vector<1xi32>
        %parallel_loop3A_404 = arith.constant 4 : i32
        %parallel_loop3A_405 = arith.addi %parallel_loop3A_141, %parallel_loop3A_404 : i32
        %parallel_loop3A_406 = arith.index_cast %parallel_loop3A_405 : i32 to index
        %parallel_loop3A_407 = arith.constant 0 : index
        %parallel_loop3A_408 = tpu.vector_load %arg11[%parallel_loop3A_406, %parallel_loop3A_407] {strides = array<i32>} : memref<512x64xf32, #tpu.memory_space<vmem>>, vector<16xf32>,
        %parallel_loop3A_409 = arith.index_cast %parallel_loop3A_403 : i32 to index
        %parallel_loop3A_410 = arith.constant 0 : index
        %parallel_loop3A_411 = tpu.vector_load %arg14[%parallel_loop3A_409, %parallel_loop3A_410] {strides = array<i32>} : memref<512x64xf32, #tpu.memory_space<vmem>>, vector<16xf32>,
        %parallel_loop3A_412 = arith.addf %parallel_loop3A_408, %parallel_loop3A_411 : vector<16xf32>
        %parallel_loop3A_413 = arith.constant 64 : i32
        %parallel_loop3A_414 = arith.muli %parallel_loop3A_401, %parallel_loop3A_413 : i32
        %parallel_loop3A_415 = arith.constant 0 : i32
        %parallel_loop3A_416 = arith.addi %parallel_loop3A_414, %parallel_loop3A_415 : i32
        %parallel_loop3A_417 = arith.index_cast %parallel_loop3A_416 : i32 to index
        %parallel_loop3A_418 = tpu.vector_load %arg13[%parallel_loop3A_417] {strides = array<i32>} : memref<16384xf32, #tpu.memory_space<vmem>>, vector<16xf32>,
        tpu.vector_store %arg13[%parallel_loop3A_417], %parallel_loop3A_412 {strides = array<i32>} : memref<16384xf32, #tpu.memory_space<vmem>>, vector<16xf32>,
        %parallel_loop3A_419 = arith.constant 4 : i32
        %parallel_loop3A_420 = arith.addi %parallel_loop3A_141, %parallel_loop3A_419 : i32
        %parallel_loop3A_421 = arith.index_cast %parallel_loop3A_420 : i32 to index
        %parallel_loop3A_422 = arith.constant 16 : index
        %parallel_loop3A_423 = tpu.vector_load %arg11[%parallel_loop3A_421, %parallel_loop3A_422] {strides = array<i32>} : memref<512x64xf32, #tpu.memory_space<vmem>>, vector<16xf32>,
        %parallel_loop3A_424 = arith.index_cast %parallel_loop3A_403 : i32 to index
        %parallel_loop3A_425 = arith.constant 16 : index
        %parallel_loop3A_426 = tpu.vector_load %arg14[%parallel_loop3A_424, %parallel_loop3A_425] {strides = array<i32>} : memref<512x64xf32, #tpu.memory_space<vmem>>, vector<16xf32>,
        %parallel_loop3A_427 = arith.addf %parallel_loop3A_423, %parallel_loop3A_426 : vector<16xf32>
        %parallel_loop3A_428 = arith.constant 64 : i32
        %parallel_loop3A_429 = arith.muli %parallel_loop3A_401, %parallel_loop3A_428 : i32
        %parallel_loop3A_430 = arith.constant 16 : i32
        %parallel_loop3A_431 = arith.addi %parallel_loop3A_429, %parallel_loop3A_430 : i32
        %parallel_loop3A_432 = arith.index_cast %parallel_loop3A_431 : i32 to index
        %parallel_loop3A_433 = tpu.vector_load %arg13[%parallel_loop3A_432] {strides = array<i32>} : memref<16384xf32, #tpu.memory_space<vmem>>, vector<16xf32>,
        tpu.vector_store %arg13[%parallel_loop3A_432], %parallel_loop3A_427 {strides = array<i32>} : memref<16384xf32, #tpu.memory_space<vmem>>, vector<16xf32>,
        %parallel_loop3A_434 = arith.constant 4 : i32
        %parallel_loop3A_435 = arith.addi %parallel_loop3A_141, %parallel_loop3A_434 : i32
        %parallel_loop3A_436 = arith.index_cast %parallel_loop3A_435 : i32 to index
        %parallel_loop3A_437 = arith.constant 32 : index
        %parallel_loop3A_438 = tpu.vector_load %arg11[%parallel_loop3A_436, %parallel_loop3A_437] {strides = array<i32>} : memref<512x64xf32, #tpu.memory_space<vmem>>, vector<16xf32>,
        %parallel_loop3A_439 = arith.index_cast %parallel_loop3A_403 : i32 to index
        %parallel_loop3A_440 = arith.constant 32 : index
        %parallel_loop3A_441 = tpu.vector_load %arg14[%parallel_loop3A_439, %parallel_loop3A_440] {strides = array<i32>} : memref<512x64xf32, #tpu.memory_space<vmem>>, vector<16xf32>,
        %parallel_loop3A_442 = arith.addf %parallel_loop3A_438, %parallel_loop3A_441 : vector<16xf32>
        %parallel_loop3A_443 = arith.constant 64 : i32
        %parallel_loop3A_444 = arith.muli %parallel_loop3A_401, %parallel_loop3A_443 : i32
        %parallel_loop3A_445 = arith.constant 32 : i32
        %parallel_loop3A_446 = arith.addi %parallel_loop3A_444, %parallel_loop3A_445 : i32
        %parallel_loop3A_447 = arith.index_cast %parallel_loop3A_446 : i32 to index
        %parallel_loop3A_448 = tpu.vector_load %arg13[%parallel_loop3A_447] {strides = array<i32>} : memref<16384xf32, #tpu.memory_space<vmem>>, vector<16xf32>,
        tpu.vector_store %arg13[%parallel_loop3A_447], %parallel_loop3A_442 {strides = array<i32>} : memref<16384xf32, #tpu.memory_space<vmem>>, vector<16xf32>,
        %parallel_loop3A_449 = arith.constant 4 : i32
        %parallel_loop3A_450 = arith.addi %parallel_loop3A_141, %parallel_loop3A_449 : i32
        %parallel_loop3A_451 = arith.index_cast %parallel_loop3A_450 : i32 to index
        %parallel_loop3A_452 = arith.constant 48 : index
        %parallel_loop3A_453 = tpu.vector_load %arg11[%parallel_loop3A_451, %parallel_loop3A_452] {strides = array<i32>} : memref<512x64xf32, #tpu.memory_space<vmem>>, vector<16xf32>,
        %parallel_loop3A_454 = arith.index_cast %parallel_loop3A_403 : i32 to index
        %parallel_loop3A_455 = arith.constant 48 : index
        %parallel_loop3A_456 = tpu.vector_load %arg14[%parallel_loop3A_454, %parallel_loop3A_455] {strides = array<i32>} : memref<512x64xf32, #tpu.memory_space<vmem>>, vector<16xf32>,
        %parallel_loop3A_457 = arith.addf %parallel_loop3A_453, %parallel_loop3A_456 : vector<16xf32>
        %parallel_loop3A_458 = arith.constant 64 : i32
        %parallel_loop3A_459 = arith.muli %parallel_loop3A_401, %parallel_loop3A_458 : i32
        %parallel_loop3A_460 = arith.constant 48 : i32
        %parallel_loop3A_461 = arith.addi %parallel_loop3A_459, %parallel_loop3A_460 : i32
        %parallel_loop3A_462 = arith.index_cast %parallel_loop3A_461 : i32 to index
        %parallel_loop3A_463 = tpu.vector_load %arg13[%parallel_loop3A_462] {strides = array<i32>} : memref<16384xf32, #tpu.memory_space<vmem>>, vector<16xf32>,
        tpu.vector_store %arg13[%parallel_loop3A_462], %parallel_loop3A_457 {strides = array<i32>} : memref<16384xf32, #tpu.memory_space<vmem>>, vector<16xf32>,
        %parallel_loop3A_464 = arith.constant 5 : i32
        %parallel_loop3A_465 = arith.addi %parallel_loop3A_139, %parallel_loop3A_464 : i32
        %parallel_loop3A_466 = vector.extract_strided_slice %parallel_loop3A_143 {offsets = [5], sizes = [1], strides = [1]} : vector<16xi32> to vector<1xi32>
        %parallel_loop3A_467 = vector.extract %parallel_loop3A_466[0] : i32 from vector<1xi32>
        %parallel_loop3A_468 = arith.constant 5 : i32
        %parallel_loop3A_469 = arith.addi %parallel_loop3A_141, %parallel_loop3A_468 : i32
        %parallel_loop3A_470 = arith.index_cast %parallel_loop3A_469 : i32 to index
        %parallel_loop3A_471 = arith.constant 0 : index
        %parallel_loop3A_472 = tpu.vector_load %arg11[%parallel_loop3A_470, %parallel_loop3A_471] {strides = array<i32>} : memref<512x64xf32, #tpu.memory_space<vmem>>, vector<16xf32>,
        %parallel_loop3A_473 = arith.index_cast %parallel_loop3A_467 : i32 to index
        %parallel_loop3A_474 = arith.constant 0 : index
        %parallel_loop3A_475 = tpu.vector_load %arg14[%parallel_loop3A_473, %parallel_loop3A_474] {strides = array<i32>} : memref<512x64xf32, #tpu.memory_space<vmem>>, vector<16xf32>,
        %parallel_loop3A_476 = arith.addf %parallel_loop3A_472, %parallel_loop3A_475 : vector<16xf32>
        %parallel_loop3A_477 = arith.constant 64 : i32
        %parallel_loop3A_478 = arith.muli %parallel_loop3A_465, %parallel_loop3A_477 : i32
        %parallel_loop3A_479 = arith.constant 0 : i32
        %parallel_loop3A_480 = arith.addi %parallel_loop3A_478, %parallel_loop3A_479 : i32
        %parallel_loop3A_481 = arith.index_cast %parallel_loop3A_480 : i32 to index
        %parallel_loop3A_482 = tpu.vector_load %arg13[%parallel_loop3A_481] {strides = array<i32>} : memref<16384xf32, #tpu.memory_space<vmem>>, vector<16xf32>,
        tpu.vector_store %arg13[%parallel_loop3A_481], %parallel_loop3A_476 {strides = array<i32>} : memref<16384xf32, #tpu.memory_space<vmem>>, vector<16xf32>,
        %parallel_loop3A_483 = arith.constant 5 : i32
        %parallel_loop3A_484 = arith.addi %parallel_loop3A_141, %parallel_loop3A_483 : i32
        %parallel_loop3A_485 = arith.index_cast %parallel_loop3A_484 : i32 to index
        %parallel_loop3A_486 = arith.constant 16 : index
        %parallel_loop3A_487 = tpu.vector_load %arg11[%parallel_loop3A_485, %parallel_loop3A_486] {strides = array<i32>} : memref<512x64xf32, #tpu.memory_space<vmem>>, vector<16xf32>,
        %parallel_loop3A_488 = arith.index_cast %parallel_loop3A_467 : i32 to index
        %parallel_loop3A_489 = arith.constant 16 : index
        %parallel_loop3A_490 = tpu.vector_load %arg14[%parallel_loop3A_488, %parallel_loop3A_489] {strides = array<i32>} : memref<512x64xf32, #tpu.memory_space<vmem>>, vector<16xf32>,
        %parallel_loop3A_491 = arith.addf %parallel_loop3A_487, %parallel_loop3A_490 : vector<16xf32>
        %parallel_loop3A_492 = arith.constant 64 : i32
        %parallel_loop3A_493 = arith.muli %parallel_loop3A_465, %parallel_loop3A_492 : i32
        %parallel_loop3A_494 = arith.constant 16 : i32
        %parallel_loop3A_495 = arith.addi %parallel_loop3A_493, %parallel_loop3A_494 : i32
        %parallel_loop3A_496 = arith.index_cast %parallel_loop3A_495 : i32 to index
        %parallel_loop3A_497 = tpu.vector_load %arg13[%parallel_loop3A_496] {strides = array<i32>} : memref<16384xf32, #tpu.memory_space<vmem>>, vector<16xf32>,
        tpu.vector_store %arg13[%parallel_loop3A_496], %parallel_loop3A_491 {strides = array<i32>} : memref<16384xf32, #tpu.memory_space<vmem>>, vector<16xf32>,
        %parallel_loop3A_498 = arith.constant 5 : i32
        %parallel_loop3A_499 = arith.addi %parallel_loop3A_141, %parallel_loop3A_498 : i32
        %parallel_loop3A_500 = arith.index_cast %parallel_loop3A_499 : i32 to index
        %parallel_loop3A_501 = arith.constant 32 : index
        %parallel_loop3A_502 = tpu.vector_load %arg11[%parallel_loop3A_500, %parallel_loop3A_501] {strides = array<i32>} : memref<512x64xf32, #tpu.memory_space<vmem>>, vector<16xf32>,
        %parallel_loop3A_503 = arith.index_cast %parallel_loop3A_467 : i32 to index
        %parallel_loop3A_504 = arith.constant 32 : index
        %parallel_loop3A_505 = tpu.vector_load %arg14[%parallel_loop3A_503, %parallel_loop3A_504] {strides = array<i32>} : memref<512x64xf32, #tpu.memory_space<vmem>>, vector<16xf32>,
        %parallel_loop3A_506 = arith.addf %parallel_loop3A_502, %parallel_loop3A_505 : vector<16xf32>
        %parallel_loop3A_507 = arith.constant 64 : i32
        %parallel_loop3A_508 = arith.muli %parallel_loop3A_465, %parallel_loop3A_507 : i32
        %parallel_loop3A_509 = arith.constant 32 : i32
        %parallel_loop3A_510 = arith.addi %parallel_loop3A_508, %parallel_loop3A_509 : i32
        %parallel_loop3A_511 = arith.index_cast %parallel_loop3A_510 : i32 to index
        %parallel_loop3A_512 = tpu.vector_load %arg13[%parallel_loop3A_511] {strides = array<i32>} : memref<16384xf32, #tpu.memory_space<vmem>>, vector<16xf32>,
        tpu.vector_store %arg13[%parallel_loop3A_511], %parallel_loop3A_506 {strides = array<i32>} : memref<16384xf32, #tpu.memory_space<vmem>>, vector<16xf32>,
        %parallel_loop3A_513 = arith.constant 5 : i32
        %parallel_loop3A_514 = arith.addi %parallel_loop3A_141, %parallel_loop3A_513 : i32
        %parallel_loop3A_515 = arith.index_cast %parallel_loop3A_514 : i32 to index
        %parallel_loop3A_516 = arith.constant 48 : index
        %parallel_loop3A_517 = tpu.vector_load %arg11[%parallel_loop3A_515, %parallel_loop3A_516] {strides = array<i32>} : memref<512x64xf32, #tpu.memory_space<vmem>>, vector<16xf32>,
        %parallel_loop3A_518 = arith.index_cast %parallel_loop3A_467 : i32 to index
        %parallel_loop3A_519 = arith.constant 48 : index
        %parallel_loop3A_520 = tpu.vector_load %arg14[%parallel_loop3A_518, %parallel_loop3A_519] {strides = array<i32>} : memref<512x64xf32, #tpu.memory_space<vmem>>, vector<16xf32>,
        %parallel_loop3A_521 = arith.addf %parallel_loop3A_517, %parallel_loop3A_520 : vector<16xf32>
        %parallel_loop3A_522 = arith.constant 64 : i32
        %parallel_loop3A_523 = arith.muli %parallel_loop3A_465, %parallel_loop3A_522 : i32
        %parallel_loop3A_524 = arith.constant 48 : i32
        %parallel_loop3A_525 = arith.addi %parallel_loop3A_523, %parallel_loop3A_524 : i32
        %parallel_loop3A_526 = arith.index_cast %parallel_loop3A_525 : i32 to index
        %parallel_loop3A_527 = tpu.vector_load %arg13[%parallel_loop3A_526] {strides = array<i32>} : memref<16384xf32, #tpu.memory_space<vmem>>, vector<16xf32>,
        tpu.vector_store %arg13[%parallel_loop3A_526], %parallel_loop3A_521 {strides = array<i32>} : memref<16384xf32, #tpu.memory_space<vmem>>, vector<16xf32>,
        %parallel_loop3A_528 = arith.constant 6 : i32
        %parallel_loop3A_529 = arith.addi %parallel_loop3A_139, %parallel_loop3A_528 : i32
        %parallel_loop3A_530 = vector.extract_strided_slice %parallel_loop3A_143 {offsets = [6], sizes = [1], strides = [1]} : vector<16xi32> to vector<1xi32>
        %parallel_loop3A_531 = vector.extract %parallel_loop3A_530[0] : i32 from vector<1xi32>
        %parallel_loop3A_532 = arith.constant 6 : i32
        %parallel_loop3A_533 = arith.addi %parallel_loop3A_141, %parallel_loop3A_532 : i32
        %parallel_loop3A_534 = arith.index_cast %parallel_loop3A_533 : i32 to index
        %parallel_loop3A_535 = arith.constant 0 : index
        %parallel_loop3A_536 = tpu.vector_load %arg11[%parallel_loop3A_534, %parallel_loop3A_535] {strides = array<i32>} : memref<512x64xf32, #tpu.memory_space<vmem>>, vector<16xf32>,
        %parallel_loop3A_537 = arith.index_cast %parallel_loop3A_531 : i32 to index
        %parallel_loop3A_538 = arith.constant 0 : index
        %parallel_loop3A_539 = tpu.vector_load %arg14[%parallel_loop3A_537, %parallel_loop3A_538] {strides = array<i32>} : memref<512x64xf32, #tpu.memory_space<vmem>>, vector<16xf32>,
        %parallel_loop3A_540 = arith.addf %parallel_loop3A_536, %parallel_loop3A_539 : vector<16xf32>
        %parallel_loop3A_541 = arith.constant 64 : i32
        %parallel_loop3A_542 = arith.muli %parallel_loop3A_529, %parallel_loop3A_541 : i32
        %parallel_loop3A_543 = arith.constant 0 : i32
        %parallel_loop3A_544 = arith.addi %parallel_loop3A_542, %parallel_loop3A_543 : i32
        %parallel_loop3A_545 = arith.index_cast %parallel_loop3A_544 : i32 to index
        %parallel_loop3A_546 = tpu.vector_load %arg13[%parallel_loop3A_545] {strides = array<i32>} : memref<16384xf32, #tpu.memory_space<vmem>>, vector<16xf32>,
        tpu.vector_store %arg13[%parallel_loop3A_545], %parallel_loop3A_540 {strides = array<i32>} : memref<16384xf32, #tpu.memory_space<vmem>>, vector<16xf32>,
        %parallel_loop3A_547 = arith.constant 6 : i32
        %parallel_loop3A_548 = arith.addi %parallel_loop3A_141, %parallel_loop3A_547 : i32
        %parallel_loop3A_549 = arith.index_cast %parallel_loop3A_548 : i32 to index
        %parallel_loop3A_550 = arith.constant 16 : index
        %parallel_loop3A_551 = tpu.vector_load %arg11[%parallel_loop3A_549, %parallel_loop3A_550] {strides = array<i32>} : memref<512x64xf32, #tpu.memory_space<vmem>>, vector<16xf32>,
        %parallel_loop3A_552 = arith.index_cast %parallel_loop3A_531 : i32 to index
        %parallel_loop3A_553 = arith.constant 16 : index
        %parallel_loop3A_554 = tpu.vector_load %arg14[%parallel_loop3A_552, %parallel_loop3A_553] {strides = array<i32>} : memref<512x64xf32, #tpu.memory_space<vmem>>, vector<16xf32>,
        %parallel_loop3A_555 = arith.addf %parallel_loop3A_551, %parallel_loop3A_554 : vector<16xf32>
        %parallel_loop3A_556 = arith.constant 64 : i32
        %parallel_loop3A_557 = arith.muli %parallel_loop3A_529, %parallel_loop3A_556 : i32
        %parallel_loop3A_558 = arith.constant 16 : i32
        %parallel_loop3A_559 = arith.addi %parallel_loop3A_557, %parallel_loop3A_558 : i32
        %parallel_loop3A_560 = arith.index_cast %parallel_loop3A_559 : i32 to index
        %parallel_loop3A_561 = tpu.vector_load %arg13[%parallel_loop3A_560] {strides = array<i32>} : memref<16384xf32, #tpu.memory_space<vmem>>, vector<16xf32>,
        tpu.vector_store %arg13[%parallel_loop3A_560], %parallel_loop3A_555 {strides = array<i32>} : memref<16384xf32, #tpu.memory_space<vmem>>, vector<16xf32>,
        %parallel_loop3A_562 = arith.constant 6 : i32
        %parallel_loop3A_563 = arith.addi %parallel_loop3A_141, %parallel_loop3A_562 : i32
        %parallel_loop3A_564 = arith.index_cast %parallel_loop3A_563 : i32 to index
        %parallel_loop3A_565 = arith.constant 32 : index
        %parallel_loop3A_566 = tpu.vector_load %arg11[%parallel_loop3A_564, %parallel_loop3A_565] {strides = array<i32>} : memref<512x64xf32, #tpu.memory_space<vmem>>, vector<16xf32>,
        %parallel_loop3A_567 = arith.index_cast %parallel_loop3A_531 : i32 to index
        %parallel_loop3A_568 = arith.constant 32 : index
        %parallel_loop3A_569 = tpu.vector_load %arg14[%parallel_loop3A_567, %parallel_loop3A_568] {strides = array<i32>} : memref<512x64xf32, #tpu.memory_space<vmem>>, vector<16xf32>,
        %parallel_loop3A_570 = arith.addf %parallel_loop3A_566, %parallel_loop3A_569 : vector<16xf32>
        %parallel_loop3A_571 = arith.constant 64 : i32
        %parallel_loop3A_572 = arith.muli %parallel_loop3A_529, %parallel_loop3A_571 : i32
        %parallel_loop3A_573 = arith.constant 32 : i32
        %parallel_loop3A_574 = arith.addi %parallel_loop3A_572, %parallel_loop3A_573 : i32
        %parallel_loop3A_575 = arith.index_cast %parallel_loop3A_574 : i32 to index
        %parallel_loop3A_576 = tpu.vector_load %arg13[%parallel_loop3A_575] {strides = array<i32>} : memref<16384xf32, #tpu.memory_space<vmem>>, vector<16xf32>,
        tpu.vector_store %arg13[%parallel_loop3A_575], %parallel_loop3A_570 {strides = array<i32>} : memref<16384xf32, #tpu.memory_space<vmem>>, vector<16xf32>,
        %parallel_loop3A_577 = arith.constant 6 : i32
        %parallel_loop3A_578 = arith.addi %parallel_loop3A_141, %parallel_loop3A_577 : i32
        %parallel_loop3A_579 = arith.index_cast %parallel_loop3A_578 : i32 to index
        %parallel_loop3A_580 = arith.constant 48 : index
        %parallel_loop3A_581 = tpu.vector_load %arg11[%parallel_loop3A_579, %parallel_loop3A_580] {strides = array<i32>} : memref<512x64xf32, #tpu.memory_space<vmem>>, vector<16xf32>,
        %parallel_loop3A_582 = arith.index_cast %parallel_loop3A_531 : i32 to index
        %parallel_loop3A_583 = arith.constant 48 : index
        %parallel_loop3A_584 = tpu.vector_load %arg14[%parallel_loop3A_582, %parallel_loop3A_583] {strides = array<i32>} : memref<512x64xf32, #tpu.memory_space<vmem>>, vector<16xf32>,
        %parallel_loop3A_585 = arith.addf %parallel_loop3A_581, %parallel_loop3A_584 : vector<16xf32>
        %parallel_loop3A_586 = arith.constant 64 : i32
        %parallel_loop3A_587 = arith.muli %parallel_loop3A_529, %parallel_loop3A_586 : i32
        %parallel_loop3A_588 = arith.constant 48 : i32
        %parallel_loop3A_589 = arith.addi %parallel_loop3A_587, %parallel_loop3A_588 : i32
        %parallel_loop3A_590 = arith.index_cast %parallel_loop3A_589 : i32 to index
        %parallel_loop3A_591 = tpu.vector_load %arg13[%parallel_loop3A_590] {strides = array<i32>} : memref<16384xf32, #tpu.memory_space<vmem>>, vector<16xf32>,
        tpu.vector_store %arg13[%parallel_loop3A_590], %parallel_loop3A_585 {strides = array<i32>} : memref<16384xf32, #tpu.memory_space<vmem>>, vector<16xf32>,
        %parallel_loop3A_592 = arith.constant 7 : i32
        %parallel_loop3A_593 = arith.addi %parallel_loop3A_139, %parallel_loop3A_592 : i32
        %parallel_loop3A_594 = vector.extract_strided_slice %parallel_loop3A_143 {offsets = [7], sizes = [1], strides = [1]} : vector<16xi32> to vector<1xi32>
        %parallel_loop3A_595 = vector.extract %parallel_loop3A_594[0] : i32 from vector<1xi32>
        %parallel_loop3A_596 = arith.constant 7 : i32
        %parallel_loop3A_597 = arith.addi %parallel_loop3A_141, %parallel_loop3A_596 : i32
        %parallel_loop3A_598 = arith.index_cast %parallel_loop3A_597 : i32 to index
        %parallel_loop3A_599 = arith.constant 0 : index
        %parallel_loop3A_600 = tpu.vector_load %arg11[%parallel_loop3A_598, %parallel_loop3A_599] {strides = array<i32>} : memref<512x64xf32, #tpu.memory_space<vmem>>, vector<16xf32>,
        %parallel_loop3A_601 = arith.index_cast %parallel_loop3A_595 : i32 to index
        %parallel_loop3A_602 = arith.constant 0 : index
        %parallel_loop3A_603 = tpu.vector_load %arg14[%parallel_loop3A_601, %parallel_loop3A_602] {strides = array<i32>} : memref<512x64xf32, #tpu.memory_space<vmem>>, vector<16xf32>,
        %parallel_loop3A_604 = arith.addf %parallel_loop3A_600, %parallel_loop3A_603 : vector<16xf32>
        %parallel_loop3A_605 = arith.constant 64 : i32
        %parallel_loop3A_606 = arith.muli %parallel_loop3A_593, %parallel_loop3A_605 : i32
        %parallel_loop3A_607 = arith.constant 0 : i32
        %parallel_loop3A_608 = arith.addi %parallel_loop3A_606, %parallel_loop3A_607 : i32
        %parallel_loop3A_609 = arith.index_cast %parallel_loop3A_608 : i32 to index
        %parallel_loop3A_610 = tpu.vector_load %arg13[%parallel_loop3A_609] {strides = array<i32>} : memref<16384xf32, #tpu.memory_space<vmem>>, vector<16xf32>,
        tpu.vector_store %arg13[%parallel_loop3A_609], %parallel_loop3A_604 {strides = array<i32>} : memref<16384xf32, #tpu.memory_space<vmem>>, vector<16xf32>,
        %parallel_loop3A_611 = arith.constant 7 : i32
        %parallel_loop3A_612 = arith.addi %parallel_loop3A_141, %parallel_loop3A_611 : i32
        %parallel_loop3A_613 = arith.index_cast %parallel_loop3A_612 : i32 to index
        %parallel_loop3A_614 = arith.constant 16 : index
        %parallel_loop3A_615 = tpu.vector_load %arg11[%parallel_loop3A_613, %parallel_loop3A_614] {strides = array<i32>} : memref<512x64xf32, #tpu.memory_space<vmem>>, vector<16xf32>,
        %parallel_loop3A_616 = arith.index_cast %parallel_loop3A_595 : i32 to index
        %parallel_loop3A_617 = arith.constant 16 : index
        %parallel_loop3A_618 = tpu.vector_load %arg14[%parallel_loop3A_616, %parallel_loop3A_617] {strides = array<i32>} : memref<512x64xf32, #tpu.memory_space<vmem>>, vector<16xf32>,
        %parallel_loop3A_619 = arith.addf %parallel_loop3A_615, %parallel_loop3A_618 : vector<16xf32>
        %parallel_loop3A_620 = arith.constant 64 : i32
        %parallel_loop3A_621 = arith.muli %parallel_loop3A_593, %parallel_loop3A_620 : i32
        %parallel_loop3A_622 = arith.constant 16 : i32
        %parallel_loop3A_623 = arith.addi %parallel_loop3A_621, %parallel_loop3A_622 : i32
        %parallel_loop3A_624 = arith.index_cast %parallel_loop3A_623 : i32 to index
        %parallel_loop3A_625 = tpu.vector_load %arg13[%parallel_loop3A_624] {strides = array<i32>} : memref<16384xf32, #tpu.memory_space<vmem>>, vector<16xf32>,
        tpu.vector_store %arg13[%parallel_loop3A_624], %parallel_loop3A_619 {strides = array<i32>} : memref<16384xf32, #tpu.memory_space<vmem>>, vector<16xf32>,
        %parallel_loop3A_626 = arith.constant 7 : i32
        %parallel_loop3A_627 = arith.addi %parallel_loop3A_141, %parallel_loop3A_626 : i32
        %parallel_loop3A_628 = arith.index_cast %parallel_loop3A_627 : i32 to index
        %parallel_loop3A_629 = arith.constant 32 : index
        %parallel_loop3A_630 = tpu.vector_load %arg11[%parallel_loop3A_628, %parallel_loop3A_629] {strides = array<i32>} : memref<512x64xf32, #tpu.memory_space<vmem>>, vector<16xf32>,
        %parallel_loop3A_631 = arith.index_cast %parallel_loop3A_595 : i32 to index
        %parallel_loop3A_632 = arith.constant 32 : index
        %parallel_loop3A_633 = tpu.vector_load %arg14[%parallel_loop3A_631, %parallel_loop3A_632] {strides = array<i32>} : memref<512x64xf32, #tpu.memory_space<vmem>>, vector<16xf32>,
        %parallel_loop3A_634 = arith.addf %parallel_loop3A_630, %parallel_loop3A_633 : vector<16xf32>
        %parallel_loop3A_635 = arith.constant 64 : i32
        %parallel_loop3A_636 = arith.muli %parallel_loop3A_593, %parallel_loop3A_635 : i32
        %parallel_loop3A_637 = arith.constant 32 : i32
        %parallel_loop3A_638 = arith.addi %parallel_loop3A_636, %parallel_loop3A_637 : i32
        %parallel_loop3A_639 = arith.index_cast %parallel_loop3A_638 : i32 to index
        %parallel_loop3A_640 = tpu.vector_load %arg13[%parallel_loop3A_639] {strides = array<i32>} : memref<16384xf32, #tpu.memory_space<vmem>>, vector<16xf32>,
        tpu.vector_store %arg13[%parallel_loop3A_639], %parallel_loop3A_634 {strides = array<i32>} : memref<16384xf32, #tpu.memory_space<vmem>>, vector<16xf32>,
        %parallel_loop3A_641 = arith.constant 7 : i32
        %parallel_loop3A_642 = arith.addi %parallel_loop3A_141, %parallel_loop3A_641 : i32
        %parallel_loop3A_643 = arith.index_cast %parallel_loop3A_642 : i32 to index
        %parallel_loop3A_644 = arith.constant 48 : index
        %parallel_loop3A_645 = tpu.vector_load %arg11[%parallel_loop3A_643, %parallel_loop3A_644] {strides = array<i32>} : memref<512x64xf32, #tpu.memory_space<vmem>>, vector<16xf32>,
        %parallel_loop3A_646 = arith.index_cast %parallel_loop3A_595 : i32 to index
        %parallel_loop3A_647 = arith.constant 48 : index
        %parallel_loop3A_648 = tpu.vector_load %arg14[%parallel_loop3A_646, %parallel_loop3A_647] {strides = array<i32>} : memref<512x64xf32, #tpu.memory_space<vmem>>, vector<16xf32>,
        %parallel_loop3A_649 = arith.addf %parallel_loop3A_645, %parallel_loop3A_648 : vector<16xf32>
        %parallel_loop3A_650 = arith.constant 64 : i32
        %parallel_loop3A_651 = arith.muli %parallel_loop3A_593, %parallel_loop3A_650 : i32
        %parallel_loop3A_652 = arith.constant 48 : i32
        %parallel_loop3A_653 = arith.addi %parallel_loop3A_651, %parallel_loop3A_652 : i32
        %parallel_loop3A_654 = arith.index_cast %parallel_loop3A_653 : i32 to index
        %parallel_loop3A_655 = tpu.vector_load %arg13[%parallel_loop3A_654] {strides = array<i32>} : memref<16384xf32, #tpu.memory_space<vmem>>, vector<16xf32>,
        tpu.vector_store %arg13[%parallel_loop3A_654], %parallel_loop3A_649 {strides = array<i32>} : memref<16384xf32, #tpu.memory_space<vmem>>, vector<16xf32>,
        %parallel_loop3A_656 = arith.constant 8 : i32
        %parallel_loop3A_657 = arith.addi %parallel_loop3A_139, %parallel_loop3A_656 : i32
        %parallel_loop3A_658 = vector.extract_strided_slice %parallel_loop3A_143 {offsets = [8], sizes = [1], strides = [1]} : vector<16xi32> to vector<1xi32>
        %parallel_loop3A_659 = vector.extract %parallel_loop3A_658[0] : i32 from vector<1xi32>
        %parallel_loop3A_660 = arith.constant 8 : i32
        %parallel_loop3A_661 = arith.addi %parallel_loop3A_141, %parallel_loop3A_660 : i32
        %parallel_loop3A_662 = arith.index_cast %parallel_loop3A_661 : i32 to index
        %parallel_loop3A_663 = arith.constant 0 : index
        %parallel_loop3A_664 = tpu.vector_load %arg11[%parallel_loop3A_662, %parallel_loop3A_663] {strides = array<i32>} : memref<512x64xf32, #tpu.memory_space<vmem>>, vector<16xf32>,
        %parallel_loop3A_665 = arith.index_cast %parallel_loop3A_659 : i32 to index
        %parallel_loop3A_666 = arith.constant 0 : index
        %parallel_loop3A_667 = tpu.vector_load %arg14[%parallel_loop3A_665, %parallel_loop3A_666] {strides = array<i32>} : memref<512x64xf32, #tpu.memory_space<vmem>>, vector<16xf32>,
        %parallel_loop3A_668 = arith.addf %parallel_loop3A_664, %parallel_loop3A_667 : vector<16xf32>
        %parallel_loop3A_669 = arith.constant 64 : i32
        %parallel_loop3A_670 = arith.muli %parallel_loop3A_657, %parallel_loop3A_669 : i32
        %parallel_loop3A_671 = arith.constant 0 : i32
        %parallel_loop3A_672 = arith.addi %parallel_loop3A_670, %parallel_loop3A_671 : i32
        %parallel_loop3A_673 = arith.index_cast %parallel_loop3A_672 : i32 to index
        %parallel_loop3A_674 = tpu.vector_load %arg13[%parallel_loop3A_673] {strides = array<i32>} : memref<16384xf32, #tpu.memory_space<vmem>>, vector<16xf32>,
        tpu.vector_store %arg13[%parallel_loop3A_673], %parallel_loop3A_668 {strides = array<i32>} : memref<16384xf32, #tpu.memory_space<vmem>>, vector<16xf32>,
        %parallel_loop3A_675 = arith.constant 8 : i32
        %parallel_loop3A_676 = arith.addi %parallel_loop3A_141, %parallel_loop3A_675 : i32
        %parallel_loop3A_677 = arith.index_cast %parallel_loop3A_676 : i32 to index
        %parallel_loop3A_678 = arith.constant 16 : index
        %parallel_loop3A_679 = tpu.vector_load %arg11[%parallel_loop3A_677, %parallel_loop3A_678] {strides = array<i32>} : memref<512x64xf32, #tpu.memory_space<vmem>>, vector<16xf32>,
        %parallel_loop3A_680 = arith.index_cast %parallel_loop3A_659 : i32 to index
        %parallel_loop3A_681 = arith.constant 16 : index
        %parallel_loop3A_682 = tpu.vector_load %arg14[%parallel_loop3A_680, %parallel_loop3A_681] {strides = array<i32>} : memref<512x64xf32, #tpu.memory_space<vmem>>, vector<16xf32>,
        %parallel_loop3A_683 = arith.addf %parallel_loop3A_679, %parallel_loop3A_682 : vector<16xf32>
        %parallel_loop3A_684 = arith.constant 64 : i32
        %parallel_loop3A_685 = arith.muli %parallel_loop3A_657, %parallel_loop3A_684 : i32
        %parallel_loop3A_686 = arith.constant 16 : i32
        %parallel_loop3A_687 = arith.addi %parallel_loop3A_685, %parallel_loop3A_686 : i32
        %parallel_loop3A_688 = arith.index_cast %parallel_loop3A_687 : i32 to index
        %parallel_loop3A_689 = tpu.vector_load %arg13[%parallel_loop3A_688] {strides = array<i32>} : memref<16384xf32, #tpu.memory_space<vmem>>, vector<16xf32>,
        tpu.vector_store %arg13[%parallel_loop3A_688], %parallel_loop3A_683 {strides = array<i32>} : memref<16384xf32, #tpu.memory_space<vmem>>, vector<16xf32>,
        %parallel_loop3A_690 = arith.constant 8 : i32
        %parallel_loop3A_691 = arith.addi %parallel_loop3A_141, %parallel_loop3A_690 : i32
        %parallel_loop3A_692 = arith.index_cast %parallel_loop3A_691 : i32 to index
        %parallel_loop3A_693 = arith.constant 32 : index
        %parallel_loop3A_694 = tpu.vector_load %arg11[%parallel_loop3A_692, %parallel_loop3A_693] {strides = array<i32>} : memref<512x64xf32, #tpu.memory_space<vmem>>, vector<16xf32>,
        %parallel_loop3A_695 = arith.index_cast %parallel_loop3A_659 : i32 to index
        %parallel_loop3A_696 = arith.constant 32 : index
        %parallel_loop3A_697 = tpu.vector_load %arg14[%parallel_loop3A_695, %parallel_loop3A_696] {strides = array<i32>} : memref<512x64xf32, #tpu.memory_space<vmem>>, vector<16xf32>,
        %parallel_loop3A_698 = arith.addf %parallel_loop3A_694, %parallel_loop3A_697 : vector<16xf32>
        %parallel_loop3A_699 = arith.constant 64 : i32
        %parallel_loop3A_700 = arith.muli %parallel_loop3A_657, %parallel_loop3A_699 : i32
        %parallel_loop3A_701 = arith.constant 32 : i32
        %parallel_loop3A_702 = arith.addi %parallel_loop3A_700, %parallel_loop3A_701 : i32
        %parallel_loop3A_703 = arith.index_cast %parallel_loop3A_702 : i32 to index
        %parallel_loop3A_704 = tpu.vector_load %arg13[%parallel_loop3A_703] {strides = array<i32>} : memref<16384xf32, #tpu.memory_space<vmem>>, vector<16xf32>,
        tpu.vector_store %arg13[%parallel_loop3A_703], %parallel_loop3A_698 {strides = array<i32>} : memref<16384xf32, #tpu.memory_space<vmem>>, vector<16xf32>,
        %parallel_loop3A_705 = arith.constant 8 : i32
        %parallel_loop3A_706 = arith.addi %parallel_loop3A_141, %parallel_loop3A_705 : i32
        %parallel_loop3A_707 = arith.index_cast %parallel_loop3A_706 : i32 to index
        %parallel_loop3A_708 = arith.constant 48 : index
        %parallel_loop3A_709 = tpu.vector_load %arg11[%parallel_loop3A_707, %parallel_loop3A_708] {strides = array<i32>} : memref<512x64xf32, #tpu.memory_space<vmem>>, vector<16xf32>,
        %parallel_loop3A_710 = arith.index_cast %parallel_loop3A_659 : i32 to index
        %parallel_loop3A_711 = arith.constant 48 : index
        %parallel_loop3A_712 = tpu.vector_load %arg14[%parallel_loop3A_710, %parallel_loop3A_711] {strides = array<i32>} : memref<512x64xf32, #tpu.memory_space<vmem>>, vector<16xf32>,
        %parallel_loop3A_713 = arith.addf %parallel_loop3A_709, %parallel_loop3A_712 : vector<16xf32>
        %parallel_loop3A_714 = arith.constant 64 : i32
        %parallel_loop3A_715 = arith.muli %parallel_loop3A_657, %parallel_loop3A_714 : i32
        %parallel_loop3A_716 = arith.constant 48 : i32
        %parallel_loop3A_717 = arith.addi %parallel_loop3A_715, %parallel_loop3A_716 : i32
        %parallel_loop3A_718 = arith.index_cast %parallel_loop3A_717 : i32 to index
        %parallel_loop3A_719 = tpu.vector_load %arg13[%parallel_loop3A_718] {strides = array<i32>} : memref<16384xf32, #tpu.memory_space<vmem>>, vector<16xf32>,
        tpu.vector_store %arg13[%parallel_loop3A_718], %parallel_loop3A_713 {strides = array<i32>} : memref<16384xf32, #tpu.memory_space<vmem>>, vector<16xf32>,
        %parallel_loop3A_720 = arith.constant 9 : i32
        %parallel_loop3A_721 = arith.addi %parallel_loop3A_139, %parallel_loop3A_720 : i32
        %parallel_loop3A_722 = vector.extract_strided_slice %parallel_loop3A_143 {offsets = [9], sizes = [1], strides = [1]} : vector<16xi32> to vector<1xi32>
        %parallel_loop3A_723 = vector.extract %parallel_loop3A_722[0] : i32 from vector<1xi32>
        %parallel_loop3A_724 = arith.constant 9 : i32
        %parallel_loop3A_725 = arith.addi %parallel_loop3A_141, %parallel_loop3A_724 : i32
        %parallel_loop3A_726 = arith.index_cast %parallel_loop3A_725 : i32 to index
        %parallel_loop3A_727 = arith.constant 0 : index
        %parallel_loop3A_728 = tpu.vector_load %arg11[%parallel_loop3A_726, %parallel_loop3A_727] {strides = array<i32>} : memref<512x64xf32, #tpu.memory_space<vmem>>, vector<16xf32>,
        %parallel_loop3A_729 = arith.index_cast %parallel_loop3A_723 : i32 to index
        %parallel_loop3A_730 = arith.constant 0 : index
        %parallel_loop3A_731 = tpu.vector_load %arg14[%parallel_loop3A_729, %parallel_loop3A_730] {strides = array<i32>} : memref<512x64xf32, #tpu.memory_space<vmem>>, vector<16xf32>,
        %parallel_loop3A_732 = arith.addf %parallel_loop3A_728, %parallel_loop3A_731 : vector<16xf32>
        %parallel_loop3A_733 = arith.constant 64 : i32
        %parallel_loop3A_734 = arith.muli %parallel_loop3A_721, %parallel_loop3A_733 : i32
        %parallel_loop3A_735 = arith.constant 0 : i32
        %parallel_loop3A_736 = arith.addi %parallel_loop3A_734, %parallel_loop3A_735 : i32
        %parallel_loop3A_737 = arith.index_cast %parallel_loop3A_736 : i32 to index
        %parallel_loop3A_738 = tpu.vector_load %arg13[%parallel_loop3A_737] {strides = array<i32>} : memref<16384xf32, #tpu.memory_space<vmem>>, vector<16xf32>,
        tpu.vector_store %arg13[%parallel_loop3A_737], %parallel_loop3A_732 {strides = array<i32>} : memref<16384xf32, #tpu.memory_space<vmem>>, vector<16xf32>,
        %parallel_loop3A_739 = arith.constant 9 : i32
        %parallel_loop3A_740 = arith.addi %parallel_loop3A_141, %parallel_loop3A_739 : i32
        %parallel_loop3A_741 = arith.index_cast %parallel_loop3A_740 : i32 to index
        %parallel_loop3A_742 = arith.constant 16 : index
        %parallel_loop3A_743 = tpu.vector_load %arg11[%parallel_loop3A_741, %parallel_loop3A_742] {strides = array<i32>} : memref<512x64xf32, #tpu.memory_space<vmem>>, vector<16xf32>,
        %parallel_loop3A_744 = arith.index_cast %parallel_loop3A_723 : i32 to index
        %parallel_loop3A_745 = arith.constant 16 : index
        %parallel_loop3A_746 = tpu.vector_load %arg14[%parallel_loop3A_744, %parallel_loop3A_745] {strides = array<i32>} : memref<512x64xf32, #tpu.memory_space<vmem>>, vector<16xf32>,
        %parallel_loop3A_747 = arith.addf %parallel_loop3A_743, %parallel_loop3A_746 : vector<16xf32>
        %parallel_loop3A_748 = arith.constant 64 : i32
        %parallel_loop3A_749 = arith.muli %parallel_loop3A_721, %parallel_loop3A_748 : i32
        %parallel_loop3A_750 = arith.constant 16 : i32
        %parallel_loop3A_751 = arith.addi %parallel_loop3A_749, %parallel_loop3A_750 : i32
        %parallel_loop3A_752 = arith.index_cast %parallel_loop3A_751 : i32 to index
        %parallel_loop3A_753 = tpu.vector_load %arg13[%parallel_loop3A_752] {strides = array<i32>} : memref<16384xf32, #tpu.memory_space<vmem>>, vector<16xf32>,
        tpu.vector_store %arg13[%parallel_loop3A_752], %parallel_loop3A_747 {strides = array<i32>} : memref<16384xf32, #tpu.memory_space<vmem>>, vector<16xf32>,
        %parallel_loop3A_754 = arith.constant 9 : i32
        %parallel_loop3A_755 = arith.addi %parallel_loop3A_141, %parallel_loop3A_754 : i32
        %parallel_loop3A_756 = arith.index_cast %parallel_loop3A_755 : i32 to index
        %parallel_loop3A_757 = arith.constant 32 : index
        %parallel_loop3A_758 = tpu.vector_load %arg11[%parallel_loop3A_756, %parallel_loop3A_757] {strides = array<i32>} : memref<512x64xf32, #tpu.memory_space<vmem>>, vector<16xf32>,
        %parallel_loop3A_759 = arith.index_cast %parallel_loop3A_723 : i32 to index
        %parallel_loop3A_760 = arith.constant 32 : index
        %parallel_loop3A_761 = tpu.vector_load %arg14[%parallel_loop3A_759, %parallel_loop3A_760] {strides = array<i32>} : memref<512x64xf32, #tpu.memory_space<vmem>>, vector<16xf32>,
        %parallel_loop3A_762 = arith.addf %parallel_loop3A_758, %parallel_loop3A_761 : vector<16xf32>
        %parallel_loop3A_763 = arith.constant 64 : i32
        %parallel_loop3A_764 = arith.muli %parallel_loop3A_721, %parallel_loop3A_763 : i32
        %parallel_loop3A_765 = arith.constant 32 : i32
        %parallel_loop3A_766 = arith.addi %parallel_loop3A_764, %parallel_loop3A_765 : i32
        %parallel_loop3A_767 = arith.index_cast %parallel_loop3A_766 : i32 to index
        %parallel_loop3A_768 = tpu.vector_load %arg13[%parallel_loop3A_767] {strides = array<i32>} : memref<16384xf32, #tpu.memory_space<vmem>>, vector<16xf32>,
        tpu.vector_store %arg13[%parallel_loop3A_767], %parallel_loop3A_762 {strides = array<i32>} : memref<16384xf32, #tpu.memory_space<vmem>>, vector<16xf32>,
        %parallel_loop3A_769 = arith.constant 9 : i32
        %parallel_loop3A_770 = arith.addi %parallel_loop3A_141, %parallel_loop3A_769 : i32
        %parallel_loop3A_771 = arith.index_cast %parallel_loop3A_770 : i32 to index
        %parallel_loop3A_772 = arith.constant 48 : index
        %parallel_loop3A_773 = tpu.vector_load %arg11[%parallel_loop3A_771, %parallel_loop3A_772] {strides = array<i32>} : memref<512x64xf32, #tpu.memory_space<vmem>>, vector<16xf32>,
        %parallel_loop3A_774 = arith.index_cast %parallel_loop3A_723 : i32 to index
        %parallel_loop3A_775 = arith.constant 48 : index
        %parallel_loop3A_776 = tpu.vector_load %arg14[%parallel_loop3A_774, %parallel_loop3A_775] {strides = array<i32>} : memref<512x64xf32, #tpu.memory_space<vmem>>, vector<16xf32>,
        %parallel_loop3A_777 = arith.addf %parallel_loop3A_773, %parallel_loop3A_776 : vector<16xf32>
        %parallel_loop3A_778 = arith.constant 64 : i32
        %parallel_loop3A_779 = arith.muli %parallel_loop3A_721, %parallel_loop3A_778 : i32
        %parallel_loop3A_780 = arith.constant 48 : i32
        %parallel_loop3A_781 = arith.addi %parallel_loop3A_779, %parallel_loop3A_780 : i32
        %parallel_loop3A_782 = arith.index_cast %parallel_loop3A_781 : i32 to index
        %parallel_loop3A_783 = tpu.vector_load %arg13[%parallel_loop3A_782] {strides = array<i32>} : memref<16384xf32, #tpu.memory_space<vmem>>, vector<16xf32>,
        tpu.vector_store %arg13[%parallel_loop3A_782], %parallel_loop3A_777 {strides = array<i32>} : memref<16384xf32, #tpu.memory_space<vmem>>, vector<16xf32>,
        %parallel_loop3A_784 = arith.constant 10 : i32
        %parallel_loop3A_785 = arith.addi %parallel_loop3A_139, %parallel_loop3A_784 : i32
        %parallel_loop3A_786 = vector.extract_strided_slice %parallel_loop3A_143 {offsets = [10], sizes = [1], strides = [1]} : vector<16xi32> to vector<1xi32>
        %parallel_loop3A_787 = vector.extract %parallel_loop3A_786[0] : i32 from vector<1xi32>
        %parallel_loop3A_788 = arith.constant 10 : i32
        %parallel_loop3A_789 = arith.addi %parallel_loop3A_141, %parallel_loop3A_788 : i32
        %parallel_loop3A_790 = arith.index_cast %parallel_loop3A_789 : i32 to index
        %parallel_loop3A_791 = arith.constant 0 : index
        %parallel_loop3A_792 = tpu.vector_load %arg11[%parallel_loop3A_790, %parallel_loop3A_791] {strides = array<i32>} : memref<512x64xf32, #tpu.memory_space<vmem>>, vector<16xf32>,
        %parallel_loop3A_793 = arith.index_cast %parallel_loop3A_787 : i32 to index
        %parallel_loop3A_794 = arith.constant 0 : index
        %parallel_loop3A_795 = tpu.vector_load %arg14[%parallel_loop3A_793, %parallel_loop3A_794] {strides = array<i32>} : memref<512x64xf32, #tpu.memory_space<vmem>>, vector<16xf32>,
        %parallel_loop3A_796 = arith.addf %parallel_loop3A_792, %parallel_loop3A_795 : vector<16xf32>
        %parallel_loop3A_797 = arith.constant 64 : i32
        %parallel_loop3A_798 = arith.muli %parallel_loop3A_785, %parallel_loop3A_797 : i32
        %parallel_loop3A_799 = arith.constant 0 : i32
        %parallel_loop3A_800 = arith.addi %parallel_loop3A_798, %parallel_loop3A_799 : i32
        %parallel_loop3A_801 = arith.index_cast %parallel_loop3A_800 : i32 to index
        %parallel_loop3A_802 = tpu.vector_load %arg13[%parallel_loop3A_801] {strides = array<i32>} : memref<16384xf32, #tpu.memory_space<vmem>>, vector<16xf32>,
        tpu.vector_store %arg13[%parallel_loop3A_801], %parallel_loop3A_796 {strides = array<i32>} : memref<16384xf32, #tpu.memory_space<vmem>>, vector<16xf32>,
        %parallel_loop3A_803 = arith.constant 10 : i32
        %parallel_loop3A_804 = arith.addi %parallel_loop3A_141, %parallel_loop3A_803 : i32
        %parallel_loop3A_805 = arith.index_cast %parallel_loop3A_804 : i32 to index
        %parallel_loop3A_806 = arith.constant 16 : index
        %parallel_loop3A_807 = tpu.vector_load %arg11[%parallel_loop3A_805, %parallel_loop3A_806] {strides = array<i32>} : memref<512x64xf32, #tpu.memory_space<vmem>>, vector<16xf32>,
        %parallel_loop3A_808 = arith.index_cast %parallel_loop3A_787 : i32 to index
        %parallel_loop3A_809 = arith.constant 16 : index
        %parallel_loop3A_810 = tpu.vector_load %arg14[%parallel_loop3A_808, %parallel_loop3A_809] {strides = array<i32>} : memref<512x64xf32, #tpu.memory_space<vmem>>, vector<16xf32>,
        %parallel_loop3A_811 = arith.addf %parallel_loop3A_807, %parallel_loop3A_810 : vector<16xf32>
        %parallel_loop3A_812 = arith.constant 64 : i32
        %parallel_loop3A_813 = arith.muli %parallel_loop3A_785, %parallel_loop3A_812 : i32
        %parallel_loop3A_814 = arith.constant 16 : i32
        %parallel_loop3A_815 = arith.addi %parallel_loop3A_813, %parallel_loop3A_814 : i32
        %parallel_loop3A_816 = arith.index_cast %parallel_loop3A_815 : i32 to index
        %parallel_loop3A_817 = tpu.vector_load %arg13[%parallel_loop3A_816] {strides = array<i32>} : memref<16384xf32, #tpu.memory_space<vmem>>, vector<16xf32>,
        tpu.vector_store %arg13[%parallel_loop3A_816], %parallel_loop3A_811 {strides = array<i32>} : memref<16384xf32, #tpu.memory_space<vmem>>, vector<16xf32>,
        %parallel_loop3A_818 = arith.constant 10 : i32
        %parallel_loop3A_819 = arith.addi %parallel_loop3A_141, %parallel_loop3A_818 : i32
        %parallel_loop3A_820 = arith.index_cast %parallel_loop3A_819 : i32 to index
        %parallel_loop3A_821 = arith.constant 32 : index
        %parallel_loop3A_822 = tpu.vector_load %arg11[%parallel_loop3A_820, %parallel_loop3A_821] {strides = array<i32>} : memref<512x64xf32, #tpu.memory_space<vmem>>, vector<16xf32>,
        %parallel_loop3A_823 = arith.index_cast %parallel_loop3A_787 : i32 to index
        %parallel_loop3A_824 = arith.constant 32 : index
        %parallel_loop3A_825 = tpu.vector_load %arg14[%parallel_loop3A_823, %parallel_loop3A_824] {strides = array<i32>} : memref<512x64xf32, #tpu.memory_space<vmem>>, vector<16xf32>,
        %parallel_loop3A_826 = arith.addf %parallel_loop3A_822, %parallel_loop3A_825 : vector<16xf32>
        %parallel_loop3A_827 = arith.constant 64 : i32
        %parallel_loop3A_828 = arith.muli %parallel_loop3A_785, %parallel_loop3A_827 : i32
        %parallel_loop3A_829 = arith.constant 32 : i32
        %parallel_loop3A_830 = arith.addi %parallel_loop3A_828, %parallel_loop3A_829 : i32
        %parallel_loop3A_831 = arith.index_cast %parallel_loop3A_830 : i32 to index
        %parallel_loop3A_832 = tpu.vector_load %arg13[%parallel_loop3A_831] {strides = array<i32>} : memref<16384xf32, #tpu.memory_space<vmem>>, vector<16xf32>,
        tpu.vector_store %arg13[%parallel_loop3A_831], %parallel_loop3A_826 {strides = array<i32>} : memref<16384xf32, #tpu.memory_space<vmem>>, vector<16xf32>,
        %parallel_loop3A_833 = arith.constant 10 : i32
        %parallel_loop3A_834 = arith.addi %parallel_loop3A_141, %parallel_loop3A_833 : i32
        %parallel_loop3A_835 = arith.index_cast %parallel_loop3A_834 : i32 to index
        %parallel_loop3A_836 = arith.constant 48 : index
        %parallel_loop3A_837 = tpu.vector_load %arg11[%parallel_loop3A_835, %parallel_loop3A_836] {strides = array<i32>} : memref<512x64xf32, #tpu.memory_space<vmem>>, vector<16xf32>,
        %parallel_loop3A_838 = arith.index_cast %parallel_loop3A_787 : i32 to index
        %parallel_loop3A_839 = arith.constant 48 : index
        %parallel_loop3A_840 = tpu.vector_load %arg14[%parallel_loop3A_838, %parallel_loop3A_839] {strides = array<i32>} : memref<512x64xf32, #tpu.memory_space<vmem>>, vector<16xf32>,
        %parallel_loop3A_841 = arith.addf %parallel_loop3A_837, %parallel_loop3A_840 : vector<16xf32>
        %parallel_loop3A_842 = arith.constant 64 : i32
        %parallel_loop3A_843 = arith.muli %parallel_loop3A_785, %parallel_loop3A_842 : i32
        %parallel_loop3A_844 = arith.constant 48 : i32
        %parallel_loop3A_845 = arith.addi %parallel_loop3A_843, %parallel_loop3A_844 : i32
        %parallel_loop3A_846 = arith.index_cast %parallel_loop3A_845 : i32 to index
        %parallel_loop3A_847 = tpu.vector_load %arg13[%parallel_loop3A_846] {strides = array<i32>} : memref<16384xf32, #tpu.memory_space<vmem>>, vector<16xf32>,
        tpu.vector_store %arg13[%parallel_loop3A_846], %parallel_loop3A_841 {strides = array<i32>} : memref<16384xf32, #tpu.memory_space<vmem>>, vector<16xf32>,
        %parallel_loop3A_848 = arith.constant 11 : i32
        %parallel_loop3A_849 = arith.addi %parallel_loop3A_139, %parallel_loop3A_848 : i32
        %parallel_loop3A_850 = vector.extract_strided_slice %parallel_loop3A_143 {offsets = [11], sizes = [1], strides = [1]} : vector<16xi32> to vector<1xi32>
        %parallel_loop3A_851 = vector.extract %parallel_loop3A_850[0] : i32 from vector<1xi32>
        %parallel_loop3A_852 = arith.constant 11 : i32
        %parallel_loop3A_853 = arith.addi %parallel_loop3A_141, %parallel_loop3A_852 : i32
        %parallel_loop3A_854 = arith.index_cast %parallel_loop3A_853 : i32 to index
        %parallel_loop3A_855 = arith.constant 0 : index
        %parallel_loop3A_856 = tpu.vector_load %arg11[%parallel_loop3A_854, %parallel_loop3A_855] {strides = array<i32>} : memref<512x64xf32, #tpu.memory_space<vmem>>, vector<16xf32>,
        %parallel_loop3A_857 = arith.index_cast %parallel_loop3A_851 : i32 to index
        %parallel_loop3A_858 = arith.constant 0 : index
        %parallel_loop3A_859 = tpu.vector_load %arg14[%parallel_loop3A_857, %parallel_loop3A_858] {strides = array<i32>} : memref<512x64xf32, #tpu.memory_space<vmem>>, vector<16xf32>,
        %parallel_loop3A_860 = arith.addf %parallel_loop3A_856, %parallel_loop3A_859 : vector<16xf32>
        %parallel_loop3A_861 = arith.constant 64 : i32
        %parallel_loop3A_862 = arith.muli %parallel_loop3A_849, %parallel_loop3A_861 : i32
        %parallel_loop3A_863 = arith.constant 0 : i32
        %parallel_loop3A_864 = arith.addi %parallel_loop3A_862, %parallel_loop3A_863 : i32
        %parallel_loop3A_865 = arith.index_cast %parallel_loop3A_864 : i32 to index
        %parallel_loop3A_866 = tpu.vector_load %arg13[%parallel_loop3A_865] {strides = array<i32>} : memref<16384xf32, #tpu.memory_space<vmem>>, vector<16xf32>,
        tpu.vector_store %arg13[%parallel_loop3A_865], %parallel_loop3A_860 {strides = array<i32>} : memref<16384xf32, #tpu.memory_space<vmem>>, vector<16xf32>,
        %parallel_loop3A_867 = arith.constant 11 : i32
        %parallel_loop3A_868 = arith.addi %parallel_loop3A_141, %parallel_loop3A_867 : i32
        %parallel_loop3A_869 = arith.index_cast %parallel_loop3A_868 : i32 to index
        %parallel_loop3A_870 = arith.constant 16 : index
        %parallel_loop3A_871 = tpu.vector_load %arg11[%parallel_loop3A_869, %parallel_loop3A_870] {strides = array<i32>} : memref<512x64xf32, #tpu.memory_space<vmem>>, vector<16xf32>,
        %parallel_loop3A_872 = arith.index_cast %parallel_loop3A_851 : i32 to index
        %parallel_loop3A_873 = arith.constant 16 : index
        %parallel_loop3A_874 = tpu.vector_load %arg14[%parallel_loop3A_872, %parallel_loop3A_873] {strides = array<i32>} : memref<512x64xf32, #tpu.memory_space<vmem>>, vector<16xf32>,
        %parallel_loop3A_875 = arith.addf %parallel_loop3A_871, %parallel_loop3A_874 : vector<16xf32>
        %parallel_loop3A_876 = arith.constant 64 : i32
        %parallel_loop3A_877 = arith.muli %parallel_loop3A_849, %parallel_loop3A_876 : i32
        %parallel_loop3A_878 = arith.constant 16 : i32
        %parallel_loop3A_879 = arith.addi %parallel_loop3A_877, %parallel_loop3A_878 : i32
        %parallel_loop3A_880 = arith.index_cast %parallel_loop3A_879 : i32 to index
        %parallel_loop3A_881 = tpu.vector_load %arg13[%parallel_loop3A_880] {strides = array<i32>} : memref<16384xf32, #tpu.memory_space<vmem>>, vector<16xf32>,
        tpu.vector_store %arg13[%parallel_loop3A_880], %parallel_loop3A_875 {strides = array<i32>} : memref<16384xf32, #tpu.memory_space<vmem>>, vector<16xf32>,
        %parallel_loop3A_882 = arith.constant 11 : i32
        %parallel_loop3A_883 = arith.addi %parallel_loop3A_141, %parallel_loop3A_882 : i32
        %parallel_loop3A_884 = arith.index_cast %parallel_loop3A_883 : i32 to index
        %parallel_loop3A_885 = arith.constant 32 : index
        %parallel_loop3A_886 = tpu.vector_load %arg11[%parallel_loop3A_884, %parallel_loop3A_885] {strides = array<i32>} : memref<512x64xf32, #tpu.memory_space<vmem>>, vector<16xf32>,
        %parallel_loop3A_887 = arith.index_cast %parallel_loop3A_851 : i32 to index
        %parallel_loop3A_888 = arith.constant 32 : index
        %parallel_loop3A_889 = tpu.vector_load %arg14[%parallel_loop3A_887, %parallel_loop3A_888] {strides = array<i32>} : memref<512x64xf32, #tpu.memory_space<vmem>>, vector<16xf32>,
        %parallel_loop3A_890 = arith.addf %parallel_loop3A_886, %parallel_loop3A_889 : vector<16xf32>
        %parallel_loop3A_891 = arith.constant 64 : i32
        %parallel_loop3A_892 = arith.muli %parallel_loop3A_849, %parallel_loop3A_891 : i32
        %parallel_loop3A_893 = arith.constant 32 : i32
        %parallel_loop3A_894 = arith.addi %parallel_loop3A_892, %parallel_loop3A_893 : i32
        %parallel_loop3A_895 = arith.index_cast %parallel_loop3A_894 : i32 to index
        %parallel_loop3A_896 = tpu.vector_load %arg13[%parallel_loop3A_895] {strides = array<i32>} : memref<16384xf32, #tpu.memory_space<vmem>>, vector<16xf32>,
        tpu.vector_store %arg13[%parallel_loop3A_895], %parallel_loop3A_890 {strides = array<i32>} : memref<16384xf32, #tpu.memory_space<vmem>>, vector<16xf32>,
        %parallel_loop3A_897 = arith.constant 11 : i32
        %parallel_loop3A_898 = arith.addi %parallel_loop3A_141, %parallel_loop3A_897 : i32
        %parallel_loop3A_899 = arith.index_cast %parallel_loop3A_898 : i32 to index
        %parallel_loop3A_900 = arith.constant 48 : index
        %parallel_loop3A_901 = tpu.vector_load %arg11[%parallel_loop3A_899, %parallel_loop3A_900] {strides = array<i32>} : memref<512x64xf32, #tpu.memory_space<vmem>>, vector<16xf32>,
        %parallel_loop3A_902 = arith.index_cast %parallel_loop3A_851 : i32 to index
        %parallel_loop3A_903 = arith.constant 48 : index
        %parallel_loop3A_904 = tpu.vector_load %arg14[%parallel_loop3A_902, %parallel_loop3A_903] {strides = array<i32>} : memref<512x64xf32, #tpu.memory_space<vmem>>, vector<16xf32>,
        %parallel_loop3A_905 = arith.addf %parallel_loop3A_901, %parallel_loop3A_904 : vector<16xf32>
        %parallel_loop3A_906 = arith.constant 64 : i32
        %parallel_loop3A_907 = arith.muli %parallel_loop3A_849, %parallel_loop3A_906 : i32
        %parallel_loop3A_908 = arith.constant 48 : i32
        %parallel_loop3A_909 = arith.addi %parallel_loop3A_907, %parallel_loop3A_908 : i32
        %parallel_loop3A_910 = arith.index_cast %parallel_loop3A_909 : i32 to index
        %parallel_loop3A_911 = tpu.vector_load %arg13[%parallel_loop3A_910] {strides = array<i32>} : memref<16384xf32, #tpu.memory_space<vmem>>, vector<16xf32>,
        tpu.vector_store %arg13[%parallel_loop3A_910], %parallel_loop3A_905 {strides = array<i32>} : memref<16384xf32, #tpu.memory_space<vmem>>, vector<16xf32>,
        %parallel_loop3A_912 = arith.constant 12 : i32
        %parallel_loop3A_913 = arith.addi %parallel_loop3A_139, %parallel_loop3A_912 : i32
        %parallel_loop3A_914 = vector.extract_strided_slice %parallel_loop3A_143 {offsets = [12], sizes = [1], strides = [1]} : vector<16xi32> to vector<1xi32>
        %parallel_loop3A_915 = vector.extract %parallel_loop3A_914[0] : i32 from vector<1xi32>
        %parallel_loop3A_916 = arith.constant 12 : i32
        %parallel_loop3A_917 = arith.addi %parallel_loop3A_141, %parallel_loop3A_916 : i32
        %parallel_loop3A_918 = arith.index_cast %parallel_loop3A_917 : i32 to index
        %parallel_loop3A_919 = arith.constant 0 : index
        %parallel_loop3A_920 = tpu.vector_load %arg11[%parallel_loop3A_918, %parallel_loop3A_919] {strides = array<i32>} : memref<512x64xf32, #tpu.memory_space<vmem>>, vector<16xf32>,
        %parallel_loop3A_921 = arith.index_cast %parallel_loop3A_915 : i32 to index
        %parallel_loop3A_922 = arith.constant 0 : index
        %parallel_loop3A_923 = tpu.vector_load %arg14[%parallel_loop3A_921, %parallel_loop3A_922] {strides = array<i32>} : memref<512x64xf32, #tpu.memory_space<vmem>>, vector<16xf32>,
        %parallel_loop3A_924 = arith.addf %parallel_loop3A_920, %parallel_loop3A_923 : vector<16xf32>
        %parallel_loop3A_925 = arith.constant 64 : i32
        %parallel_loop3A_926 = arith.muli %parallel_loop3A_913, %parallel_loop3A_925 : i32
        %parallel_loop3A_927 = arith.constant 0 : i32
        %parallel_loop3A_928 = arith.addi %parallel_loop3A_926, %parallel_loop3A_927 : i32
        %parallel_loop3A_929 = arith.index_cast %parallel_loop3A_928 : i32 to index
        %parallel_loop3A_930 = tpu.vector_load %arg13[%parallel_loop3A_929] {strides = array<i32>} : memref<16384xf32, #tpu.memory_space<vmem>>, vector<16xf32>,
        tpu.vector_store %arg13[%parallel_loop3A_929], %parallel_loop3A_924 {strides = array<i32>} : memref<16384xf32, #tpu.memory_space<vmem>>, vector<16xf32>,
        %parallel_loop3A_931 = arith.constant 12 : i32
        %parallel_loop3A_932 = arith.addi %parallel_loop3A_141, %parallel_loop3A_931 : i32
        %parallel_loop3A_933 = arith.index_cast %parallel_loop3A_932 : i32 to index
        %parallel_loop3A_934 = arith.constant 16 : index
        %parallel_loop3A_935 = tpu.vector_load %arg11[%parallel_loop3A_933, %parallel_loop3A_934] {strides = array<i32>} : memref<512x64xf32, #tpu.memory_space<vmem>>, vector<16xf32>,
        %parallel_loop3A_936 = arith.index_cast %parallel_loop3A_915 : i32 to index
        %parallel_loop3A_937 = arith.constant 16 : index
        %parallel_loop3A_938 = tpu.vector_load %arg14[%parallel_loop3A_936, %parallel_loop3A_937] {strides = array<i32>} : memref<512x64xf32, #tpu.memory_space<vmem>>, vector<16xf32>,
        %parallel_loop3A_939 = arith.addf %parallel_loop3A_935, %parallel_loop3A_938 : vector<16xf32>
        %parallel_loop3A_940 = arith.constant 64 : i32
        %parallel_loop3A_941 = arith.muli %parallel_loop3A_913, %parallel_loop3A_940 : i32
        %parallel_loop3A_942 = arith.constant 16 : i32
        %parallel_loop3A_943 = arith.addi %parallel_loop3A_941, %parallel_loop3A_942 : i32
        %parallel_loop3A_944 = arith.index_cast %parallel_loop3A_943 : i32 to index
        %parallel_loop3A_945 = tpu.vector_load %arg13[%parallel_loop3A_944] {strides = array<i32>} : memref<16384xf32, #tpu.memory_space<vmem>>, vector<16xf32>,
        tpu.vector_store %arg13[%parallel_loop3A_944], %parallel_loop3A_939 {strides = array<i32>} : memref<16384xf32, #tpu.memory_space<vmem>>, vector<16xf32>,
        %parallel_loop3A_946 = arith.constant 12 : i32
        %parallel_loop3A_947 = arith.addi %parallel_loop3A_141, %parallel_loop3A_946 : i32
        %parallel_loop3A_948 = arith.index_cast %parallel_loop3A_947 : i32 to index
        %parallel_loop3A_949 = arith.constant 32 : index
        %parallel_loop3A_950 = tpu.vector_load %arg11[%parallel_loop3A_948, %parallel_loop3A_949] {strides = array<i32>} : memref<512x64xf32, #tpu.memory_space<vmem>>, vector<16xf32>,
        %parallel_loop3A_951 = arith.index_cast %parallel_loop3A_915 : i32 to index
        %parallel_loop3A_952 = arith.constant 32 : index
        %parallel_loop3A_953 = tpu.vector_load %arg14[%parallel_loop3A_951, %parallel_loop3A_952] {strides = array<i32>} : memref<512x64xf32, #tpu.memory_space<vmem>>, vector<16xf32>,
        %parallel_loop3A_954 = arith.addf %parallel_loop3A_950, %parallel_loop3A_953 : vector<16xf32>
        %parallel_loop3A_955 = arith.constant 64 : i32
        %parallel_loop3A_956 = arith.muli %parallel_loop3A_913, %parallel_loop3A_955 : i32
        %parallel_loop3A_957 = arith.constant 32 : i32
        %parallel_loop3A_958 = arith.addi %parallel_loop3A_956, %parallel_loop3A_957 : i32
        %parallel_loop3A_959 = arith.index_cast %parallel_loop3A_958 : i32 to index
        %parallel_loop3A_960 = tpu.vector_load %arg13[%parallel_loop3A_959] {strides = array<i32>} : memref<16384xf32, #tpu.memory_space<vmem>>, vector<16xf32>,
        tpu.vector_store %arg13[%parallel_loop3A_959], %parallel_loop3A_954 {strides = array<i32>} : memref<16384xf32, #tpu.memory_space<vmem>>, vector<16xf32>,
        %parallel_loop3A_961 = arith.constant 12 : i32
        %parallel_loop3A_962 = arith.addi %parallel_loop3A_141, %parallel_loop3A_961 : i32
        %parallel_loop3A_963 = arith.index_cast %parallel_loop3A_962 : i32 to index
        %parallel_loop3A_964 = arith.constant 48 : index
        %parallel_loop3A_965 = tpu.vector_load %arg11[%parallel_loop3A_963, %parallel_loop3A_964] {strides = array<i32>} : memref<512x64xf32, #tpu.memory_space<vmem>>, vector<16xf32>,
        %parallel_loop3A_966 = arith.index_cast %parallel_loop3A_915 : i32 to index
        %parallel_loop3A_967 = arith.constant 48 : index
        %parallel_loop3A_968 = tpu.vector_load %arg14[%parallel_loop3A_966, %parallel_loop3A_967] {strides = array<i32>} : memref<512x64xf32, #tpu.memory_space<vmem>>, vector<16xf32>,
        %parallel_loop3A_969 = arith.addf %parallel_loop3A_965, %parallel_loop3A_968 : vector<16xf32>
        %parallel_loop3A_970 = arith.constant 64 : i32
        %parallel_loop3A_971 = arith.muli %parallel_loop3A_913, %parallel_loop3A_970 : i32
        %parallel_loop3A_972 = arith.constant 48 : i32
        %parallel_loop3A_973 = arith.addi %parallel_loop3A_971, %parallel_loop3A_972 : i32
        %parallel_loop3A_974 = arith.index_cast %parallel_loop3A_973 : i32 to index
        %parallel_loop3A_975 = tpu.vector_load %arg13[%parallel_loop3A_974] {strides = array<i32>} : memref<16384xf32, #tpu.memory_space<vmem>>, vector<16xf32>,
        tpu.vector_store %arg13[%parallel_loop3A_974], %parallel_loop3A_969 {strides = array<i32>} : memref<16384xf32, #tpu.memory_space<vmem>>, vector<16xf32>,
        %parallel_loop3A_976 = arith.constant 13 : i32
        %parallel_loop3A_977 = arith.addi %parallel_loop3A_139, %parallel_loop3A_976 : i32
        %parallel_loop3A_978 = vector.extract_strided_slice %parallel_loop3A_143 {offsets = [13], sizes = [1], strides = [1]} : vector<16xi32> to vector<1xi32>
        %parallel_loop3A_979 = vector.extract %parallel_loop3A_978[0] : i32 from vector<1xi32>
        %parallel_loop3A_980 = arith.constant 13 : i32
        %parallel_loop3A_981 = arith.addi %parallel_loop3A_141, %parallel_loop3A_980 : i32
        %parallel_loop3A_982 = arith.index_cast %parallel_loop3A_981 : i32 to index
        %parallel_loop3A_983 = arith.constant 0 : index
        %parallel_loop3A_984 = tpu.vector_load %arg11[%parallel_loop3A_982, %parallel_loop3A_983] {strides = array<i32>} : memref<512x64xf32, #tpu.memory_space<vmem>>, vector<16xf32>,
        %parallel_loop3A_985 = arith.index_cast %parallel_loop3A_979 : i32 to index
        %parallel_loop3A_986 = arith.constant 0 : index
        %parallel_loop3A_987 = tpu.vector_load %arg14[%parallel_loop3A_985, %parallel_loop3A_986] {strides = array<i32>} : memref<512x64xf32, #tpu.memory_space<vmem>>, vector<16xf32>,
        %parallel_loop3A_988 = arith.addf %parallel_loop3A_984, %parallel_loop3A_987 : vector<16xf32>
        %parallel_loop3A_989 = arith.constant 64 : i32
        %parallel_loop3A_990 = arith.muli %parallel_loop3A_977, %parallel_loop3A_989 : i32
        %parallel_loop3A_991 = arith.constant 0 : i32
        %parallel_loop3A_992 = arith.addi %parallel_loop3A_990, %parallel_loop3A_991 : i32
        %parallel_loop3A_993 = arith.index_cast %parallel_loop3A_992 : i32 to index
        %parallel_loop3A_994 = tpu.vector_load %arg13[%parallel_loop3A_993] {strides = array<i32>} : memref<16384xf32, #tpu.memory_space<vmem>>, vector<16xf32>,
        tpu.vector_store %arg13[%parallel_loop3A_993], %parallel_loop3A_988 {strides = array<i32>} : memref<16384xf32, #tpu.memory_space<vmem>>, vector<16xf32>,
        %parallel_loop3A_995 = arith.constant 13 : i32
        %parallel_loop3A_996 = arith.addi %parallel_loop3A_141, %parallel_loop3A_995 : i32
        %parallel_loop3A_997 = arith.index_cast %parallel_loop3A_996 : i32 to index
        %parallel_loop3A_998 = arith.constant 16 : index
        %parallel_loop3A_999 = tpu.vector_load %arg11[%parallel_loop3A_997, %parallel_loop3A_998] {strides = array<i32>} : memref<512x64xf32, #tpu.memory_space<vmem>>, vector<16xf32>,
        %parallel_loop3A_1000 = arith.index_cast %parallel_loop3A_979 : i32 to index
        %parallel_loop3A_1001 = arith.constant 16 : index
        %parallel_loop3A_1002 = tpu.vector_load %arg14[%parallel_loop3A_1000, %parallel_loop3A_1001] {strides = array<i32>} : memref<512x64xf32, #tpu.memory_space<vmem>>, vector<16xf32>,
        %parallel_loop3A_1003 = arith.addf %parallel_loop3A_999, %parallel_loop3A_1002 : vector<16xf32>
        %parallel_loop3A_1004 = arith.constant 64 : i32
        %parallel_loop3A_1005 = arith.muli %parallel_loop3A_977, %parallel_loop3A_1004 : i32
        %parallel_loop3A_1006 = arith.constant 16 : i32
        %parallel_loop3A_1007 = arith.addi %parallel_loop3A_1005, %parallel_loop3A_1006 : i32
        %parallel_loop3A_1008 = arith.index_cast %parallel_loop3A_1007 : i32 to index
        %parallel_loop3A_1009 = tpu.vector_load %arg13[%parallel_loop3A_1008] {strides = array<i32>} : memref<16384xf32, #tpu.memory_space<vmem>>, vector<16xf32>,
        tpu.vector_store %arg13[%parallel_loop3A_1008], %parallel_loop3A_1003 {strides = array<i32>} : memref<16384xf32, #tpu.memory_space<vmem>>, vector<16xf32>,
        %parallel_loop3A_1010 = arith.constant 13 : i32
        %parallel_loop3A_1011 = arith.addi %parallel_loop3A_141, %parallel_loop3A_1010 : i32
        %parallel_loop3A_1012 = arith.index_cast %parallel_loop3A_1011 : i32 to index
        %parallel_loop3A_1013 = arith.constant 32 : index
        %parallel_loop3A_1014 = tpu.vector_load %arg11[%parallel_loop3A_1012, %parallel_loop3A_1013] {strides = array<i32>} : memref<512x64xf32, #tpu.memory_space<vmem>>, vector<16xf32>,
        %parallel_loop3A_1015 = arith.index_cast %parallel_loop3A_979 : i32 to index
        %parallel_loop3A_1016 = arith.constant 32 : index
        %parallel_loop3A_1017 = tpu.vector_load %arg14[%parallel_loop3A_1015, %parallel_loop3A_1016] {strides = array<i32>} : memref<512x64xf32, #tpu.memory_space<vmem>>, vector<16xf32>,
        %parallel_loop3A_1018 = arith.addf %parallel_loop3A_1014, %parallel_loop3A_1017 : vector<16xf32>
        %parallel_loop3A_1019 = arith.constant 64 : i32
        %parallel_loop3A_1020 = arith.muli %parallel_loop3A_977, %parallel_loop3A_1019 : i32
        %parallel_loop3A_1021 = arith.constant 32 : i32
        %parallel_loop3A_1022 = arith.addi %parallel_loop3A_1020, %parallel_loop3A_1021 : i32
        %parallel_loop3A_1023 = arith.index_cast %parallel_loop3A_1022 : i32 to index
        %parallel_loop3A_1024 = tpu.vector_load %arg13[%parallel_loop3A_1023] {strides = array<i32>} : memref<16384xf32, #tpu.memory_space<vmem>>, vector<16xf32>,
        tpu.vector_store %arg13[%parallel_loop3A_1023], %parallel_loop3A_1018 {strides = array<i32>} : memref<16384xf32, #tpu.memory_space<vmem>>, vector<16xf32>,
        %parallel_loop3A_1025 = arith.constant 13 : i32
        %parallel_loop3A_1026 = arith.addi %parallel_loop3A_141, %parallel_loop3A_1025 : i32
        %parallel_loop3A_1027 = arith.index_cast %parallel_loop3A_1026 : i32 to index
        %parallel_loop3A_1028 = arith.constant 48 : index
        %parallel_loop3A_1029 = tpu.vector_load %arg11[%parallel_loop3A_1027, %parallel_loop3A_1028] {strides = array<i32>} : memref<512x64xf32, #tpu.memory_space<vmem>>, vector<16xf32>,
        %parallel_loop3A_1030 = arith.index_cast %parallel_loop3A_979 : i32 to index
        %parallel_loop3A_1031 = arith.constant 48 : index
        %parallel_loop3A_1032 = tpu.vector_load %arg14[%parallel_loop3A_1030, %parallel_loop3A_1031] {strides = array<i32>} : memref<512x64xf32, #tpu.memory_space<vmem>>, vector<16xf32>,
        %parallel_loop3A_1033 = arith.addf %parallel_loop3A_1029, %parallel_loop3A_1032 : vector<16xf32>
        %parallel_loop3A_1034 = arith.constant 64 : i32
        %parallel_loop3A_1035 = arith.muli %parallel_loop3A_977, %parallel_loop3A_1034 : i32
        %parallel_loop3A_1036 = arith.constant 48 : i32
        %parallel_loop3A_1037 = arith.addi %parallel_loop3A_1035, %parallel_loop3A_1036 : i32
        %parallel_loop3A_1038 = arith.index_cast %parallel_loop3A_1037 : i32 to index
        %parallel_loop3A_1039 = tpu.vector_load %arg13[%parallel_loop3A_1038] {strides = array<i32>} : memref<16384xf32, #tpu.memory_space<vmem>>, vector<16xf32>,
        tpu.vector_store %arg13[%parallel_loop3A_1038], %parallel_loop3A_1033 {strides = array<i32>} : memref<16384xf32, #tpu.memory_space<vmem>>, vector<16xf32>,
        %parallel_loop3A_1040 = arith.constant 14 : i32
        %parallel_loop3A_1041 = arith.addi %parallel_loop3A_139, %parallel_loop3A_1040 : i32
        %parallel_loop3A_1042 = vector.extract_strided_slice %parallel_loop3A_143 {offsets = [14], sizes = [1], strides = [1]} : vector<16xi32> to vector<1xi32>
        %parallel_loop3A_1043 = vector.extract %parallel_loop3A_1042[0] : i32 from vector<1xi32>
        %parallel_loop3A_1044 = arith.constant 14 : i32
        %parallel_loop3A_1045 = arith.addi %parallel_loop3A_141, %parallel_loop3A_1044 : i32
        %parallel_loop3A_1046 = arith.index_cast %parallel_loop3A_1045 : i32 to index
        %parallel_loop3A_1047 = arith.constant 0 : index
        %parallel_loop3A_1048 = tpu.vector_load %arg11[%parallel_loop3A_1046, %parallel_loop3A_1047] {strides = array<i32>} : memref<512x64xf32, #tpu.memory_space<vmem>>, vector<16xf32>,
        %parallel_loop3A_1049 = arith.index_cast %parallel_loop3A_1043 : i32 to index
        %parallel_loop3A_1050 = arith.constant 0 : index
        %parallel_loop3A_1051 = tpu.vector_load %arg14[%parallel_loop3A_1049, %parallel_loop3A_1050] {strides = array<i32>} : memref<512x64xf32, #tpu.memory_space<vmem>>, vector<16xf32>,
        %parallel_loop3A_1052 = arith.addf %parallel_loop3A_1048, %parallel_loop3A_1051 : vector<16xf32>
        %parallel_loop3A_1053 = arith.constant 64 : i32
        %parallel_loop3A_1054 = arith.muli %parallel_loop3A_1041, %parallel_loop3A_1053 : i32
        %parallel_loop3A_1055 = arith.constant 0 : i32
        %parallel_loop3A_1056 = arith.addi %parallel_loop3A_1054, %parallel_loop3A_1055 : i32
        %parallel_loop3A_1057 = arith.index_cast %parallel_loop3A_1056 : i32 to index
        %parallel_loop3A_1058 = tpu.vector_load %arg13[%parallel_loop3A_1057] {strides = array<i32>} : memref<16384xf32, #tpu.memory_space<vmem>>, vector<16xf32>,
        tpu.vector_store %arg13[%parallel_loop3A_1057], %parallel_loop3A_1052 {strides = array<i32>} : memref<16384xf32, #tpu.memory_space<vmem>>, vector<16xf32>,
        %parallel_loop3A_1059 = arith.constant 14 : i32
        %parallel_loop3A_1060 = arith.addi %parallel_loop3A_141, %parallel_loop3A_1059 : i32
        %parallel_loop3A_1061 = arith.index_cast %parallel_loop3A_1060 : i32 to index
        %parallel_loop3A_1062 = arith.constant 16 : index
        %parallel_loop3A_1063 = tpu.vector_load %arg11[%parallel_loop3A_1061, %parallel_loop3A_1062] {strides = array<i32>} : memref<512x64xf32, #tpu.memory_space<vmem>>, vector<16xf32>,
        %parallel_loop3A_1064 = arith.index_cast %parallel_loop3A_1043 : i32 to index
        %parallel_loop3A_1065 = arith.constant 16 : index
        %parallel_loop3A_1066 = tpu.vector_load %arg14[%parallel_loop3A_1064, %parallel_loop3A_1065] {strides = array<i32>} : memref<512x64xf32, #tpu.memory_space<vmem>>, vector<16xf32>,
        %parallel_loop3A_1067 = arith.addf %parallel_loop3A_1063, %parallel_loop3A_1066 : vector<16xf32>
        %parallel_loop3A_1068 = arith.constant 64 : i32
        %parallel_loop3A_1069 = arith.muli %parallel_loop3A_1041, %parallel_loop3A_1068 : i32
        %parallel_loop3A_1070 = arith.constant 16 : i32
        %parallel_loop3A_1071 = arith.addi %parallel_loop3A_1069, %parallel_loop3A_1070 : i32
        %parallel_loop3A_1072 = arith.index_cast %parallel_loop3A_1071 : i32 to index
        %parallel_loop3A_1073 = tpu.vector_load %arg13[%parallel_loop3A_1072] {strides = array<i32>} : memref<16384xf32, #tpu.memory_space<vmem>>, vector<16xf32>,
        tpu.vector_store %arg13[%parallel_loop3A_1072], %parallel_loop3A_1067 {strides = array<i32>} : memref<16384xf32, #tpu.memory_space<vmem>>, vector<16xf32>,
        %parallel_loop3A_1074 = arith.constant 14 : i32
        %parallel_loop3A_1075 = arith.addi %parallel_loop3A_141, %parallel_loop3A_1074 : i32
        %parallel_loop3A_1076 = arith.index_cast %parallel_loop3A_1075 : i32 to index
        %parallel_loop3A_1077 = arith.constant 32 : index
        %parallel_loop3A_1078 = tpu.vector_load %arg11[%parallel_loop3A_1076, %parallel_loop3A_1077] {strides = array<i32>} : memref<512x64xf32, #tpu.memory_space<vmem>>, vector<16xf32>,
        %parallel_loop3A_1079 = arith.index_cast %parallel_loop3A_1043 : i32 to index
        %parallel_loop3A_1080 = arith.constant 32 : index
        %parallel_loop3A_1081 = tpu.vector_load %arg14[%parallel_loop3A_1079, %parallel_loop3A_1080] {strides = array<i32>} : memref<512x64xf32, #tpu.memory_space<vmem>>, vector<16xf32>,
        %parallel_loop3A_1082 = arith.addf %parallel_loop3A_1078, %parallel_loop3A_1081 : vector<16xf32>
        %parallel_loop3A_1083 = arith.constant 64 : i32
        %parallel_loop3A_1084 = arith.muli %parallel_loop3A_1041, %parallel_loop3A_1083 : i32
        %parallel_loop3A_1085 = arith.constant 32 : i32
        %parallel_loop3A_1086 = arith.addi %parallel_loop3A_1084, %parallel_loop3A_1085 : i32
        %parallel_loop3A_1087 = arith.index_cast %parallel_loop3A_1086 : i32 to index
        %parallel_loop3A_1088 = tpu.vector_load %arg13[%parallel_loop3A_1087] {strides = array<i32>} : memref<16384xf32, #tpu.memory_space<vmem>>, vector<16xf32>,
        tpu.vector_store %arg13[%parallel_loop3A_1087], %parallel_loop3A_1082 {strides = array<i32>} : memref<16384xf32, #tpu.memory_space<vmem>>, vector<16xf32>,
        %parallel_loop3A_1089 = arith.constant 14 : i32
        %parallel_loop3A_1090 = arith.addi %parallel_loop3A_141, %parallel_loop3A_1089 : i32
        %parallel_loop3A_1091 = arith.index_cast %parallel_loop3A_1090 : i32 to index
        %parallel_loop3A_1092 = arith.constant 48 : index
        %parallel_loop3A_1093 = tpu.vector_load %arg11[%parallel_loop3A_1091, %parallel_loop3A_1092] {strides = array<i32>} : memref<512x64xf32, #tpu.memory_space<vmem>>, vector<16xf32>,
        %parallel_loop3A_1094 = arith.index_cast %parallel_loop3A_1043 : i32 to index
        %parallel_loop3A_1095 = arith.constant 48 : index
        %parallel_loop3A_1096 = tpu.vector_load %arg14[%parallel_loop3A_1094, %parallel_loop3A_1095] {strides = array<i32>} : memref<512x64xf32, #tpu.memory_space<vmem>>, vector<16xf32>,
        %parallel_loop3A_1097 = arith.addf %parallel_loop3A_1093, %parallel_loop3A_1096 : vector<16xf32>
        %parallel_loop3A_1098 = arith.constant 64 : i32
        %parallel_loop3A_1099 = arith.muli %parallel_loop3A_1041, %parallel_loop3A_1098 : i32
        %parallel_loop3A_1100 = arith.constant 48 : i32
        %parallel_loop3A_1101 = arith.addi %parallel_loop3A_1099, %parallel_loop3A_1100 : i32
        %parallel_loop3A_1102 = arith.index_cast %parallel_loop3A_1101 : i32 to index
        %parallel_loop3A_1103 = tpu.vector_load %arg13[%parallel_loop3A_1102] {strides = array<i32>} : memref<16384xf32, #tpu.memory_space<vmem>>, vector<16xf32>,
        tpu.vector_store %arg13[%parallel_loop3A_1102], %parallel_loop3A_1097 {strides = array<i32>} : memref<16384xf32, #tpu.memory_space<vmem>>, vector<16xf32>,
        %parallel_loop3A_1104 = arith.constant 15 : i32
        %parallel_loop3A_1105 = arith.addi %parallel_loop3A_139, %parallel_loop3A_1104 : i32
        %parallel_loop3A_1106 = vector.extract_strided_slice %parallel_loop3A_143 {offsets = [15], sizes = [1], strides = [1]} : vector<16xi32> to vector<1xi32>
        %parallel_loop3A_1107 = vector.extract %parallel_loop3A_1106[0] : i32 from vector<1xi32>
        %parallel_loop3A_1108 = arith.constant 15 : i32
        %parallel_loop3A_1109 = arith.addi %parallel_loop3A_141, %parallel_loop3A_1108 : i32
        %parallel_loop3A_1110 = arith.index_cast %parallel_loop3A_1109 : i32 to index
        %parallel_loop3A_1111 = arith.constant 0 : index
        %parallel_loop3A_1112 = tpu.vector_load %arg11[%parallel_loop3A_1110, %parallel_loop3A_1111] {strides = array<i32>} : memref<512x64xf32, #tpu.memory_space<vmem>>, vector<16xf32>,
        %parallel_loop3A_1113 = arith.index_cast %parallel_loop3A_1107 : i32 to index
        %parallel_loop3A_1114 = arith.constant 0 : index
        %parallel_loop3A_1115 = tpu.vector_load %arg14[%parallel_loop3A_1113, %parallel_loop3A_1114] {strides = array<i32>} : memref<512x64xf32, #tpu.memory_space<vmem>>, vector<16xf32>,
        %parallel_loop3A_1116 = arith.addf %parallel_loop3A_1112, %parallel_loop3A_1115 : vector<16xf32>
        %parallel_loop3A_1117 = arith.constant 64 : i32
        %parallel_loop3A_1118 = arith.muli %parallel_loop3A_1105, %parallel_loop3A_1117 : i32
        %parallel_loop3A_1119 = arith.constant 0 : i32
        %parallel_loop3A_1120 = arith.addi %parallel_loop3A_1118, %parallel_loop3A_1119 : i32
        %parallel_loop3A_1121 = arith.index_cast %parallel_loop3A_1120 : i32 to index
        %parallel_loop3A_1122 = tpu.vector_load %arg13[%parallel_loop3A_1121] {strides = array<i32>} : memref<16384xf32, #tpu.memory_space<vmem>>, vector<16xf32>,
        tpu.vector_store %arg13[%parallel_loop3A_1121], %parallel_loop3A_1116 {strides = array<i32>} : memref<16384xf32, #tpu.memory_space<vmem>>, vector<16xf32>,
        %parallel_loop3A_1123 = arith.constant 15 : i32
        %parallel_loop3A_1124 = arith.addi %parallel_loop3A_141, %parallel_loop3A_1123 : i32
        %parallel_loop3A_1125 = arith.index_cast %parallel_loop3A_1124 : i32 to index
        %parallel_loop3A_1126 = arith.constant 16 : index
        %parallel_loop3A_1127 = tpu.vector_load %arg11[%parallel_loop3A_1125, %parallel_loop3A_1126] {strides = array<i32>} : memref<512x64xf32, #tpu.memory_space<vmem>>, vector<16xf32>,
        %parallel_loop3A_1128 = arith.index_cast %parallel_loop3A_1107 : i32 to index
        %parallel_loop3A_1129 = arith.constant 16 : index
        %parallel_loop3A_1130 = tpu.vector_load %arg14[%parallel_loop3A_1128, %parallel_loop3A_1129] {strides = array<i32>} : memref<512x64xf32, #tpu.memory_space<vmem>>, vector<16xf32>,
        %parallel_loop3A_1131 = arith.addf %parallel_loop3A_1127, %parallel_loop3A_1130 : vector<16xf32>
        %parallel_loop3A_1132 = arith.constant 64 : i32
        %parallel_loop3A_1133 = arith.muli %parallel_loop3A_1105, %parallel_loop3A_1132 : i32
        %parallel_loop3A_1134 = arith.constant 16 : i32
        %parallel_loop3A_1135 = arith.addi %parallel_loop3A_1133, %parallel_loop3A_1134 : i32
        %parallel_loop3A_1136 = arith.index_cast %parallel_loop3A_1135 : i32 to index
        %parallel_loop3A_1137 = tpu.vector_load %arg13[%parallel_loop3A_1136] {strides = array<i32>} : memref<16384xf32, #tpu.memory_space<vmem>>, vector<16xf32>,
        tpu.vector_store %arg13[%parallel_loop3A_1136], %parallel_loop3A_1131 {strides = array<i32>} : memref<16384xf32, #tpu.memory_space<vmem>>, vector<16xf32>,
        %parallel_loop3A_1138 = arith.constant 15 : i32
        %parallel_loop3A_1139 = arith.addi %parallel_loop3A_141, %parallel_loop3A_1138 : i32
        %parallel_loop3A_1140 = arith.index_cast %parallel_loop3A_1139 : i32 to index
        %parallel_loop3A_1141 = arith.constant 32 : index
        %parallel_loop3A_1142 = tpu.vector_load %arg11[%parallel_loop3A_1140, %parallel_loop3A_1141] {strides = array<i32>} : memref<512x64xf32, #tpu.memory_space<vmem>>, vector<16xf32>,
        %parallel_loop3A_1143 = arith.index_cast %parallel_loop3A_1107 : i32 to index
        %parallel_loop3A_1144 = arith.constant 32 : index
        %parallel_loop3A_1145 = tpu.vector_load %arg14[%parallel_loop3A_1143, %parallel_loop3A_1144] {strides = array<i32>} : memref<512x64xf32, #tpu.memory_space<vmem>>, vector<16xf32>,
        %parallel_loop3A_1146 = arith.addf %parallel_loop3A_1142, %parallel_loop3A_1145 : vector<16xf32>
        %parallel_loop3A_1147 = arith.constant 64 : i32
        %parallel_loop3A_1148 = arith.muli %parallel_loop3A_1105, %parallel_loop3A_1147 : i32
        %parallel_loop3A_1149 = arith.constant 32 : i32
        %parallel_loop3A_1150 = arith.addi %parallel_loop3A_1148, %parallel_loop3A_1149 : i32
        %parallel_loop3A_1151 = arith.index_cast %parallel_loop3A_1150 : i32 to index
        %parallel_loop3A_1152 = tpu.vector_load %arg13[%parallel_loop3A_1151] {strides = array<i32>} : memref<16384xf32, #tpu.memory_space<vmem>>, vector<16xf32>,
        tpu.vector_store %arg13[%parallel_loop3A_1151], %parallel_loop3A_1146 {strides = array<i32>} : memref<16384xf32, #tpu.memory_space<vmem>>, vector<16xf32>,
        %parallel_loop3A_1153 = arith.constant 15 : i32
        %parallel_loop3A_1154 = arith.addi %parallel_loop3A_141, %parallel_loop3A_1153 : i32
        %parallel_loop3A_1155 = arith.index_cast %parallel_loop3A_1154 : i32 to index
        %parallel_loop3A_1156 = arith.constant 48 : index
        %parallel_loop3A_1157 = tpu.vector_load %arg11[%parallel_loop3A_1155, %parallel_loop3A_1156] {strides = array<i32>} : memref<512x64xf32, #tpu.memory_space<vmem>>, vector<16xf32>,
        %parallel_loop3A_1158 = arith.index_cast %parallel_loop3A_1107 : i32 to index
        %parallel_loop3A_1159 = arith.constant 48 : index
        %parallel_loop3A_1160 = tpu.vector_load %arg14[%parallel_loop3A_1158, %parallel_loop3A_1159] {strides = array<i32>} : memref<512x64xf32, #tpu.memory_space<vmem>>, vector<16xf32>,
        %parallel_loop3A_1161 = arith.addf %parallel_loop3A_1157, %parallel_loop3A_1160 : vector<16xf32>
        %parallel_loop3A_1162 = arith.constant 64 : i32
        %parallel_loop3A_1163 = arith.muli %parallel_loop3A_1105, %parallel_loop3A_1162 : i32
        %parallel_loop3A_1164 = arith.constant 48 : i32
        %parallel_loop3A_1165 = arith.addi %parallel_loop3A_1163, %parallel_loop3A_1164 : i32
        %parallel_loop3A_1166 = arith.index_cast %parallel_loop3A_1165 : i32 to index
        %parallel_loop3A_1167 = tpu.vector_load %arg13[%parallel_loop3A_1166] {strides = array<i32>} : memref<16384xf32, #tpu.memory_space<vmem>>, vector<16xf32>,
        tpu.vector_store %arg13[%parallel_loop3A_1166], %parallel_loop3A_1161 {strides = array<i32>} : memref<16384xf32, #tpu.memory_space<vmem>>, vector<16xf32>,
      } {sc.loop_unroll_factor = 1 : i64, sc.parallel_access}
      %mul3A_122 = arith.constant 512 : i32
      %mul3A_123 = arith.muli %scan3A_59, %mul3A_122 : i32
      %add3A_124 = arith.addi %mul3A_2, %mul3A_123 : i32
      %add3A_125 = arith.constant 256 : i32
      %add3A_126 = arith.addi %add3A_124, %add3A_125 : i32
      %mul3A_127 = arith.constant 64 : i32
      %mul3A_128 = arith.muli %add3A_126, %mul3A_127 : i32
      %dma_start3A_129 = tpu.memref_slice %arg6[%mul3A_128] : memref<52428800xf32, #tpu.memory_space<hbm>> -> memref<16384xf32, #tpu.memory_space<hbm>>
      %dma_start3A_130 = tpu.memref_slice %arg6[%mul3A_128] : memref<52428800xf32, #tpu.memory_space<hbm>> -> memref<16384xf32, #tpu.memory_space<hbm>>
      tpu.enqueue_dma source(%arg13 : memref<16384xf32, #tpu.memory_space<vmem>>) target(%dma_start3A_130 : memref<16384xf32, #tpu.memory_space<hbm>>) target_semaphore(%arg20 : memref<!tpu.dma_semaphore, #tpu.memory_space<semaphore_mem>>)
      %lt3A_131 = arith.constant 49 : i32
      %lt3A_132 = arith.cmpi slt, %scan3A_59, %lt3A_131 : i32
      %convert_element_type3A_133 = arith.extui %lt3A_132 : i1 to i32
      %cond3A_134 = arith.constant 0 : i32
      %cond3A_135 = arith.cmpi ne, %convert_element_type3A_133, %cond3A_134 : i32
      scf.if %cond3A_135 {
        %dma_start3A_137 = arith.constant 256 : i32
        %dma_start3A_138 = arith.constant 0 : i32
        %dma_start3A_139 = tpu.memref_slice %arg11[%dma_start3A_137, %dma_start3A_138] : memref<512x64xf32, #tpu.memory_space<vmem>> -> memref<128x64xf32, #tpu.memory_space<vmem>>
        %dma_start3A_140 = arith.constant 256 : i32
        %dma_start3A_141 = tpu.memref_slice %arg7[%dma_start3A_140] : memref<512xi32, #tpu.memory_space<vmem>> -> memref<128xi32, #tpu.memory_space<vmem>>
        %dma_start3A_142 = arith.constant 0 : i32
        %dma_start3A_143 = arith.constant 0 : i32
        %dma_start3A_144 = tpu.memref_slice %arg4[%dma_start3A_142, %dma_start3A_143] : memref<1000000x64xf32, #tpu.memory_space<hbm>> -> memref<1000000x64xf32, #tpu.memory_space<hbm>>
        tpu.enqueue_indirect_dma source(%dma_start3A_144 : memref<1000000x64xf32, #tpu.memory_space<hbm>>) target(%dma_start3A_139 : memref<128x64xf32, #tpu.memory_space<vmem>>) offsets(%dma_start3A_141 : memref<128xi32, #tpu.memory_space<vmem>>) semaphore(%arg17 : memref<!tpu.dma_semaphore, #tpu.memory_space<semaphore_mem>>)
        %dma_start3A_145 = arith.constant 384 : i32
        %dma_start3A_146 = arith.constant 0 : i32
        %dma_start3A_147 = tpu.memref_slice %arg11[%dma_start3A_145, %dma_start3A_146] : memref<512x64xf32, #tpu.memory_space<vmem>> -> memref<128x64xf32, #tpu.memory_space<vmem>>
        %dma_start3A_148 = arith.constant 384 : i32
        %dma_start3A_149 = tpu.memref_slice %arg7[%dma_start3A_148] : memref<512xi32, #tpu.memory_space<vmem>> -> memref<128xi32, #tpu.memory_space<vmem>>
        %dma_start3A_150 = arith.constant 0 : i32
        %dma_start3A_151 = arith.constant 0 : i32
        %dma_start3A_152 = tpu.memref_slice %arg4[%dma_start3A_150, %dma_start3A_151] : memref<1000000x64xf32, #tpu.memory_space<hbm>> -> memref<1000000x64xf32, #tpu.memory_space<hbm>>
        tpu.enqueue_indirect_dma source(%dma_start3A_152 : memref<1000000x64xf32, #tpu.memory_space<hbm>>) target(%dma_start3A_147 : memref<128x64xf32, #tpu.memory_space<vmem>>) offsets(%dma_start3A_149 : memref<128xi32, #tpu.memory_space<vmem>>) semaphore(%arg18 : memref<!tpu.dma_semaphore, #tpu.memory_space<semaphore_mem>>)
      } else {
      }
      %scan3A_136 = arith.constant 0 : i32
      scf.yield %scan3A_136 : i32
    }
    %scan3A_43 = arith.constant 50 : i32
    %add3A_44 = arith.constant 25088 : i32
    %add3A_45 = arith.addi %mul3A_2, %add3A_44 : i32
    %add3A_46 = arith.constant 0 : i32
    %add3A_47 = arith.addi %add3A_45, %add3A_46 : i32
    %mul3A_48 = arith.constant 64 : i32
    %mul3A_49 = arith.muli %add3A_47, %mul3A_48 : i32
    %dma_wait3A = tpu.memref_slice %arg6[%mul3A_49] : memref<52428800xf32, #tpu.memory_space<hbm>> -> memref<16384xf32, #tpu.memory_space<hbm>>
    %dma_wait3A_50 = tpu.memref_slice %arg6[%mul3A_49] : memref<52428800xf32, #tpu.memory_space<hbm>> -> memref<16384xf32, #tpu.memory_space<hbm>>
    tpu.wait_dma2 semaphore(%arg19 : memref<!tpu.dma_semaphore, #tpu.memory_space<semaphore_mem>>) src(%arg12 : memref<16384xf32, #tpu.memory_space<vmem>>) dst(%dma_wait3A_50 : memref<16384xf32, #tpu.memory_space<hbm>>)
    %add3A_51 = arith.constant 25088 : i32
    %add3A_52 = arith.addi %mul3A_2, %add3A_51 : i32
    %add3A_53 = arith.constant 256 : i32
    %add3A_54 = arith.addi %add3A_52, %add3A_53 : i32
    %mul3A_55 = arith.constant 64 : i32
    %mul3A_56 = arith.muli %add3A_54, %mul3A_55 : i32
    %dma_wait3A_57 = tpu.memref_slice %arg6[%mul3A_56] : memref<52428800xf32, #tpu.memory_space<hbm>> -> memref<16384xf32, #tpu.memory_space<hbm>>
    %dma_wait3A_58 = tpu.memref_slice %arg6[%mul3A_56] : memref<52428800xf32, #tpu.memory_space<hbm>> -> memref<16384xf32, #tpu.memory_space<hbm>>
    tpu.wait_dma2 semaphore(%arg20 : memref<!tpu.dma_semaphore, #tpu.memory_space<semaphore_mem>>) src(%arg13 : memref<16384xf32, #tpu.memory_space<vmem>>) dst(%dma_wait3A_58 : memref<16384xf32, #tpu.memory_space<hbm>>)
    return
  }
}

module attributes {stable_mosaic.version = 14 : i64} {
  func.func @body(%arg0: i32, %arg1: memref<1024x128xf32, #tpu.memory_space<vmem>>, %arg2: memref<128x128xf32, #tpu.memory_space<vmem>>, %arg3: memref<1x128xf32, #tpu.memory_space<vmem>>, %arg4: memref<1x128xf32, #tpu.memory_space<vmem>>, %arg5: memref<1024x128xf32, #tpu.memory_space<vmem>>) attributes {dimension_semantics = [#tpu.dimension_semantics<arbitrary>], iteration_bounds = array<i64: 400>, scalar_prefetch = 0 : i64, scratch_operands = 0 : i64, tpu.core_type = #tpu.core_type<tc>, window_params = [{transform_indices = @transform_0, window_bounds = array<i64: 1024, 128>}, {pipeline_mode = #tpu.pipeline_mode<synchronous>, transform_indices = @transform_1, window_bounds = array<i64: 128, 128>}, {pipeline_mode = #tpu.pipeline_mode<synchronous>, transform_indices = @transform_2, window_bounds = array<i64: 1, 128>}, {pipeline_mode = #tpu.pipeline_mode<synchronous>, transform_indices = @transform_3, window_bounds = array<i64: 1, 128>}, {transform_indices = @transform_4, window_bounds = array<i64: 1024, 128>}]} {
    %get3A = arith.constant 0 : index
    %get3A_0 = arith.constant 0 : index
    %get3A_1 = vector.load %arg1[%get3A, %get3A_0] : memref<1024x128xf32, #tpu.memory_space<vmem>>, vector<1024x128xf32>
    %get3A_2 = arith.constant 0 : index
    %get3A_3 = arith.constant 0 : index
    %get3A_4 = vector.load %arg2[%get3A_2, %get3A_3] : memref<128x128xf32, #tpu.memory_space<vmem>>, vector<128x128xf32>
    %dot_general3A = arith.constant dense<0.000000e+00> : vector<1024x128xf32>
    %dot_general3A_5 = tpu.matmul %get3A_1, %get3A_4, %dot_general3A {dimension_numbers = #tpu.dot_dimension_numbers<[1], [0], [0], [1], [0, 0, 1, 1], [], []>, precision = #tpu.contract_precision<fp32>, transpose_lhs_hint = false} : vector<1024x128xf32>, vector<128x128xf32>, vector<1024x128xf32> -> vector<1024x128xf32>
    %mul3A = arith.mulf %get3A_1, %get3A_1 : vector<1024x128xf32>
    %dot_general3A_6 = arith.constant dense<0.000000e+00> : vector<1024x128xf32>
    %dot_general3A_7 = tpu.matmul %mul3A, %get3A_4, %dot_general3A_6 {dimension_numbers = #tpu.dot_dimension_numbers<[1], [0], [0], [1], [0, 0, 1, 1], [], []>, precision = #tpu.contract_precision<fp32>, transpose_lhs_hint = false} : vector<1024x128xf32>, vector<128x128xf32>, vector<1024x128xf32> -> vector<1024x128xf32>
    %mul3A_8 = arith.constant 1.562500e-02 : f32
    %mul3A_9 = vector.broadcast %mul3A_8 : f32 to vector<1024x128xf32>
    %mul3A_10 = arith.mulf %dot_general3A_5, %mul3A_9 : vector<1024x128xf32>
    %mul3A_11 = arith.constant 1.562500e-02 : f32
    %mul3A_12 = vector.broadcast %mul3A_11 : f32 to vector<1024x128xf32>
    %mul3A_13 = arith.mulf %dot_general3A_7, %mul3A_12 : vector<1024x128xf32>
    %mul3A_14 = arith.mulf %mul3A_10, %mul3A_10 : vector<1024x128xf32>
    %sub3A = arith.subf %mul3A_13, %mul3A_14 : vector<1024x128xf32>
    %sub3A_15 = arith.subf %get3A_1, %mul3A_10 : vector<1024x128xf32>
    %add3A = arith.constant 9.99999997E-7 : f32
    %add3A_16 = vector.broadcast %add3A : f32 to vector<1024x128xf32>
    %add3A_17 = arith.addf %sub3A, %add3A_16 : vector<1024x128xf32>
    %rsqrt3A = math.rsqrt %add3A_17 : vector<1024x128xf32>
    %mul3A_18 = arith.mulf %sub3A_15, %rsqrt3A : vector<1024x128xf32>
    %get3A_19 = arith.constant 0 : index
    %get3A_20 = arith.constant 0 : index
    %get3A_21 = vector.load %arg3[%get3A_19, %get3A_20] : memref<1x128xf32, #tpu.memory_space<vmem>>, vector<1x128xf32>
    %mul3A_22 = vector.broadcast %get3A_21 : vector<1x128xf32> to vector<1024x128xf32>
    %mul3A_23 = arith.mulf %mul3A_18, %mul3A_22 : vector<1024x128xf32>
    %get3A_24 = arith.constant 0 : index
    %get3A_25 = arith.constant 0 : index
    %get3A_26 = vector.load %arg4[%get3A_24, %get3A_25] : memref<1x128xf32, #tpu.memory_space<vmem>>, vector<1x128xf32>
    %add3A_27 = vector.broadcast %get3A_26 : vector<1x128xf32> to vector<1024x128xf32>
    %add3A_28 = arith.addf %mul3A_23, %add3A_27 : vector<1024x128xf32>
    %swap3A = arith.constant 0 : index
    %swap3A_29 = arith.constant 0 : index
    %swap3A_30 = vector.load %arg5[%swap3A, %swap3A_29] : memref<1024x128xf32, #tpu.memory_space<vmem>>, vector<1024x128xf32>
    tpu.vector_store %arg5[%swap3A, %swap3A_29], %add3A_28 {strides = array<i32>} : memref<1024x128xf32, #tpu.memory_space<vmem>>, vector<1024x128xf32>,
    return
  }
  func.func @transform_0(%arg0: i32) -> (i32, i32) {
    %c0_i32 = arith.constant 0 : i32
    %c0_i32_0 = arith.constant 0 : i32
    return %arg0, %c0_i32 : i32, i32
  }
  func.func @transform_1(%arg0: i32) -> (i32, i32) {
    %c0_i32 = arith.constant 0 : i32
    %c0_i32_0 = arith.constant 0 : i32
    %c0_i32_1 = arith.constant 0 : i32
    return %c0_i32, %c0_i32_0 : i32, i32
  }
  func.func @transform_2(%arg0: i32) -> (i32, i32) {
    %c0_i32 = arith.constant 0 : i32
    %c0_i32_0 = arith.constant 0 : i32
    %c0_i32_1 = arith.constant 0 : i32
    return %c0_i32, %c0_i32_0 : i32, i32
  }
  func.func @transform_3(%arg0: i32) -> (i32, i32) {
    %c0_i32 = arith.constant 0 : i32
    %c0_i32_0 = arith.constant 0 : i32
    %c0_i32_1 = arith.constant 0 : i32
    return %c0_i32, %c0_i32_0 : i32, i32
  }
  func.func @transform_4(%arg0: i32) -> (i32, i32) {
    %c0_i32 = arith.constant 0 : i32
    %c0_i32_0 = arith.constant 0 : i32
    return %arg0, %c0_i32 : i32, i32
  }
}

</mosaic_0001>

<sc_bundles>
// kernel: kernel.4.cloned.1.call-start
scs
__scs_entry_jumppad:
0x0: {  	(pc) =	sbr.rel $0x88, $3  }
0x1: {  	(tag) =	ssettag $0x0;
	lr =	simm.s32 $0x1  }
0x2: {  	[smem:$0x3F9B] =	sst lr;
	_ =	strace $0xD0000000  }
0x3: {  	_ = 	snop  }
0x4: {  	_ = 	snop  }
0x5: {  	_ = 	snop  }
0x6: {  	_ = 	snop  }
0x7: {  	_ = 	snop  }
__scs_overlays_trampoline_lowered:
0x8: {  	[smem:$0x3FAA] =	sst s0  }
0x9: {  	[smem:$0x3FAB] =	sst s1  }
0xa: {  	[smem:$0x3FAC] =	sst s2  }
0xb: {  	[smem:$0x3FAD] =	sst s3  }
0xc: {  	[smem:$0x3FAE] =	sst s4  }
0xd: {  	[smem:$0x3FAF] =	sst s5  }
0xe: {  	[smem:$0x3FB0] =	sst s6  }
0xf: {  	[smem:$0x3FB1] =	sst s7  }
0x10: {  	[smem:$0x3FB2] =	sst s8  }
0x11: {  	[smem:$0x3FB3] =	sst s9;
	s0 =	simm.s32 @!p0 $0x0  }
0x12: {  	s1 =	sld [smem:$0x3F99];
	s0 =	simm.s32 @p0 $0x1  }
0x13: {  	[smem:$0x3FB4] =	sst s0;
	s0 =	simm.s32 @!p1 $0x0  }
0x14: {  	s2 =	sld [smem:$0x3F98];
	s0 =	simm.s32 @p1 $0x1  }
0x15: {  	[smem:$0x3FB5] =	sst s0;
	s0 =	simm.s32 @!p2 $0x0  }
0x16: {  	s3 =	sld [smem:$0x3FDB];
	s0 =	simm.s32 @p2 $0x1  }
0x17: {  	s4 =	simm.s32 $0x1BF5;
	[smem:$0x3FB7] =	sst s0  }
0x18: {  	s0 =	sld [smem:$0x3F9A];
	_ =	swait.ge [sflag:s4], $0x0  }
0x19: {  	s7 =	sld [smem:$0x3F9B]  }
0x1a: {  	s8 =	sadd.s32 $0xFFFFE003, lr  }
0x1b: {  	s9 =	sadd.s32 $0xFFFFFEF7, lr;
	s5 =	simm.s32 $0xFFFFFFFF;
	p2 =	slt.u32 s8, $0xFFFFF086  }
0x1c: {  	p1 =	slt.u32 s9, $0xF7A;
	s5 =	simm.s32 @!p2 $0x0  }
0x1d: {  	s5 =	simm.s32 @p1 $0x1;
	p0 =	seq.s32 s7, s2  }
0x1e: {  	s7 =	smul.u32 @!p0 $0xF7A, s2;
	p2 =	seq.s32 @!p0 s5, $0x0  }
0x1f: {  	s9 =	smul.u32 $0xF7A, s1;
	s8 =	simm.s32 @!p0 $0x1BF5;
	p2 =	por !p2, p0  }
0x20: {  	[sflag:s8] =	ssyncset.s32 @!p0 $0xFFFFF086;
	s6 =	sadd.s32 @!p0 s3, s7;
	s7 =	simm.s32 @!p0 $0x108  }
0x21: {  	s3 =	sadd.s32 s3, s9;
	s6 =	sadd.s32 @!p0 $0x88, s6;
	s7 =	simm.s32 @p2 $0x1082  }
0x22: {  	[simem:s7], [sflag:s8] =	dma.local @!p0 [hbm:s6], $0xF7A  }
0x23: {  	s9 =	sor.u32 $0xD0000000, s2;
	s6 =	simm.s32 $0x108;
	_ =	swait.ge @!p0 [sflag:s8], $0x0  }
0x24: {  	s3 =	sadd.s32 $0x88, s3;
	s6 =	simm.s32 @!p1 $0x1082;
	[sflag:s4] =	ssyncset.s32 $0xFFFFF086  }
0x25: {  	[simem:s6], [sflag:s4] =	dma.local [hbm:s3], $0xF7A  }
0x26: {  	[smem:$0x3F9B] =	sst s1;
	(tag) =	ssettag s2;
	_ =	strace s9  }
0x27: {  	s1 =	sld [smem:$0x3FAB]  }
0x28: {  	s2 =	sld [smem:$0x3FAC]  }
0x29: {  	s4 =	sld [smem:$0x3FAE]  }
0x2a: {  	p0 =	seq.s32 s5, $0x0;
	s5 =	sld [smem:$0x3FAF]  }
0x2b: {  	s6 =	sld [smem:$0x3FB0]  }
0x2c: {  	s7 =	sld [smem:$0x3FB1]  }
0x2d: {  	s3 =	simm.s32 $0x108;
	s8 =	sld [smem:$0x3FB2]  }
0x2e: {  	s3 =	simm.s32 @!p0 $0x1082;
	s9 =	sld [smem:$0x3FB3]  }
0x2f: {  	lr =	sadd.s32 s0, s3;
	s0 =	sld [smem:$0x3FAA]  }
0x30: {  	s3 =	sld [smem:$0x3FAD]  }
0x31: {  	[smem:$0x3FB6] =	sst s10  }
0x32: {  	s10 =	sld [smem:$0x3FB4];
	_ =	sdelay $0x3  }
0x33: {  	p0 =	seq.s32 s10, $0x1;
	s10 =	sld [smem:$0x3FB6];
	_ =	sdelay $0x3  }
0x34: {  	[smem:$0x3FB6] =	sst s10  }
0x35: {  	s10 =	sld [smem:$0x3FB5];
	_ =	sdelay $0x3  }
0x36: {  	p1 =	seq.s32 s10, $0x1;
	s10 =	sld [smem:$0x3FB6];
	_ =	sdelay $0x3  }
0x37: {  	[smem:$0x3FB6] =	sst s10  }
0x38: {  	s10 =	sld [smem:$0x3FB7]  }
0x39: {  	_ = 	snop;
	(pc) =	sbr.ind lr, $3  }
0x3a: {  	_ = 	snop  }
0x3b: {  	_ = 	snop  }
0x3c: {  	p2 =	seq.s32 s10, $0x1;
	s10 =	sld [smem:$0x3FB6]  }
0x3d: {  	_ =	shalt  }
0x3e: {  	_ =	shalt  }
0x3f: {  	_ =	shalt  }
0x40: {  	_ =	shalt  }
0x41: {  	_ =	shalt  }
0x42: {  	_ =	shalt  }
0x43: {  	_ =	shalt  }
0x44: {  	_ =	shalt  }
0x45: {  	_ =	shalt  }
0x46: {  	_ =	shalt  }
0x47: {  	_ =	shalt  }
0x48: {  	_ =	shalt  }
0x49: {  	_ =	shalt  }
0x4a: {  	_ =	shalt  }
0x4b: {  	_ =	shalt  }
0x4c: {  	_ =	shalt  }
0x4d: {  	_ =	shalt  }
0x4e: {  	_ =	shalt  }
0x4f: {  	_ =	shalt  }
0x50: {  	_ =	shalt  }
0x51: {  	_ =	shalt  }
0x52: {  	_ =	shalt  }
0x53: {  	_ =	shalt  }
0x54: {  	_ =	shalt  }
0x55: {  	_ =	shalt  }
0x56: {  	_ =	shalt  }
0x57: {  	_ =	shalt  }
0x58: {  	_ =	shalt  }
0x59: {  	_ =	shalt  }
0x5a: {  	_ =	shalt  }
0x5b: {  	_ =	shalt  }
0x5c: {  	_ =	shalt  }
0x5d: {  	_ =	shalt  }
0x5e: {  	_ =	shalt  }
0x5f: {  	_ =	shalt  }
0x60: {  	_ =	shalt  }
0x61: {  	_ =	shalt  }
0x62: {  	_ =	shalt  }
0x63: {  	_ =	shalt  }
0x64: {  	_ =	shalt  }
0x65: {  	_ =	shalt  }
0x66: {  	_ =	shalt  }
0x67: {  	_ =	shalt  }
0x68: {  	_ =	shalt  }
0x69: {  	_ =	shalt  }
0x6a: {  	_ =	shalt  }
0x6b: {  	_ =	shalt  }
0x6c: {  	_ =	shalt  }
0x6d: {  	_ =	shalt  }
0x6e: {  	_ =	shalt  }
0x6f: {  	_ =	shalt  }
0x70: {  	_ =	shalt  }
0x71: {  	_ =	shalt  }
0x72: {  	_ =	shalt  }
0x73: {  	_ =	shalt  }
0x74: {  	_ =	shalt  }
0x75: {  	_ =	shalt  }
0x76: {  	_ =	shalt  }
0x77: {  	_ =	shalt  }
0x78: {  	_ =	shalt  }
0x79: {  	_ =	shalt  }
0x7a: {  	_ =	shalt  }
0x7b: {  	_ =	shalt  }
0x7c: {  	_ =	shalt  }
0x7d: {  	_ =	shalt  }
0x7e: {  	_ =	shalt  }
0x7f: {  	_ =	shalt  }
0x80: {  	_ =	shalt  }
0x81: {  	_ =	shalt  }
0x82: {  	_ =	shalt  }
0x83: {  	_ =	shalt  }
0x84: {  	_ =	shalt  }
0x85: {  	_ =	shalt  }
0x86: {  	_ =	shalt  }
0x87: {  	_ =	shalt  }
.Lfunc_end0:
.L_simem_size_0:
called_computation.1_lowered:
.L_overlay_start_0:
0x88: {  	s2 =	sld [smem:$0x3FD9]  }
0x89: {  	s3 =	sld [smem:$0x3FFE];
	_ =	sdelay $0x1  }
0x8a: {  	s1 =	srdreg.scid  }
0x8b: {  	s0 =	sand.u32 $0x1, s1  }
0x8c: {  	s17 =	sshll.u32 s0, $0xA;
	s2 =	sadd.s32 s3, s2  }
0x8d: {  	s2 =	sadd.s32 s2, s17  }
0x8e: {  	[smem:$0x3FC2] =	sst s2  }
0x8f: {  	_ = 	snop  }
0x90: {  	s2 =	sld [smem:$0x3FD0];
	(tm) =	ssettm $0x1  }
0x91: {  	s18 =	sld [smem:$0x3FFB];
	_ =	sdelay $0x3  }
0x92: {  	_ =	strace s18  }
0x93: {  	s3 =	sld [smem:$0x3FFC];
	_ =	sdelay $0x3  }
0x94: {  	_ =	strace s3  }
0x95: {  	s3 =	sld [smem:$0x3FFD];
	_ =	sdelay $0x3  }
0x96: {  	_ =	strace s3  }
0x97: {  	_ =	strace $0x8FFFFFFF  }
0x98: {  	s19 =	sld [smem:$0x3FDB];
	_ =	sdelay $0x1  }
0x99: {  	s4 =	simm.s32 $_scs_section_size  }
0x9a: {  	s5 =	simm.s32 $_size__tile_overlayer_lowered;
	s6 =	simm.s32 $_tile_overlayer_lowered  }
0x9b: {  	s22 =	simm.s32 $0x1BFF;
	s21 =	sshll.u32 s6, $0x1;
	s3 =	sadd.s32 s4, s19  }
0x9c: {  	s7 =	simm.s32 $0x0;
	s20 =	sshll.u32 s5, $0x1;
	s5 =	sadd.s32 s21, s3  }
0x9d: {  	[timem:s7], [sflag:s22] =	dma.local [hbm:s5], s20  }
0x9e: {  	_ =	swait.ge [sflag:s22], s20  }
0x9f: {  	s4 =	ssub.s32 $0x0, s20;
	[sflag:s22] =	ssyncset.done $0x0  }
0xa0: {  	[sflag:s22] =	ssyncadd.s32 s4;
	_ =	sdelay $0x1  }
0xa1: {  	s23 =	simm.s32 $0x1B8B  }
0xa2: {  	_ =	swait.ge [sflag:s23], $0x1  }
0xa3: {  	[sflag:s23] =	ssyncset.done $0x0  }
0xa4: {  	s25 =	simm.s32 $0x1B8E;
	s24 =	sld [smem:$0x3FFE];
	[sflag:s23] =	ssyncadd.s32 $0xFFFFFFFF  }
0xa5: {  	s26 =	simm.s32 $execute0_lowered;
	[smem:$0x3FD2] =	sst s25  }
0xa6: {  	s5 =	sshll.u32 s26, $0x1;
	_ =	strace $0x80000046;
	[dreg:$0x1] =	wrdreg $0xFFFFFFFF  }
0xa7: {  	s28 =	simm.s32 $_size_execute0_lowered;
	s3 =	sadd.s32 s3, s5;
	[dreg:$0x0] =	wrdreg $0x0  }
0xa8: {  	s5 =	sshll.u32 s28, $0x1;
	[dreg:$0x2] =	wrdreg s3  }
0xa9: {  	[dreg:$0x3] =	wrdreg s5  }
0xaa: {  	[dreg:$0x4] =	wrdreg $0xC0  }
0xab: {  	_ =	task [dreg:s7], $0x5FFFF  }
0xac: {  	[dreg:$0x1] =	wrdreg $0xFFFFFFFF  }
0xad: {  	[dreg:$0x0] =	wrdreg $0x60  }
0xae: {  	[dreg:$0x2] =	wrdreg s2  }
0xaf: {  	[dreg:$0x3] =	wrdreg s24  }
0xb0: {  	[dreg:$0x4] =	wrdreg $0x9  }
0xb1: {  	_ =	task.clear_ibuf [dreg:s7], $0x5FFFF;
	_ =	strace $0x90000046  }
0xb2: {  	s29 =	simm.s32 $0x9;
	_ =	strace $0x80000048  }
0xb3: {  	_ =	swait.ge [sflag:s29], $0x1  }
0xb4: {  	[sflag:s29] =	ssyncadd.s32 $0xFFFFFFFF  }
0xb5: {  	_ =	strace $0x90000048  }
0xb6: {  	_ =	sfence  }
0xb7: {  	s30 =	sld [smem:$0x0];
	_ =	sdelay $0x2  }
0xb8: {  	s31 =	sshll.u32 s1, $0xD;
	s1 =	sshrl.u32 s1, $0x2  }
0xb9: {  	s3 =	sand.u32 $0x4000, s31;
	s1 =	sadd.s32 s1, s30  }
0xba: {  	s0 =	sor.u32 s3, s0;
	s1 =	sshll.u32 s1, $0x11  }
0xbb: {  	s0 =	sor.u32 s1, s0  }
0xbc: {  	s0 =	sadd.s32 $0x8F2B, s0  }
0xbd: {  	[sflag:s0] =	ssyncadd.remote.s32 $0x1  }
0xbe: {  	_ =	sfence.sel $0xFFFF  }
0xbf: {  	[dreg:$0x0] =	wrdreg $0xFFFFFFFF;
	(pc) =	sbr.abs _section_cstart, $3  }
0xc0: {  	[dreg:$0x1] =	wrdreg $0xFFFFFFFF  }
0xc1: {  	_ =	task.clear_ibuf [dreg:s7], $0x2FFFF;
	_ =	strace $0x9FFFFFFF  }
0xc2: {  	(tm) =	ssettm $0x7FFFFFFF  }
0xc3: {  	_ =	shalt  }
tec
execute0_lowered:
.L_overlay_start_1:
0x0: {  	(tag) =	ssettag $0x1  }
0x1: {  	s4 =	rddreg [dreg:$0x0]  }
0x2: {  	s0 =	rddreg [dreg:$0x1];
	s3 =	simm.s32 $0x0  }
0x3: {  	s1 =	srdreg.scid;
	s2 =	stileid.u32;
	s15 =	simm.s32 $0x7  }
0x4: {  	s17 =	simm.s32 $0x80;
	s28 =	simm.s32 $0x3;
	[smem:$0x7FF] =	sst s3  }
0x5: {  	s1 =	sand.u32 $0x1, s1;
	s2 =	sshll.u32 s2, $0x1;
	s5 =	sadd.s32 $0x1200, s0  }
0x6: {  	s6 =	sadd.s32 $0xF43600, s0;
	s23 =	sadd.s32 $0x1A200, s0;
	s8 =	sadd.s32 $0x1B200, s0  }
0x7: {  	s0 =	sadd.s32 $0x1BA00, s0;
	_ =	strace $0x80000047;
	[dreg:$0x5] =	wrdreg s23  }
0x8: {  	s2 =	sor.u32 s1, s2;
	s1 =	ssub.s32 $0x2, s1;
	[dreg:$0x6] =	wrdreg s8  }
0x9: {  	[dreg:$0x3] =	wrdreg s5;
	s7 =	smul.u32 $0x6400, s2;
	s24 =	sshrl.u32 s1, $0x1  }
0xa: {  	s29 =	simm.s32 $0x4;
	[dreg:$0xa] =	wrdreg s0;
	s1 =	ssub.s32 s1, s24  }
.Ltmp0:
0xb: {  	[dreg:$0x4] =	wrdreg s7;
	s26 =	sor.u32 $0x200, s7;
	(pc) =	sbr.rel .LBB2_1-.Ltmp0, $4  }
0xc: {  	s25 =	sshrl.u32 s7, $0x3;
	s31 =	smax.u32 s1, $0x1;
	[dreg:$0x9] =	wrdreg s26  }
0xd: {  	s30 =	simm.s32 $0x6;
	s4 =	sadd.s32 s4, s25;
	[dreg:$0xb] =	wrdreg s31  }
0xe: {  	s24 =	simm.s32 $0x1;
	s2 =	sadd.s32 s5, s25;
	[dreg:$0x7] =	wrdreg s4  }
0xf: {  	v0 =	vimm.s32 $0x0;
	s1 =	simm.s32 $0x0;
	s25 =	simm.s32 $0x2;
	[dreg:$0x8] =	wrdreg s2  }
.LBB2_17:
0x10: {  	s0 =	simm.s32 $0x5  }
0x11: {  	_ =	swait.ge [sflag:s0], $0x4000  }
0x12: {  	[sflag:s0] =	ssyncset.done $0x0  }
0x13: {  	[sflag:s0] =	ssyncadd.s32 $0xFFFFC000  }
0x14: {  	_ =	swait.ge [sflag:s30], $0x4000  }
0x15: {  	s1 =	rddreg [dreg:$0xc]  }
0x16: {  	s31 =	rddreg [dreg:$0xb];
	s1 =	sadd.s32 $0x1, s1  }
0x17: {  	p0 =	sne.s32 s1, s31  }
.Ltmp1:
0x18: {  	_ = 	snop;
	(pc) =	sbr.rel @!p0 .LBB2_18-.Ltmp1, $3  }
0x19: {  	_ =	sdelay $0x1  }
0x1a: {  	[sflag:s30] =	ssyncset.done $0x0  }
0x1b: {  	[sflag:s30] =	ssyncadd.s32 $0xFFFFC000  }
.LBB2_1:
0x1c: {  	[dreg:$0xc] =	wrdreg s1  }
0x1d: {  	s0 =	rddreg [dreg:$0x5];
	s22 =	simm.s32 $0x10800  }
0x1e: {  	[tilespmem:s22], [sflag:$0x7] =	stream.linear.gather [hbm4b:s0+s3], $0x8000, $0x38;
	[tilespmem:$0x18800] =	vst v63  }
0x1f: {  	_ =	swait.ge [sflag:s15], $0x8000  }
0x20: {  	[sflag:s15] =	ssyncset.done $0x0  }
0x21: {  	s23 =	rddreg [dreg:$0x7];
	[sflag:s15] =	ssyncadd.s32 $0xFFFF8000  }
0x22: {  	[tilespmem:s3], [sflag:$0x7] =	stream.linear.gather [hbm4b:s23+s3], $0x200, $0x38;
	[tilespmem:$0x18800] =	vst v63  }
0x23: {  	_ =	swait.ge [sflag:s15], $0x200  }
0x24: {  	[sflag:s15] =	ssyncset.done $0x0  }
0x25: {  	s31 =	simm.s32 $0x200;
	s26 =	rddreg [dreg:$0x8];
	[sflag:s15] =	ssyncadd.s32 $0xFFFFFE00  }
0x26: {  	[tilespmem:s31], [sflag:$0x7] =	stream.linear.gather [hbm4b:s26+s3], $0x200, $0x38;
	[tilespmem:$0x18800] =	vst v63  }
0x27: {  	_ =	swait.ge [sflag:s15], $0x200  }
0x28: {  	[sflag:s15] =	ssyncset.done $0x0  }
0x29: {  	s1 =	simm.s32 $0x0;
	[sflag:s15] =	ssyncadd.s32 $0xFFFFFE00  }
0x2a: {  	v2 =	vld [tilespmem:s1+$0x200];
	_ =	sdelay $0x3  }
0x2b: {  	s0 =	simm.s32 $0x10  }
0x2c: {  	v1 =	vld [tilespmem:s0+$0x200];
	v3 =	vcvt.s32.f32 v2;
	_ =	sdelay $0x1  }
0x2d: {  	v3 =	vmul.f32 $9.999999740e-05, v3;
	_ =	sdelay $0x1  }
0x2e: {  	v3 =	vtrunc.f32 v3  }
0x2f: {  	v5 =	vcvt.f32.s32 v3;
	v3 =	vcvt.s32.f32 v1;
	_ =	sdelay $0x1  }
0x30: {  	v4 =	vmul.u32 $0xFFFFD8F0, v5;
	v3 =	vmul.f32 $9.999999740e-05, v3  }
0x31: {  	s2 =	simm.s32 $0x20  }
0x32: {  	v2 =	vadd.s32 v2, v4;
	v4 =	vtrunc.f32 v3;
	v3 =	vld [tilespmem:s2+$0x200];
	_ =	sdelay $0x2  }
0x33: {  	vm0 =	vgt.s32 v2, $0x270F;
	v6 =	vshra.s32 v2, $0x1F  }
0x34: {  	s4 =	simm.s32 $0xC0;
	v2 =	vcvt.f32.s32 v4;
	v4 =	vsel vm0, $0x1, v0;
	v5 =	vadd.s32 v5, v6  }
.LBB2_2:
0x35: {  	s5 =	sshra.s32 s4, $0x2;
	p0 =	sne.s32 s4, $0x7C0;
	s4 =	sadd.s32 $0x40, s4;
	v6 =	vcvt.s32.f32 v3;
	v4 =	vadd.s32 v4, v5;
	v5 =	vmov v3  }
.Ltmp2:
0x36: {  	v3 =	vld [tilespmem:s5+$0x200];
	v7 =	vmul.u32 $0xFFFFD8F0, v2;
	[tilespmem:s1+$0x400] =	vst v4;
	s1 =	smov.u32 s0;
	s0 =	smov.u32 s2;
	(pc) =	sbr.rel @p0 .LBB2_2-.Ltmp2, $4  }
0x37: {  	s2 =	smov.u32 s5;
	v4 =	vmul.f32 $9.999999740e-05, v6  }
0x38: {  	v6 =	vadd.s32 v1, v7;
	v1 =	vmov v5  }
0x39: {  	v7 =	vtrunc.f32 v4;
	vm0 =	vgt.s32 v6, $0x270F;
	v5 =	vshra.s32 v6, $0x1F  }
0x3a: {  	v4 =	vsel vm0, $0x1, v0;
	v5 =	vadd.s32 v2, v5;
	v2 =	vcvt.f32.s32 v7  }
0x3b: {  	v6 =	vcvt.s32.f32 v3;
	_ =	sdelay $0x1  }
0x3c: {  	v6 =	vmul.f32 $9.999999740e-05, v6;
	_ =	sdelay $0x1  }
0x3d: {  	v6 =	vtrunc.f32 v6  }
0x3e: {  	v7 =	vmul.u32 $0xFFFFD8F0, v2;
	v6 =	vcvt.f32.s32 v6;
	_ =	sdelay $0x1  }
0x3f: {  	v1 =	vadd.s32 v1, v7;
	v62 =	vmul.u32 $0xFFFFD8F0, v6  }
0x40: {  	v4 =	vadd.s32 v4, v5;
	vm0 =	vgt.s32 v1, $0x270F  }
0x41: {  	v1 =	vshra.s32 v1, $0x1F;
	v63 =	vsel vm0, $0x1, v0;
	v3 =	vadd.s32 v3, v62  }
0x42: {  	v1 =	vadd.s32 v2, v1;
	vm15 =	vgt.s32 v3, $0x270F;
	v2 =	vshra.s32 v3, $0x1F  }
0x43: {  	[tilespmem:s1+$0x400] =	vst v4;
	v1 =	vadd.s32 v63, v1;
	v3 =	vsel vm15, $0x1, v0;
	v2 =	vadd.s32 v6, v2  }
0x44: {  	[tilespmem:s0+$0x400] =	vst v1;
	v1 =	vadd.s32 v3, v2  }
0x45: {  	s14 =	simm.s32 $0x0;
	s20 =	simm.s32 $0x800;
	[tilespmem:s2+$0x400] =	vst v1  }
0x46: {  	[tilespmem:s20], [sflag:$0x1] =	stream.indirect.gather [hbm4b:s6+s17], $0x40, s14, s17, $0xb8;
	[tilespmem:$0x18800] =	vst v63  }
0x47: {  	s21 =	simm.s32 $0x2800  }
0x48: {  	[tilespmem:s21], [sflag:$0x2] =	stream.indirect.gather [hbm4b:s6+s17], $0x40, s17, s17, $0xb8;
	[tilespmem:$0x18800] =	vst v63  }
0x49: {  	s22 =	simm.s32 $0x100;
	s23 =	simm.s32 $0x4800  }
0x4a: {  	[tilespmem:s23], [sflag:$0x3] =	stream.indirect.gather [hbm4b:s6+s17], $0x40, s22, s17, $0xb8;
	[tilespmem:$0x18800] =	vst v63  }
0x4b: {  	s26 =	simm.s32 $0x180;
	s31 =	simm.s32 $0x6800  }
0x4c: {  	[tilespmem:s31], [sflag:$0x4] =	stream.indirect.gather [hbm4b:s6+s17], $0x40, s26, s17, $0xb8;
	[tilespmem:$0x18800] =	vst v63  }
.LBB2_4:
0x4d: {  	s0 =	simm.s32 $0x0  }
0x4e: {  	s1 =	simm.s32 $0x40;
	v1 =	vld [tilespmem:s0+$0x400]  }
.LBB2_5:
0x4f: {  	p0 =	sne.s32 s1, $0x7C0  }
.Ltmp3:
0x50: {  	_ = 	snop;
	(pc) =	sbr.rel @p0 .LBB2_5-.Ltmp3, $3  }
0x51: {  	_ =	sdelay $0x1  }
0x52: {  	[tilespmem:s0+$0x600] =	vst v1;
	s0 =	sshra.s32 s1, $0x2;
	s1 =	sadd.s32 $0x40, s1  }
0x53: {  	v1 =	vld [tilespmem:s0+$0x400]  }
0x54: {  	_ =	sdelay $0x3  }
0x55: {  	[tilespmem:s0+$0x600] =	vst v1  }
0x56: {  	_ =	swait.ge [sflag:s24], $0x2000  }
0x57: {  	[sflag:s24] =	ssyncset.done $0x0  }
0x58: {  	[sflag:s24] =	ssyncadd.s32 $0xFFFFE000  }
0x59: {  	_ =	swait.ge [sflag:s25], $0x2000  }
0x5a: {  	p0 =	seq.s32 s14, $0x0;
	[sflag:s25] =	ssyncset.done $0x0  }
0x5b: {  	s0 =	simm.s32 @!p0 $0x5;
	[sflag:s25] =	ssyncadd.s32 $0xFFFFE000  }
0x5c: {  	_ =	swait.ge @!p0 [sflag:s0], $0x4000  }
0x5d: {  	[sflag:s0] =	ssyncset.done @!p0 $0x0  }
0x5e: {  	s22 =	simm.s32 $0x600;
	[sflag:s0] =	ssyncadd.s32 @!p0 $0xFFFFC000  }
0x5f: {  	v1 =	vld [tilespmem:s22+$0x0];
	_ =	sdelay $0x4  }
0x60: {  	v1 =	vshll.u32 v1, $0x8  }
0x61: {  	v5 =	vshra.s32 v1, $0x2  }
0x62: {  	(v2sf) =	vpush v5, $0x0;
	_ =	sdelay $0xd  }
0x63: {  	s0 =	simm.s32 $0x0  }
0x64: {  	v1 =	vld [tilespmem:s0+$0x800];
	s1 =	spop (v2sf)  }
0x65: {  	v2 =	vld [tilespmem:s1+$0x10800];
	_ =	sdelay $0x4  }
0x66: {  	v1 =	vadd.f32 v2, v1;
	_ =	sdelay $0x1  }
0x67: {  	v2 =	vld [tilespmem:s0+$0x810];
	[tilespmem:s0+$0x8800] =	vst v1  }
0x68: {  	v1 =	vld [tilespmem:s1+$0x10810];
	_ =	sdelay $0x4  }
0x69: {  	v1 =	vadd.f32 v1, v2;
	_ =	sdelay $0x1  }
0x6a: {  	v2 =	vld [tilespmem:s0+$0x820];
	[tilespmem:s0+$0x8810] =	vst v1  }
0x6b: {  	(v2sf) =	vpush v5, $0x1;
	v1 =	vld [tilespmem:s1+$0x10820];
	_ =	sdelay $0x4  }
0x6c: {  	v1 =	vadd.f32 v1, v2;
	_ =	sdelay $0x1  }
0x6d: {  	v2 =	vld [tilespmem:s0+$0x830];
	[tilespmem:s0+$0x8820] =	vst v1  }
0x6e: {  	v1 =	vld [tilespmem:s1+$0x10830];
	_ =	sdelay $0x4  }
0x6f: {  	v1 =	vadd.f32 v1, v2;
	_ =	sdelay $0x1  }
0x70: {  	s23 =	spop (v2sf);
	v2 =	vld [tilespmem:s0+$0x840];
	[tilespmem:s0+$0x8830] =	vst v1  }
0x71: {  	v1 =	vld [tilespmem:s23+$0x10800];
	_ =	sdelay $0x4  }
0x72: {  	v1 =	vadd.f32 v1, v2;
	_ =	sdelay $0x1  }
0x73: {  	v2 =	vld [tilespmem:s0+$0x850];
	[tilespmem:s0+$0x8840] =	vst v1  }
0x74: {  	v1 =	vld [tilespmem:s23+$0x10810];
	_ =	sdelay $0x4  }
0x75: {  	v1 =	vadd.f32 v1, v2;
	_ =	sdelay $0x1  }
0x76: {  	v2 =	vld [tilespmem:s0+$0x860];
	[tilespmem:s0+$0x8850] =	vst v1  }
0x77: {  	(v2sf) =	vpush v5, $0x2;
	v1 =	vld [tilespmem:s23+$0x10820];
	_ =	sdelay $0x4  }
0x78: {  	v1 =	vadd.f32 v1, v2;
	_ =	sdelay $0x1  }
0x79: {  	v2 =	vld [tilespmem:s0+$0x870];
	[tilespmem:s0+$0x8860] =	vst v1  }
0x7a: {  	v1 =	vld [tilespmem:s23+$0x10830];
	_ =	sdelay $0x4  }
0x7b: {  	v1 =	vadd.f32 v1, v2;
	_ =	sdelay $0x1  }
0x7c: {  	s26 =	spop (v2sf);
	v2 =	vld [tilespmem:s0+$0x880];
	[tilespmem:s0+$0x8870] =	vst v1  }
0x7d: {  	v1 =	vld [tilespmem:s26+$0x10800];
	_ =	sdelay $0x4  }
0x7e: {  	v1 =	vadd.f32 v1, v2;
	_ =	sdelay $0x1  }
0x7f: {  	v2 =	vld [tilespmem:s0+$0x890];
	[tilespmem:s0+$0x8880] =	vst v1  }
0x80: {  	v1 =	vld [tilespmem:s26+$0x10810];
	_ =	sdelay $0x4  }
0x81: {  	v1 =	vadd.f32 v1, v2;
	_ =	sdelay $0x1  }
0x82: {  	v2 =	vld [tilespmem:s0+$0x8A0];
	[tilespmem:s0+$0x8890] =	vst v1  }
0x83: {  	v1 =	vld [tilespmem:s26+$0x10820];
	(v2sf) =	vpush v5, $0x3;
	_ =	sdelay $0x4  }
0x84: {  	v1 =	vadd.f32 v1, v2;
	_ =	sdelay $0x1  }
0x85: {  	v2 =	vld [tilespmem:s0+$0x8B0];
	[tilespmem:s0+$0x88A0] =	vst v1  }
0x86: {  	v1 =	vld [tilespmem:s26+$0x10830];
	_ =	sdelay $0x4  }
0x87: {  	v1 =	vadd.f32 v1, v2;
	_ =	sdelay $0x1  }
0x88: {  	v2 =	vld [tilespmem:s0+$0x8C0];
	[tilespmem:s0+$0x88B0] =	vst v1;
	s31 =	spop (v2sf)  }
0x89: {  	v1 =	vld [tilespmem:s31+$0x10800];
	_ =	sdelay $0x4  }
0x8a: {  	v1 =	vadd.f32 v1, v2;
	_ =	sdelay $0x1  }
0x8b: {  	v2 =	vld [tilespmem:s0+$0x8D0];
	[tilespmem:s0+$0x88C0] =	vst v1  }
0x8c: {  	v1 =	vld [tilespmem:s31+$0x10810]  }
0x8d: {  	s2 =	simm.s32 $0x610  }
0x8e: {  	v3 =	vld [tilespmem:s2+$0x0];
	_ =	sdelay $0x2  }
0x8f: {  	v1 =	vadd.f32 v1, v2;
	_ =	sdelay $0x1  }
0x90: {  	v3 =	vshll.u32 v3, $0x8;
	v2 =	vld [tilespmem:s0+$0x8E0];
	[tilespmem:s0+$0x88D0] =	vst v1  }
0x91: {  	(v2sf) =	vpush v5, $0x4;
	v1 =	vshra.s32 v3, $0x2;
	v3 =	vld [tilespmem:s31+$0x10820]  }
0x92: {  	(v2sf) =	vpush v1, $0x0;
	_ =	sdelay $0x3  }
0x93: {  	v2 =	vadd.f32 v3, v2;
	_ =	sdelay $0x1  }
0x94: {  	v3 =	vld [tilespmem:s0+$0x8F0];
	[tilespmem:s0+$0x88E0] =	vst v2  }
0x95: {  	v2 =	vld [tilespmem:s31+$0x10830];
	_ =	sdelay $0x4  }
0x96: {  	s7 =	simm.s32 $0x400;
	v2 =	vadd.f32 v2, v3  }
0x97: {  	v4 =	vld [tilespmem:s7+$0x800]  }
0x98: {  	s4 =	spop (v2sf);
	v3 =	vld [tilespmem:s0+$0x900];
	[tilespmem:s0+$0x88F0] =	vst v2  }
0x99: {  	s5 =	spop (v2sf);
	v2 =	vld [tilespmem:s4+$0x10800]  }
0x9a: {  	v6 =	vld [tilespmem:s5+$0x10800];
	_ =	sdelay $0x3  }
0x9b: {  	v2 =	vadd.f32 v2, v3  }
0x9c: {  	v3 =	vld [tilespmem:s0+$0x910];
	v4 =	vadd.f32 v6, v4  }
0x9d: {  	v6 =	vld [tilespmem:s7+$0x810];
	[tilespmem:s0+$0x8900] =	vst v2  }
0x9e: {  	[tilespmem:s7+$0x8800] =	vst v4;
	v2 =	vld [tilespmem:s4+$0x10810]  }
0x9f: {  	v4 =	vld [tilespmem:s5+$0x10810];
	_ =	sdelay $0x3  }
0xa0: {  	v2 =	vadd.f32 v2, v3  }
0xa1: {  	v3 =	vld [tilespmem:s0+$0x920];
	v4 =	vadd.f32 v4, v6  }
0xa2: {  	v6 =	vld [tilespmem:s7+$0x820];
	[tilespmem:s0+$0x8910] =	vst v2  }
0xa3: {  	(v2sf) =	vpush v5, $0x5;
	[tilespmem:s7+$0x8810] =	vst v4;
	v2 =	vld [tilespmem:s4+$0x10820]  }
0xa4: {  	(v2sf) =	vpush v1, $0x1;
	v4 =	vld [tilespmem:s5+$0x10820];
	_ =	sdelay $0x3  }
0xa5: {  	v2 =	vadd.f32 v2, v3  }
0xa6: {  	v3 =	vld [tilespmem:s0+$0x930];
	v4 =	vadd.f32 v4, v6  }
0xa7: {  	v6 =	vld [tilespmem:s7+$0x830];
	[tilespmem:s0+$0x8920] =	vst v2  }
0xa8: {  	[tilespmem:s7+$0x8820] =	vst v4;
	v2 =	vld [tilespmem:s4+$0x10830]  }
0xa9: {  	v4 =	vld [tilespmem:s5+$0x10830];
	_ =	sdelay $0x3  }
0xaa: {  	v2 =	vadd.f32 v2, v3  }
0xab: {  	v3 =	vld [tilespmem:s0+$0x940];
	v4 =	vadd.f32 v4, v6  }
0xac: {  	s8 =	spop (v2sf);
	v6 =	vld [tilespmem:s7+$0x840];
	[tilespmem:s0+$0x8930] =	vst v2  }
0xad: {  	s9 =	spop (v2sf);
	[tilespmem:s7+$0x8830] =	vst v4;
	v2 =	vld [tilespmem:s8+$0x10800]  }
0xae: {  	v4 =	vld [tilespmem:s9+$0x10800];
	_ =	sdelay $0x3  }
0xaf: {  	v2 =	vadd.f32 v2, v3  }
0xb0: {  	v3 =	vld [tilespmem:s0+$0x950];
	v4 =	vadd.f32 v4, v6  }
0xb1: {  	v6 =	vld [tilespmem:s7+$0x850];
	[tilespmem:s0+$0x8940] =	vst v2  }
0xb2: {  	[tilespmem:s7+$0x8840] =	vst v4;
	v2 =	vld [tilespmem:s8+$0x10810]  }
0xb3: {  	v4 =	vld [tilespmem:s9+$0x10810];
	_ =	sdelay $0x3  }
0xb4: {  	v2 =	vadd.f32 v2, v3  }
0xb5: {  	v3 =	vld [tilespmem:s0+$0x960];
	v4 =	vadd.f32 v4, v6  }
0xb6: {  	v6 =	vld [tilespmem:s7+$0x860];
	[tilespmem:s0+$0x8950] =	vst v2  }
0xb7: {  	(v2sf) =	vpush v5, $0x6;
	[tilespmem:s7+$0x8850] =	vst v4;
	v2 =	vld [tilespmem:s8+$0x10820]  }
0xb8: {  	(v2sf) =	vpush v1, $0x2;
	v4 =	vld [tilespmem:s9+$0x10820];
	_ =	sdelay $0x3  }
0xb9: {  	v2 =	vadd.f32 v2, v3  }
0xba: {  	v3 =	vld [tilespmem:s0+$0x970];
	v4 =	vadd.f32 v4, v6  }
0xbb: {  	v6 =	vld [tilespmem:s7+$0x870];
	[tilespmem:s0+$0x8960] =	vst v2  }
0xbc: {  	[tilespmem:s7+$0x8860] =	vst v4;
	v2 =	vld [tilespmem:s8+$0x10830]  }
0xbd: {  	v4 =	vld [tilespmem:s9+$0x10830];
	_ =	sdelay $0x3  }
0xbe: {  	v2 =	vadd.f32 v2, v3  }
0xbf: {  	v3 =	vld [tilespmem:s0+$0x980];
	v4 =	vadd.f32 v4, v6  }
0xc0: {  	s10 =	spop (v2sf);
	v6 =	vld [tilespmem:s7+$0x880];
	[tilespmem:s0+$0x8970] =	vst v2  }
0xc1: {  	s11 =	spop (v2sf);
	[tilespmem:s7+$0x8870] =	vst v4;
	v2 =	vld [tilespmem:s10+$0x10800]  }
0xc2: {  	v4 =	vld [tilespmem:s11+$0x10800];
	_ =	sdelay $0x3  }
0xc3: {  	v2 =	vadd.f32 v2, v3  }
0xc4: {  	v3 =	vld [tilespmem:s0+$0x990];
	v4 =	vadd.f32 v4, v6  }
0xc5: {  	v6 =	vld [tilespmem:s7+$0x890];
	[tilespmem:s0+$0x8980] =	vst v2  }
0xc6: {  	[tilespmem:s7+$0x8880] =	vst v4;
	v2 =	vld [tilespmem:s10+$0x10810]  }
0xc7: {  	v4 =	vld [tilespmem:s11+$0x10810];
	_ =	sdelay $0x3  }
0xc8: {  	v2 =	vadd.f32 v2, v3  }
0xc9: {  	v3 =	vld [tilespmem:s0+$0x9A0];
	v4 =	vadd.f32 v4, v6  }
0xca: {  	v6 =	vld [tilespmem:s7+$0x8A0];
	[tilespmem:s0+$0x8990] =	vst v2  }
0xcb: {  	(v2sf) =	vpush v5, $0x7;
	[tilespmem:s7+$0x8890] =	vst v4;
	v2 =	vld [tilespmem:s10+$0x10820]  }
0xcc: {  	(v2sf) =	vpush v1, $0x3;
	v4 =	vld [tilespmem:s11+$0x10820];
	_ =	sdelay $0x3  }
0xcd: {  	v2 =	vadd.f32 v2, v3  }
0xce: {  	v3 =	vld [tilespmem:s0+$0x9B0];
	v4 =	vadd.f32 v4, v6  }
0xcf: {  	v6 =	vld [tilespmem:s7+$0x8B0];
	[tilespmem:s0+$0x89A0] =	vst v2  }
0xd0: {  	[tilespmem:s7+$0x88A0] =	vst v4;
	v2 =	vld [tilespmem:s10+$0x10830]  }
0xd1: {  	v4 =	vld [tilespmem:s11+$0x10830];
	_ =	sdelay $0x3  }
0xd2: {  	v2 =	vadd.f32 v2, v3  }
0xd3: {  	v3 =	vld [tilespmem:s0+$0x9C0];
	v4 =	vadd.f32 v4, v6  }
0xd4: {  	s12 =	spop (v2sf);
	v6 =	vld [tilespmem:s7+$0x8C0];
	[tilespmem:s0+$0x89B0] =	vst v2  }
0xd5: {  	s13 =	spop (v2sf);
	[tilespmem:s7+$0x88B0] =	vst v4;
	v2 =	vld [tilespmem:s12+$0x10800]  }
0xd6: {  	v4 =	vld [tilespmem:s13+$0x10800];
	_ =	sdelay $0x3  }
0xd7: {  	v2 =	vadd.f32 v2, v3  }
0xd8: {  	v3 =	vld [tilespmem:s0+$0x9D0];
	v4 =	vadd.f32 v4, v6  }
0xd9: {  	v6 =	vld [tilespmem:s7+$0x8D0];
	[tilespmem:s0+$0x89C0] =	vst v2  }
0xda: {  	[tilespmem:s7+$0x88C0] =	vst v4;
	v2 =	vld [tilespmem:s12+$0x10810]  }
0xdb: {  	v4 =	vld [tilespmem:s13+$0x10810]  }
0xdc: {  	s4 =	simm.s32 $0x620  }
0xdd: {  	v7 =	vld [tilespmem:s4+$0x0];
	_ =	sdelay $0x1  }
0xde: {  	v2 =	vadd.f32 v2, v3  }
0xdf: {  	v3 =	vld [tilespmem:s0+$0x9E0];
	v4 =	vadd.f32 v4, v6  }
0xe0: {  	v6 =	vld [tilespmem:s7+$0x8E0];
	[tilespmem:s0+$0x89D0] =	vst v2  }
0xe1: {  	(v2sf) =	vpush v5, $0x8;
	v2 =	vshll.u32 v7, $0x8;
	[tilespmem:s7+$0x88D0] =	vst v4;
	v4 =	vld [tilespmem:s12+$0x10820]  }
0xe2: {  	(v2sf) =	vpush v1, $0x4;
	v2 =	vshra.s32 v2, $0x2;
	v7 =	vld [tilespmem:s13+$0x10820]  }
0xe3: {  	(v2sf) =	vpush v2, $0x0;
	_ =	sdelay $0x2  }
0xe4: {  	v3 =	vadd.f32 v4, v3  }
0xe5: {  	v4 =	vld [tilespmem:s0+$0x9F0];
	v6 =	vadd.f32 v7, v6  }
0xe6: {  	v7 =	vld [tilespmem:s7+$0x8F0];
	[tilespmem:s0+$0x89E0] =	vst v3  }
0xe7: {  	[tilespmem:s7+$0x88E0] =	vst v6;
	v3 =	vld [tilespmem:s12+$0x10830]  }
0xe8: {  	v6 =	vld [tilespmem:s13+$0x10830];
	_ =	sdelay $0x3  }
0xe9: {  	v8 =	vld [tilespmem:s0+$0xA00];
	v3 =	vadd.f32 v3, v4  }
0xea: {  	s9 =	simm.s32 $0x800;
	v4 =	vld [tilespmem:s7+$0x900];
	v6 =	vadd.f32 v6, v7  }
0xeb: {  	s16 =	spop (v2sf);
	v7 =	vld [tilespmem:s9+$0x800];
	[tilespmem:s0+$0x89F0] =	vst v3  }
0xec: {  	s18 =	spop (v2sf);
	[tilespmem:s7+$0x88F0] =	vst v6;
	v3 =	vld [tilespmem:s16+$0x10800]  }
0xed: {  	s19 =	spop (v2sf);
	v6 =	vld [tilespmem:s18+$0x10800]  }
0xee: {  	v9 =	vld [tilespmem:s19+$0x10800];
	_ =	sdelay $0x2  }
0xef: {  	v10 =	vld [tilespmem:s0+$0xA10];
	v3 =	vadd.f32 v3, v8  }
0xf0: {  	v8 =	vld [tilespmem:s7+$0x910];
	v4 =	vadd.f32 v6, v4  }
0xf1: {  	v6 =	vld [tilespmem:s9+$0x810];
	v7 =	vadd.f32 v9, v7;
	[tilespmem:s0+$0x8A00] =	vst v3  }
0xf2: {  	[tilespmem:s7+$0x8900] =	vst v4;
	v3 =	vld [tilespmem:s16+$0x10810]  }
0xf3: {  	[tilespmem:s9+$0x8800] =	vst v7;
	v4 =	vld [tilespmem:s18+$0x10810]  }
0xf4: {  	v7 =	vld [tilespmem:s19+$0x10810];
	_ =	sdelay $0x2  }
0xf5: {  	v9 =	vld [tilespmem:s0+$0xA20];
	v3 =	vadd.f32 v3, v10  }
0xf6: {  	v10 =	vld [tilespmem:s7+$0x920];
	v4 =	vadd.f32 v4, v8  }
0xf7: {  	v8 =	vld [tilespmem:s9+$0x820];
	v6 =	vadd.f32 v7, v6;
	[tilespmem:s0+$0x8A10] =	vst v3  }
0xf8: {  	(v2sf) =	vpush v5, $0x9;
	[tilespmem:s7+$0x8910] =	vst v4;
	v3 =	vld [tilespmem:s16+$0x10820]  }
0xf9: {  	(v2sf) =	vpush v1, $0x5;
	[tilespmem:s9+$0x8810] =	vst v6;
	v4 =	vld [tilespmem:s18+$0x10820]  }
0xfa: {  	(v2sf) =	vpush v2, $0x1;
	v6 =	vld [tilespmem:s19+$0x10820];
	_ =	sdelay $0x2  }
0xfb: {  	v7 =	vld [tilespmem:s0+$0xA30];
	v3 =	vadd.f32 v3, v9  }
0xfc: {  	v9 =	vld [tilespmem:s7+$0x930];
	v4 =	vadd.f32 v4, v10  }
0xfd: {  	v10 =	vld [tilespmem:s9+$0x830];
	v6 =	vadd.f32 v6, v8;
	[tilespmem:s0+$0x8A20] =	vst v3  }
0xfe: {  	[tilespmem:s7+$0x8920] =	vst v4;
	v3 =	vld [tilespmem:s16+$0x10830]  }
0xff: {  	[tilespmem:s9+$0x8820] =	vst v6;
	v4 =	vld [tilespmem:s18+$0x10830]  }
0x100: {  	v6 =	vld [tilespmem:s19+$0x10830];
	_ =	sdelay $0x2  }
0x101: {  	v8 =	vld [tilespmem:s0+$0xA40];
	v3 =	vadd.f32 v3, v7  }
0x102: {  	v7 =	vld [tilespmem:s7+$0x940];
	v4 =	vadd.f32 v4, v9  }
0x103: {  	s20 =	spop (v2sf);
	v9 =	vld [tilespmem:s9+$0x840];
	v6 =	vadd.f32 v6, v10;
	[tilespmem:s0+$0x8A30] =	vst v3  }
0x104: {  	s21 =	spop (v2sf);
	[tilespmem:s7+$0x8930] =	vst v4;
	v3 =	vld [tilespmem:s20+$0x10800]  }
0x105: {  	s22 =	spop (v2sf);
	[tilespmem:s9+$0x8830] =	vst v6;
	v4 =	vld [tilespmem:s21+$0x10800]  }
0x106: {  	v6 =	vld [tilespmem:s22+$0x10800];
	_ =	sdelay $0x2  }
0x107: {  	v10 =	vld [tilespmem:s0+$0xA50];
	v3 =	vadd.f32 v3, v8  }
0x108: {  	v8 =	vld [tilespmem:s7+$0x950];
	v4 =	vadd.f32 v4, v7  }
0x109: {  	v7 =	vld [tilespmem:s9+$0x850];
	v6 =	vadd.f32 v6, v9;
	[tilespmem:s0+$0x8A40] =	vst v3  }
0x10a: {  	[tilespmem:s7+$0x8940] =	vst v4;
	v3 =	vld [tilespmem:s20+$0x10810]  }
0x10b: {  	[tilespmem:s9+$0x8840] =	vst v6;
	v4 =	vld [tilespmem:s21+$0x10810]  }
0x10c: {  	v6 =	vld [tilespmem:s22+$0x10810];
	_ =	sdelay $0x2  }
0x10d: {  	v9 =	vld [tilespmem:s0+$0xA60];
	v3 =	vadd.f32 v3, v10  }
0x10e: {  	v10 =	vld [tilespmem:s7+$0x960];
	v4 =	vadd.f32 v4, v8  }
0x10f: {  	v8 =	vld [tilespmem:s9+$0x860];
	v6 =	vadd.f32 v6, v7;
	[tilespmem:s0+$0x8A50] =	vst v3  }
0x110: {  	(v2sf) =	vpush v5, $0xA;
	[tilespmem:s7+$0x8950] =	vst v4;
	v3 =	vld [tilespmem:s20+$0x10820]  }
0x111: {  	(v2sf) =	vpush v1, $0x6;
	[tilespmem:s9+$0x8850] =	vst v6;
	v4 =	vld [tilespmem:s21+$0x10820]  }
0x112: {  	(v2sf) =	vpush v2, $0x2;
	v6 =	vld [tilespmem:s22+$0x10820];
	_ =	sdelay $0x2  }
0x113: {  	v7 =	vld [tilespmem:s0+$0xA70];
	v3 =	vadd.f32 v3, v9  }
0x114: {  	v9 =	vld [tilespmem:s7+$0x970];
	v4 =	vadd.f32 v4, v10  }
0x115: {  	v10 =	vld [tilespmem:s9+$0x870];
	v6 =	vadd.f32 v6, v8;
	[tilespmem:s0+$0x8A60] =	vst v3  }
0x116: {  	[tilespmem:s7+$0x8960] =	vst v4;
	v3 =	vld [tilespmem:s20+$0x10830]  }
0x117: {  	[tilespmem:s9+$0x8860] =	vst v6;
	v4 =	vld [tilespmem:s21+$0x10830]  }
0x118: {  	v6 =	vld [tilespmem:s22+$0x10830];
	_ =	sdelay $0x2  }
0x119: {  	v8 =	vld [tilespmem:s0+$0xA80];
	v3 =	vadd.f32 v3, v7  }
0x11a: {  	v7 =	vld [tilespmem:s7+$0x980];
	v4 =	vadd.f32 v4, v9  }
0x11b: {  	s23 =	spop (v2sf);
	v9 =	vld [tilespmem:s9+$0x880];
	v6 =	vadd.f32 v6, v10;
	[tilespmem:s0+$0x8A70] =	vst v3  }
0x11c: {  	s26 =	spop (v2sf);
	[tilespmem:s7+$0x8970] =	vst v4;
	v3 =	vld [tilespmem:s23+$0x10800]  }
0x11d: {  	s31 =	spop (v2sf);
	[tilespmem:s9+$0x8870] =	vst v6;
	v4 =	vld [tilespmem:s26+$0x10800]  }
0x11e: {  	v6 =	vld [tilespmem:s31+$0x10800];
	_ =	sdelay $0x2  }
0x11f: {  	v10 =	vld [tilespmem:s0+$0xA90];
	v3 =	vadd.f32 v3, v8  }
0x120: {  	v8 =	vld [tilespmem:s7+$0x990];
	v4 =	vadd.f32 v4, v7  }
0x121: {  	v7 =	vld [tilespmem:s9+$0x890];
	v6 =	vadd.f32 v6, v9;
	[tilespmem:s0+$0x8A80] =	vst v3  }
0x122: {  	[tilespmem:s7+$0x8980] =	vst v4;
	v3 =	vld [tilespmem:s23+$0x10810]  }
0x123: {  	[tilespmem:s9+$0x8880] =	vst v6;
	v4 =	vld [tilespmem:s26+$0x10810]  }
0x124: {  	v6 =	vld [tilespmem:s31+$0x10810];
	_ =	sdelay $0x2  }
0x125: {  	v9 =	vld [tilespmem:s0+$0xAA0];
	v3 =	vadd.f32 v3, v10  }
0x126: {  	v10 =	vld [tilespmem:s7+$0x9A0];
	v4 =	vadd.f32 v4, v8  }
0x127: {  	v8 =	vld [tilespmem:s9+$0x8A0];
	v6 =	vadd.f32 v6, v7;
	[tilespmem:s0+$0x8A90] =	vst v3  }
0x128: {  	(v2sf) =	vpush v5, $0xB;
	[tilespmem:s7+$0x8990] =	vst v4;
	v3 =	vld [tilespmem:s23+$0x10820]  }
0x129: {  	(v2sf) =	vpush v1, $0x7;
	[tilespmem:s9+$0x8890] =	vst v6;
	v4 =	vld [tilespmem:s26+$0x10820]  }
0x12a: {  	(v2sf) =	vpush v2, $0x3;
	v6 =	vld [tilespmem:s31+$0x10820];
	_ =	sdelay $0x2  }
0x12b: {  	v7 =	vld [tilespmem:s0+$0xAB0];
	v3 =	vadd.f32 v3, v9  }
0x12c: {  	v9 =	vld [tilespmem:s7+$0x9B0];
	v4 =	vadd.f32 v4, v10  }
0x12d: {  	v10 =	vld [tilespmem:s9+$0x8B0];
	v6 =	vadd.f32 v6, v8;
	[tilespmem:s0+$0x8AA0] =	vst v3  }
0x12e: {  	[tilespmem:s7+$0x89A0] =	vst v4;
	v3 =	vld [tilespmem:s23+$0x10830]  }
0x12f: {  	[tilespmem:s9+$0x88A0] =	vst v6;
	v4 =	vld [tilespmem:s26+$0x10830]  }
0x130: {  	v6 =	vld [tilespmem:s31+$0x10830];
	_ =	sdelay $0x2  }
0x131: {  	v8 =	vld [tilespmem:s0+$0xAC0];
	v3 =	vadd.f32 v3, v7  }
0x132: {  	v7 =	vld [tilespmem:s7+$0x9C0];
	v4 =	vadd.f32 v4, v9  }
0x133: {  	s4 =	spop (v2sf);
	v9 =	vld [tilespmem:s9+$0x8C0];
	v6 =	vadd.f32 v6, v10;
	[tilespmem:s0+$0x8AB0] =	vst v3  }
0x134: {  	s8 =	spop (v2sf);
	[tilespmem:s7+$0x89B0] =	vst v4;
	v3 =	vld [tilespmem:s4+$0x10800]  }
0x135: {  	s10 =	spop (v2sf);
	[tilespmem:s9+$0x88B0] =	vst v6;
	v4 =	vld [tilespmem:s8+$0x10800]  }
0x136: {  	v6 =	vld [tilespmem:s10+$0x10800];
	_ =	sdelay $0x2  }
0x137: {  	v10 =	vld [tilespmem:s0+$0xAD0];
	v3 =	vadd.f32 v3, v8  }
0x138: {  	v8 =	vld [tilespmem:s7+$0x9D0];
	v4 =	vadd.f32 v4, v7  }
0x139: {  	v7 =	vld [tilespmem:s9+$0x8D0];
	v6 =	vadd.f32 v6, v9;
	[tilespmem:s0+$0x8AC0] =	vst v3  }
0x13a: {  	[tilespmem:s7+$0x89C0] =	vst v4;
	v3 =	vld [tilespmem:s4+$0x10810]  }
0x13b: {  	[tilespmem:s9+$0x88C0] =	vst v6;
	v4 =	vld [tilespmem:s8+$0x10810]  }
0x13c: {  	v6 =	vld [tilespmem:s10+$0x10810]  }
0x13d: {  	s5 =	simm.s32 $0x630  }
0x13e: {  	v9 =	vld [tilespmem:s5+$0x0]  }
0x13f: {  	v11 =	vld [tilespmem:s0+$0xAE0];
	v3 =	vadd.f32 v3, v10  }
0x140: {  	v10 =	vld [tilespmem:s7+$0x9E0];
	v4 =	vadd.f32 v4, v8  }
0x141: {  	v8 =	vld [tilespmem:s9+$0x8E0];
	v6 =	vadd.f32 v6, v7;
	[tilespmem:s0+$0x8AD0] =	vst v3  }
0x142: {  	(v2sf) =	vpush v5, $0xC;
	[tilespmem:s7+$0x89D0] =	vst v4;
	v4 =	vld [tilespmem:s4+$0x10820]  }
0x143: {  	(v2sf) =	vpush v1, $0x8;
	v3 =	vshll.u32 v9, $0x8;
	[tilespmem:s9+$0x88D0] =	vst v6;
	v6 =	vld [tilespmem:s8+$0x10820]  }
0x144: {  	(v2sf) =	vpush v2, $0x4;
	v3 =	vshra.s32 v3, $0x2;
	v7 =	vld [tilespmem:s10+$0x10820]  }
0x145: {  	(v2sf) =	vpush v3, $0x0;
	_ =	sdelay $0x1  }
0x146: {  	v9 =	vld [tilespmem:s0+$0xAF0];
	v4 =	vadd.f32 v4, v11  }
0x147: {  	v11 =	vld [tilespmem:s7+$0x9F0];
	v6 =	vadd.f32 v6, v10  }
0x148: {  	v10 =	vld [tilespmem:s9+$0x8F0];
	v7 =	vadd.f32 v7, v8;
	[tilespmem:s0+$0x8AE0] =	vst v4  }
0x149: {  	[tilespmem:s7+$0x89E0] =	vst v6;
	v6 =	vld [tilespmem:s4+$0x10830]  }
0x14a: {  	[tilespmem:s9+$0x88E0] =	vst v7;
	v7 =	vld [tilespmem:s8+$0x10830]  }
0x14b: {  	v8 =	vld [tilespmem:s10+$0x10830]  }
0x14c: {  	v12 =	vld [tilespmem:s0+$0xB00]  }
0x14d: {  	v13 =	vld [tilespmem:s7+$0xA00]  }
0x14e: {  	v15 =	vld [tilespmem:s7+$0xA10];
	v6 =	vadd.f32 v6, v9  }
0x14f: {  	s10 =	simm.s32 $0xC00;
	v9 =	vld [tilespmem:s9+$0x900];
	v7 =	vadd.f32 v7, v11  }
0x150: {  	s11 =	spop (v2sf);
	v11 =	vld [tilespmem:s10+$0x800];
	v8 =	vadd.f32 v8, v10;
	[tilespmem:s0+$0x8AF0] =	vst v6  }
0x151: {  	s12 =	spop (v2sf);
	[tilespmem:s7+$0x89F0] =	vst v7;
	v6 =	vld [tilespmem:s11+$0x10800]  }
0x152: {  	s13 =	spop (v2sf);
	[tilespmem:s9+$0x88F0] =	vst v8;
	v7 =	vld [tilespmem:s12+$0x10800]  }
0x153: {  	s16 =	spop (v2sf);
	v8 =	vld [tilespmem:s13+$0x10800]  }
0x154: {  	v10 =	vld [tilespmem:s16+$0x10800]  }
0x155: {  	v14 =	vld [tilespmem:s0+$0xB10]  }
0x156: {  	v16 =	vld [tilespmem:s0+$0xBD0];
	v6 =	vadd.f32 v6, v12  }
0x157: {  	v12 =	vld [tilespmem:s9+$0x910];
	v7 =	vadd.f32 v7, v13  }
0x158: {  	v13 =	vld [tilespmem:s10+$0x810];
	v8 =	vadd.f32 v8, v9;
	[tilespmem:s0+$0x8B00] =	vst v6  }
0x159: {  	v6 =	vadd.f32 v10, v11;
	[tilespmem:s7+$0x8A00] =	vst v7;
	v7 =	vld [tilespmem:s11+$0x10810]  }
0x15a: {  	[tilespmem:s9+$0x8900] =	vst v8;
	v8 =	vld [tilespmem:s12+$0x10810]  }
0x15b: {  	[tilespmem:s10+$0x8800] =	vst v6;
	v6 =	vld [tilespmem:s13+$0x10810]  }
0x15c: {  	v9 =	vld [tilespmem:s16+$0x10810]  }
0x15d: {  	v10 =	vld [tilespmem:s0+$0xB20]  }
0x15e: {  	v11 =	vld [tilespmem:s7+$0xA20];
	v7 =	vadd.f32 v7, v14  }
0x15f: {  	v14 =	vld [tilespmem:s9+$0x920];
	v8 =	vadd.f32 v8, v15  }
0x160: {  	v15 =	vld [tilespmem:s10+$0x820];
	v6 =	vadd.f32 v6, v12;
	[tilespmem:s0+$0x8B10] =	vst v7  }
0x161: {  	(v2sf) =	vpush v5, $0xD;
	v7 =	vadd.f32 v9, v13;
	[tilespmem:s7+$0x8A10] =	vst v8;
	v8 =	vld [tilespmem:s11+$0x10820]  }
0x162: {  	(v2sf) =	vpush v1, $0x9;
	[tilespmem:s9+$0x8910] =	vst v6;
	v6 =	vld [tilespmem:s12+$0x10820]  }
0x163: {  	(v2sf) =	vpush v2, $0x5;
	[tilespmem:s10+$0x8810] =	vst v7;
	v7 =	vld [tilespmem:s13+$0x10820]  }
0x164: {  	(v2sf) =	vpush v3, $0x1;
	v9 =	vld [tilespmem:s16+$0x10820]  }
0x165: {  	v12 =	vld [tilespmem:s0+$0xB30]  }
0x166: {  	v13 =	vld [tilespmem:s7+$0xA30];
	v8 =	vadd.f32 v8, v10  }
0x167: {  	v10 =	vld [tilespmem:s9+$0x930];
	v6 =	vadd.f32 v6, v11  }
0x168: {  	v11 =	vld [tilespmem:s10+$0x830];
	v7 =	vadd.f32 v7, v14;
	[tilespmem:s0+$0x8B20] =	vst v8  }
0x169: {  	v8 =	vadd.f32 v9, v15;
	[tilespmem:s7+$0x8A20] =	vst v6;
	v6 =	vld [tilespmem:s11+$0x10830]  }
0x16a: {  	[tilespmem:s9+$0x8920] =	vst v7;
	v7 =	vld [tilespmem:s12+$0x10830]  }
0x16b: {  	[tilespmem:s10+$0x8820] =	vst v8;
	v8 =	vld [tilespmem:s13+$0x10830]  }
0x16c: {  	v9 =	vld [tilespmem:s16+$0x10830]  }
0x16d: {  	v14 =	vld [tilespmem:s0+$0xB40]  }
0x16e: {  	v15 =	vld [tilespmem:s7+$0xA40];
	v6 =	vadd.f32 v6, v12  }
0x16f: {  	v12 =	vld [tilespmem:s9+$0x940];
	v7 =	vadd.f32 v7, v13  }
0x170: {  	s18 =	spop (v2sf);
	v13 =	vld [tilespmem:s10+$0x840];
	v8 =	vadd.f32 v8, v10;
	[tilespmem:s0+$0x8B30] =	vst v6  }
0x171: {  	s19 =	spop (v2sf);
	v6 =	vadd.f32 v9, v11;
	[tilespmem:s7+$0x8A30] =	vst v7;
	v7 =	vld [tilespmem:s18+$0x10800]  }
0x172: {  	s20 =	spop (v2sf);
	[tilespmem:s9+$0x8930] =	vst v8;
	v8 =	vld [tilespmem:s19+$0x10800]  }
0x173: {  	s21 =	spop (v2sf);
	[tilespmem:s10+$0x8830] =	vst v6;
	v6 =	vld [tilespmem:s20+$0x10800]  }
0x174: {  	v9 =	vld [tilespmem:s21+$0x10800]  }
0x175: {  	v10 =	vld [tilespmem:s0+$0xB50]  }
0x176: {  	v11 =	vld [tilespmem:s7+$0xA50];
	v7 =	vadd.f32 v7, v14  }
0x177: {  	v14 =	vld [tilespmem:s9+$0x950];
	v8 =	vadd.f32 v8, v15  }
0x178: {  	v15 =	vld [tilespmem:s10+$0x850];
	v6 =	vadd.f32 v6, v12;
	[tilespmem:s0+$0x8B40] =	vst v7  }
0x179: {  	v7 =	vadd.f32 v9, v13;
	[tilespmem:s7+$0x8A40] =	vst v8;
	v8 =	vld [tilespmem:s18+$0x10810]  }
0x17a: {  	[tilespmem:s9+$0x8940] =	vst v6;
	v6 =	vld [tilespmem:s19+$0x10810]  }
0x17b: {  	[tilespmem:s10+$0x8840] =	vst v7;
	v7 =	vld [tilespmem:s20+$0x10810]  }
0x17c: {  	v9 =	vld [tilespmem:s21+$0x10810]  }
0x17d: {  	v12 =	vld [tilespmem:s0+$0xB60]  }
0x17e: {  	v13 =	vld [tilespmem:s7+$0xA60];
	v8 =	vadd.f32 v8, v10  }
0x17f: {  	v10 =	vld [tilespmem:s9+$0x960];
	v6 =	vadd.f32 v6, v11  }
0x180: {  	v11 =	vld [tilespmem:s10+$0x860];
	v7 =	vadd.f32 v7, v14;
	[tilespmem:s0+$0x8B50] =	vst v8  }
0x181: {  	(v2sf) =	vpush v5, $0xE;
	v8 =	vadd.f32 v9, v15;
	[tilespmem:s7+$0x8A50] =	vst v6;
	v6 =	vld [tilespmem:s18+$0x10820]  }
0x182: {  	(v2sf) =	vpush v1, $0xA;
	[tilespmem:s9+$0x8950] =	vst v7;
	v7 =	vld [tilespmem:s19+$0x10820]  }
0x183: {  	(v2sf) =	vpush v2, $0x6;
	[tilespmem:s10+$0x8850] =	vst v8;
	v8 =	vld [tilespmem:s20+$0x10820]  }
0x184: {  	(v2sf) =	vpush v3, $0x2;
	v9 =	vld [tilespmem:s21+$0x10820]  }
0x185: {  	v14 =	vld [tilespmem:s0+$0xB70]  }
0x186: {  	v15 =	vld [tilespmem:s7+$0xA70];
	v6 =	vadd.f32 v6, v12  }
0x187: {  	v12 =	vld [tilespmem:s9+$0x970];
	v7 =	vadd.f32 v7, v13  }
0x188: {  	v13 =	vld [tilespmem:s10+$0x870];
	v8 =	vadd.f32 v8, v10;
	[tilespmem:s0+$0x8B60] =	vst v6  }
0x189: {  	v6 =	vadd.f32 v9, v11;
	[tilespmem:s7+$0x8A60] =	vst v7;
	v7 =	vld [tilespmem:s18+$0x10830]  }
0x18a: {  	[tilespmem:s9+$0x8960] =	vst v8;
	v8 =	vld [tilespmem:s19+$0x10830]  }
0x18b: {  	[tilespmem:s10+$0x8860] =	vst v6;
	v6 =	vld [tilespmem:s20+$0x10830]  }
0x18c: {  	v9 =	vld [tilespmem:s21+$0x10830]  }
0x18d: {  	v10 =	vld [tilespmem:s0+$0xB80]  }
0x18e: {  	v11 =	vld [tilespmem:s7+$0xA80];
	v7 =	vadd.f32 v7, v14  }
0x18f: {  	v14 =	vld [tilespmem:s9+$0x980];
	v8 =	vadd.f32 v8, v15  }
0x190: {  	s22 =	spop (v2sf);
	v15 =	vld [tilespmem:s10+$0x880];
	v6 =	vadd.f32 v6, v12;
	[tilespmem:s0+$0x8B70] =	vst v7  }
0x191: {  	s23 =	spop (v2sf);
	v7 =	vadd.f32 v9, v13;
	[tilespmem:s7+$0x8A70] =	vst v8;
	v8 =	vld [tilespmem:s22+$0x10800]  }
0x192: {  	s26 =	spop (v2sf);
	[tilespmem:s9+$0x8970] =	vst v6;
	v6 =	vld [tilespmem:s23+$0x10800]  }
0x193: {  	s31 =	spop (v2sf);
	[tilespmem:s10+$0x8870] =	vst v7;
	v7 =	vld [tilespmem:s26+$0x10800]  }
0x194: {  	v9 =	vld [tilespmem:s31+$0x10800]  }
0x195: {  	v12 =	vld [tilespmem:s0+$0xB90]  }
0x196: {  	v13 =	vld [tilespmem:s7+$0xA90];
	v8 =	vadd.f32 v8, v10  }
0x197: {  	v10 =	vld [tilespmem:s9+$0x990];
	v6 =	vadd.f32 v6, v11  }
0x198: {  	v11 =	vld [tilespmem:s10+$0x890];
	v7 =	vadd.f32 v7, v14;
	[tilespmem:s0+$0x8B80] =	vst v8  }
0x199: {  	v8 =	vadd.f32 v9, v15;
	[tilespmem:s7+$0x8A80] =	vst v6;
	v6 =	vld [tilespmem:s22+$0x10810]  }
0x19a: {  	[tilespmem:s9+$0x8980] =	vst v7;
	v7 =	vld [tilespmem:s23+$0x10810]  }
0x19b: {  	[tilespmem:s10+$0x8880] =	vst v8;
	v8 =	vld [tilespmem:s26+$0x10810]  }
0x19c: {  	v9 =	vld [tilespmem:s31+$0x10810]  }
0x19d: {  	v14 =	vld [tilespmem:s0+$0xBA0]  }
0x19e: {  	v15 =	vld [tilespmem:s7+$0xAA0];
	v6 =	vadd.f32 v6, v12  }
0x19f: {  	v12 =	vld [tilespmem:s9+$0x9A0];
	v7 =	vadd.f32 v7, v13  }
0x1a0: {  	v13 =	vld [tilespmem:s10+$0x8A0];
	v8 =	vadd.f32 v8, v10;
	[tilespmem:s0+$0x8B90] =	vst v6  }
0x1a1: {  	(v2sf) =	vpush v5, $0xF;
	v6 =	vadd.f32 v9, v11;
	[tilespmem:s7+$0x8A90] =	vst v7;
	v7 =	vld [tilespmem:s22+$0x10820]  }
0x1a2: {  	(v2sf) =	vpush v1, $0xB;
	[tilespmem:s9+$0x8990] =	vst v8;
	v5 =	vld [tilespmem:s23+$0x10820]  }
0x1a3: {  	(v2sf) =	vpush v2, $0x7;
	[tilespmem:s10+$0x8890] =	vst v6;
	v6 =	vld [tilespmem:s26+$0x10820]  }
0x1a4: {  	(v2sf) =	vpush v3, $0x3;
	v8 =	vld [tilespmem:s31+$0x10820]  }
0x1a5: {  	v10 =	vld [tilespmem:s7+$0xAB0]  }
0x1a6: {  	v9 =	vld [tilespmem:s0+$0xBB0];
	v7 =	vadd.f32 v7, v14  }
0x1a7: {  	v11 =	vld [tilespmem:s9+$0x9B0];
	v5 =	vadd.f32 v5, v15  }
0x1a8: {  	v14 =	vld [tilespmem:s10+$0x8B0];
	v6 =	vadd.f32 v6, v12;
	[tilespmem:s0+$0x8BA0] =	vst v7  }
0x1a9: {  	v7 =	vadd.f32 v8, v13;
	[tilespmem:s7+$0x8AA0] =	vst v5;
	v5 =	vld [tilespmem:s22+$0x10830]  }
0x1aa: {  	[tilespmem:s9+$0x89A0] =	vst v6;
	v6 =	vld [tilespmem:s23+$0x10830]  }
0x1ab: {  	[tilespmem:s10+$0x88A0] =	vst v7;
	v7 =	vld [tilespmem:s26+$0x10830]  }
0x1ac: {  	v8 =	vld [tilespmem:s31+$0x10830]  }
0x1ad: {  	v12 =	vld [tilespmem:s0+$0xBC0]  }
0x1ae: {  	v13 =	vld [tilespmem:s7+$0xAC0];
	v5 =	vadd.f32 v5, v9  }
0x1af: {  	v9 =	vld [tilespmem:s9+$0x9C0];
	v6 =	vadd.f32 v6, v10  }
0x1b0: {  	s4 =	spop (v2sf);
	v10 =	vld [tilespmem:s10+$0x8C0];
	v7 =	vadd.f32 v7, v11;
	[tilespmem:s0+$0x8BB0] =	vst v5  }
0x1b1: {  	s5 =	spop (v2sf);
	v5 =	vadd.f32 v8, v14;
	[tilespmem:s7+$0x8AB0] =	vst v6;
	v6 =	vld [tilespmem:s4+$0x10800]  }
0x1b2: {  	s8 =	spop (v2sf);
	[tilespmem:s9+$0x89B0] =	vst v7;
	v11 =	vld [tilespmem:s5+$0x10800]  }
0x1b3: {  	s11 =	spop (v2sf);
	[tilespmem:s10+$0x88B0] =	vst v5;
	v14 =	vld [tilespmem:s8+$0x10800]  }
0x1b4: {  	v15 =	vld [tilespmem:s11+$0x10800]  }
0x1b5: {  	v4 =	vld [tilespmem:s0+$0xBE0]  }
0x1b6: {  	v8 =	vld [tilespmem:s9+$0x9D0];
	v6 =	vadd.f32 v6, v12  }
0x1b7: {  	v7 =	vld [tilespmem:s7+$0xAD0];
	v11 =	vadd.f32 v11, v13  }
0x1b8: {  	v5 =	vld [tilespmem:s10+$0x8D0];
	v9 =	vadd.f32 v14, v9;
	[tilespmem:s0+$0x8BC0] =	vst v6  }
0x1b9: {  	v6 =	vadd.f32 v15, v10;
	[tilespmem:s7+$0x8AC0] =	vst v11;
	v13 =	vld [tilespmem:s4+$0x10810]  }
0x1ba: {  	[tilespmem:s9+$0x89C0] =	vst v9;
	v11 =	vld [tilespmem:s5+$0x10810]  }
0x1bb: {  	[tilespmem:s10+$0x88C0] =	vst v6;
	v12 =	vld [tilespmem:s8+$0x10810]  }
0x1bc: {  	s2 =	simm.s32 $0x640;
	v10 =	vld [tilespmem:s11+$0x10810]  }
0x1bd: {  	v9 =	vld [tilespmem:s2+$0x0]  }
0x1be: {  	s1 =	simm.s32 $0x4000;
	s13 =	simm.s32 $0x5000;
	v6 =	vld [tilespmem:s7+$0xAE0];
	v13 =	vadd.f32 v13, v16  }
.LBB2_7:
0x1bf: {  	p1 =	sne.s32 s13, $0xF000;
	v14 =	vld [tilespmem:s9+$0x9E0];
	v7 =	vadd.f32 v11, v7  }
0x1c0: {  	v11 =	vld [tilespmem:s10+$0x8E0];
	v8 =	vadd.f32 v12, v8;
	[tilespmem:s0+$0x8BD0] =	vst v13  }
0x1c1: {  	v5 =	vadd.f32 v10, v5;
	[tilespmem:s7+$0x8AD0] =	vst v7;
	v7 =	vld [tilespmem:s4+$0x10820]  }
0x1c2: {  	[tilespmem:s9+$0x89D0] =	vst v8;
	v8 =	vld [tilespmem:s5+$0x10820];
	(v2sf) =	vpush v1, $0xC  }
0x1c3: {  	v9 =	vshll.u32 v9, $0x8;
	[tilespmem:s10+$0x88D0] =	vst v5;
	v10 =	vld [tilespmem:s8+$0x10820];
	(v2sf) =	vpush v2, $0x8  }
0x1c4: {  	v5 =	vshra.s32 v9, $0x2;
	v9 =	vld [tilespmem:s11+$0x10820];
	(v2sf) =	vpush v3, $0x4  }
0x1c5: {  	(v2sf) =	vpush v5, $0x0;
	v12 =	vld [tilespmem:s0+$0xBF0]  }
0x1c6: {  	v13 =	vld [tilespmem:s7+$0xAF0];
	v4 =	vadd.f32 v7, v4  }
0x1c7: {  	v7 =	vld [tilespmem:s9+$0x9F0];
	v6 =	vadd.f32 v8, v6  }
0x1c8: {  	v8 =	vld [tilespmem:s10+$0x8F0];
	v10 =	vadd.f32 v10, v14;
	[tilespmem:s0+$0x8BE0] =	vst v4  }
0x1c9: {  	v4 =	vadd.f32 v9, v11;
	[tilespmem:s7+$0x8AE0] =	vst v6;
	v6 =	vld [tilespmem:s4+$0x10830]  }
0x1ca: {  	[tilespmem:s9+$0x89E0] =	vst v10;
	v9 =	vld [tilespmem:s5+$0x10830]  }
0x1cb: {  	[tilespmem:s10+$0x88E0] =	vst v4;
	v10 =	vld [tilespmem:s8+$0x10830]  }
0x1cc: {  	v11 =	vld [tilespmem:s11+$0x10830]  }
0x1cd: {  	v4 =	vld [tilespmem:s7+$0xBE0]  }
0x1ce: {  	v14 =	vld [tilespmem:s7+$0xB00];
	v6 =	vadd.f32 v6, v12  }
0x1cf: {  	v12 =	vld [tilespmem:s9+$0xA00];
	v9 =	vadd.f32 v9, v13  }
0x1d0: {  	s1 =	sshra.s32 s1, $0x2;
	v13 =	vld [tilespmem:s10+$0x900];
	v7 =	vadd.f32 v10, v7;
	[tilespmem:s0+$0x8BF0] =	vst v6;
	s0 =	smov.u32 s7;
	s7 =	smov.u32 s9  }
0x1d1: {  	s9 =	smov.u32 s10;
	s10 =	smov.u32 s1;
	v6 =	vld [tilespmem:s1+$0x800];
	v8 =	vadd.f32 v11, v8;
	[tilespmem:s0+$0x8AF0] =	vst v9;
	s4 =	spop (v2sf)  }
0x1d2: {  	s1 =	smov.u32 s13;
	[tilespmem:s7+$0x89F0] =	vst v7;
	s5 =	spop (v2sf);
	v7 =	vld [tilespmem:s4+$0x10800]  }
0x1d3: {  	[tilespmem:s9+$0x88F0] =	vst v8;
	s8 =	spop (v2sf);
	v8 =	vld [tilespmem:s5+$0x10800]  }
0x1d4: {  	s11 =	spop (v2sf);
	v9 =	vld [tilespmem:s8+$0x10800]  }
0x1d5: {  	v10 =	vld [tilespmem:s11+$0x10800]  }
0x1d6: {  	v11 =	vld [tilespmem:s0+$0xB10]  }
0x1d7: {  	v15 =	vld [tilespmem:s7+$0xA10];
	v7 =	vadd.f32 v7, v14  }
0x1d8: {  	v14 =	vld [tilespmem:s9+$0x910];
	v8 =	vadd.f32 v8, v12  }
0x1d9: {  	v12 =	vld [tilespmem:s10+$0x810];
	v9 =	vadd.f32 v9, v13;
	[tilespmem:s0+$0x8B00] =	vst v7  }
0x1da: {  	v6 =	vadd.f32 v10, v6;
	[tilespmem:s7+$0x8A00] =	vst v8;
	v7 =	vld [tilespmem:s4+$0x10810]  }
0x1db: {  	[tilespmem:s9+$0x8900] =	vst v9;
	v8 =	vld [tilespmem:s5+$0x10810]  }
0x1dc: {  	[tilespmem:s10+$0x8800] =	vst v6;
	v6 =	vld [tilespmem:s8+$0x10810]  }
0x1dd: {  	v9 =	vld [tilespmem:s11+$0x10810]  }
0x1de: {  	v10 =	vld [tilespmem:s0+$0xB20]  }
0x1df: {  	v13 =	vld [tilespmem:s7+$0xA20];
	v7 =	vadd.f32 v7, v11  }
0x1e0: {  	v11 =	vld [tilespmem:s9+$0x920];
	v8 =	vadd.f32 v8, v15  }
0x1e1: {  	v15 =	vld [tilespmem:s10+$0x820];
	v6 =	vadd.f32 v6, v14;
	[tilespmem:s0+$0x8B10] =	vst v7  }
0x1e2: {  	v7 =	vadd.f32 v9, v12;
	[tilespmem:s7+$0x8A10] =	vst v8;
	v8 =	vld [tilespmem:s4+$0x10820];
	(v2sf) =	vpush v1, $0xD  }
0x1e3: {  	[tilespmem:s9+$0x8910] =	vst v6;
	v6 =	vld [tilespmem:s5+$0x10820];
	(v2sf) =	vpush v2, $0x9  }
0x1e4: {  	[tilespmem:s10+$0x8810] =	vst v7;
	v7 =	vld [tilespmem:s8+$0x10820];
	(v2sf) =	vpush v3, $0x5  }
0x1e5: {  	v9 =	vld [tilespmem:s11+$0x10820];
	(v2sf) =	vpush v5, $0x1  }
0x1e6: {  	v12 =	vld [tilespmem:s0+$0xB30]  }
0x1e7: {  	v14 =	vld [tilespmem:s7+$0xA30];
	v8 =	vadd.f32 v8, v10  }
0x1e8: {  	v10 =	vld [tilespmem:s9+$0x930];
	v6 =	vadd.f32 v6, v13  }
0x1e9: {  	v13 =	vld [tilespmem:s10+$0x830];
	v7 =	vadd.f32 v7, v11;
	[tilespmem:s0+$0x8B20] =	vst v8  }
0x1ea: {  	v8 =	vadd.f32 v9, v15;
	[tilespmem:s7+$0x8A20] =	vst v6;
	v6 =	vld [tilespmem:s4+$0x10830]  }
0x1eb: {  	[tilespmem:s9+$0x8920] =	vst v7;
	v7 =	vld [tilespmem:s5+$0x10830]  }
0x1ec: {  	[tilespmem:s10+$0x8820] =	vst v8;
	v8 =	vld [tilespmem:s8+$0x10830]  }
0x1ed: {  	v9 =	vld [tilespmem:s11+$0x10830]  }
0x1ee: {  	v11 =	vld [tilespmem:s0+$0xB40]  }
0x1ef: {  	v15 =	vld [tilespmem:s7+$0xA40];
	v6 =	vadd.f32 v6, v12  }
0x1f0: {  	v12 =	vld [tilespmem:s9+$0x940];
	v7 =	vadd.f32 v7, v14  }
0x1f1: {  	v14 =	vld [tilespmem:s10+$0x840];
	v8 =	vadd.f32 v8, v10;
	[tilespmem:s0+$0x8B30] =	vst v6;
	s4 =	spop (v2sf)  }
0x1f2: {  	v6 =	vadd.f32 v9, v13;
	[tilespmem:s7+$0x8A30] =	vst v7;
	s5 =	spop (v2sf);
	v7 =	vld [tilespmem:s4+$0x10800]  }
0x1f3: {  	[tilespmem:s9+$0x8930] =	vst v8;
	s8 =	spop (v2sf);
	v8 =	vld [tilespmem:s5+$0x10800]  }
0x1f4: {  	[tilespmem:s10+$0x8830] =	vst v6;
	s11 =	spop (v2sf);
	v6 =	vld [tilespmem:s8+$0x10800]  }
0x1f5: {  	v9 =	vld [tilespmem:s11+$0x10800]  }
0x1f6: {  	v10 =	vld [tilespmem:s0+$0xB50]  }
0x1f7: {  	v13 =	vld [tilespmem:s7+$0xA50];
	v7 =	vadd.f32 v7, v11  }
0x1f8: {  	v11 =	vld [tilespmem:s9+$0x950];
	v8 =	vadd.f32 v8, v15  }
0x1f9: {  	v15 =	vld [tilespmem:s10+$0x850];
	v6 =	vadd.f32 v6, v12;
	[tilespmem:s0+$0x8B40] =	vst v7  }
0x1fa: {  	v7 =	vadd.f32 v9, v14;
	[tilespmem:s7+$0x8A40] =	vst v8;
	v8 =	vld [tilespmem:s4+$0x10810]  }
0x1fb: {  	[tilespmem:s9+$0x8940] =	vst v6;
	v6 =	vld [tilespmem:s5+$0x10810]  }
0x1fc: {  	[tilespmem:s10+$0x8840] =	vst v7;
	v7 =	vld [tilespmem:s8+$0x10810]  }
0x1fd: {  	v9 =	vld [tilespmem:s11+$0x10810]  }
0x1fe: {  	v12 =	vld [tilespmem:s0+$0xB60]  }
0x1ff: {  	v14 =	vld [tilespmem:s7+$0xA60];
	v8 =	vadd.f32 v8, v10  }
0x200: {  	v10 =	vld [tilespmem:s9+$0x960];
	v6 =	vadd.f32 v6, v13  }
0x201: {  	v13 =	vld [tilespmem:s10+$0x860];
	v7 =	vadd.f32 v7, v11;
	[tilespmem:s0+$0x8B50] =	vst v8  }
0x202: {  	v8 =	vadd.f32 v9, v15;
	[tilespmem:s7+$0x8A50] =	vst v6;
	v6 =	vld [tilespmem:s4+$0x10820];
	(v2sf) =	vpush v1, $0xE  }
0x203: {  	[tilespmem:s9+$0x8950] =	vst v7;
	v7 =	vld [tilespmem:s5+$0x10820];
	(v2sf) =	vpush v2, $0xA  }
0x204: {  	[tilespmem:s10+$0x8850] =	vst v8;
	v8 =	vld [tilespmem:s8+$0x10820];
	(v2sf) =	vpush v3, $0x6  }
0x205: {  	v9 =	vld [tilespmem:s11+$0x10820];
	(v2sf) =	vpush v5, $0x2  }
0x206: {  	v11 =	vld [tilespmem:s0+$0xB70]  }
0x207: {  	v15 =	vld [tilespmem:s7+$0xA70];
	v6 =	vadd.f32 v6, v12  }
0x208: {  	v12 =	vld [tilespmem:s9+$0x970];
	v7 =	vadd.f32 v7, v14  }
0x209: {  	v14 =	vld [tilespmem:s10+$0x870];
	v8 =	vadd.f32 v8, v10;
	[tilespmem:s0+$0x8B60] =	vst v6  }
0x20a: {  	v6 =	vadd.f32 v9, v13;
	[tilespmem:s7+$0x8A60] =	vst v7;
	v7 =	vld [tilespmem:s4+$0x10830]  }
0x20b: {  	[tilespmem:s9+$0x8960] =	vst v8;
	v8 =	vld [tilespmem:s5+$0x10830]  }
0x20c: {  	[tilespmem:s10+$0x8860] =	vst v6;
	v6 =	vld [tilespmem:s8+$0x10830]  }
0x20d: {  	v9 =	vld [tilespmem:s11+$0x10830]  }
0x20e: {  	v10 =	vld [tilespmem:s0+$0xB80]  }
0x20f: {  	v13 =	vld [tilespmem:s7+$0xA80];
	v7 =	vadd.f32 v7, v11  }
0x210: {  	v11 =	vld [tilespmem:s9+$0x980];
	v8 =	vadd.f32 v8, v15  }
0x211: {  	v15 =	vld [tilespmem:s10+$0x880];
	v6 =	vadd.f32 v6, v12;
	[tilespmem:s0+$0x8B70] =	vst v7;
	s4 =	spop (v2sf)  }
0x212: {  	v7 =	vadd.f32 v9, v14;
	[tilespmem:s7+$0x8A70] =	vst v8;
	s5 =	spop (v2sf);
	v8 =	vld [tilespmem:s4+$0x10800]  }
0x213: {  	[tilespmem:s9+$0x8970] =	vst v6;
	s8 =	spop (v2sf);
	v6 =	vld [tilespmem:s5+$0x10800]  }
0x214: {  	[tilespmem:s10+$0x8870] =	vst v7;
	s11 =	spop (v2sf);
	v7 =	vld [tilespmem:s8+$0x10800]  }
0x215: {  	v9 =	vld [tilespmem:s11+$0x10800]  }
0x216: {  	v12 =	vld [tilespmem:s0+$0xB90]  }
0x217: {  	v14 =	vld [tilespmem:s7+$0xA90];
	v8 =	vadd.f32 v8, v10  }
0x218: {  	v10 =	vld [tilespmem:s9+$0x990];
	v6 =	vadd.f32 v6, v13  }
0x219: {  	v13 =	vld [tilespmem:s10+$0x890];
	v7 =	vadd.f32 v7, v11;
	[tilespmem:s0+$0x8B80] =	vst v8  }
0x21a: {  	v8 =	vadd.f32 v9, v15;
	[tilespmem:s7+$0x8A80] =	vst v6;
	v6 =	vld [tilespmem:s4+$0x10810]  }
0x21b: {  	[tilespmem:s9+$0x8980] =	vst v7;
	v7 =	vld [tilespmem:s5+$0x10810]  }
0x21c: {  	[tilespmem:s10+$0x8880] =	vst v8;
	v8 =	vld [tilespmem:s8+$0x10810]  }
0x21d: {  	v9 =	vld [tilespmem:s11+$0x10810]  }
0x21e: {  	v11 =	vld [tilespmem:s0+$0xBA0]  }
0x21f: {  	v15 =	vld [tilespmem:s7+$0xAA0];
	v6 =	vadd.f32 v6, v12  }
0x220: {  	v12 =	vld [tilespmem:s9+$0x9A0];
	v7 =	vadd.f32 v7, v14  }
0x221: {  	v14 =	vld [tilespmem:s10+$0x8A0];
	v8 =	vadd.f32 v8, v10;
	[tilespmem:s0+$0x8B90] =	vst v6  }
0x222: {  	v6 =	vadd.f32 v9, v13;
	[tilespmem:s7+$0x8A90] =	vst v7;
	v7 =	vld [tilespmem:s4+$0x10820];
	(v2sf) =	vpush v1, $0xF;
	v1 =	vmovc v2;
	v2 =	vmovc v3;
	v3 =	vmov v5  }
0x223: {  	[tilespmem:s9+$0x8990] =	vst v8;
	v5 =	vld [tilespmem:s5+$0x10820];
	(v2sf) =	vpush v1, $0xB  }
0x224: {  	[tilespmem:s10+$0x8890] =	vst v6;
	v6 =	vld [tilespmem:s8+$0x10820];
	(v2sf) =	vpush v2, $0x7  }
0x225: {  	v8 =	vld [tilespmem:s11+$0x10820];
	(v2sf) =	vpush v3, $0x3  }
0x226: {  	v9 =	vld [tilespmem:s0+$0xBB0]  }
0x227: {  	v10 =	vld [tilespmem:s7+$0xAB0];
	v7 =	vadd.f32 v7, v11  }
0x228: {  	v11 =	vld [tilespmem:s9+$0x9B0];
	v5 =	vadd.f32 v5, v15  }
0x229: {  	v13 =	vld [tilespmem:s10+$0x8B0];
	v6 =	vadd.f32 v6, v12;
	[tilespmem:s0+$0x8BA0] =	vst v7  }
0x22a: {  	v7 =	vadd.f32 v8, v14;
	[tilespmem:s7+$0x8AA0] =	vst v5;
	v5 =	vld [tilespmem:s4+$0x10830]  }
0x22b: {  	[tilespmem:s9+$0x89A0] =	vst v6;
	v6 =	vld [tilespmem:s5+$0x10830]  }
0x22c: {  	[tilespmem:s10+$0x88A0] =	vst v7;
	v7 =	vld [tilespmem:s8+$0x10830]  }
0x22d: {  	v8 =	vld [tilespmem:s11+$0x10830]  }
0x22e: {  	v12 =	vld [tilespmem:s0+$0xBC0]  }
0x22f: {  	v14 =	vld [tilespmem:s7+$0xAC0];
	v5 =	vadd.f32 v5, v9  }
0x230: {  	v9 =	vld [tilespmem:s9+$0x9C0];
	v6 =	vadd.f32 v6, v10  }
0x231: {  	v10 =	vld [tilespmem:s10+$0x8C0];
	v7 =	vadd.f32 v7, v11;
	[tilespmem:s0+$0x8BB0] =	vst v5;
	s4 =	spop (v2sf)  }
0x232: {  	v5 =	vadd.f32 v8, v13;
	[tilespmem:s7+$0x8AB0] =	vst v6;
	s5 =	spop (v2sf);
	v6 =	vld [tilespmem:s4+$0x10800]  }
0x233: {  	[tilespmem:s9+$0x89B0] =	vst v7;
	s8 =	spop (v2sf);
	v11 =	vld [tilespmem:s5+$0x10800]  }
0x234: {  	[tilespmem:s10+$0x88B0] =	vst v5;
	s11 =	spop (v2sf);
	v13 =	vld [tilespmem:s8+$0x10800]  }
0x235: {  	v15 =	vld [tilespmem:s11+$0x10800]  }
0x236: {  	v16 =	vld [tilespmem:s0+$0xBD0]  }
0x237: {  	v7 =	vld [tilespmem:s7+$0xAD0];
	v6 =	vadd.f32 v6, v12  }
0x238: {  	v8 =	vld [tilespmem:s9+$0x9D0];
	v11 =	vadd.f32 v11, v14  }
0x239: {  	v5 =	vld [tilespmem:s10+$0x8D0];
	v9 =	vadd.f32 v13, v9;
	[tilespmem:s0+$0x8BC0] =	vst v6  }
0x23a: {  	v6 =	vadd.f32 v15, v10;
	[tilespmem:s7+$0x8AC0] =	vst v11;
	v13 =	vld [tilespmem:s4+$0x10810]  }
.Ltmp4:
0x23b: {  	[tilespmem:s9+$0x89C0] =	vst v9;
	v11 =	vld [tilespmem:s5+$0x10810];
	(pc) =	sbr.rel @p1 .LBB2_7-.Ltmp4, $4  }
0x23c: {  	[tilespmem:s10+$0x88C0] =	vst v6;
	v12 =	vld [tilespmem:s8+$0x10810]  }
0x23d: {  	v10 =	vld [tilespmem:s11+$0x10810]  }
0x23e: {  	s2 =	sadd.s32 $0x10, s2;
	v6 =	vld [tilespmem:s7+$0xAE0]  }
0x23f: {  	s13 =	sadd.s32 $0x1000, s13;
	v9 =	vld [tilespmem:s2+$0x0];
	v13 =	vadd.f32 v13, v16  }
0x240: {  	_ = 	snop  }
0x241: {  	v7 =	vadd.f32 v11, v7  }
0x242: {  	v24 =	vld [tilespmem:s9+$0x9E0];
	v8 =	vadd.f32 v12, v8  }
0x243: {  	v25 =	vld [tilespmem:s10+$0x8E0];
	(v2sf) =	vpush v1, $0xC;
	[tilespmem:s7+$0x8AD0] =	vst v7;
	v5 =	vadd.f32 v10, v5  }
0x244: {  	(v2sf) =	vpush v2, $0x8;
	[tilespmem:s9+$0x89D0] =	vst v8;
	v7 =	vld [tilespmem:s5+$0x10820];
	v9 =	vshll.u32 v9, $0x8  }
0x245: {  	(v2sf) =	vpush v3, $0x4;
	v8 =	vld [tilespmem:s8+$0x10820];
	[tilespmem:s10+$0x88D0] =	vst v5;
	v5 =	vshra.s32 v9, $0x2  }
0x246: {  	v28 =	vld [tilespmem:s0+$0xBF0];
	(v2sf) =	vpush v5, $0x0  }
0x247: {  	v14 =	vld [tilespmem:s7+$0xAF0]  }
0x248: {  	v29 =	vld [tilespmem:s9+$0x9F0]  }
0x249: {  	v30 =	vld [tilespmem:s10+$0x8F0];
	v6 =	vadd.f32 v7, v6  }
0x24a: {  	v35 =	vld [tilespmem:s7+$0xB00];
	v8 =	vadd.f32 v8, v24  }
0x24b: {  	v27 =	vld [tilespmem:s11+$0x10820];
	[tilespmem:s7+$0x8AE0] =	vst v6  }
0x24c: {  	[tilespmem:s9+$0x89E0] =	vst v8;
	v32 =	vld [tilespmem:s5+$0x10830]  }
0x24d: {  	v33 =	vld [tilespmem:s8+$0x10830]  }
0x24e: {  	v36 =	vld [tilespmem:s9+$0xA00]  }
0x24f: {  	v37 =	vld [tilespmem:s10+$0x900]  }
0x250: {  	v41 =	vld [tilespmem:s7+$0xB10];
	v31 =	vadd.f32 v27, v25  }
0x251: {  	s2 =	sshra.s32 s1, $0x2;
	v42 =	vld [tilespmem:s9+$0xA10];
	v8 =	vadd.f32 v32, v14  }
0x252: {  	v40 =	vld [tilespmem:s2+$0x800];
	[tilespmem:s10+$0x88E0] =	vst v31;
	s26 =	spop (v2sf);
	v7 =	vadd.f32 v33, v29  }
0x253: {  	v6 =	vld [tilespmem:s11+$0x10830];
	s31 =	spop (v2sf);
	[tilespmem:s7+$0x8AF0] =	vst v8  }
0x254: {  	s8 =	spop (v2sf);
	[tilespmem:s9+$0x89F0] =	vst v7;
	v38 =	vld [tilespmem:s26+$0x10800]  }
0x255: {  	v39 =	vld [tilespmem:s31+$0x10800];
	s11 =	spop (v2sf)  }
0x256: {  	v15 =	vld [tilespmem:s11+$0x10800]  }
0x257: {  	v43 =	vld [tilespmem:s10+$0x910]  }
0x258: {  	v48 =	vld [tilespmem:s7+$0xB20];
	v6 =	vadd.f32 v6, v30  }
0x259: {  	v49 =	vld [tilespmem:s9+$0xA20];
	v7 =	vadd.f32 v38, v35  }
0x25a: {  	v47 =	vld [tilespmem:s2+$0x810];
	[tilespmem:s10+$0x88F0] =	vst v6;
	v8 =	vadd.f32 v39, v36  }
0x25b: {  	v6 =	vld [tilespmem:s8+$0x10800];
	[tilespmem:s7+$0x8B00] =	vst v7;
	v45 =	vadd.f32 v15, v40  }
0x25c: {  	[tilespmem:s9+$0x8A00] =	vst v8;
	v44 =	vld [tilespmem:s26+$0x10810]  }
0x25d: {  	v46 =	vld [tilespmem:s31+$0x10810];
	[tilespmem:s2+$0x8800] =	vst v45  }
0x25e: {  	v9 =	vld [tilespmem:s11+$0x10810]  }
0x25f: {  	v50 =	vld [tilespmem:s10+$0x920]  }
0x260: {  	v53 =	vld [tilespmem:s7+$0xB30];
	v6 =	vadd.f32 v6, v37  }
0x261: {  	[tilespmem:s0+$0x8BD0] =	vst v13;
	v52 =	vld [tilespmem:s2+$0x820];
	v8 =	vadd.f32 v44, v41  }
0x262: {  	v26 =	vld [tilespmem:s4+$0x10820];
	[tilespmem:s10+$0x8900] =	vst v6;
	v10 =	vadd.f32 v46, v42  }
0x263: {  	v6 =	vld [tilespmem:s8+$0x10810];
	[tilespmem:s7+$0x8B10] =	vst v8;
	v9 =	vadd.f32 v9, v47  }
0x264: {  	(v2sf) =	vpush v1, $0xD;
	[tilespmem:s9+$0x8A10] =	vst v10;
	v51 =	vld [tilespmem:s26+$0x10820]  }
0x265: {  	(v2sf) =	vpush v2, $0x9;
	v10 =	vld [tilespmem:s31+$0x10820];
	[tilespmem:s2+$0x8810] =	vst v9  }
0x266: {  	(v2sf) =	vpush v3, $0x5;
	v9 =	vld [tilespmem:s11+$0x10820]  }
0x267: {  	v54 =	vld [tilespmem:s9+$0xA30];
	v4 =	vadd.f32 v26, v4;
	(v2sf) =	vpush v5, $0x1  }
0x268: {  	v16 =	vld [tilespmem:s10+$0x930];
	v6 =	vadd.f32 v6, v43  }
0x269: {  	v57 =	vld [tilespmem:s2+$0x830];
	[tilespmem:s0+$0x8BE0] =	vst v4;
	v7 =	vadd.f32 v51, v48  }
0x26a: {  	v34 =	vld [tilespmem:s4+$0x10830];
	[tilespmem:s10+$0x8910] =	vst v6;
	v10 =	vadd.f32 v10, v49  }
0x26b: {  	v6 =	vld [tilespmem:s8+$0x10820];
	[tilespmem:s7+$0x8B20] =	vst v7;
	v55 =	vadd.f32 v9, v52  }
0x26c: {  	[tilespmem:s9+$0x8A20] =	vst v10;
	v7 =	vld [tilespmem:s26+$0x10830]  }
0x26d: {  	v56 =	vld [tilespmem:s31+$0x10830];
	[tilespmem:s2+$0x8820] =	vst v55  }
0x26e: {  	v60 =	vld [tilespmem:s11+$0x10830]  }
0x26f: {  	v61 =	vld [tilespmem:s9+$0xA40];
	v59 =	vadd.f32 v34, v28  }
0x270: {  	v62 =	vld [tilespmem:s10+$0x940];
	v6 =	vadd.f32 v6, v50  }
0x271: {  	v63 =	vld [tilespmem:s2+$0x840];
	[tilespmem:s0+$0x8BF0] =	vst v59;
	v7 =	vadd.f32 v7, v53  }
0x272: {  	v4 =	vld [tilespmem:s7+$0xBE0];
	[tilespmem:s10+$0x8920] =	vst v6;
	v9 =	vadd.f32 v56, v54  }
0x273: {  	s13 =	spop (v2sf);
	v6 =	vld [tilespmem:s7+$0xB40];
	[tilespmem:s7+$0x8B30] =	vst v7;
	v17 =	vadd.f32 v60, v57  }
0x274: {  	s21 =	spop (v2sf);
	v58 =	vld [tilespmem:s8+$0x10830];
	[tilespmem:s9+$0x8A30] =	vst v9  }
0x275: {  	s12 =	spop (v2sf);
	v7 =	vld [tilespmem:s13+$0x10800];
	[tilespmem:s2+$0x8830] =	vst v17  }
0x276: {  	s23 =	spop (v2sf)  }
0x277: {  	v9 =	vld [tilespmem:s23+$0x10800];
	_ =	sdelay $0x4  }
0x278: {  	v9 =	vadd.f32 v9, v63;
	_ =	sdelay $0x1  }
0x279: {  	v18 =	vld [tilespmem:s2+$0x850];
	[tilespmem:s2+$0x8840] =	vst v9  }
0x27a: {  	v9 =	vld [tilespmem:s23+$0x10810];
	_ =	sdelay $0x4  }
0x27b: {  	(v2sf) =	vpush v1, $0xE;
	v9 =	vadd.f32 v9, v18  }
0x27c: {  	(v2sf) =	vpush v2, $0xA  }
0x27d: {  	v19 =	vld [tilespmem:s2+$0x860];
	(v2sf) =	vpush v3, $0x6;
	[tilespmem:s2+$0x8850] =	vst v9  }
0x27e: {  	(v2sf) =	vpush v5, $0x2;
	v9 =	vld [tilespmem:s23+$0x10820];
	_ =	sdelay $0x4  }
0x27f: {  	v9 =	vadd.f32 v9, v19;
	_ =	sdelay $0x1  }
0x280: {  	v20 =	vld [tilespmem:s2+$0x870];
	[tilespmem:s2+$0x8860] =	vst v9  }
0x281: {  	v9 =	vld [tilespmem:s23+$0x10830];
	_ =	sdelay $0x3  }
0x282: {  	s1 =	spop (v2sf)  }
0x283: {  	s20 =	spop (v2sf);
	v9 =	vadd.f32 v9, v20  }
0x284: {  	s16 =	spop (v2sf)  }
0x285: {  	v21 =	vld [tilespmem:s2+$0x880];
	s26 =	spop (v2sf);
	[tilespmem:s2+$0x8870] =	vst v9  }
0x286: {  	v9 =	vld [tilespmem:s26+$0x10800];
	_ =	sdelay $0x4  }
0x287: {  	v9 =	vadd.f32 v9, v21;
	_ =	sdelay $0x1  }
0x288: {  	v22 =	vld [tilespmem:s2+$0x890];
	[tilespmem:s2+$0x8880] =	vst v9  }
0x289: {  	v9 =	vld [tilespmem:s26+$0x10810];
	_ =	sdelay $0x4  }
0x28a: {  	(v2sf) =	vpush v1, $0xF;
	v9 =	vadd.f32 v9, v22  }
0x28b: {  	(v2sf) =	vpush v2, $0xB  }
0x28c: {  	v1 =	vld [tilespmem:s2+$0x8A0];
	(v2sf) =	vpush v3, $0x7;
	[tilespmem:s2+$0x8890] =	vst v9  }
0x28d: {  	(v2sf) =	vpush v5, $0x3;
	v9 =	vld [tilespmem:s26+$0x10820];
	_ =	sdelay $0x4  }
0x28e: {  	v1 =	vadd.f32 v9, v1;
	_ =	sdelay $0x1  }
0x28f: {  	v23 =	vld [tilespmem:s2+$0x8B0];
	[tilespmem:s2+$0x88A0] =	vst v1  }
0x290: {  	v1 =	vld [tilespmem:s26+$0x10830];
	_ =	sdelay $0x3  }
0x291: {  	s0 =	spop (v2sf)  }
0x292: {  	s19 =	spop (v2sf);
	v1 =	vadd.f32 v1, v23  }
0x293: {  	s23 =	spop (v2sf)  }
0x294: {  	v24 =	vld [tilespmem:s2+$0x8C0];
	s31 =	spop (v2sf);
	[tilespmem:s2+$0x88B0] =	vst v1  }
0x295: {  	v1 =	vld [tilespmem:s31+$0x10800];
	_ =	sdelay $0x4  }
0x296: {  	v1 =	vadd.f32 v1, v24;
	_ =	sdelay $0x1  }
0x297: {  	v25 =	vld [tilespmem:s2+$0x8D0];
	[tilespmem:s2+$0x88C0] =	vst v1  }
0x298: {  	v1 =	vld [tilespmem:s31+$0x10810];
	_ =	sdelay $0x4  }
0x299: {  	v1 =	vadd.f32 v1, v25  }
0x29a: {  	(v2sf) =	vpush v2, $0xC  }
0x29b: {  	v26 =	vld [tilespmem:s2+$0x8E0];
	(v2sf) =	vpush v3, $0x8;
	[tilespmem:s2+$0x88D0] =	vst v1  }
0x29c: {  	(v2sf) =	vpush v5, $0x4;
	v1 =	vld [tilespmem:s31+$0x10820];
	_ =	sdelay $0x4  }
0x29d: {  	v1 =	vadd.f32 v1, v26;
	_ =	sdelay $0x1  }
0x29e: {  	v27 =	vld [tilespmem:s2+$0x8F0];
	[tilespmem:s2+$0x88E0] =	vst v1  }
0x29f: {  	v1 =	vld [tilespmem:s31+$0x10830];
	_ =	sdelay $0x4  }
0x2a0: {  	s11 =	spop (v2sf);
	v1 =	vadd.f32 v1, v27  }
0x2a1: {  	s22 =	spop (v2sf)  }
0x2a2: {  	v28 =	vld [tilespmem:s2+$0x900];
	s5 =	spop (v2sf);
	[tilespmem:s2+$0x88F0] =	vst v1  }
0x2a3: {  	v1 =	vld [tilespmem:s5+$0x10800];
	_ =	sdelay $0x4  }
0x2a4: {  	v1 =	vadd.f32 v1, v28;
	_ =	sdelay $0x1  }
0x2a5: {  	v29 =	vld [tilespmem:s2+$0x910];
	[tilespmem:s2+$0x8900] =	vst v1  }
0x2a6: {  	v1 =	vld [tilespmem:s5+$0x10810];
	_ =	sdelay $0x4  }
0x2a7: {  	v1 =	vadd.f32 v1, v29  }
0x2a8: {  	(v2sf) =	vpush v2, $0xD  }
0x2a9: {  	v30 =	vld [tilespmem:s2+$0x920];
	(v2sf) =	vpush v3, $0x9;
	[tilespmem:s2+$0x8910] =	vst v1  }
0x2aa: {  	(v2sf) =	vpush v5, $0x5;
	v1 =	vld [tilespmem:s5+$0x10820];
	_ =	sdelay $0x4  }
0x2ab: {  	v1 =	vadd.f32 v1, v30;
	_ =	sdelay $0x1  }
0x2ac: {  	v31 =	vld [tilespmem:s2+$0x930];
	[tilespmem:s2+$0x8920] =	vst v1  }
0x2ad: {  	v1 =	vld [tilespmem:s5+$0x10830];
	_ =	sdelay $0x2  }
0x2ae: {  	v32 =	vadd.f32 v58, v16;
	_ =	sdelay $0x1  }
0x2af: {  	[tilespmem:s10+$0x8930] =	vst v32;
	s4 =	spop (v2sf);
	v1 =	vadd.f32 v1, v31  }
0x2b0: {  	v10 =	vld [tilespmem:s12+$0x10800];
	s5 =	spop (v2sf)  }
0x2b1: {  	v33 =	vld [tilespmem:s2+$0x940];
	s18 =	spop (v2sf);
	[tilespmem:s2+$0x8930] =	vst v1  }
0x2b2: {  	v1 =	vld [tilespmem:s18+$0x10800];
	_ =	sdelay $0x2  }
0x2b3: {  	v10 =	vadd.f32 v10, v62;
	_ =	sdelay $0x1  }
0x2b4: {  	v34 =	vld [tilespmem:s10+$0x950];
	[tilespmem:s10+$0x8940] =	vst v10;
	v1 =	vadd.f32 v1, v33  }
0x2b5: {  	v10 =	vld [tilespmem:s12+$0x10810]  }
0x2b6: {  	v35 =	vld [tilespmem:s2+$0x950];
	[tilespmem:s2+$0x8940] =	vst v1  }
0x2b7: {  	v1 =	vld [tilespmem:s18+$0x10810];
	_ =	sdelay $0x2  }
0x2b8: {  	v10 =	vadd.f32 v10, v34;
	_ =	sdelay $0x1  }
0x2b9: {  	v36 =	vld [tilespmem:s10+$0x960];
	[tilespmem:s10+$0x8950] =	vst v10;
	v1 =	vadd.f32 v1, v35  }
0x2ba: {  	v10 =	vld [tilespmem:s12+$0x10820];
	(v2sf) =	vpush v2, $0xE  }
0x2bb: {  	v37 =	vld [tilespmem:s2+$0x960];
	(v2sf) =	vpush v3, $0xA;
	[tilespmem:s2+$0x8950] =	vst v1  }
0x2bc: {  	(v2sf) =	vpush v5, $0x6;
	v1 =	vld [tilespmem:s18+$0x10820];
	_ =	sdelay $0x2  }
0x2bd: {  	v10 =	vadd.f32 v10, v36;
	_ =	sdelay $0x1  }
0x2be: {  	v38 =	vld [tilespmem:s10+$0x970];
	[tilespmem:s10+$0x8960] =	vst v10;
	v1 =	vadd.f32 v1, v37  }
0x2bf: {  	v10 =	vld [tilespmem:s12+$0x10830]  }
0x2c0: {  	v39 =	vld [tilespmem:s2+$0x970];
	[tilespmem:s2+$0x8960] =	vst v1  }
0x2c1: {  	v1 =	vld [tilespmem:s18+$0x10830];
	_ =	sdelay $0x2  }
0x2c2: {  	v10 =	vadd.f32 v10, v38;
	_ =	sdelay $0x1  }
0x2c3: {  	v40 =	vld [tilespmem:s10+$0x980];
	[tilespmem:s10+$0x8970] =	vst v10;
	s18 =	spop (v2sf);
	v1 =	vadd.f32 v1, v39  }
0x2c4: {  	v10 =	vld [tilespmem:s16+$0x10800];
	s8 =	spop (v2sf)  }
0x2c5: {  	v41 =	vld [tilespmem:s2+$0x980];
	s26 =	spop (v2sf);
	[tilespmem:s2+$0x8970] =	vst v1  }
0x2c6: {  	v1 =	vld [tilespmem:s26+$0x10800];
	_ =	sdelay $0x2  }
0x2c7: {  	v10 =	vadd.f32 v10, v40;
	_ =	sdelay $0x1  }
0x2c8: {  	v42 =	vld [tilespmem:s10+$0x990];
	[tilespmem:s10+$0x8980] =	vst v10;
	v1 =	vadd.f32 v1, v41  }
0x2c9: {  	v10 =	vld [tilespmem:s16+$0x10810]  }
0x2ca: {  	v43 =	vld [tilespmem:s2+$0x990];
	[tilespmem:s2+$0x8980] =	vst v1  }
0x2cb: {  	v1 =	vld [tilespmem:s26+$0x10810];
	_ =	sdelay $0x2  }
0x2cc: {  	v10 =	vadd.f32 v10, v42;
	_ =	sdelay $0x1  }
0x2cd: {  	v44 =	vld [tilespmem:s10+$0x9A0];
	[tilespmem:s10+$0x8990] =	vst v10;
	v1 =	vadd.f32 v1, v43  }
0x2ce: {  	v10 =	vld [tilespmem:s16+$0x10820];
	(v2sf) =	vpush v2, $0xF  }
0x2cf: {  	v2 =	vld [tilespmem:s2+$0x9A0];
	(v2sf) =	vpush v3, $0xB;
	[tilespmem:s2+$0x8990] =	vst v1  }
0x2d0: {  	(v2sf) =	vpush v5, $0x7;
	v1 =	vld [tilespmem:s26+$0x10820];
	_ =	sdelay $0x2  }
0x2d1: {  	v45 =	vadd.f32 v10, v44;
	_ =	sdelay $0x1  }
0x2d2: {  	v46 =	vld [tilespmem:s10+$0x9B0];
	[tilespmem:s10+$0x89A0] =	vst v45;
	v1 =	vadd.f32 v1, v2  }
0x2d3: {  	v9 =	vld [tilespmem:s16+$0x10830]  }
0x2d4: {  	v2 =	vld [tilespmem:s2+$0x9B0];
	[tilespmem:s2+$0x89A0] =	vst v1  }
0x2d5: {  	v1 =	vld [tilespmem:s26+$0x10830];
	_ =	sdelay $0x2  }
0x2d6: {  	v9 =	vadd.f32 v9, v46;
	_ =	sdelay $0x1  }
0x2d7: {  	v47 =	vld [tilespmem:s10+$0x9C0];
	[tilespmem:s10+$0x89B0] =	vst v9;
	s16 =	spop (v2sf);
	v1 =	vadd.f32 v1, v2  }
0x2d8: {  	v9 =	vld [tilespmem:s23+$0x10800];
	s26 =	spop (v2sf)  }
0x2d9: {  	s31 =	spop (v2sf);
	v2 =	vld [tilespmem:s2+$0x9C0];
	[tilespmem:s2+$0x89B0] =	vst v1  }
0x2da: {  	v1 =	vld [tilespmem:s31+$0x10800];
	_ =	sdelay $0x2  }
0x2db: {  	v9 =	vadd.f32 v9, v47;
	_ =	sdelay $0x1  }
0x2dc: {  	v48 =	vld [tilespmem:s10+$0x9D0];
	[tilespmem:s10+$0x89C0] =	vst v9;
	v1 =	vadd.f32 v1, v2  }
0x2dd: {  	v9 =	vld [tilespmem:s23+$0x10810]  }
0x2de: {  	v2 =	vld [tilespmem:s2+$0x9D0];
	[tilespmem:s2+$0x89C0] =	vst v1  }
0x2df: {  	v1 =	vld [tilespmem:s31+$0x10810];
	_ =	sdelay $0x2  }
0x2e0: {  	v9 =	vadd.f32 v9, v48;
	_ =	sdelay $0x1  }
0x2e1: {  	v49 =	vld [tilespmem:s10+$0x9E0];
	[tilespmem:s10+$0x89D0] =	vst v9;
	v1 =	vadd.f32 v1, v2  }
0x2e2: {  	v9 =	vld [tilespmem:s23+$0x10820]  }
0x2e3: {  	(v2sf) =	vpush v3, $0xC;
	v2 =	vld [tilespmem:s2+$0x9E0];
	[tilespmem:s2+$0x89D0] =	vst v1  }
0x2e4: {  	(v2sf) =	vpush v5, $0x8;
	v1 =	vld [tilespmem:s31+$0x10820];
	_ =	sdelay $0x2  }
0x2e5: {  	v9 =	vadd.f32 v9, v49;
	_ =	sdelay $0x1  }
0x2e6: {  	v50 =	vld [tilespmem:s10+$0x9F0];
	[tilespmem:s10+$0x89E0] =	vst v9;
	v1 =	vadd.f32 v1, v2  }
0x2e7: {  	v9 =	vld [tilespmem:s23+$0x10830]  }
0x2e8: {  	v2 =	vld [tilespmem:s2+$0x9F0];
	[tilespmem:s2+$0x89E0] =	vst v1  }
0x2e9: {  	v1 =	vld [tilespmem:s31+$0x10830];
	_ =	sdelay $0x2  }
0x2ea: {  	v9 =	vadd.f32 v9, v50;
	_ =	sdelay $0x1  }
0x2eb: {  	v51 =	vld [tilespmem:s10+$0xA00];
	[tilespmem:s10+$0x89F0] =	vst v9;
	v1 =	vadd.f32 v1, v2  }
0x2ec: {  	v9 =	vld [tilespmem:s22+$0x10800];
	s23 =	spop (v2sf)  }
0x2ed: {  	s12 =	spop (v2sf);
	v2 =	vld [tilespmem:s2+$0xA00];
	[tilespmem:s2+$0x89F0] =	vst v1  }
0x2ee: {  	v1 =	vld [tilespmem:s12+$0x10800];
	_ =	sdelay $0x2  }
0x2ef: {  	v9 =	vadd.f32 v9, v51;
	_ =	sdelay $0x1  }
0x2f0: {  	v52 =	vld [tilespmem:s10+$0xA10];
	[tilespmem:s10+$0x8A00] =	vst v9;
	v1 =	vadd.f32 v1, v2  }
0x2f1: {  	v9 =	vld [tilespmem:s22+$0x10810]  }
0x2f2: {  	v2 =	vld [tilespmem:s2+$0xA10];
	[tilespmem:s2+$0x8A00] =	vst v1  }
0x2f3: {  	v1 =	vld [tilespmem:s12+$0x10810];
	_ =	sdelay $0x2  }
0x2f4: {  	v9 =	vadd.f32 v9, v52;
	_ =	sdelay $0x1  }
0x2f5: {  	v53 =	vld [tilespmem:s10+$0xA20];
	[tilespmem:s10+$0x8A10] =	vst v9;
	v1 =	vadd.f32 v1, v2  }
0x2f6: {  	v9 =	vld [tilespmem:s22+$0x10820]  }
0x2f7: {  	(v2sf) =	vpush v3, $0xD;
	v2 =	vld [tilespmem:s2+$0xA20];
	[tilespmem:s2+$0x8A10] =	vst v1  }
0x2f8: {  	(v2sf) =	vpush v5, $0x9;
	v1 =	vld [tilespmem:s12+$0x10820];
	_ =	sdelay $0x2  }
0x2f9: {  	v9 =	vadd.f32 v9, v53  }
0x2fa: {  	v54 =	vld [tilespmem:s10+$0xA30]  }
0x2fb: {  	v55 =	vld [tilespmem:s21+$0x10800];
	[tilespmem:s10+$0x8A20] =	vst v9;
	v1 =	vadd.f32 v1, v2  }
0x2fc: {  	v9 =	vld [tilespmem:s22+$0x10830]  }
0x2fd: {  	v2 =	vld [tilespmem:s2+$0xA30];
	[tilespmem:s2+$0x8A20] =	vst v1  }
0x2fe: {  	v1 =	vld [tilespmem:s12+$0x10830];
	_ =	sdelay $0x2  }
0x2ff: {  	v9 =	vadd.f32 v9, v54  }
0x300: {  	v56 =	vld [tilespmem:s10+$0xA40];
	v8 =	vadd.f32 v55, v61  }
0x301: {  	v57 =	vld [tilespmem:s2+$0xA40];
	[tilespmem:s10+$0x8A30] =	vst v9;
	v1 =	vadd.f32 v1, v2  }
0x302: {  	[tilespmem:s9+$0x8A40] =	vst v8;
	v9 =	vld [tilespmem:s5+$0x10800];
	s22 =	spop (v2sf)  }
0x303: {  	v8 =	vld [tilespmem:s21+$0x10810];
	s12 =	spop (v2sf);
	[tilespmem:s2+$0x8A30] =	vst v1  }
0x304: {  	v1 =	vld [tilespmem:s12+$0x10800]  }
0x305: {  	v2 =	vld [tilespmem:s9+$0xA50];
	_ =	sdelay $0x1  }
0x306: {  	v9 =	vadd.f32 v9, v56  }
0x307: {  	v58 =	vld [tilespmem:s10+$0xA50]  }
0x308: {  	v59 =	vld [tilespmem:s9+$0xA60];
	[tilespmem:s10+$0x8A40] =	vst v9;
	v1 =	vadd.f32 v1, v57  }
0x309: {  	v9 =	vld [tilespmem:s5+$0x10810];
	v2 =	vadd.f32 v8, v2  }
0x30a: {  	v60 =	vld [tilespmem:s2+$0xA50];
	[tilespmem:s2+$0x8A40] =	vst v1  }
0x30b: {  	[tilespmem:s9+$0x8A50] =	vst v2;
	v1 =	vld [tilespmem:s12+$0x10810]  }
0x30c: {  	v2 =	vld [tilespmem:s21+$0x10820];
	_ =	sdelay $0x1  }
0x30d: {  	v9 =	vadd.f32 v9, v58  }
0x30e: {  	v61 =	vld [tilespmem:s10+$0xA60]  }
0x30f: {  	v62 =	vld [tilespmem:s9+$0xA70];
	[tilespmem:s10+$0x8A50] =	vst v9;
	v1 =	vadd.f32 v1, v60  }
0x310: {  	v9 =	vld [tilespmem:s5+$0x10820];
	v2 =	vadd.f32 v2, v59  }
0x311: {  	v63 =	vld [tilespmem:s2+$0xA60];
	(v2sf) =	vpush v3, $0xE;
	[tilespmem:s2+$0x8A50] =	vst v1  }
0x312: {  	(v2sf) =	vpush v5, $0xA;
	[tilespmem:s9+$0x8A60] =	vst v2;
	v1 =	vld [tilespmem:s12+$0x10820]  }
0x313: {  	v2 =	vld [tilespmem:s21+$0x10830];
	_ =	sdelay $0x1  }
0x314: {  	v9 =	vadd.f32 v9, v61  }
0x315: {  	v12 =	vld [tilespmem:s10+$0xA70]  }
0x316: {  	v13 =	vld [tilespmem:s9+$0xA80];
	[tilespmem:s10+$0x8A60] =	vst v9;
	v1 =	vadd.f32 v1, v63  }
0x317: {  	v9 =	vld [tilespmem:s5+$0x10830];
	v2 =	vadd.f32 v2, v62  }
0x318: {  	v14 =	vld [tilespmem:s2+$0xA70];
	[tilespmem:s2+$0x8A60] =	vst v1  }
0x319: {  	[tilespmem:s9+$0x8A70] =	vst v2;
	v1 =	vld [tilespmem:s12+$0x10830]  }
0x31a: {  	v2 =	vld [tilespmem:s20+$0x10800];
	_ =	sdelay $0x1  }
0x31b: {  	v9 =	vadd.f32 v9, v12  }
0x31c: {  	v15 =	vld [tilespmem:s10+$0xA80]  }
0x31d: {  	v16 =	vld [tilespmem:s9+$0xA90];
	[tilespmem:s10+$0x8A70] =	vst v9;
	v1 =	vadd.f32 v1, v14  }
0x31e: {  	v9 =	vld [tilespmem:s8+$0x10800];
	s21 =	spop (v2sf);
	v2 =	vadd.f32 v2, v13  }
0x31f: {  	v17 =	vld [tilespmem:s2+$0xA80];
	s12 =	spop (v2sf);
	[tilespmem:s2+$0x8A70] =	vst v1  }
0x320: {  	[tilespmem:s9+$0x8A80] =	vst v2;
	v1 =	vld [tilespmem:s12+$0x10800]  }
0x321: {  	v2 =	vld [tilespmem:s20+$0x10810];
	_ =	sdelay $0x1  }
0x322: {  	v9 =	vadd.f32 v9, v15  }
0x323: {  	v18 =	vld [tilespmem:s10+$0xA90]  }
0x324: {  	v19 =	vld [tilespmem:s9+$0xAA0];
	[tilespmem:s10+$0x8A80] =	vst v9;
	v1 =	vadd.f32 v1, v17  }
0x325: {  	v9 =	vld [tilespmem:s8+$0x10810];
	v2 =	vadd.f32 v2, v16  }
0x326: {  	v20 =	vld [tilespmem:s2+$0xA90];
	[tilespmem:s2+$0x8A80] =	vst v1  }
0x327: {  	[tilespmem:s9+$0x8A90] =	vst v2;
	v1 =	vld [tilespmem:s12+$0x10810]  }
0x328: {  	v2 =	vld [tilespmem:s20+$0x10820];
	_ =	sdelay $0x1  }
0x329: {  	v9 =	vadd.f32 v9, v18  }
0x32a: {  	v21 =	vld [tilespmem:s10+$0xAA0]  }
0x32b: {  	v22 =	vld [tilespmem:s9+$0xAB0];
	[tilespmem:s10+$0x8A90] =	vst v9;
	v1 =	vadd.f32 v1, v20  }
0x32c: {  	v9 =	vld [tilespmem:s8+$0x10820];
	v2 =	vadd.f32 v2, v19  }
0x32d: {  	v23 =	vld [tilespmem:s2+$0xAA0];
	(v2sf) =	vpush v3, $0xF;
	[tilespmem:s2+$0x8A90] =	vst v1  }
0x32e: {  	(v2sf) =	vpush v5, $0xB;
	[tilespmem:s9+$0x8AA0] =	vst v2;
	v1 =	vld [tilespmem:s12+$0x10820]  }
0x32f: {  	v2 =	vld [tilespmem:s20+$0x10830];
	_ =	sdelay $0x1  }
0x330: {  	v3 =	vadd.f32 v9, v21  }
0x331: {  	v24 =	vld [tilespmem:s10+$0xAB0]  }
0x332: {  	v25 =	vld [tilespmem:s9+$0xAC0];
	[tilespmem:s10+$0x8AA0] =	vst v3;
	v1 =	vadd.f32 v1, v23  }
0x333: {  	v3 =	vld [tilespmem:s8+$0x10830];
	v2 =	vadd.f32 v2, v22  }
0x334: {  	v26 =	vld [tilespmem:s2+$0xAB0];
	[tilespmem:s2+$0x8AA0] =	vst v1  }
0x335: {  	[tilespmem:s9+$0x8AB0] =	vst v2;
	v1 =	vld [tilespmem:s12+$0x10830]  }
0x336: {  	v2 =	vld [tilespmem:s19+$0x10800];
	_ =	sdelay $0x1  }
0x337: {  	v3 =	vadd.f32 v3, v24  }
0x338: {  	v27 =	vld [tilespmem:s10+$0xAC0]  }
0x339: {  	v28 =	vld [tilespmem:s9+$0xAD0];
	[tilespmem:s10+$0x8AB0] =	vst v3;
	v1 =	vadd.f32 v1, v26  }
0x33a: {  	v3 =	vld [tilespmem:s26+$0x10800];
	s20 =	spop (v2sf);
	v2 =	vadd.f32 v2, v25  }
0x33b: {  	v29 =	vld [tilespmem:s2+$0xAC0];
	s31 =	spop (v2sf);
	[tilespmem:s2+$0x8AB0] =	vst v1  }
0x33c: {  	[tilespmem:s9+$0x8AC0] =	vst v2;
	v1 =	vld [tilespmem:s31+$0x10800]  }
0x33d: {  	v2 =	vld [tilespmem:s19+$0x10810];
	_ =	sdelay $0x1  }
0x33e: {  	v3 =	vadd.f32 v3, v27  }
0x33f: {  	v30 =	vld [tilespmem:s10+$0xAD0]  }
0x340: {  	v31 =	vld [tilespmem:s9+$0xAE0];
	[tilespmem:s10+$0x8AC0] =	vst v3;
	v1 =	vadd.f32 v1, v29  }
0x341: {  	v3 =	vld [tilespmem:s26+$0x10810];
	v2 =	vadd.f32 v2, v28  }
0x342: {  	v32 =	vld [tilespmem:s2+$0xAD0];
	[tilespmem:s2+$0x8AC0] =	vst v1  }
0x343: {  	[tilespmem:s9+$0x8AD0] =	vst v2;
	v1 =	vld [tilespmem:s31+$0x10810]  }
0x344: {  	v2 =	vld [tilespmem:s19+$0x10820];
	_ =	sdelay $0x1  }
0x345: {  	v3 =	vadd.f32 v3, v30;
	_ =	sdelay $0x1  }
0x346: {  	v33 =	vld [tilespmem:s10+$0xAE0];
	[tilespmem:s10+$0x8AD0] =	vst v3;
	v1 =	vadd.f32 v1, v32  }
0x347: {  	v3 =	vld [tilespmem:s26+$0x10820];
	v2 =	vadd.f32 v2, v31  }
0x348: {  	v35 =	vld [tilespmem:s2+$0xAE0];
	[tilespmem:s2+$0x8AD0] =	vst v1  }
0x349: {  	(v2sf) =	vpush v5, $0xC;
	[tilespmem:s9+$0x8AE0] =	vst v2;
	v2 =	vld [tilespmem:s31+$0x10820];
	_ =	sdelay $0x2  }
0x34a: {  	v34 =	vld [tilespmem:s9+$0xAF0];
	v1 =	vadd.f32 v3, v33  }
0x34b: {  	v36 =	vld [tilespmem:s19+$0x10830]  }
0x34c: {  	v3 =	vld [tilespmem:s10+$0xAF0];
	[tilespmem:s10+$0x8AE0] =	vst v1;
	v2 =	vadd.f32 v2, v35  }
0x34d: {  	v37 =	vld [tilespmem:s26+$0x10830]  }
0x34e: {  	v39 =	vld [tilespmem:s2+$0xAF0];
	[tilespmem:s2+$0x8AE0] =	vst v2  }
0x34f: {  	v40 =	vld [tilespmem:s31+$0x10830]  }
0x350: {  	v8 =	vadd.f32 v36, v34;
	_ =	sdelay $0x1  }
0x351: {  	v38 =	vld [tilespmem:s9+$0xB00];
	[tilespmem:s9+$0x8AF0] =	vst v8;
	v3 =	vadd.f32 v37, v3  }
0x352: {  	v41 =	vld [tilespmem:s11+$0x10800]  }
0x353: {  	v42 =	vld [tilespmem:s10+$0xB00];
	[tilespmem:s10+$0x8AF0] =	vst v3;
	v8 =	vadd.f32 v40, v39  }
0x354: {  	v3 =	vld [tilespmem:s23+$0x10800]  }
0x355: {  	v44 =	vld [tilespmem:s2+$0xB00];
	s8 =	spop (v2sf);
	[tilespmem:s2+$0x8AF0] =	vst v8  }
0x356: {  	v8 =	vld [tilespmem:s8+$0x10800]  }
0x357: {  	v10 =	vadd.f32 v41, v38;
	_ =	sdelay $0x1  }
0x358: {  	v43 =	vld [tilespmem:s9+$0xB10];
	[tilespmem:s9+$0x8B00] =	vst v10;
	v3 =	vadd.f32 v3, v42  }
0x359: {  	v10 =	vld [tilespmem:s11+$0x10810]  }
0x35a: {  	v45 =	vld [tilespmem:s10+$0xB10];
	[tilespmem:s10+$0x8B00] =	vst v3;
	v8 =	vadd.f32 v8, v44  }
0x35b: {  	v3 =	vld [tilespmem:s23+$0x10810]  }
0x35c: {  	v47 =	vld [tilespmem:s2+$0xB10];
	[tilespmem:s2+$0x8B00] =	vst v8  }
0x35d: {  	v8 =	vld [tilespmem:s8+$0x10810]  }
0x35e: {  	v10 =	vadd.f32 v10, v43;
	_ =	sdelay $0x1  }
0x35f: {  	v46 =	vld [tilespmem:s9+$0xB20];
	[tilespmem:s9+$0x8B10] =	vst v10;
	v3 =	vadd.f32 v3, v45  }
0x360: {  	v10 =	vld [tilespmem:s11+$0x10820]  }
0x361: {  	v48 =	vld [tilespmem:s10+$0xB20];
	[tilespmem:s10+$0x8B10] =	vst v3;
	v8 =	vadd.f32 v8, v47  }
0x362: {  	v3 =	vld [tilespmem:s23+$0x10820]  }
0x363: {  	v50 =	vld [tilespmem:s2+$0xB20];
	[tilespmem:s2+$0x8B10] =	vst v8  }
0x364: {  	(v2sf) =	vpush v5, $0xD;
	v8 =	vld [tilespmem:s8+$0x10820]  }
0x365: {  	v10 =	vadd.f32 v10, v46;
	_ =	sdelay $0x1  }
0x366: {  	v49 =	vld [tilespmem:s9+$0xB30];
	[tilespmem:s9+$0x8B20] =	vst v10;
	v3 =	vadd.f32 v3, v48  }
0x367: {  	v10 =	vld [tilespmem:s11+$0x10830]  }
0x368: {  	v51 =	vld [tilespmem:s10+$0xB30];
	[tilespmem:s10+$0x8B20] =	vst v3;
	v8 =	vadd.f32 v8, v50  }
0x369: {  	v3 =	vld [tilespmem:s23+$0x10830]  }
0x36a: {  	v53 =	vld [tilespmem:s2+$0xB30];
	[tilespmem:s2+$0x8B20] =	vst v8  }
0x36b: {  	v54 =	vld [tilespmem:s8+$0x10830]  }
0x36c: {  	v55 =	vld [tilespmem:s7+$0xB50];
	v10 =	vadd.f32 v10, v49  }
0x36d: {  	v6 =	vadd.f32 v7, v6;
	v52 =	vld [tilespmem:s9+$0xB40]  }
0x36e: {  	v58 =	vld [tilespmem:s10+$0xB40];
	[tilespmem:s9+$0x8B30] =	vst v10;
	v3 =	vadd.f32 v3, v51  }
0x36f: {  	[tilespmem:s7+$0x8B40] =	vst v6;
	v56 =	vld [tilespmem:s4+$0x10800]  }
0x370: {  	v57 =	vld [tilespmem:s13+$0x10810];
	[tilespmem:s10+$0x8B30] =	vst v3;
	v3 =	vadd.f32 v54, v53  }
0x371: {  	v60 =	vld [tilespmem:s22+$0x10800]  }
0x372: {  	v61 =	vld [tilespmem:s2+$0xB40];
	s12 =	spop (v2sf);
	[tilespmem:s2+$0x8B30] =	vst v3  }
0x373: {  	v62 =	vld [tilespmem:s12+$0x10800]  }
0x374: {  	v6 =	vadd.f32 v56, v52  }
0x375: {  	v3 =	vadd.f32 v57, v55  }
0x376: {  	v59 =	vld [tilespmem:s9+$0xB50];
	[tilespmem:s9+$0x8B40] =	vst v6;
	v7 =	vadd.f32 v60, v58  }
0x377: {  	v17 =	vld [tilespmem:s10+$0xB50];
	[tilespmem:s7+$0x8B50] =	vst v3  }
0x378: {  	v3 =	vld [tilespmem:s4+$0x10810];
	[tilespmem:s10+$0x8B40] =	vst v7;
	v19 =	vadd.f32 v62, v61  }
0x379: {  	v20 =	vld [tilespmem:s22+$0x10810]  }
0x37a: {  	v21 =	vld [tilespmem:s2+$0xB50];
	[tilespmem:s2+$0x8B40] =	vst v19  }
0x37b: {  	v7 =	vld [tilespmem:s12+$0x10810]  }
0x37c: {  	v18 =	vld [tilespmem:s9+$0xB60]  }
0x37d: {  	v63 =	vld [tilespmem:s7+$0xB60];
	v3 =	vadd.f32 v3, v59  }
0x37e: {  	v16 =	vld [tilespmem:s13+$0x10820];
	v8 =	vadd.f32 v20, v17  }
0x37f: {  	v23 =	vld [tilespmem:s10+$0xB60];
	[tilespmem:s9+$0x8B50] =	vst v3  }
0x380: {  	v3 =	vld [tilespmem:s4+$0x10820];
	[tilespmem:s10+$0x8B50] =	vst v8;
	v7 =	vadd.f32 v7, v21  }
0x381: {  	v8 =	vld [tilespmem:s22+$0x10820]  }
0x382: {  	v25 =	vld [tilespmem:s2+$0xB60];
	[tilespmem:s2+$0x8B50] =	vst v7  }
0x383: {  	(v2sf) =	vpush v5, $0xE;
	v6 =	vadd.f32 v16, v63;
	v7 =	vld [tilespmem:s12+$0x10820]  }
0x384: {  	v24 =	vld [tilespmem:s9+$0xB70]  }
0x385: {  	v22 =	vld [tilespmem:s7+$0xB70];
	[tilespmem:s7+$0x8B60] =	vst v6;
	v3 =	vadd.f32 v3, v18  }
0x386: {  	v6 =	vld [tilespmem:s13+$0x10830];
	v8 =	vadd.f32 v8, v23  }
0x387: {  	v27 =	vld [tilespmem:s10+$0xB70];
	[tilespmem:s9+$0x8B60] =	vst v3  }
0x388: {  	v3 =	vld [tilespmem:s4+$0x10830];
	[tilespmem:s10+$0x8B60] =	vst v8;
	v7 =	vadd.f32 v7, v25  }
0x389: {  	v8 =	vld [tilespmem:s22+$0x10830]  }
0x38a: {  	v29 =	vld [tilespmem:s2+$0xB70];
	[tilespmem:s2+$0x8B60] =	vst v7  }
0x38b: {  	v6 =	vadd.f32 v6, v22;
	v7 =	vld [tilespmem:s12+$0x10830]  }
0x38c: {  	v30 =	vld [tilespmem:s9+$0xB80]  }
0x38d: {  	v26 =	vld [tilespmem:s7+$0xB80];
	[tilespmem:s7+$0x8B70] =	vst v6;
	v3 =	vadd.f32 v3, v24  }
0x38e: {  	v28 =	vld [tilespmem:s1+$0x10800];
	v6 =	vadd.f32 v8, v27  }
0x38f: {  	v32 =	vld [tilespmem:s10+$0xB80];
	[tilespmem:s9+$0x8B70] =	vst v3  }
0x390: {  	v3 =	vld [tilespmem:s18+$0x10800];
	[tilespmem:s10+$0x8B70] =	vst v6;
	v33 =	vadd.f32 v7, v29  }
0x391: {  	v34 =	vld [tilespmem:s21+$0x10800]  }
0x392: {  	v35 =	vld [tilespmem:s2+$0xB80];
	s19 =	spop (v2sf);
	[tilespmem:s2+$0x8B70] =	vst v33  }
0x393: {  	v9 =	vadd.f32 v28, v26;
	v6 =	vld [tilespmem:s19+$0x10800]  }
0x394: {  	v31 =	vld [tilespmem:s7+$0xB90]  }
0x395: {  	v36 =	vld [tilespmem:s9+$0xB90];
	[tilespmem:s7+$0x8B80] =	vst v9;
	v3 =	vadd.f32 v3, v30  }
0x396: {  	v9 =	vld [tilespmem:s1+$0x10810];
	v7 =	vadd.f32 v34, v32  }
0x397: {  	v38 =	vld [tilespmem:s10+$0xB90];
	[tilespmem:s9+$0x8B80] =	vst v3  }
0x398: {  	v3 =	vld [tilespmem:s18+$0x10810];
	[tilespmem:s10+$0x8B80] =	vst v7;
	v6 =	vadd.f32 v6, v35  }
0x399: {  	v7 =	vld [tilespmem:s21+$0x10810]  }
0x39a: {  	v39 =	vld [tilespmem:s2+$0xB90];
	[tilespmem:s2+$0x8B80] =	vst v6  }
0x39b: {  	v9 =	vadd.f32 v9, v31;
	v6 =	vld [tilespmem:s19+$0x10810]  }
0x39c: {  	v37 =	vld [tilespmem:s7+$0xBA0]  }
0x39d: {  	v40 =	vld [tilespmem:s9+$0xBA0];
	[tilespmem:s7+$0x8B90] =	vst v9;
	v3 =	vadd.f32 v3, v36  }
0x39e: {  	v9 =	vld [tilespmem:s1+$0x10820];
	v7 =	vadd.f32 v7, v38  }
0x39f: {  	v42 =	vld [tilespmem:s10+$0xBA0];
	[tilespmem:s9+$0x8B90] =	vst v3  }
0x3a0: {  	v3 =	vld [tilespmem:s18+$0x10820];
	[tilespmem:s10+$0x8B90] =	vst v7;
	v6 =	vadd.f32 v6, v39  }
0x3a1: {  	v7 =	vld [tilespmem:s21+$0x10820]  }
0x3a2: {  	v43 =	vld [tilespmem:s2+$0xBA0];
	[tilespmem:s2+$0x8B90] =	vst v6  }
0x3a3: {  	(v2sf) =	vpush v5, $0xF;
	v9 =	vadd.f32 v9, v37;
	v6 =	vld [tilespmem:s19+$0x10820]  }
0x3a4: {  	v41 =	vld [tilespmem:s7+$0xBB0]  }
0x3a5: {  	v44 =	vld [tilespmem:s9+$0xBB0];
	[tilespmem:s7+$0x8BA0] =	vst v9;
	v3 =	vadd.f32 v3, v40  }
0x3a6: {  	v9 =	vld [tilespmem:s1+$0x10830];
	v7 =	vadd.f32 v7, v42  }
0x3a7: {  	v45 =	vld [tilespmem:s10+$0xBB0];
	[tilespmem:s9+$0x8BA0] =	vst v3  }
0x3a8: {  	v3 =	vld [tilespmem:s18+$0x10830];
	[tilespmem:s10+$0x8BA0] =	vst v7;
	v6 =	vadd.f32 v6, v43  }
0x3a9: {  	v48 =	vld [tilespmem:s21+$0x10830]  }
0x3aa: {  	v49 =	vld [tilespmem:s2+$0xBB0];
	[tilespmem:s2+$0x8BA0] =	vst v6  }
0x3ab: {  	v47 =	vadd.f32 v9, v41;
	v6 =	vld [tilespmem:s19+$0x10830]  }
0x3ac: {  	v46 =	vld [tilespmem:s7+$0xBC0]  }
0x3ad: {  	v51 =	vld [tilespmem:s9+$0xBC0];
	[tilespmem:s7+$0x8BB0] =	vst v47;
	v3 =	vadd.f32 v3, v44  }
0x3ae: {  	v7 =	vld [tilespmem:s0+$0x10800];
	v8 =	vadd.f32 v48, v45  }
0x3af: {  	[tilespmem:s9+$0x8BB0] =	vst v3;
	v3 =	vld [tilespmem:s10+$0xBC0]  }
0x3b0: {  	v52 =	vld [tilespmem:s16+$0x10800];
	[tilespmem:s10+$0x8BB0] =	vst v8;
	v6 =	vadd.f32 v6, v49  }
0x3b1: {  	v8 =	vld [tilespmem:s20+$0x10800]  }
0x3b2: {  	v53 =	vld [tilespmem:s2+$0xBC0];
	s22 =	spop (v2sf);
	[tilespmem:s2+$0x8BB0] =	vst v6  }
0x3b3: {  	v6 =	vld [tilespmem:s22+$0x10800]  }
0x3b4: {  	v50 =	vld [tilespmem:s7+$0xBD0];
	v7 =	vadd.f32 v7, v46  }
0x3b5: {  	v54 =	vld [tilespmem:s9+$0xBD0];
	v5 =	vadd.f32 v52, v51  }
0x3b6: {  	v55 =	vld [tilespmem:s10+$0xBD0];
	[tilespmem:s7+$0x8BC0] =	vst v7;
	v3 =	vadd.f32 v8, v3  }
0x3b7: {  	v7 =	vld [tilespmem:s0+$0x10810];
	[tilespmem:s9+$0x8BC0] =	vst v5  }
0x3b8: {  	v56 =	vld [tilespmem:s16+$0x10810];
	[tilespmem:s10+$0x8BC0] =	vst v3;
	v3 =	vadd.f32 v6, v53  }
0x3b9: {  	v57 =	vld [tilespmem:s20+$0x10810]  }
0x3ba: {  	v58 =	vld [tilespmem:s2+$0xBD0];
	[tilespmem:s2+$0x8BC0] =	vst v3  }
0x3bb: {  	v3 =	vld [tilespmem:s22+$0x10810]  }
0x3bc: {  	v7 =	vadd.f32 v7, v50  }
0x3bd: {  	v1 =	vld [tilespmem:s9+$0xBE0];
	v8 =	vadd.f32 v56, v54  }
0x3be: {  	v2 =	vld [tilespmem:s10+$0xBE0];
	[tilespmem:s7+$0x8BD0] =	vst v7;
	v5 =	vadd.f32 v57, v55  }
0x3bf: {  	v7 =	vld [tilespmem:s0+$0x10820];
	[tilespmem:s9+$0x8BD0] =	vst v8  }
0x3c0: {  	v8 =	vld [tilespmem:s16+$0x10820];
	[tilespmem:s10+$0x8BD0] =	vst v5;
	v3 =	vadd.f32 v3, v58  }
0x3c1: {  	v5 =	vld [tilespmem:s20+$0x10820]  }
0x3c2: {  	v60 =	vld [tilespmem:s2+$0xBE0];
	[tilespmem:s2+$0x8BD0] =	vst v3  }
0x3c3: {  	v3 =	vld [tilespmem:s22+$0x10820]  }
0x3c4: {  	v61 =	vld [tilespmem:s9+$0xBF0];
	v4 =	vadd.f32 v7, v4  }
0x3c5: {  	v59 =	vld [tilespmem:s7+$0xBF0];
	v1 =	vadd.f32 v8, v1  }
0x3c6: {  	v63 =	vld [tilespmem:s2+$0xBF0];
	[tilespmem:s7+$0x8BE0] =	vst v4;
	v2 =	vadd.f32 v5, v2  }
0x3c7: {  	v4 =	vld [tilespmem:s0+$0x10830];
	[tilespmem:s9+$0x8BE0] =	vst v1  }
0x3c8: {  	v1 =	vld [tilespmem:s10+$0xBF0];
	[tilespmem:s10+$0x8BE0] =	vst v2;
	v2 =	vadd.f32 v3, v60  }
0x3c9: {  	v62 =	vld [tilespmem:s16+$0x10830]  }
0x3ca: {  	v3 =	vld [tilespmem:s20+$0x10830];
	[tilespmem:s2+$0x8BE0] =	vst v2  }
0x3cb: {  	v2 =	vld [tilespmem:s22+$0x10830];
	_ =	sdelay $0x1  }
0x3cc: {  	v4 =	vadd.f32 v4, v59  }
0x3cd: {  	v5 =	vadd.f32 v62, v61  }
0x3ce: {  	[tilespmem:s7+$0x8BF0] =	vst v4;
	v1 =	vadd.f32 v3, v1  }
0x3cf: {  	[tilespmem:s9+$0x8BF0] =	vst v5;
	v2 =	vadd.f32 v2, v63  }
0x3d0: {  	s0 =	sshll.u32 s14, $0x9;
	s23 =	rddreg [dreg:$0x4];
	[tilespmem:s10+$0x8BF0] =	vst v1  }
0x3d1: {  	s1 =	sadd.s32 s23, s0;
	[tilespmem:s2+$0x8BF0] =	vst v2  }
0x3d2: {  	s7 =	sshll.u32 s1, $0x3;
	s26 =	rddreg [dreg:$0x6]  }
0x3d3: {  	s31 =	simm.s32 $0x8800;
	s1 =	sadd.s32 s26, s7  }
0x3d4: {  	[hbm4b:s1+s3] =	stream.linear.scatter [tilespmem:s31], [sflag:$0x5], $0x4000, $0x38;
	[tilespmem:$0x18800] =	vst v63  }
0x3d5: {  	p1 =	seq.s32 s14, $0x31;
	_ =	swait.ge [sflag:s28], $0x2000  }
.Ltmp5:
0x3d6: {  	[sflag:s28] =	ssyncset.done $0x0;
	(pc) =	sbr.rel @p1 .LBB2_12-.Ltmp5, $4  }
0x3d7: {  	[sflag:s28] =	ssyncadd.s32 $0xFFFFE000  }
0x3d8: {  	_ =	swait.ge [sflag:s29], $0x2000  }
0x3d9: {  	[sflag:s29] =	ssyncset.done $0x0  }
0x3da: {  	[sflag:s29] =	ssyncadd.s32 $0xFFFFE000  }
0x3db: {  	s1 =	rddreg [dreg:$0x9]  }
0x3dc: {  	s0 =	sadd.s32 s0, s1  }
0x3dd: {  	s23 =	rddreg [dreg:$0x0];
	s0 =	sshrl.u32 s0, $0x3  }
0x3de: {  	s2 =	simm.s32 $0x0;
	s1 =	sadd.s32 s23, s0  }
0x3df: {  	[tilespmem:s2], [sflag:$0x7] =	stream.linear.gather [hbm4b:s1+s2], $0x200, $0x38;
	[tilespmem:$0x18800] =	vst v63  }
0x3e0: {  	_ =	swait.ge [sflag:s15], $0x200  }
0x3e1: {  	[sflag:s15] =	ssyncset.done $0x0;
	s26 =	rddreg [dreg:$0x3]  }
0x3e2: {  	s31 =	simm.s32 $0x200;
	[sflag:s15] =	ssyncadd.s32 $0xFFFFFE00;
	s0 =	sadd.s32 s26, s0  }
0x3e3: {  	[tilespmem:s31], [sflag:$0x7] =	stream.linear.gather [hbm4b:s0+s2], $0x200, $0x38;
	[tilespmem:$0x18800] =	vst v63  }
0x3e4: {  	_ =	swait.ge [sflag:s15], $0x200  }
0x3e5: {  	[sflag:s15] =	ssyncset.done $0x0  }
0x3e6: {  	s1 =	simm.s32 $0x0;
	[sflag:s15] =	ssyncadd.s32 $0xFFFFFE00  }
0x3e7: {  	v2 =	vld [tilespmem:s1+$0x200];
	_ =	sdelay $0x3  }
0x3e8: {  	s0 =	simm.s32 $0x10  }
0x3e9: {  	v1 =	vld [tilespmem:s0+$0x200];
	v3 =	vcvt.s32.f32 v2;
	_ =	sdelay $0x1  }
0x3ea: {  	v3 =	vmul.f32 $9.999999740e-05, v3;
	_ =	sdelay $0x1  }
0x3eb: {  	v3 =	vtrunc.f32 v3  }
0x3ec: {  	v5 =	vcvt.f32.s32 v3;
	v3 =	vcvt.s32.f32 v1;
	_ =	sdelay $0x1  }
0x3ed: {  	v4 =	vmul.u32 $0xFFFFD8F0, v5;
	v3 =	vmul.f32 $9.999999740e-05, v3  }
0x3ee: {  	s2 =	simm.s32 $0x20  }
0x3ef: {  	v2 =	vadd.s32 v2, v4;
	v4 =	vtrunc.f32 v3;
	v3 =	vld [tilespmem:s2+$0x200];
	_ =	sdelay $0x2  }
0x3f0: {  	vm0 =	vgt.s32 v2, $0x270F;
	v6 =	vshra.s32 v2, $0x1F  }
0x3f1: {  	s4 =	simm.s32 $0xC0;
	v2 =	vcvt.f32.s32 v4;
	v4 =	vsel vm0, $0x1, v0;
	v5 =	vadd.s32 v5, v6  }
.LBB2_10:
0x3f2: {  	s5 =	sshra.s32 s4, $0x2;
	p2 =	sne.s32 s4, $0x7C0;
	s4 =	sadd.s32 $0x40, s4;
	v6 =	vcvt.s32.f32 v3;
	v4 =	vadd.s32 v4, v5;
	v5 =	vmov v3  }
.Ltmp6:
0x3f3: {  	v3 =	vld [tilespmem:s5+$0x200];
	v7 =	vmul.u32 $0xFFFFD8F0, v2;
	[tilespmem:s1+$0x400] =	vst v4;
	s1 =	smov.u32 s0;
	s0 =	smov.u32 s2;
	(pc) =	sbr.rel @p2 .LBB2_10-.Ltmp6, $4  }
0x3f4: {  	s2 =	smov.u32 s5;
	v4 =	vmul.f32 $9.999999740e-05, v6  }
0x3f5: {  	v6 =	vadd.s32 v1, v7;
	v1 =	vmov v5  }
0x3f6: {  	v7 =	vtrunc.f32 v4;
	vm0 =	vgt.s32 v6, $0x270F;
	v5 =	vshra.s32 v6, $0x1F  }
0x3f7: {  	v4 =	vsel vm0, $0x1, v0;
	v5 =	vadd.s32 v2, v5;
	v2 =	vcvt.f32.s32 v7  }
0x3f8: {  	v6 =	vcvt.s32.f32 v3;
	_ =	sdelay $0x1  }
0x3f9: {  	v6 =	vmul.f32 $9.999999740e-05, v6;
	_ =	sdelay $0x1  }
0x3fa: {  	v6 =	vtrunc.f32 v6  }
0x3fb: {  	v7 =	vmul.u32 $0xFFFFD8F0, v2;
	v6 =	vcvt.f32.s32 v6;
	_ =	sdelay $0x1  }
0x3fc: {  	v1 =	vadd.s32 v1, v7;
	v62 =	vmul.u32 $0xFFFFD8F0, v6  }
0x3fd: {  	v4 =	vadd.s32 v4, v5;
	vm0 =	vgt.s32 v1, $0x270F  }
0x3fe: {  	v1 =	vshra.s32 v1, $0x1F;
	v63 =	vsel vm0, $0x1, v0;
	v3 =	vadd.s32 v3, v62  }
0x3ff: {  	v1 =	vadd.s32 v2, v1;
	vm15 =	vgt.s32 v3, $0x270F;
	v2 =	vshra.s32 v3, $0x1F  }
0x400: {  	[tilespmem:s1+$0x400] =	vst v4;
	v1 =	vadd.s32 v63, v1;
	v3 =	vsel vm15, $0x1, v0;
	v2 =	vadd.s32 v6, v2  }
.Ltmp7:
0x401: {  	[tilespmem:s0+$0x400] =	vst v1;
	v1 =	vadd.s32 v3, v2;
	(pc) =	sbr.rel @p0 .LBB2_13-.Ltmp7, $4  }
0x402: {  	s26 =	simm.s32 $0x800;
	[tilespmem:s2+$0x400] =	vst v1  }
0x403: {  	[tilespmem:s26], [sflag:$0x1] =	stream.indirect.gather [hbm4b:s6+s17], $0x40, s3, s17, $0xb8;
	[tilespmem:$0x18800] =	vst v63  }
0x404: {  	s31 =	simm.s32 $0x2800  }
0x405: {  	[tilespmem:s31], [sflag:$0x2] =	stream.indirect.gather [hbm4b:s6+s17], $0x40, s17, s17, $0xb8;
	[tilespmem:$0x18800] =	vst v63  }
.LBB2_12:
0x406: {  	_ =	swait.ge [sflag:s30], $0x4000  }
0x407: {  	[sflag:s30] =	ssyncset.done $0x0  }
0x408: {  	[sflag:s30] =	ssyncadd.s32 $0xFFFFC000  }
.LBB2_13:
0x409: {  	s0 =	simm.s32 $0x700  }
0x40a: {  	v1 =	vld [tilespmem:s0+$0x0];
	_ =	sdelay $0x4  }
0x40b: {  	v1 =	vshll.u32 v1, $0x8  }
0x40c: {  	v5 =	vshra.s32 v1, $0x2  }
0x40d: {  	(v2sf) =	vpush v5, $0x0;
	_ =	sdelay $0xd  }
0x40e: {  	s0 =	simm.s32 $0x0  }
0x40f: {  	v1 =	vld [tilespmem:s0+$0x4800];
	s1 =	spop (v2sf)  }
0x410: {  	v2 =	vld [tilespmem:s1+$0x10800];
	_ =	sdelay $0x4  }
0x411: {  	v1 =	vadd.f32 v2, v1;
	_ =	sdelay $0x1  }
0x412: {  	v2 =	vld [tilespmem:s0+$0x4810];
	[tilespmem:s0+$0xC800] =	vst v1  }
0x413: {  	v1 =	vld [tilespmem:s1+$0x10810];
	_ =	sdelay $0x4  }
0x414: {  	v1 =	vadd.f32 v1, v2;
	_ =	sdelay $0x1  }
0x415: {  	v2 =	vld [tilespmem:s0+$0x4820];
	[tilespmem:s0+$0xC810] =	vst v1  }
0x416: {  	(v2sf) =	vpush v5, $0x1;
	v1 =	vld [tilespmem:s1+$0x10820];
	_ =	sdelay $0x4  }
0x417: {  	v1 =	vadd.f32 v1, v2;
	_ =	sdelay $0x1  }
0x418: {  	v2 =	vld [tilespmem:s0+$0x4830];
	[tilespmem:s0+$0xC820] =	vst v1  }
0x419: {  	v1 =	vld [tilespmem:s1+$0x10830];
	_ =	sdelay $0x4  }
0x41a: {  	v1 =	vadd.f32 v1, v2;
	_ =	sdelay $0x1  }
0x41b: {  	s19 =	spop (v2sf);
	v2 =	vld [tilespmem:s0+$0x4840];
	[tilespmem:s0+$0xC830] =	vst v1  }
0x41c: {  	v1 =	vld [tilespmem:s19+$0x10800];
	_ =	sdelay $0x4  }
0x41d: {  	v1 =	vadd.f32 v1, v2;
	_ =	sdelay $0x1  }
0x41e: {  	v2 =	vld [tilespmem:s0+$0x4850];
	[tilespmem:s0+$0xC840] =	vst v1  }
0x41f: {  	v1 =	vld [tilespmem:s19+$0x10810];
	_ =	sdelay $0x4  }
0x420: {  	v1 =	vadd.f32 v1, v2;
	_ =	sdelay $0x1  }
0x421: {  	v2 =	vld [tilespmem:s0+$0x4860];
	[tilespmem:s0+$0xC850] =	vst v1  }
0x422: {  	(v2sf) =	vpush v5, $0x2;
	v1 =	vld [tilespmem:s19+$0x10820];
	_ =	sdelay $0x4  }
0x423: {  	v1 =	vadd.f32 v1, v2;
	_ =	sdelay $0x1  }
0x424: {  	v2 =	vld [tilespmem:s0+$0x4870];
	[tilespmem:s0+$0xC860] =	vst v1  }
0x425: {  	v1 =	vld [tilespmem:s19+$0x10830];
	_ =	sdelay $0x4  }
0x426: {  	v1 =	vadd.f32 v1, v2;
	_ =	sdelay $0x1  }
0x427: {  	s20 =	spop (v2sf);
	v2 =	vld [tilespmem:s0+$0x4880];
	[tilespmem:s0+$0xC870] =	vst v1  }
0x428: {  	v1 =	vld [tilespmem:s20+$0x10800];
	_ =	sdelay $0x4  }
0x429: {  	v1 =	vadd.f32 v1, v2;
	_ =	sdelay $0x1  }
0x42a: {  	v2 =	vld [tilespmem:s0+$0x4890];
	[tilespmem:s0+$0xC880] =	vst v1  }
0x42b: {  	v1 =	vld [tilespmem:s20+$0x10810];
	_ =	sdelay $0x4  }
0x42c: {  	v1 =	vadd.f32 v1, v2;
	_ =	sdelay $0x1  }
0x42d: {  	v2 =	vld [tilespmem:s0+$0x48A0];
	[tilespmem:s0+$0xC890] =	vst v1  }
0x42e: {  	v1 =	vld [tilespmem:s20+$0x10820];
	(v2sf) =	vpush v5, $0x3;
	_ =	sdelay $0x4  }
0x42f: {  	v1 =	vadd.f32 v1, v2;
	_ =	sdelay $0x1  }
0x430: {  	v2 =	vld [tilespmem:s0+$0x48B0];
	[tilespmem:s0+$0xC8A0] =	vst v1  }
0x431: {  	v1 =	vld [tilespmem:s20+$0x10830];
	_ =	sdelay $0x4  }
0x432: {  	v1 =	vadd.f32 v1, v2;
	_ =	sdelay $0x1  }
0x433: {  	v2 =	vld [tilespmem:s0+$0x48C0];
	[tilespmem:s0+$0xC8B0] =	vst v1;
	s21 =	spop (v2sf)  }
0x434: {  	v1 =	vld [tilespmem:s21+$0x10800];
	_ =	sdelay $0x4  }
0x435: {  	v1 =	vadd.f32 v1, v2;
	_ =	sdelay $0x1  }
0x436: {  	v2 =	vld [tilespmem:s0+$0x48D0];
	[tilespmem:s0+$0xC8C0] =	vst v1  }
0x437: {  	v1 =	vld [tilespmem:s21+$0x10810]  }
0x438: {  	s2 =	simm.s32 $0x710  }
0x439: {  	v3 =	vld [tilespmem:s2+$0x0];
	_ =	sdelay $0x2  }
0x43a: {  	v1 =	vadd.f32 v1, v2;
	_ =	sdelay $0x1  }
0x43b: {  	v3 =	vshll.u32 v3, $0x8;
	v2 =	vld [tilespmem:s0+$0x48E0];
	[tilespmem:s0+$0xC8D0] =	vst v1  }
0x43c: {  	(v2sf) =	vpush v5, $0x4;
	v1 =	vshra.s32 v3, $0x2;
	v3 =	vld [tilespmem:s21+$0x10820]  }
0x43d: {  	(v2sf) =	vpush v1, $0x0;
	_ =	sdelay $0x3  }
0x43e: {  	v2 =	vadd.f32 v3, v2;
	_ =	sdelay $0x1  }
0x43f: {  	v3 =	vld [tilespmem:s0+$0x48F0];
	[tilespmem:s0+$0xC8E0] =	vst v2  }
0x440: {  	v2 =	vld [tilespmem:s21+$0x10830];
	_ =	sdelay $0x4  }
0x441: {  	s9 =	simm.s32 $0x400;
	v2 =	vadd.f32 v2, v3  }
0x442: {  	v4 =	vld [tilespmem:s9+$0x4800]  }
0x443: {  	s22 =	spop (v2sf);
	v3 =	vld [tilespmem:s0+$0x4900];
	[tilespmem:s0+$0xC8F0] =	vst v2  }
0x444: {  	s23 =	spop (v2sf);
	v2 =	vld [tilespmem:s22+$0x10800]  }
0x445: {  	v6 =	vld [tilespmem:s23+$0x10800];
	_ =	sdelay $0x3  }
0x446: {  	v2 =	vadd.f32 v2, v3  }
0x447: {  	v3 =	vld [tilespmem:s0+$0x4910];
	v4 =	vadd.f32 v6, v4  }
0x448: {  	v6 =	vld [tilespmem:s9+$0x4810];
	[tilespmem:s0+$0xC900] =	vst v2  }
0x449: {  	[tilespmem:s9+$0xC800] =	vst v4;
	v2 =	vld [tilespmem:s22+$0x10810]  }
0x44a: {  	v4 =	vld [tilespmem:s23+$0x10810];
	_ =	sdelay $0x3  }
0x44b: {  	v2 =	vadd.f32 v2, v3  }
0x44c: {  	v3 =	vld [tilespmem:s0+$0x4920];
	v4 =	vadd.f32 v4, v6  }
0x44d: {  	v6 =	vld [tilespmem:s9+$0x4820];
	[tilespmem:s0+$0xC910] =	vst v2  }
0x44e: {  	(v2sf) =	vpush v5, $0x5;
	[tilespmem:s9+$0xC810] =	vst v4;
	v2 =	vld [tilespmem:s22+$0x10820]  }
0x44f: {  	(v2sf) =	vpush v1, $0x1;
	v4 =	vld [tilespmem:s23+$0x10820];
	_ =	sdelay $0x3  }
0x450: {  	v2 =	vadd.f32 v2, v3  }
0x451: {  	v3 =	vld [tilespmem:s0+$0x4930];
	v4 =	vadd.f32 v4, v6  }
0x452: {  	v6 =	vld [tilespmem:s9+$0x4830];
	[tilespmem:s0+$0xC920] =	vst v2  }
0x453: {  	[tilespmem:s9+$0xC820] =	vst v4;
	v2 =	vld [tilespmem:s22+$0x10830]  }
0x454: {  	v4 =	vld [tilespmem:s23+$0x10830];
	_ =	sdelay $0x3  }
0x455: {  	v2 =	vadd.f32 v2, v3  }
0x456: {  	v3 =	vld [tilespmem:s0+$0x4940];
	v4 =	vadd.f32 v4, v6  }
0x457: {  	s26 =	spop (v2sf);
	v6 =	vld [tilespmem:s9+$0x4840];
	[tilespmem:s0+$0xC930] =	vst v2  }
0x458: {  	s31 =	spop (v2sf);
	[tilespmem:s9+$0xC830] =	vst v4;
	v2 =	vld [tilespmem:s26+$0x10800]  }
0x459: {  	v4 =	vld [tilespmem:s31+$0x10800];
	_ =	sdelay $0x3  }
0x45a: {  	v2 =	vadd.f32 v2, v3  }
0x45b: {  	v3 =	vld [tilespmem:s0+$0x4950];
	v4 =	vadd.f32 v4, v6  }
0x45c: {  	v6 =	vld [tilespmem:s9+$0x4850];
	[tilespmem:s0+$0xC940] =	vst v2  }
0x45d: {  	[tilespmem:s9+$0xC840] =	vst v4;
	v2 =	vld [tilespmem:s26+$0x10810]  }
0x45e: {  	v4 =	vld [tilespmem:s31+$0x10810];
	_ =	sdelay $0x3  }
0x45f: {  	v2 =	vadd.f32 v2, v3  }
0x460: {  	v3 =	vld [tilespmem:s0+$0x4960];
	v4 =	vadd.f32 v4, v6  }
0x461: {  	v6 =	vld [tilespmem:s9+$0x4860];
	[tilespmem:s0+$0xC950] =	vst v2  }
0x462: {  	(v2sf) =	vpush v5, $0x6;
	[tilespmem:s9+$0xC850] =	vst v4;
	v2 =	vld [tilespmem:s26+$0x10820]  }
0x463: {  	(v2sf) =	vpush v1, $0x2;
	v4 =	vld [tilespmem:s31+$0x10820];
	_ =	sdelay $0x3  }
0x464: {  	v2 =	vadd.f32 v2, v3  }
0x465: {  	v3 =	vld [tilespmem:s0+$0x4970];
	v4 =	vadd.f32 v4, v6  }
0x466: {  	v6 =	vld [tilespmem:s9+$0x4870];
	[tilespmem:s0+$0xC960] =	vst v2  }
0x467: {  	[tilespmem:s9+$0xC860] =	vst v4;
	v2 =	vld [tilespmem:s26+$0x10830]  }
0x468: {  	v4 =	vld [tilespmem:s31+$0x10830];
	_ =	sdelay $0x3  }
0x469: {  	v2 =	vadd.f32 v2, v3  }
0x46a: {  	v3 =	vld [tilespmem:s0+$0x4980];
	v4 =	vadd.f32 v4, v6  }
0x46b: {  	s4 =	spop (v2sf);
	v6 =	vld [tilespmem:s9+$0x4880];
	[tilespmem:s0+$0xC970] =	vst v2  }
0x46c: {  	s5 =	spop (v2sf);
	[tilespmem:s9+$0xC870] =	vst v4;
	v2 =	vld [tilespmem:s4+$0x10800]  }
0x46d: {  	v4 =	vld [tilespmem:s5+$0x10800];
	_ =	sdelay $0x3  }
0x46e: {  	v2 =	vadd.f32 v2, v3  }
0x46f: {  	v3 =	vld [tilespmem:s0+$0x4990];
	v4 =	vadd.f32 v4, v6  }
0x470: {  	v6 =	vld [tilespmem:s9+$0x4890];
	[tilespmem:s0+$0xC980] =	vst v2  }
0x471: {  	[tilespmem:s9+$0xC880] =	vst v4;
	v2 =	vld [tilespmem:s4+$0x10810]  }
0x472: {  	v4 =	vld [tilespmem:s5+$0x10810];
	_ =	sdelay $0x3  }
0x473: {  	v2 =	vadd.f32 v2, v3  }
0x474: {  	v3 =	vld [tilespmem:s0+$0x49A0];
	v4 =	vadd.f32 v4, v6  }
0x475: {  	v6 =	vld [tilespmem:s9+$0x48A0];
	[tilespmem:s0+$0xC990] =	vst v2  }
0x476: {  	(v2sf) =	vpush v5, $0x7;
	[tilespmem:s9+$0xC890] =	vst v4;
	v2 =	vld [tilespmem:s4+$0x10820]  }
0x477: {  	(v2sf) =	vpush v1, $0x3;
	v4 =	vld [tilespmem:s5+$0x10820];
	_ =	sdelay $0x3  }
0x478: {  	v2 =	vadd.f32 v2, v3  }
0x479: {  	v3 =	vld [tilespmem:s0+$0x49B0];
	v4 =	vadd.f32 v4, v6  }
0x47a: {  	v6 =	vld [tilespmem:s9+$0x48B0];
	[tilespmem:s0+$0xC9A0] =	vst v2  }
0x47b: {  	[tilespmem:s9+$0xC8A0] =	vst v4;
	v2 =	vld [tilespmem:s4+$0x10830]  }
0x47c: {  	v4 =	vld [tilespmem:s5+$0x10830];
	_ =	sdelay $0x3  }
0x47d: {  	v2 =	vadd.f32 v2, v3  }
0x47e: {  	v3 =	vld [tilespmem:s0+$0x49C0];
	v4 =	vadd.f32 v4, v6  }
0x47f: {  	s8 =	spop (v2sf);
	v6 =	vld [tilespmem:s9+$0x48C0];
	[tilespmem:s0+$0xC9B0] =	vst v2  }
0x480: {  	s10 =	spop (v2sf);
	[tilespmem:s9+$0xC8B0] =	vst v4;
	v2 =	vld [tilespmem:s8+$0x10800]  }
0x481: {  	v4 =	vld [tilespmem:s10+$0x10800];
	_ =	sdelay $0x3  }
0x482: {  	v2 =	vadd.f32 v2, v3  }
0x483: {  	v3 =	vld [tilespmem:s0+$0x49D0];
	v4 =	vadd.f32 v4, v6  }
0x484: {  	v6 =	vld [tilespmem:s9+$0x48D0];
	[tilespmem:s0+$0xC9C0] =	vst v2  }
0x485: {  	[tilespmem:s9+$0xC8C0] =	vst v4;
	v2 =	vld [tilespmem:s8+$0x10810]  }
0x486: {  	v4 =	vld [tilespmem:s10+$0x10810]  }
0x487: {  	s4 =	simm.s32 $0x720  }
0x488: {  	v7 =	vld [tilespmem:s4+$0x0];
	_ =	sdelay $0x1  }
0x489: {  	v2 =	vadd.f32 v2, v3  }
0x48a: {  	v3 =	vld [tilespmem:s0+$0x49E0];
	v4 =	vadd.f32 v4, v6  }
0x48b: {  	v6 =	vld [tilespmem:s9+$0x48E0];
	[tilespmem:s0+$0xC9D0] =	vst v2  }
0x48c: {  	(v2sf) =	vpush v5, $0x8;
	v2 =	vshll.u32 v7, $0x8;
	[tilespmem:s9+$0xC8D0] =	vst v4;
	v4 =	vld [tilespmem:s8+$0x10820]  }
0x48d: {  	(v2sf) =	vpush v1, $0x4;
	v2 =	vshra.s32 v2, $0x2;
	v7 =	vld [tilespmem:s10+$0x10820]  }
0x48e: {  	(v2sf) =	vpush v2, $0x0;
	_ =	sdelay $0x2  }
0x48f: {  	v3 =	vadd.f32 v4, v3  }
0x490: {  	v4 =	vld [tilespmem:s0+$0x49F0];
	v6 =	vadd.f32 v7, v6  }
0x491: {  	v7 =	vld [tilespmem:s9+$0x48F0];
	[tilespmem:s0+$0xC9E0] =	vst v3  }
0x492: {  	[tilespmem:s9+$0xC8E0] =	vst v6;
	v3 =	vld [tilespmem:s8+$0x10830]  }
0x493: {  	v6 =	vld [tilespmem:s10+$0x10830];
	_ =	sdelay $0x3  }
0x494: {  	v8 =	vld [tilespmem:s0+$0x4A00];
	v3 =	vadd.f32 v3, v4  }
0x495: {  	s10 =	simm.s32 $0x800;
	v4 =	vld [tilespmem:s9+$0x4900];
	v6 =	vadd.f32 v6, v7  }
0x496: {  	s11 =	spop (v2sf);
	v7 =	vld [tilespmem:s10+$0x4800];
	[tilespmem:s0+$0xC9F0] =	vst v3  }
0x497: {  	s12 =	spop (v2sf);
	[tilespmem:s9+$0xC8F0] =	vst v6;
	v3 =	vld [tilespmem:s11+$0x10800]  }
0x498: {  	s13 =	spop (v2sf);
	v6 =	vld [tilespmem:s12+$0x10800]  }
0x499: {  	v9 =	vld [tilespmem:s13+$0x10800];
	_ =	sdelay $0x2  }
0x49a: {  	v10 =	vld [tilespmem:s0+$0x4A10];
	v3 =	vadd.f32 v3, v8  }
0x49b: {  	v8 =	vld [tilespmem:s9+$0x4910];
	v4 =	vadd.f32 v6, v4  }
0x49c: {  	v6 =	vld [tilespmem:s10+$0x4810];
	v7 =	vadd.f32 v9, v7;
	[tilespmem:s0+$0xCA00] =	vst v3  }
0x49d: {  	[tilespmem:s9+$0xC900] =	vst v4;
	v3 =	vld [tilespmem:s11+$0x10810]  }
0x49e: {  	[tilespmem:s10+$0xC800] =	vst v7;
	v4 =	vld [tilespmem:s12+$0x10810]  }
0x49f: {  	v7 =	vld [tilespmem:s13+$0x10810];
	_ =	sdelay $0x2  }
0x4a0: {  	v9 =	vld [tilespmem:s0+$0x4A20];
	v3 =	vadd.f32 v3, v10  }
0x4a1: {  	v10 =	vld [tilespmem:s9+$0x4920];
	v4 =	vadd.f32 v4, v8  }
0x4a2: {  	v8 =	vld [tilespmem:s10+$0x4820];
	v6 =	vadd.f32 v7, v6;
	[tilespmem:s0+$0xCA10] =	vst v3  }
0x4a3: {  	(v2sf) =	vpush v5, $0x9;
	[tilespmem:s9+$0xC910] =	vst v4;
	v3 =	vld [tilespmem:s11+$0x10820]  }
0x4a4: {  	(v2sf) =	vpush v1, $0x5;
	[tilespmem:s10+$0xC810] =	vst v6;
	v4 =	vld [tilespmem:s12+$0x10820]  }
0x4a5: {  	(v2sf) =	vpush v2, $0x1;
	v6 =	vld [tilespmem:s13+$0x10820];
	_ =	sdelay $0x2  }
0x4a6: {  	v7 =	vld [tilespmem:s0+$0x4A30];
	v3 =	vadd.f32 v3, v9  }
0x4a7: {  	v9 =	vld [tilespmem:s9+$0x4930];
	v4 =	vadd.f32 v4, v10  }
0x4a8: {  	v10 =	vld [tilespmem:s10+$0x4830];
	v6 =	vadd.f32 v6, v8;
	[tilespmem:s0+$0xCA20] =	vst v3  }
0x4a9: {  	[tilespmem:s9+$0xC920] =	vst v4;
	v3 =	vld [tilespmem:s11+$0x10830]  }
0x4aa: {  	[tilespmem:s10+$0xC820] =	vst v6;
	v4 =	vld [tilespmem:s12+$0x10830]  }
0x4ab: {  	v6 =	vld [tilespmem:s13+$0x10830];
	_ =	sdelay $0x2  }
0x4ac: {  	v8 =	vld [tilespmem:s0+$0x4A40];
	v3 =	vadd.f32 v3, v7  }
0x4ad: {  	v7 =	vld [tilespmem:s9+$0x4940];
	v4 =	vadd.f32 v4, v9  }
0x4ae: {  	s16 =	spop (v2sf);
	v9 =	vld [tilespmem:s10+$0x4840];
	v6 =	vadd.f32 v6, v10;
	[tilespmem:s0+$0xCA30] =	vst v3  }
0x4af: {  	s18 =	spop (v2sf);
	[tilespmem:s9+$0xC930] =	vst v4;
	v3 =	vld [tilespmem:s16+$0x10800]  }
0x4b0: {  	s19 =	spop (v2sf);
	[tilespmem:s10+$0xC830] =	vst v6;
	v4 =	vld [tilespmem:s18+$0x10800]  }
0x4b1: {  	v6 =	vld [tilespmem:s19+$0x10800];
	_ =	sdelay $0x2  }
0x4b2: {  	v10 =	vld [tilespmem:s0+$0x4A50];
	v3 =	vadd.f32 v3, v8  }
0x4b3: {  	v8 =	vld [tilespmem:s9+$0x4950];
	v4 =	vadd.f32 v4, v7  }
0x4b4: {  	v7 =	vld [tilespmem:s10+$0x4850];
	v6 =	vadd.f32 v6, v9;
	[tilespmem:s0+$0xCA40] =	vst v3  }
0x4b5: {  	[tilespmem:s9+$0xC940] =	vst v4;
	v3 =	vld [tilespmem:s16+$0x10810]  }
0x4b6: {  	[tilespmem:s10+$0xC840] =	vst v6;
	v4 =	vld [tilespmem:s18+$0x10810]  }
0x4b7: {  	v6 =	vld [tilespmem:s19+$0x10810];
	_ =	sdelay $0x2  }
0x4b8: {  	v9 =	vld [tilespmem:s0+$0x4A60];
	v3 =	vadd.f32 v3, v10  }
0x4b9: {  	v10 =	vld [tilespmem:s9+$0x4960];
	v4 =	vadd.f32 v4, v8  }
0x4ba: {  	v8 =	vld [tilespmem:s10+$0x4860];
	v6 =	vadd.f32 v6, v7;
	[tilespmem:s0+$0xCA50] =	vst v3  }
0x4bb: {  	(v2sf) =	vpush v5, $0xA;
	[tilespmem:s9+$0xC950] =	vst v4;
	v3 =	vld [tilespmem:s16+$0x10820]  }
0x4bc: {  	(v2sf) =	vpush v1, $0x6;
	[tilespmem:s10+$0xC850] =	vst v6;
	v4 =	vld [tilespmem:s18+$0x10820]  }
0x4bd: {  	(v2sf) =	vpush v2, $0x2;
	v6 =	vld [tilespmem:s19+$0x10820];
	_ =	sdelay $0x2  }
0x4be: {  	v7 =	vld [tilespmem:s0+$0x4A70];
	v3 =	vadd.f32 v3, v9  }
0x4bf: {  	v9 =	vld [tilespmem:s9+$0x4970];
	v4 =	vadd.f32 v4, v10  }
0x4c0: {  	v10 =	vld [tilespmem:s10+$0x4870];
	v6 =	vadd.f32 v6, v8;
	[tilespmem:s0+$0xCA60] =	vst v3  }
0x4c1: {  	[tilespmem:s9+$0xC960] =	vst v4;
	v3 =	vld [tilespmem:s16+$0x10830]  }
0x4c2: {  	[tilespmem:s10+$0xC860] =	vst v6;
	v4 =	vld [tilespmem:s18+$0x10830]  }
0x4c3: {  	v6 =	vld [tilespmem:s19+$0x10830];
	_ =	sdelay $0x2  }
0x4c4: {  	v8 =	vld [tilespmem:s0+$0x4A80];
	v3 =	vadd.f32 v3, v7  }
0x4c5: {  	v7 =	vld [tilespmem:s9+$0x4980];
	v4 =	vadd.f32 v4, v9  }
0x4c6: {  	s20 =	spop (v2sf);
	v9 =	vld [tilespmem:s10+$0x4880];
	v6 =	vadd.f32 v6, v10;
	[tilespmem:s0+$0xCA70] =	vst v3  }
0x4c7: {  	s21 =	spop (v2sf);
	[tilespmem:s9+$0xC970] =	vst v4;
	v3 =	vld [tilespmem:s20+$0x10800]  }
0x4c8: {  	s22 =	spop (v2sf);
	[tilespmem:s10+$0xC870] =	vst v6;
	v4 =	vld [tilespmem:s21+$0x10800]  }
0x4c9: {  	v6 =	vld [tilespmem:s22+$0x10800];
	_ =	sdelay $0x2  }
0x4ca: {  	v10 =	vld [tilespmem:s0+$0x4A90];
	v3 =	vadd.f32 v3, v8  }
0x4cb: {  	v8 =	vld [tilespmem:s9+$0x4990];
	v4 =	vadd.f32 v4, v7  }
0x4cc: {  	v7 =	vld [tilespmem:s10+$0x4890];
	v6 =	vadd.f32 v6, v9;
	[tilespmem:s0+$0xCA80] =	vst v3  }
0x4cd: {  	[tilespmem:s9+$0xC980] =	vst v4;
	v3 =	vld [tilespmem:s20+$0x10810]  }
0x4ce: {  	[tilespmem:s10+$0xC880] =	vst v6;
	v4 =	vld [tilespmem:s21+$0x10810]  }
0x4cf: {  	v6 =	vld [tilespmem:s22+$0x10810];
	_ =	sdelay $0x2  }
0x4d0: {  	v9 =	vld [tilespmem:s0+$0x4AA0];
	v3 =	vadd.f32 v3, v10  }
0x4d1: {  	v10 =	vld [tilespmem:s9+$0x49A0];
	v4 =	vadd.f32 v4, v8  }
0x4d2: {  	v8 =	vld [tilespmem:s10+$0x48A0];
	v6 =	vadd.f32 v6, v7;
	[tilespmem:s0+$0xCA90] =	vst v3  }
0x4d3: {  	(v2sf) =	vpush v5, $0xB;
	[tilespmem:s9+$0xC990] =	vst v4;
	v3 =	vld [tilespmem:s20+$0x10820]  }
0x4d4: {  	(v2sf) =	vpush v1, $0x7;
	[tilespmem:s10+$0xC890] =	vst v6;
	v4 =	vld [tilespmem:s21+$0x10820]  }
0x4d5: {  	(v2sf) =	vpush v2, $0x3;
	v6 =	vld [tilespmem:s22+$0x10820];
	_ =	sdelay $0x2  }
0x4d6: {  	v7 =	vld [tilespmem:s0+$0x4AB0];
	v3 =	vadd.f32 v3, v9  }
0x4d7: {  	v9 =	vld [tilespmem:s9+$0x49B0];
	v4 =	vadd.f32 v4, v10  }
0x4d8: {  	v10 =	vld [tilespmem:s10+$0x48B0];
	v6 =	vadd.f32 v6, v8;
	[tilespmem:s0+$0xCAA0] =	vst v3  }
0x4d9: {  	[tilespmem:s9+$0xC9A0] =	vst v4;
	v3 =	vld [tilespmem:s20+$0x10830]  }
0x4da: {  	[tilespmem:s10+$0xC8A0] =	vst v6;
	v4 =	vld [tilespmem:s21+$0x10830]  }
0x4db: {  	v6 =	vld [tilespmem:s22+$0x10830];
	_ =	sdelay $0x2  }
0x4dc: {  	v8 =	vld [tilespmem:s0+$0x4AC0];
	v3 =	vadd.f32 v3, v7  }
0x4dd: {  	v7 =	vld [tilespmem:s9+$0x49C0];
	v4 =	vadd.f32 v4, v9  }
0x4de: {  	s23 =	spop (v2sf);
	v9 =	vld [tilespmem:s10+$0x48C0];
	v6 =	vadd.f32 v6, v10;
	[tilespmem:s0+$0xCAB0] =	vst v3  }
0x4df: {  	s26 =	spop (v2sf);
	[tilespmem:s9+$0xC9B0] =	vst v4;
	v3 =	vld [tilespmem:s23+$0x10800]  }
0x4e0: {  	s31 =	spop (v2sf);
	[tilespmem:s10+$0xC8B0] =	vst v6;
	v4 =	vld [tilespmem:s26+$0x10800]  }
0x4e1: {  	v6 =	vld [tilespmem:s31+$0x10800];
	_ =	sdelay $0x2  }
0x4e2: {  	v10 =	vld [tilespmem:s0+$0x4AD0];
	v3 =	vadd.f32 v3, v8  }
0x4e3: {  	v8 =	vld [tilespmem:s9+$0x49D0];
	v4 =	vadd.f32 v4, v7  }
0x4e4: {  	v7 =	vld [tilespmem:s10+$0x48D0];
	v6 =	vadd.f32 v6, v9;
	[tilespmem:s0+$0xCAC0] =	vst v3  }
0x4e5: {  	[tilespmem:s9+$0xC9C0] =	vst v4;
	v3 =	vld [tilespmem:s23+$0x10810]  }
0x4e6: {  	[tilespmem:s10+$0xC8C0] =	vst v6;
	v4 =	vld [tilespmem:s26+$0x10810]  }
0x4e7: {  	v6 =	vld [tilespmem:s31+$0x10810]  }
0x4e8: {  	s5 =	simm.s32 $0x730  }
0x4e9: {  	v9 =	vld [tilespmem:s5+$0x0]  }
0x4ea: {  	v11 =	vld [tilespmem:s0+$0x4AE0];
	v3 =	vadd.f32 v3, v10  }
0x4eb: {  	v10 =	vld [tilespmem:s9+$0x49E0];
	v4 =	vadd.f32 v4, v8  }
0x4ec: {  	v8 =	vld [tilespmem:s10+$0x48E0];
	v6 =	vadd.f32 v6, v7;
	[tilespmem:s0+$0xCAD0] =	vst v3  }
0x4ed: {  	(v2sf) =	vpush v5, $0xC;
	[tilespmem:s9+$0xC9D0] =	vst v4;
	v4 =	vld [tilespmem:s23+$0x10820]  }
0x4ee: {  	(v2sf) =	vpush v1, $0x8;
	v3 =	vshll.u32 v9, $0x8;
	[tilespmem:s10+$0xC8D0] =	vst v6;
	v6 =	vld [tilespmem:s26+$0x10820]  }
0x4ef: {  	(v2sf) =	vpush v2, $0x4;
	v3 =	vshra.s32 v3, $0x2;
	v7 =	vld [tilespmem:s31+$0x10820]  }
0x4f0: {  	(v2sf) =	vpush v3, $0x0;
	_ =	sdelay $0x1  }
0x4f1: {  	v9 =	vld [tilespmem:s0+$0x4AF0];
	v4 =	vadd.f32 v4, v11  }
0x4f2: {  	v11 =	vld [tilespmem:s9+$0x49F0];
	v6 =	vadd.f32 v6, v10  }
0x4f3: {  	v10 =	vld [tilespmem:s10+$0x48F0];
	v7 =	vadd.f32 v7, v8;
	[tilespmem:s0+$0xCAE0] =	vst v4  }
0x4f4: {  	[tilespmem:s9+$0xC9E0] =	vst v6;
	v6 =	vld [tilespmem:s23+$0x10830]  }
0x4f5: {  	[tilespmem:s10+$0xC8E0] =	vst v7;
	v7 =	vld [tilespmem:s26+$0x10830]  }
0x4f6: {  	v8 =	vld [tilespmem:s31+$0x10830]  }
0x4f7: {  	v12 =	vld [tilespmem:s0+$0x4B00]  }
0x4f8: {  	v13 =	vld [tilespmem:s9+$0x4A00]  }
0x4f9: {  	v15 =	vld [tilespmem:s9+$0x4A10];
	v6 =	vadd.f32 v6, v9  }
0x4fa: {  	s13 =	simm.s32 $0xC00;
	v9 =	vld [tilespmem:s10+$0x4900];
	v7 =	vadd.f32 v7, v11  }
0x4fb: {  	s8 =	spop (v2sf);
	v11 =	vld [tilespmem:s13+$0x4800];
	v8 =	vadd.f32 v8, v10;
	[tilespmem:s0+$0xCAF0] =	vst v6  }
0x4fc: {  	s11 =	spop (v2sf);
	[tilespmem:s9+$0xC9F0] =	vst v7;
	v6 =	vld [tilespmem:s8+$0x10800]  }
0x4fd: {  	s12 =	spop (v2sf);
	[tilespmem:s10+$0xC8F0] =	vst v8;
	v7 =	vld [tilespmem:s11+$0x10800]  }
0x4fe: {  	s16 =	spop (v2sf);
	v8 =	vld [tilespmem:s12+$0x10800]  }
0x4ff: {  	v10 =	vld [tilespmem:s16+$0x10800]  }
0x500: {  	v14 =	vld [tilespmem:s0+$0x4B10]  }
0x501: {  	v4 =	vld [tilespmem:s0+$0x4BE0];
	v6 =	vadd.f32 v6, v12  }
0x502: {  	v12 =	vld [tilespmem:s10+$0x4910];
	v7 =	vadd.f32 v7, v13  }
0x503: {  	v13 =	vld [tilespmem:s13+$0x4810];
	v8 =	vadd.f32 v8, v9;
	[tilespmem:s0+$0xCB00] =	vst v6  }
0x504: {  	v6 =	vadd.f32 v10, v11;
	[tilespmem:s9+$0xCA00] =	vst v7;
	v7 =	vld [tilespmem:s8+$0x10810]  }
0x505: {  	[tilespmem:s10+$0xC900] =	vst v8;
	v8 =	vld [tilespmem:s11+$0x10810]  }
0x506: {  	[tilespmem:s13+$0xC800] =	vst v6;
	v6 =	vld [tilespmem:s12+$0x10810]  }
0x507: {  	v9 =	vld [tilespmem:s16+$0x10810]  }
0x508: {  	v10 =	vld [tilespmem:s0+$0x4B20]  }
0x509: {  	v11 =	vld [tilespmem:s9+$0x4A20];
	v7 =	vadd.f32 v7, v14  }
0x50a: {  	v14 =	vld [tilespmem:s10+$0x4920];
	v8 =	vadd.f32 v8, v15  }
0x50b: {  	v15 =	vld [tilespmem:s13+$0x4820];
	v6 =	vadd.f32 v6, v12;
	[tilespmem:s0+$0xCB10] =	vst v7  }
0x50c: {  	(v2sf) =	vpush v5, $0xD;
	v7 =	vadd.f32 v9, v13;
	[tilespmem:s9+$0xCA10] =	vst v8;
	v8 =	vld [tilespmem:s8+$0x10820]  }
0x50d: {  	(v2sf) =	vpush v1, $0x9;
	[tilespmem:s10+$0xC910] =	vst v6;
	v6 =	vld [tilespmem:s11+$0x10820]  }
0x50e: {  	(v2sf) =	vpush v2, $0x5;
	[tilespmem:s13+$0xC810] =	vst v7;
	v7 =	vld [tilespmem:s12+$0x10820]  }
0x50f: {  	(v2sf) =	vpush v3, $0x1;
	v9 =	vld [tilespmem:s16+$0x10820]  }
0x510: {  	v12 =	vld [tilespmem:s0+$0x4B30]  }
0x511: {  	v13 =	vld [tilespmem:s9+$0x4A30];
	v8 =	vadd.f32 v8, v10  }
0x512: {  	v10 =	vld [tilespmem:s10+$0x4930];
	v6 =	vadd.f32 v6, v11  }
0x513: {  	v11 =	vld [tilespmem:s13+$0x4830];
	v7 =	vadd.f32 v7, v14;
	[tilespmem:s0+$0xCB20] =	vst v8  }
0x514: {  	v8 =	vadd.f32 v9, v15;
	[tilespmem:s9+$0xCA20] =	vst v6;
	v6 =	vld [tilespmem:s8+$0x10830]  }
0x515: {  	[tilespmem:s10+$0xC920] =	vst v7;
	v7 =	vld [tilespmem:s11+$0x10830]  }
0x516: {  	[tilespmem:s13+$0xC820] =	vst v8;
	v8 =	vld [tilespmem:s12+$0x10830]  }
0x517: {  	v9 =	vld [tilespmem:s16+$0x10830]  }
0x518: {  	v14 =	vld [tilespmem:s0+$0x4B40]  }
0x519: {  	v15 =	vld [tilespmem:s9+$0x4A40];
	v6 =	vadd.f32 v6, v12  }
0x51a: {  	v12 =	vld [tilespmem:s10+$0x4940];
	v7 =	vadd.f32 v7, v13  }
0x51b: {  	s18 =	spop (v2sf);
	v13 =	vld [tilespmem:s13+$0x4840];
	v8 =	vadd.f32 v8, v10;
	[tilespmem:s0+$0xCB30] =	vst v6  }
0x51c: {  	s19 =	spop (v2sf);
	v6 =	vadd.f32 v9, v11;
	[tilespmem:s9+$0xCA30] =	vst v7;
	v7 =	vld [tilespmem:s18+$0x10800]  }
0x51d: {  	s20 =	spop (v2sf);
	[tilespmem:s10+$0xC930] =	vst v8;
	v8 =	vld [tilespmem:s19+$0x10800]  }
0x51e: {  	s21 =	spop (v2sf);
	[tilespmem:s13+$0xC830] =	vst v6;
	v6 =	vld [tilespmem:s20+$0x10800]  }
0x51f: {  	v9 =	vld [tilespmem:s21+$0x10800]  }
0x520: {  	v10 =	vld [tilespmem:s0+$0x4B50]  }
0x521: {  	v11 =	vld [tilespmem:s9+$0x4A50];
	v7 =	vadd.f32 v7, v14  }
0x522: {  	v14 =	vld [tilespmem:s10+$0x4950];
	v8 =	vadd.f32 v8, v15  }
0x523: {  	v15 =	vld [tilespmem:s13+$0x4850];
	v6 =	vadd.f32 v6, v12;
	[tilespmem:s0+$0xCB40] =	vst v7  }
0x524: {  	v7 =	vadd.f32 v9, v13;
	[tilespmem:s9+$0xCA40] =	vst v8;
	v8 =	vld [tilespmem:s18+$0x10810]  }
0x525: {  	[tilespmem:s10+$0xC940] =	vst v6;
	v6 =	vld [tilespmem:s19+$0x10810]  }
0x526: {  	[tilespmem:s13+$0xC840] =	vst v7;
	v7 =	vld [tilespmem:s20+$0x10810]  }
0x527: {  	v9 =	vld [tilespmem:s21+$0x10810]  }
0x528: {  	v12 =	vld [tilespmem:s0+$0x4B60]  }
0x529: {  	v13 =	vld [tilespmem:s9+$0x4A60];
	v8 =	vadd.f32 v8, v10  }
0x52a: {  	v10 =	vld [tilespmem:s10+$0x4960];
	v6 =	vadd.f32 v6, v11  }
0x52b: {  	v11 =	vld [tilespmem:s13+$0x4860];
	v7 =	vadd.f32 v7, v14;
	[tilespmem:s0+$0xCB50] =	vst v8  }
0x52c: {  	(v2sf) =	vpush v5, $0xE;
	v8 =	vadd.f32 v9, v15;
	[tilespmem:s9+$0xCA50] =	vst v6;
	v6 =	vld [tilespmem:s18+$0x10820]  }
0x52d: {  	(v2sf) =	vpush v1, $0xA;
	[tilespmem:s10+$0xC950] =	vst v7;
	v7 =	vld [tilespmem:s19+$0x10820]  }
0x52e: {  	(v2sf) =	vpush v2, $0x6;
	[tilespmem:s13+$0xC850] =	vst v8;
	v8 =	vld [tilespmem:s20+$0x10820]  }
0x52f: {  	(v2sf) =	vpush v3, $0x2;
	v9 =	vld [tilespmem:s21+$0x10820]  }
0x530: {  	v14 =	vld [tilespmem:s0+$0x4B70]  }
0x531: {  	v15 =	vld [tilespmem:s9+$0x4A70];
	v6 =	vadd.f32 v6, v12  }
0x532: {  	v12 =	vld [tilespmem:s10+$0x4970];
	v7 =	vadd.f32 v7, v13  }
0x533: {  	v13 =	vld [tilespmem:s13+$0x4870];
	v8 =	vadd.f32 v8, v10;
	[tilespmem:s0+$0xCB60] =	vst v6  }
0x534: {  	v6 =	vadd.f32 v9, v11;
	[tilespmem:s9+$0xCA60] =	vst v7;
	v7 =	vld [tilespmem:s18+$0x10830]  }
0x535: {  	[tilespmem:s10+$0xC960] =	vst v8;
	v8 =	vld [tilespmem:s19+$0x10830]  }
0x536: {  	[tilespmem:s13+$0xC860] =	vst v6;
	v6 =	vld [tilespmem:s20+$0x10830]  }
0x537: {  	v9 =	vld [tilespmem:s21+$0x10830]  }
0x538: {  	v10 =	vld [tilespmem:s0+$0x4B80]  }
0x539: {  	v11 =	vld [tilespmem:s9+$0x4A80];
	v7 =	vadd.f32 v7, v14  }
0x53a: {  	v14 =	vld [tilespmem:s10+$0x4980];
	v8 =	vadd.f32 v8, v15  }
0x53b: {  	s22 =	spop (v2sf);
	v15 =	vld [tilespmem:s13+$0x4880];
	v6 =	vadd.f32 v6, v12;
	[tilespmem:s0+$0xCB70] =	vst v7  }
0x53c: {  	s23 =	spop (v2sf);
	v7 =	vadd.f32 v9, v13;
	[tilespmem:s9+$0xCA70] =	vst v8;
	v8 =	vld [tilespmem:s22+$0x10800]  }
0x53d: {  	s26 =	spop (v2sf);
	[tilespmem:s10+$0xC970] =	vst v6;
	v6 =	vld [tilespmem:s23+$0x10800]  }
0x53e: {  	s31 =	spop (v2sf);
	[tilespmem:s13+$0xC870] =	vst v7;
	v7 =	vld [tilespmem:s26+$0x10800]  }
0x53f: {  	v9 =	vld [tilespmem:s31+$0x10800]  }
0x540: {  	v12 =	vld [tilespmem:s0+$0x4B90]  }
0x541: {  	v13 =	vld [tilespmem:s9+$0x4A90];
	v8 =	vadd.f32 v8, v10  }
0x542: {  	v10 =	vld [tilespmem:s10+$0x4990];
	v6 =	vadd.f32 v6, v11  }
0x543: {  	v11 =	vld [tilespmem:s13+$0x4890];
	v7 =	vadd.f32 v7, v14;
	[tilespmem:s0+$0xCB80] =	vst v8  }
0x544: {  	v8 =	vadd.f32 v9, v15;
	[tilespmem:s9+$0xCA80] =	vst v6;
	v6 =	vld [tilespmem:s22+$0x10810]  }
0x545: {  	[tilespmem:s10+$0xC980] =	vst v7;
	v7 =	vld [tilespmem:s23+$0x10810]  }
0x546: {  	[tilespmem:s13+$0xC880] =	vst v8;
	v8 =	vld [tilespmem:s26+$0x10810]  }
0x547: {  	v9 =	vld [tilespmem:s31+$0x10810]  }
0x548: {  	v14 =	vld [tilespmem:s0+$0x4BA0]  }
0x549: {  	v15 =	vld [tilespmem:s9+$0x4AA0];
	v6 =	vadd.f32 v6, v12  }
0x54a: {  	v12 =	vld [tilespmem:s10+$0x49A0];
	v7 =	vadd.f32 v7, v13  }
0x54b: {  	v13 =	vld [tilespmem:s13+$0x48A0];
	v8 =	vadd.f32 v8, v10;
	[tilespmem:s0+$0xCB90] =	vst v6  }
0x54c: {  	(v2sf) =	vpush v5, $0xF;
	v6 =	vadd.f32 v9, v11;
	[tilespmem:s9+$0xCA90] =	vst v7;
	v7 =	vld [tilespmem:s22+$0x10820]  }
0x54d: {  	(v2sf) =	vpush v1, $0xB;
	[tilespmem:s10+$0xC990] =	vst v8;
	v5 =	vld [tilespmem:s23+$0x10820]  }
0x54e: {  	(v2sf) =	vpush v2, $0x7;
	[tilespmem:s13+$0xC890] =	vst v6;
	v6 =	vld [tilespmem:s26+$0x10820]  }
0x54f: {  	(v2sf) =	vpush v3, $0x3;
	v8 =	vld [tilespmem:s31+$0x10820]  }
0x550: {  	v10 =	vld [tilespmem:s9+$0x4AB0]  }
0x551: {  	v9 =	vld [tilespmem:s0+$0x4BB0];
	v7 =	vadd.f32 v7, v14  }
0x552: {  	v11 =	vld [tilespmem:s10+$0x49B0];
	v5 =	vadd.f32 v5, v15  }
0x553: {  	v14 =	vld [tilespmem:s13+$0x48B0];
	v6 =	vadd.f32 v6, v12;
	[tilespmem:s0+$0xCBA0] =	vst v7  }
0x554: {  	v7 =	vadd.f32 v8, v13;
	[tilespmem:s9+$0xCAA0] =	vst v5;
	v5 =	vld [tilespmem:s22+$0x10830]  }
0x555: {  	[tilespmem:s10+$0xC9A0] =	vst v6;
	v6 =	vld [tilespmem:s23+$0x10830]  }
0x556: {  	[tilespmem:s13+$0xC8A0] =	vst v7;
	v7 =	vld [tilespmem:s26+$0x10830]  }
0x557: {  	v8 =	vld [tilespmem:s31+$0x10830]  }
0x558: {  	v12 =	vld [tilespmem:s0+$0x4BC0]  }
0x559: {  	v13 =	vld [tilespmem:s9+$0x4AC0];
	v5 =	vadd.f32 v5, v9  }
0x55a: {  	v9 =	vld [tilespmem:s10+$0x49C0];
	v6 =	vadd.f32 v6, v10  }
0x55b: {  	s4 =	spop (v2sf);
	v10 =	vld [tilespmem:s13+$0x48C0];
	v7 =	vadd.f32 v7, v11;
	[tilespmem:s0+$0xCBB0] =	vst v5  }
0x55c: {  	s5 =	spop (v2sf);
	v5 =	vadd.f32 v8, v14;
	[tilespmem:s9+$0xCAB0] =	vst v6;
	v6 =	vld [tilespmem:s4+$0x10800]  }
0x55d: {  	s8 =	spop (v2sf);
	[tilespmem:s10+$0xC9B0] =	vst v7;
	v8 =	vld [tilespmem:s5+$0x10800]  }
0x55e: {  	s11 =	spop (v2sf);
	[tilespmem:s13+$0xC8B0] =	vst v5;
	v11 =	vld [tilespmem:s8+$0x10800]  }
0x55f: {  	v14 =	vld [tilespmem:s11+$0x10800]  }
0x560: {  	v15 =	vld [tilespmem:s0+$0x4BD0]  }
0x561: {  	v7 =	vld [tilespmem:s10+$0x49D0];
	v6 =	vadd.f32 v6, v12  }
0x562: {  	v5 =	vld [tilespmem:s9+$0x4AD0];
	v12 =	vadd.f32 v8, v13  }
0x563: {  	v8 =	vld [tilespmem:s13+$0x48D0];
	v9 =	vadd.f32 v11, v9;
	[tilespmem:s0+$0xCBC0] =	vst v6  }
0x564: {  	v6 =	vadd.f32 v14, v10;
	[tilespmem:s9+$0xCAC0] =	vst v12;
	v13 =	vld [tilespmem:s4+$0x10810]  }
0x565: {  	[tilespmem:s10+$0xC9C0] =	vst v9;
	v11 =	vld [tilespmem:s5+$0x10810]  }
0x566: {  	[tilespmem:s13+$0xC8C0] =	vst v6;
	v12 =	vld [tilespmem:s8+$0x10810]  }
0x567: {  	s2 =	simm.s32 $0x740;
	v10 =	vld [tilespmem:s11+$0x10810]  }
0x568: {  	v9 =	vld [tilespmem:s2+$0x0]  }
0x569: {  	s1 =	simm.s32 $0x4000;
	s16 =	simm.s32 $0x5000;
	v6 =	vld [tilespmem:s9+$0x4AE0];
	v13 =	vadd.f32 v13, v15  }
.LBB2_14:
0x56a: {  	p0 =	sne.s32 s16, $0xF000;
	v14 =	vld [tilespmem:s10+$0x49E0];
	v5 =	vadd.f32 v11, v5  }
0x56b: {  	v11 =	vld [tilespmem:s13+$0x48E0];
	v7 =	vadd.f32 v12, v7;
	[tilespmem:s0+$0xCBD0] =	vst v13  }
0x56c: {  	v8 =	vadd.f32 v10, v8;
	[tilespmem:s9+$0xCAD0] =	vst v5;
	v10 =	vld [tilespmem:s4+$0x10820]  }
0x56d: {  	[tilespmem:s10+$0xC9D0] =	vst v7;
	v7 =	vld [tilespmem:s5+$0x10820];
	(v2sf) =	vpush v1, $0xC  }
0x56e: {  	v5 =	vshll.u32 v9, $0x8;
	[tilespmem:s13+$0xC8D0] =	vst v8;
	v8 =	vld [tilespmem:s8+$0x10820];
	(v2sf) =	vpush v2, $0x8  }
0x56f: {  	v5 =	vshra.s32 v5, $0x2;
	v9 =	vld [tilespmem:s11+$0x10820];
	(v2sf) =	vpush v3, $0x4  }
0x570: {  	(v2sf) =	vpush v5, $0x0;
	v12 =	vld [tilespmem:s0+$0x4BF0]  }
0x571: {  	v13 =	vld [tilespmem:s9+$0x4AF0];
	v4 =	vadd.f32 v10, v4  }
0x572: {  	v10 =	vld [tilespmem:s10+$0x49F0];
	v6 =	vadd.f32 v7, v6  }
0x573: {  	v7 =	vld [tilespmem:s13+$0x48F0];
	v8 =	vadd.f32 v8, v14;
	[tilespmem:s0+$0xCBE0] =	vst v4  }
0x574: {  	v4 =	vadd.f32 v9, v11;
	[tilespmem:s9+$0xCAE0] =	vst v6;
	v6 =	vld [tilespmem:s4+$0x10830]  }
0x575: {  	[tilespmem:s10+$0xC9E0] =	vst v8;
	v8 =	vld [tilespmem:s5+$0x10830]  }
0x576: {  	[tilespmem:s13+$0xC8E0] =	vst v4;
	v9 =	vld [tilespmem:s8+$0x10830]  }
0x577: {  	v11 =	vld [tilespmem:s11+$0x10830]  }
0x578: {  	v4 =	vld [tilespmem:s9+$0x4BE0]  }
0x579: {  	v14 =	vld [tilespmem:s9+$0x4B00];
	v6 =	vadd.f32 v6, v12  }
0x57a: {  	v12 =	vld [tilespmem:s10+$0x4A00];
	v8 =	vadd.f32 v8, v13  }
0x57b: {  	s1 =	sshra.s32 s1, $0x2;
	v13 =	vld [tilespmem:s13+$0x4900];
	v9 =	vadd.f32 v9, v10;
	[tilespmem:s0+$0xCBF0] =	vst v6;
	s0 =	smov.u32 s9;
	s9 =	smov.u32 s10  }
0x57c: {  	s10 =	smov.u32 s13;
	s13 =	smov.u32 s1;
	v6 =	vld [tilespmem:s1+$0x4800];
	v7 =	vadd.f32 v11, v7;
	[tilespmem:s0+$0xCAF0] =	vst v8;
	s4 =	spop (v2sf)  }
0x57d: {  	s1 =	smov.u32 s16;
	[tilespmem:s9+$0xC9F0] =	vst v9;
	s5 =	spop (v2sf);
	v8 =	vld [tilespmem:s4+$0x10800]  }
0x57e: {  	[tilespmem:s10+$0xC8F0] =	vst v7;
	s8 =	spop (v2sf);
	v7 =	vld [tilespmem:s5+$0x10800]  }
0x57f: {  	s11 =	spop (v2sf);
	v9 =	vld [tilespmem:s8+$0x10800]  }
0x580: {  	v10 =	vld [tilespmem:s11+$0x10800]  }
0x581: {  	v11 =	vld [tilespmem:s0+$0x4B10]  }
0x582: {  	v15 =	vld [tilespmem:s9+$0x4A10];
	v8 =	vadd.f32 v8, v14  }
0x583: {  	v14 =	vld [tilespmem:s10+$0x4910];
	v7 =	vadd.f32 v7, v12  }
0x584: {  	v12 =	vld [tilespmem:s13+$0x4810];
	v9 =	vadd.f32 v9, v13;
	[tilespmem:s0+$0xCB00] =	vst v8  }
0x585: {  	v6 =	vadd.f32 v10, v6;
	[tilespmem:s9+$0xCA00] =	vst v7;
	v7 =	vld [tilespmem:s4+$0x10810]  }
0x586: {  	[tilespmem:s10+$0xC900] =	vst v9;
	v8 =	vld [tilespmem:s5+$0x10810]  }
0x587: {  	[tilespmem:s13+$0xC800] =	vst v6;
	v6 =	vld [tilespmem:s8+$0x10810]  }
0x588: {  	v9 =	vld [tilespmem:s11+$0x10810]  }
0x589: {  	v10 =	vld [tilespmem:s0+$0x4B20]  }
0x58a: {  	v13 =	vld [tilespmem:s9+$0x4A20];
	v7 =	vadd.f32 v7, v11  }
0x58b: {  	v11 =	vld [tilespmem:s10+$0x4920];
	v8 =	vadd.f32 v8, v15  }
0x58c: {  	v15 =	vld [tilespmem:s13+$0x4820];
	v6 =	vadd.f32 v6, v14;
	[tilespmem:s0+$0xCB10] =	vst v7  }
0x58d: {  	v7 =	vadd.f32 v9, v12;
	[tilespmem:s9+$0xCA10] =	vst v8;
	v8 =	vld [tilespmem:s4+$0x10820];
	(v2sf) =	vpush v1, $0xD  }
0x58e: {  	[tilespmem:s10+$0xC910] =	vst v6;
	v6 =	vld [tilespmem:s5+$0x10820];
	(v2sf) =	vpush v2, $0x9  }
0x58f: {  	[tilespmem:s13+$0xC810] =	vst v7;
	v7 =	vld [tilespmem:s8+$0x10820];
	(v2sf) =	vpush v3, $0x5  }
0x590: {  	v9 =	vld [tilespmem:s11+$0x10820];
	(v2sf) =	vpush v5, $0x1  }
0x591: {  	v12 =	vld [tilespmem:s0+$0x4B30]  }
0x592: {  	v14 =	vld [tilespmem:s9+$0x4A30];
	v8 =	vadd.f32 v8, v10  }
0x593: {  	v10 =	vld [tilespmem:s10+$0x4930];
	v6 =	vadd.f32 v6, v13  }
0x594: {  	v13 =	vld [tilespmem:s13+$0x4830];
	v7 =	vadd.f32 v7, v11;
	[tilespmem:s0+$0xCB20] =	vst v8  }
0x595: {  	v8 =	vadd.f32 v9, v15;
	[tilespmem:s9+$0xCA20] =	vst v6;
	v6 =	vld [tilespmem:s4+$0x10830]  }
0x596: {  	[tilespmem:s10+$0xC920] =	vst v7;
	v7 =	vld [tilespmem:s5+$0x10830]  }
0x597: {  	[tilespmem:s13+$0xC820] =	vst v8;
	v8 =	vld [tilespmem:s8+$0x10830]  }
0x598: {  	v9 =	vld [tilespmem:s11+$0x10830]  }
0x599: {  	v11 =	vld [tilespmem:s0+$0x4B40]  }
0x59a: {  	v15 =	vld [tilespmem:s9+$0x4A40];
	v6 =	vadd.f32 v6, v12  }
0x59b: {  	v12 =	vld [tilespmem:s10+$0x4940];
	v7 =	vadd.f32 v7, v14  }
0x59c: {  	v14 =	vld [tilespmem:s13+$0x4840];
	v8 =	vadd.f32 v8, v10;
	[tilespmem:s0+$0xCB30] =	vst v6;
	s4 =	spop (v2sf)  }
0x59d: {  	v6 =	vadd.f32 v9, v13;
	[tilespmem:s9+$0xCA30] =	vst v7;
	s5 =	spop (v2sf);
	v7 =	vld [tilespmem:s4+$0x10800]  }
0x59e: {  	[tilespmem:s10+$0xC930] =	vst v8;
	s8 =	spop (v2sf);
	v8 =	vld [tilespmem:s5+$0x10800]  }
0x59f: {  	[tilespmem:s13+$0xC830] =	vst v6;
	s11 =	spop (v2sf);
	v6 =	vld [tilespmem:s8+$0x10800]  }
0x5a0: {  	v9 =	vld [tilespmem:s11+$0x10800]  }
0x5a1: {  	v10 =	vld [tilespmem:s0+$0x4B50]  }
0x5a2: {  	v13 =	vld [tilespmem:s9+$0x4A50];
	v7 =	vadd.f32 v7, v11  }
0x5a3: {  	v11 =	vld [tilespmem:s10+$0x4950];
	v8 =	vadd.f32 v8, v15  }
0x5a4: {  	v15 =	vld [tilespmem:s13+$0x4850];
	v6 =	vadd.f32 v6, v12;
	[tilespmem:s0+$0xCB40] =	vst v7  }
0x5a5: {  	v7 =	vadd.f32 v9, v14;
	[tilespmem:s9+$0xCA40] =	vst v8;
	v8 =	vld [tilespmem:s4+$0x10810]  }
0x5a6: {  	[tilespmem:s10+$0xC940] =	vst v6;
	v6 =	vld [tilespmem:s5+$0x10810]  }
0x5a7: {  	[tilespmem:s13+$0xC840] =	vst v7;
	v7 =	vld [tilespmem:s8+$0x10810]  }
0x5a8: {  	v9 =	vld [tilespmem:s11+$0x10810]  }
0x5a9: {  	v12 =	vld [tilespmem:s0+$0x4B60]  }
0x5aa: {  	v14 =	vld [tilespmem:s9+$0x4A60];
	v8 =	vadd.f32 v8, v10  }
0x5ab: {  	v10 =	vld [tilespmem:s10+$0x4960];
	v6 =	vadd.f32 v6, v13  }
0x5ac: {  	v13 =	vld [tilespmem:s13+$0x4860];
	v7 =	vadd.f32 v7, v11;
	[tilespmem:s0+$0xCB50] =	vst v8  }
0x5ad: {  	v8 =	vadd.f32 v9, v15;
	[tilespmem:s9+$0xCA50] =	vst v6;
	v6 =	vld [tilespmem:s4+$0x10820];
	(v2sf) =	vpush v1, $0xE  }
0x5ae: {  	[tilespmem:s10+$0xC950] =	vst v7;
	v7 =	vld [tilespmem:s5+$0x10820];
	(v2sf) =	vpush v2, $0xA  }
0x5af: {  	[tilespmem:s13+$0xC850] =	vst v8;
	v8 =	vld [tilespmem:s8+$0x10820];
	(v2sf) =	vpush v3, $0x6  }
0x5b0: {  	v9 =	vld [tilespmem:s11+$0x10820];
	(v2sf) =	vpush v5, $0x2  }
0x5b1: {  	v11 =	vld [tilespmem:s0+$0x4B70]  }
0x5b2: {  	v15 =	vld [tilespmem:s9+$0x4A70];
	v6 =	vadd.f32 v6, v12  }
0x5b3: {  	v12 =	vld [tilespmem:s10+$0x4970];
	v7 =	vadd.f32 v7, v14  }
0x5b4: {  	v14 =	vld [tilespmem:s13+$0x4870];
	v8 =	vadd.f32 v8, v10;
	[tilespmem:s0+$0xCB60] =	vst v6  }
0x5b5: {  	v6 =	vadd.f32 v9, v13;
	[tilespmem:s9+$0xCA60] =	vst v7;
	v7 =	vld [tilespmem:s4+$0x10830]  }
0x5b6: {  	[tilespmem:s10+$0xC960] =	vst v8;
	v8 =	vld [tilespmem:s5+$0x10830]  }
0x5b7: {  	[tilespmem:s13+$0xC860] =	vst v6;
	v6 =	vld [tilespmem:s8+$0x10830]  }
0x5b8: {  	v9 =	vld [tilespmem:s11+$0x10830]  }
0x5b9: {  	v10 =	vld [tilespmem:s0+$0x4B80]  }
0x5ba: {  	v13 =	vld [tilespmem:s9+$0x4A80];
	v7 =	vadd.f32 v7, v11  }
0x5bb: {  	v11 =	vld [tilespmem:s10+$0x4980];
	v8 =	vadd.f32 v8, v15  }
0x5bc: {  	v15 =	vld [tilespmem:s13+$0x4880];
	v6 =	vadd.f32 v6, v12;
	[tilespmem:s0+$0xCB70] =	vst v7;
	s4 =	spop (v2sf)  }
0x5bd: {  	v7 =	vadd.f32 v9, v14;
	[tilespmem:s9+$0xCA70] =	vst v8;
	s5 =	spop (v2sf);
	v8 =	vld [tilespmem:s4+$0x10800]  }
0x5be: {  	[tilespmem:s10+$0xC970] =	vst v6;
	s8 =	spop (v2sf);
	v6 =	vld [tilespmem:s5+$0x10800]  }
0x5bf: {  	[tilespmem:s13+$0xC870] =	vst v7;
	s11 =	spop (v2sf);
	v7 =	vld [tilespmem:s8+$0x10800]  }
0x5c0: {  	v9 =	vld [tilespmem:s11+$0x10800]  }
0x5c1: {  	v12 =	vld [tilespmem:s0+$0x4B90]  }
0x5c2: {  	v14 =	vld [tilespmem:s9+$0x4A90];
	v8 =	vadd.f32 v8, v10  }
0x5c3: {  	v10 =	vld [tilespmem:s10+$0x4990];
	v6 =	vadd.f32 v6, v13  }
0x5c4: {  	v13 =	vld [tilespmem:s13+$0x4890];
	v7 =	vadd.f32 v7, v11;
	[tilespmem:s0+$0xCB80] =	vst v8  }
0x5c5: {  	v8 =	vadd.f32 v9, v15;
	[tilespmem:s9+$0xCA80] =	vst v6;
	v6 =	vld [tilespmem:s4+$0x10810]  }
0x5c6: {  	[tilespmem:s10+$0xC980] =	vst v7;
	v7 =	vld [tilespmem:s5+$0x10810]  }
0x5c7: {  	[tilespmem:s13+$0xC880] =	vst v8;
	v8 =	vld [tilespmem:s8+$0x10810]  }
0x5c8: {  	v9 =	vld [tilespmem:s11+$0x10810]  }
0x5c9: {  	v11 =	vld [tilespmem:s0+$0x4BA0]  }
0x5ca: {  	v15 =	vld [tilespmem:s9+$0x4AA0];
	v6 =	vadd.f32 v6, v12  }
0x5cb: {  	v12 =	vld [tilespmem:s10+$0x49A0];
	v7 =	vadd.f32 v7, v14  }
0x5cc: {  	v14 =	vld [tilespmem:s13+$0x48A0];
	v8 =	vadd.f32 v8, v10;
	[tilespmem:s0+$0xCB90] =	vst v6  }
0x5cd: {  	v6 =	vadd.f32 v9, v13;
	[tilespmem:s9+$0xCA90] =	vst v7;
	v7 =	vld [tilespmem:s4+$0x10820];
	(v2sf) =	vpush v1, $0xF;
	v1 =	vmovc v2;
	v2 =	vmovc v3;
	v3 =	vmov v5  }
0x5ce: {  	[tilespmem:s10+$0xC990] =	vst v8;
	v5 =	vld [tilespmem:s5+$0x10820];
	(v2sf) =	vpush v1, $0xB  }
0x5cf: {  	[tilespmem:s13+$0xC890] =	vst v6;
	v6 =	vld [tilespmem:s8+$0x10820];
	(v2sf) =	vpush v2, $0x7  }
0x5d0: {  	v8 =	vld [tilespmem:s11+$0x10820];
	(v2sf) =	vpush v3, $0x3  }
0x5d1: {  	v9 =	vld [tilespmem:s0+$0x4BB0]  }
0x5d2: {  	v10 =	vld [tilespmem:s9+$0x4AB0];
	v7 =	vadd.f32 v7, v11  }
0x5d3: {  	v11 =	vld [tilespmem:s10+$0x49B0];
	v5 =	vadd.f32 v5, v15  }
0x5d4: {  	v13 =	vld [tilespmem:s13+$0x48B0];
	v6 =	vadd.f32 v6, v12;
	[tilespmem:s0+$0xCBA0] =	vst v7  }
0x5d5: {  	v7 =	vadd.f32 v8, v14;
	[tilespmem:s9+$0xCAA0] =	vst v5;
	v5 =	vld [tilespmem:s4+$0x10830]  }
0x5d6: {  	[tilespmem:s10+$0xC9A0] =	vst v6;
	v6 =	vld [tilespmem:s5+$0x10830]  }
0x5d7: {  	[tilespmem:s13+$0xC8A0] =	vst v7;
	v7 =	vld [tilespmem:s8+$0x10830]  }
0x5d8: {  	v8 =	vld [tilespmem:s11+$0x10830]  }
0x5d9: {  	v12 =	vld [tilespmem:s0+$0x4BC0]  }
0x5da: {  	v14 =	vld [tilespmem:s9+$0x4AC0];
	v5 =	vadd.f32 v5, v9  }
0x5db: {  	v9 =	vld [tilespmem:s10+$0x49C0];
	v6 =	vadd.f32 v6, v10  }
0x5dc: {  	v10 =	vld [tilespmem:s13+$0x48C0];
	v7 =	vadd.f32 v7, v11;
	[tilespmem:s0+$0xCBB0] =	vst v5;
	s4 =	spop (v2sf)  }
0x5dd: {  	v5 =	vadd.f32 v8, v13;
	[tilespmem:s9+$0xCAB0] =	vst v6;
	s5 =	spop (v2sf);
	v6 =	vld [tilespmem:s4+$0x10800]  }
0x5de: {  	[tilespmem:s10+$0xC9B0] =	vst v7;
	s8 =	spop (v2sf);
	v8 =	vld [tilespmem:s5+$0x10800]  }
0x5df: {  	[tilespmem:s13+$0xC8B0] =	vst v5;
	s11 =	spop (v2sf);
	v11 =	vld [tilespmem:s8+$0x10800]  }
0x5e0: {  	v13 =	vld [tilespmem:s11+$0x10800]  }
0x5e1: {  	v15 =	vld [tilespmem:s0+$0x4BD0]  }
0x5e2: {  	v5 =	vld [tilespmem:s9+$0x4AD0];
	v6 =	vadd.f32 v6, v12  }
0x5e3: {  	v7 =	vld [tilespmem:s10+$0x49D0];
	v12 =	vadd.f32 v8, v14  }
0x5e4: {  	v8 =	vld [tilespmem:s13+$0x48D0];
	v9 =	vadd.f32 v11, v9;
	[tilespmem:s0+$0xCBC0] =	vst v6  }
0x5e5: {  	v6 =	vadd.f32 v13, v10;
	[tilespmem:s9+$0xCAC0] =	vst v12;
	v13 =	vld [tilespmem:s4+$0x10810]  }
.Ltmp8:
0x5e6: {  	[tilespmem:s10+$0xC9C0] =	vst v9;
	v11 =	vld [tilespmem:s5+$0x10810];
	(pc) =	sbr.rel @p0 .LBB2_14-.Ltmp8, $4  }
0x5e7: {  	[tilespmem:s13+$0xC8C0] =	vst v6;
	v12 =	vld [tilespmem:s8+$0x10810]  }
0x5e8: {  	v10 =	vld [tilespmem:s11+$0x10810]  }
0x5e9: {  	s2 =	sadd.s32 $0x10, s2;
	v6 =	vld [tilespmem:s9+$0x4AE0]  }
0x5ea: {  	s16 =	sadd.s32 $0x1000, s16;
	v9 =	vld [tilespmem:s2+$0x0];
	v13 =	vadd.f32 v13, v15  }
0x5eb: {  	v5 =	vadd.f32 v11, v5  }
0x5ec: {  	v14 =	vld [tilespmem:s10+$0x49E0]  }
0x5ed: {  	v17 =	vld [tilespmem:s13+$0x48E0];
	[tilespmem:s9+$0xCAD0] =	vst v5  }
0x5ee: {  	(v2sf) =	vpush v1, $0xC;
	v19 =	vld [tilespmem:s5+$0x10820]  }
0x5ef: {  	v23 =	vld [tilespmem:s0+$0x4BF0]  }
0x5f0: {  	v24 =	vld [tilespmem:s9+$0x4AF0];
	(v2sf) =	vpush v2, $0x8;
	v20 =	vshll.u32 v9, $0x8  }
0x5f1: {  	v25 =	vld [tilespmem:s10+$0x49F0];
	v7 =	vadd.f32 v12, v7;
	(v2sf) =	vpush v3, $0x4;
	v5 =	vshra.s32 v20, $0x2  }
0x5f2: {  	v26 =	vld [tilespmem:s13+$0x48F0];
	[tilespmem:s0+$0xCBD0] =	vst v13;
	v8 =	vadd.f32 v10, v8;
	(v2sf) =	vpush v5, $0x0  }
0x5f3: {  	v18 =	vld [tilespmem:s4+$0x10820];
	[tilespmem:s10+$0xC9D0] =	vst v7;
	v6 =	vadd.f32 v19, v6  }
0x5f4: {  	[tilespmem:s13+$0xC8D0] =	vst v8;
	v21 =	vld [tilespmem:s8+$0x10820]  }
0x5f5: {  	v22 =	vld [tilespmem:s11+$0x10820];
	[tilespmem:s9+$0xCAE0] =	vst v6  }
0x5f6: {  	v6 =	vld [tilespmem:s5+$0x10830]  }
0x5f7: {  	v30 =	vld [tilespmem:s9+$0x4B00]  }
0x5f8: {  	v15 =	vld [tilespmem:s10+$0x4A00];
	v4 =	vadd.f32 v18, v4  }
0x5f9: {  	v31 =	vld [tilespmem:s13+$0x4900];
	v8 =	vadd.f32 v21, v14  }
0x5fa: {  	v16 =	vld [tilespmem:s9+$0x4B10];
	[tilespmem:s0+$0xCBE0] =	vst v4;
	v27 =	vadd.f32 v22, v17  }
0x5fb: {  	v28 =	vld [tilespmem:s4+$0x10830];
	[tilespmem:s10+$0xC9E0] =	vst v8;
	v6 =	vadd.f32 v6, v24  }
0x5fc: {  	[tilespmem:s13+$0xC8E0] =	vst v27;
	v8 =	vld [tilespmem:s8+$0x10830]  }
0x5fd: {  	v29 =	vld [tilespmem:s11+$0x10830];
	s4 =	spop (v2sf);
	[tilespmem:s9+$0xCAF0] =	vst v6  }
0x5fe: {  	v6 =	vld [tilespmem:s4+$0x10800]  }
0x5ff: {  	v36 =	vld [tilespmem:s10+$0x4A10];
	s5 =	spop (v2sf)  }
0x600: {  	s2 =	sshra.s32 s1, $0x2;
	v37 =	vld [tilespmem:s13+$0x4910];
	s8 =	spop (v2sf)  }
0x601: {  	v32 =	vld [tilespmem:s2+$0x4800];
	v8 =	vadd.f32 v8, v25;
	s11 =	spop (v2sf)  }
0x602: {  	v7 =	vadd.f32 v29, v26;
	v35 =	vld [tilespmem:s11+$0x10800]  }
0x603: {  	v44 =	vld [tilespmem:s9+$0x4B20];
	[tilespmem:s10+$0xC9F0] =	vst v8;
	v6 =	vadd.f32 v6, v30  }
0x604: {  	[tilespmem:s13+$0xC8F0] =	vst v7;
	v33 =	vld [tilespmem:s5+$0x10800]  }
0x605: {  	v34 =	vld [tilespmem:s8+$0x10800];
	[tilespmem:s9+$0xCB00] =	vst v6  }
0x606: {  	v40 =	vld [tilespmem:s4+$0x10810]  }
0x607: {  	v45 =	vld [tilespmem:s10+$0x4A20];
	v39 =	vadd.f32 v35, v32  }
0x608: {  	v46 =	vld [tilespmem:s13+$0x4920]  }
0x609: {  	v38 =	vld [tilespmem:s2+$0x4810];
	v7 =	vadd.f32 v33, v15;
	[tilespmem:s2+$0xC800] =	vst v39  }
0x60a: {  	v8 =	vadd.f32 v34, v31;
	v43 =	vld [tilespmem:s11+$0x10810]  }
0x60b: {  	v53 =	vld [tilespmem:s13+$0x4930];
	[tilespmem:s10+$0xCA00] =	vst v7;
	v7 =	vadd.f32 v40, v16  }
0x60c: {  	[tilespmem:s13+$0xC900] =	vst v8;
	v41 =	vld [tilespmem:s5+$0x10810]  }
0x60d: {  	v42 =	vld [tilespmem:s8+$0x10810];
	[tilespmem:s9+$0xCB10] =	vst v7  }
0x60e: {  	v49 =	vld [tilespmem:s4+$0x10820]  }
0x60f: {  	v60 =	vld [tilespmem:s10+$0x4A40];
	(v2sf) =	vpush v1, $0xD;
	v48 =	vadd.f32 v43, v38  }
0x610: {  	v62 =	vld [tilespmem:s13+$0x4940];
	(v2sf) =	vpush v2, $0x9  }
0x611: {  	v47 =	vld [tilespmem:s2+$0x4820];
	(v2sf) =	vpush v3, $0x5;
	v8 =	vadd.f32 v41, v36;
	[tilespmem:s2+$0xC810] =	vst v48  }
0x612: {  	(v2sf) =	vpush v5, $0x1;
	v6 =	vadd.f32 v42, v37;
	v52 =	vld [tilespmem:s11+$0x10820]  }
0x613: {  	v17 =	vld [tilespmem:s9+$0x4B30];
	[tilespmem:s10+$0xCA10] =	vst v8;
	v8 =	vadd.f32 v49, v44  }
0x614: {  	[tilespmem:s13+$0xC910] =	vst v6;
	v50 =	vld [tilespmem:s5+$0x10820]  }
0x615: {  	v51 =	vld [tilespmem:s8+$0x10820];
	[tilespmem:s9+$0xCB20] =	vst v8  }
0x616: {  	v56 =	vld [tilespmem:s4+$0x10830]  }
0x617: {  	v54 =	vld [tilespmem:s2+$0x4830];
	v55 =	vadd.f32 v52, v47  }
0x618: {  	v63 =	vld [tilespmem:s2+$0x4840];
	v11 =	vadd.f32 v28, v23  }
0x619: {  	v4 =	vld [tilespmem:s9+$0x4BE0];
	v6 =	vadd.f32 v50, v45;
	[tilespmem:s2+$0xC820] =	vst v55  }
0x61a: {  	[tilespmem:s0+$0xCBF0] =	vst v11;
	v9 =	vadd.f32 v51, v46;
	v59 =	vld [tilespmem:s11+$0x10830]  }
0x61b: {  	v7 =	vld [tilespmem:s10+$0x4A30];
	[tilespmem:s10+$0xCA20] =	vst v6;
	v61 =	vadd.f32 v56, v17  }
0x61c: {  	v6 =	vld [tilespmem:s9+$0x4B40];
	[tilespmem:s13+$0xC920] =	vst v9  }
0x61d: {  	v57 =	vld [tilespmem:s5+$0x10830];
	[tilespmem:s9+$0xCB30] =	vst v61  }
0x61e: {  	v58 =	vld [tilespmem:s8+$0x10830];
	s16 =	spop (v2sf)  }
0x61f: {  	v17 =	vadd.f32 v59, v54;
	s22 =	spop (v2sf)  }
0x620: {  	s12 =	spop (v2sf)  }
0x621: {  	[tilespmem:s2+$0xC830] =	vst v17;
	s23 =	spop (v2sf)  }
0x622: {  	v12 =	vld [tilespmem:s23+$0x10800];
	_ =	sdelay $0x4  }
0x623: {  	v11 =	vadd.f32 v12, v63;
	_ =	sdelay $0x1  }
0x624: {  	v18 =	vld [tilespmem:s2+$0x4850];
	[tilespmem:s2+$0xC840] =	vst v11  }
0x625: {  	v11 =	vld [tilespmem:s23+$0x10810];
	_ =	sdelay $0x4  }
0x626: {  	(v2sf) =	vpush v1, $0xE;
	v11 =	vadd.f32 v11, v18  }
0x627: {  	(v2sf) =	vpush v2, $0xA  }
0x628: {  	v19 =	vld [tilespmem:s2+$0x4860];
	(v2sf) =	vpush v3, $0x6;
	[tilespmem:s2+$0xC850] =	vst v11  }
0x629: {  	(v2sf) =	vpush v5, $0x2;
	v11 =	vld [tilespmem:s23+$0x10820];
	_ =	sdelay $0x4  }
0x62a: {  	v11 =	vadd.f32 v11, v19;
	_ =	sdelay $0x1  }
0x62b: {  	v20 =	vld [tilespmem:s2+$0x4870];
	[tilespmem:s2+$0xC860] =	vst v11  }
0x62c: {  	v11 =	vld [tilespmem:s23+$0x10830];
	_ =	sdelay $0x3  }
0x62d: {  	s1 =	spop (v2sf)  }
0x62e: {  	s21 =	spop (v2sf);
	v11 =	vadd.f32 v11, v20  }
0x62f: {  	s18 =	spop (v2sf)  }
0x630: {  	v21 =	vld [tilespmem:s2+$0x4880];
	s26 =	spop (v2sf);
	[tilespmem:s2+$0xC870] =	vst v11  }
0x631: {  	v11 =	vld [tilespmem:s26+$0x10800];
	_ =	sdelay $0x4  }
0x632: {  	v11 =	vadd.f32 v11, v21;
	_ =	sdelay $0x1  }
0x633: {  	v22 =	vld [tilespmem:s2+$0x4890];
	[tilespmem:s2+$0xC880] =	vst v11  }
0x634: {  	v11 =	vld [tilespmem:s26+$0x10810];
	_ =	sdelay $0x4  }
0x635: {  	(v2sf) =	vpush v1, $0xF;
	v11 =	vadd.f32 v11, v22  }
0x636: {  	(v2sf) =	vpush v2, $0xB  }
0x637: {  	v1 =	vld [tilespmem:s2+$0x48A0];
	(v2sf) =	vpush v3, $0x7;
	[tilespmem:s2+$0xC890] =	vst v11  }
0x638: {  	(v2sf) =	vpush v5, $0x3;
	v11 =	vld [tilespmem:s26+$0x10820];
	_ =	sdelay $0x4  }
0x639: {  	v1 =	vadd.f32 v11, v1;
	_ =	sdelay $0x1  }
0x63a: {  	v23 =	vld [tilespmem:s2+$0x48B0];
	[tilespmem:s2+$0xC8A0] =	vst v1  }
0x63b: {  	v1 =	vld [tilespmem:s26+$0x10830];
	_ =	sdelay $0x3  }
0x63c: {  	s0 =	spop (v2sf)  }
0x63d: {  	s20 =	spop (v2sf);
	v1 =	vadd.f32 v1, v23  }
0x63e: {  	s26 =	spop (v2sf)  }
0x63f: {  	v24 =	vld [tilespmem:s2+$0x48C0];
	s31 =	spop (v2sf);
	[tilespmem:s2+$0xC8B0] =	vst v1  }
0x640: {  	v1 =	vld [tilespmem:s31+$0x10800];
	_ =	sdelay $0x4  }
0x641: {  	v1 =	vadd.f32 v1, v24;
	_ =	sdelay $0x1  }
0x642: {  	v25 =	vld [tilespmem:s2+$0x48D0];
	[tilespmem:s2+$0xC8C0] =	vst v1  }
0x643: {  	v1 =	vld [tilespmem:s31+$0x10810];
	_ =	sdelay $0x4  }
0x644: {  	v1 =	vadd.f32 v1, v25  }
0x645: {  	(v2sf) =	vpush v2, $0xC  }
0x646: {  	v26 =	vld [tilespmem:s2+$0x48E0];
	(v2sf) =	vpush v3, $0x8;
	[tilespmem:s2+$0xC8D0] =	vst v1  }
0x647: {  	(v2sf) =	vpush v5, $0x4;
	v1 =	vld [tilespmem:s31+$0x10820];
	_ =	sdelay $0x4  }
0x648: {  	v1 =	vadd.f32 v1, v26;
	_ =	sdelay $0x1  }
0x649: {  	v27 =	vld [tilespmem:s2+$0x48F0];
	[tilespmem:s2+$0xC8E0] =	vst v1  }
0x64a: {  	v1 =	vld [tilespmem:s31+$0x10830];
	_ =	sdelay $0x4  }
0x64b: {  	s11 =	spop (v2sf);
	v1 =	vadd.f32 v1, v27  }
0x64c: {  	s23 =	spop (v2sf)  }
0x64d: {  	v28 =	vld [tilespmem:s2+$0x4900];
	s5 =	spop (v2sf);
	[tilespmem:s2+$0xC8F0] =	vst v1  }
0x64e: {  	v1 =	vld [tilespmem:s5+$0x10800];
	_ =	sdelay $0x4  }
0x64f: {  	v1 =	vadd.f32 v1, v28;
	_ =	sdelay $0x1  }
0x650: {  	v29 =	vld [tilespmem:s2+$0x4910];
	[tilespmem:s2+$0xC900] =	vst v1  }
0x651: {  	v1 =	vld [tilespmem:s5+$0x10810];
	_ =	sdelay $0x4  }
0x652: {  	v1 =	vadd.f32 v1, v29  }
0x653: {  	(v2sf) =	vpush v2, $0xD  }
0x654: {  	v30 =	vld [tilespmem:s2+$0x4920];
	(v2sf) =	vpush v3, $0x9;
	[tilespmem:s2+$0xC910] =	vst v1  }
0x655: {  	(v2sf) =	vpush v5, $0x5;
	v1 =	vld [tilespmem:s5+$0x10820];
	_ =	sdelay $0x4  }
0x656: {  	v1 =	vadd.f32 v1, v30;
	_ =	sdelay $0x1  }
0x657: {  	v31 =	vld [tilespmem:s2+$0x4930];
	[tilespmem:s2+$0xC920] =	vst v1  }
0x658: {  	v1 =	vld [tilespmem:s5+$0x10830];
	_ =	sdelay $0x2  }
0x659: {  	v10 =	vadd.f32 v58, v53;
	_ =	sdelay $0x1  }
0x65a: {  	[tilespmem:s13+$0xC930] =	vst v10;
	s4 =	spop (v2sf);
	v1 =	vadd.f32 v1, v31  }
0x65b: {  	v10 =	vld [tilespmem:s12+$0x10800];
	s5 =	spop (v2sf)  }
0x65c: {  	v32 =	vld [tilespmem:s2+$0x4940];
	s19 =	spop (v2sf);
	[tilespmem:s2+$0xC930] =	vst v1  }
0x65d: {  	v1 =	vld [tilespmem:s19+$0x10800];
	_ =	sdelay $0x2  }
0x65e: {  	v10 =	vadd.f32 v10, v62;
	_ =	sdelay $0x1  }
0x65f: {  	v33 =	vld [tilespmem:s13+$0x4950];
	[tilespmem:s13+$0xC940] =	vst v10;
	v1 =	vadd.f32 v1, v32  }
0x660: {  	v10 =	vld [tilespmem:s12+$0x10810]  }
0x661: {  	v34 =	vld [tilespmem:s2+$0x4950];
	[tilespmem:s2+$0xC940] =	vst v1  }
0x662: {  	v1 =	vld [tilespmem:s19+$0x10810];
	_ =	sdelay $0x2  }
0x663: {  	v10 =	vadd.f32 v10, v33;
	_ =	sdelay $0x1  }
0x664: {  	v35 =	vld [tilespmem:s13+$0x4960];
	[tilespmem:s13+$0xC950] =	vst v10;
	v1 =	vadd.f32 v1, v34  }
0x665: {  	v10 =	vld [tilespmem:s12+$0x10820];
	(v2sf) =	vpush v2, $0xE  }
0x666: {  	v36 =	vld [tilespmem:s2+$0x4960];
	(v2sf) =	vpush v3, $0xA;
	[tilespmem:s2+$0xC950] =	vst v1  }
0x667: {  	(v2sf) =	vpush v5, $0x6;
	v1 =	vld [tilespmem:s19+$0x10820];
	_ =	sdelay $0x2  }
0x668: {  	v10 =	vadd.f32 v10, v35;
	_ =	sdelay $0x1  }
0x669: {  	v37 =	vld [tilespmem:s13+$0x4970];
	[tilespmem:s13+$0xC960] =	vst v10;
	v1 =	vadd.f32 v1, v36  }
0x66a: {  	v10 =	vld [tilespmem:s12+$0x10830]  }
0x66b: {  	v38 =	vld [tilespmem:s2+$0x4970];
	[tilespmem:s2+$0xC960] =	vst v1  }
0x66c: {  	v1 =	vld [tilespmem:s19+$0x10830];
	_ =	sdelay $0x2  }
0x66d: {  	v10 =	vadd.f32 v10, v37;
	_ =	sdelay $0x1  }
0x66e: {  	v39 =	vld [tilespmem:s13+$0x4980];
	[tilespmem:s13+$0xC970] =	vst v10;
	s19 =	spop (v2sf);
	v1 =	vadd.f32 v1, v38  }
0x66f: {  	v10 =	vld [tilespmem:s18+$0x10800];
	s8 =	spop (v2sf)  }
0x670: {  	v40 =	vld [tilespmem:s2+$0x4980];
	s31 =	spop (v2sf);
	[tilespmem:s2+$0xC970] =	vst v1  }
0x671: {  	v1 =	vld [tilespmem:s31+$0x10800];
	_ =	sdelay $0x2  }
0x672: {  	v10 =	vadd.f32 v10, v39;
	_ =	sdelay $0x1  }
0x673: {  	v41 =	vld [tilespmem:s13+$0x4990];
	[tilespmem:s13+$0xC980] =	vst v10;
	v1 =	vadd.f32 v1, v40  }
0x674: {  	v10 =	vld [tilespmem:s18+$0x10810]  }
0x675: {  	v42 =	vld [tilespmem:s2+$0x4990];
	[tilespmem:s2+$0xC980] =	vst v1  }
0x676: {  	v1 =	vld [tilespmem:s31+$0x10810];
	_ =	sdelay $0x2  }
0x677: {  	v10 =	vadd.f32 v10, v41;
	_ =	sdelay $0x1  }
0x678: {  	v43 =	vld [tilespmem:s13+$0x49A0];
	[tilespmem:s13+$0xC990] =	vst v10;
	v1 =	vadd.f32 v1, v42  }
0x679: {  	v10 =	vld [tilespmem:s18+$0x10820];
	(v2sf) =	vpush v2, $0xF  }
0x67a: {  	v2 =	vld [tilespmem:s2+$0x49A0];
	(v2sf) =	vpush v3, $0xB;
	[tilespmem:s2+$0xC990] =	vst v1  }
0x67b: {  	(v2sf) =	vpush v5, $0x7;
	v1 =	vld [tilespmem:s31+$0x10820];
	_ =	sdelay $0x2  }
0x67c: {  	v10 =	vadd.f32 v10, v43;
	_ =	sdelay $0x1  }
0x67d: {  	v44 =	vld [tilespmem:s13+$0x49B0];
	[tilespmem:s13+$0xC9A0] =	vst v10;
	v1 =	vadd.f32 v1, v2  }
0x67e: {  	v10 =	vld [tilespmem:s18+$0x10830]  }
0x67f: {  	v2 =	vld [tilespmem:s2+$0x49B0];
	[tilespmem:s2+$0xC9A0] =	vst v1  }
0x680: {  	v1 =	vld [tilespmem:s31+$0x10830];
	_ =	sdelay $0x2  }
0x681: {  	v10 =	vadd.f32 v10, v44;
	_ =	sdelay $0x1  }
0x682: {  	v45 =	vld [tilespmem:s13+$0x49C0];
	[tilespmem:s13+$0xC9B0] =	vst v10;
	s18 =	spop (v2sf);
	v1 =	vadd.f32 v1, v2  }
0x683: {  	v10 =	vld [tilespmem:s26+$0x10800];
	s31 =	spop (v2sf)  }
0x684: {  	s12 =	spop (v2sf);
	v2 =	vld [tilespmem:s2+$0x49C0];
	[tilespmem:s2+$0xC9B0] =	vst v1  }
0x685: {  	v1 =	vld [tilespmem:s12+$0x10800];
	_ =	sdelay $0x2  }
0x686: {  	v10 =	vadd.f32 v10, v45;
	_ =	sdelay $0x1  }
0x687: {  	v46 =	vld [tilespmem:s13+$0x49D0];
	[tilespmem:s13+$0xC9C0] =	vst v10;
	v1 =	vadd.f32 v1, v2  }
0x688: {  	v10 =	vld [tilespmem:s26+$0x10810]  }
0x689: {  	v2 =	vld [tilespmem:s2+$0x49D0];
	[tilespmem:s2+$0xC9C0] =	vst v1  }
0x68a: {  	v1 =	vld [tilespmem:s12+$0x10810];
	_ =	sdelay $0x2  }
0x68b: {  	v10 =	vadd.f32 v10, v46;
	_ =	sdelay $0x1  }
0x68c: {  	v47 =	vld [tilespmem:s13+$0x49E0];
	[tilespmem:s13+$0xC9D0] =	vst v10;
	v1 =	vadd.f32 v1, v2  }
0x68d: {  	v10 =	vld [tilespmem:s26+$0x10820]  }
0x68e: {  	(v2sf) =	vpush v3, $0xC;
	v2 =	vld [tilespmem:s2+$0x49E0];
	[tilespmem:s2+$0xC9D0] =	vst v1  }
0x68f: {  	(v2sf) =	vpush v5, $0x8;
	v1 =	vld [tilespmem:s12+$0x10820];
	_ =	sdelay $0x2  }
0x690: {  	v10 =	vadd.f32 v10, v47;
	_ =	sdelay $0x1  }
0x691: {  	v48 =	vld [tilespmem:s13+$0x49F0];
	[tilespmem:s13+$0xC9E0] =	vst v10;
	v1 =	vadd.f32 v1, v2  }
0x692: {  	v10 =	vld [tilespmem:s26+$0x10830]  }
0x693: {  	v2 =	vld [tilespmem:s2+$0x49F0];
	[tilespmem:s2+$0xC9E0] =	vst v1  }
0x694: {  	v1 =	vld [tilespmem:s12+$0x10830];
	_ =	sdelay $0x2  }
0x695: {  	v10 =	vadd.f32 v10, v48;
	_ =	sdelay $0x1  }
0x696: {  	v49 =	vld [tilespmem:s13+$0x4A00];
	[tilespmem:s13+$0xC9F0] =	vst v10;
	v1 =	vadd.f32 v1, v2  }
0x697: {  	v10 =	vld [tilespmem:s23+$0x10800];
	s26 =	spop (v2sf)  }
0x698: {  	s12 =	spop (v2sf);
	v2 =	vld [tilespmem:s2+$0x4A00];
	[tilespmem:s2+$0xC9F0] =	vst v1  }
0x699: {  	v1 =	vld [tilespmem:s12+$0x10800];
	_ =	sdelay $0x2  }
0x69a: {  	v10 =	vadd.f32 v10, v49;
	_ =	sdelay $0x1  }
0x69b: {  	v50 =	vld [tilespmem:s13+$0x4A10];
	[tilespmem:s13+$0xCA00] =	vst v10;
	v1 =	vadd.f32 v1, v2  }
0x69c: {  	v10 =	vld [tilespmem:s23+$0x10810]  }
0x69d: {  	v2 =	vld [tilespmem:s2+$0x4A10];
	[tilespmem:s2+$0xCA00] =	vst v1  }
0x69e: {  	v1 =	vld [tilespmem:s12+$0x10810];
	_ =	sdelay $0x2  }
0x69f: {  	v10 =	vadd.f32 v10, v50;
	_ =	sdelay $0x1  }
0x6a0: {  	v51 =	vld [tilespmem:s13+$0x4A20];
	[tilespmem:s13+$0xCA10] =	vst v10;
	v1 =	vadd.f32 v1, v2  }
0x6a1: {  	v10 =	vld [tilespmem:s23+$0x10820]  }
0x6a2: {  	(v2sf) =	vpush v3, $0xD;
	v2 =	vld [tilespmem:s2+$0x4A20];
	[tilespmem:s2+$0xCA10] =	vst v1  }
0x6a3: {  	(v2sf) =	vpush v5, $0x9;
	v1 =	vld [tilespmem:s12+$0x10820];
	_ =	sdelay $0x2  }
0x6a4: {  	v10 =	vadd.f32 v10, v51;
	_ =	sdelay $0x1  }
0x6a5: {  	v52 =	vld [tilespmem:s13+$0x4A30];
	[tilespmem:s13+$0xCA20] =	vst v10;
	v1 =	vadd.f32 v1, v2  }
0x6a6: {  	v10 =	vld [tilespmem:s23+$0x10830];
	v2 =	vadd.f32 v57, v7  }
0x6a7: {  	v53 =	vld [tilespmem:s2+$0x4A30];
	[tilespmem:s2+$0xCA20] =	vst v1  }
0x6a8: {  	[tilespmem:s10+$0xCA30] =	vst v2;
	v1 =	vld [tilespmem:s12+$0x10830]  }
0x6a9: {  	v2 =	vld [tilespmem:s22+$0x10800];
	_ =	sdelay $0x1  }
0x6aa: {  	v54 =	vadd.f32 v10, v52  }
0x6ab: {  	v55 =	vld [tilespmem:s13+$0x4A40]  }
0x6ac: {  	v56 =	vld [tilespmem:s10+$0x4A50];
	[tilespmem:s13+$0xCA30] =	vst v54;
	v1 =	vadd.f32 v1, v53  }
0x6ad: {  	v9 =	vld [tilespmem:s5+$0x10800];
	s23 =	spop (v2sf);
	v2 =	vadd.f32 v2, v60  }
0x6ae: {  	v57 =	vld [tilespmem:s2+$0x4A40];
	s12 =	spop (v2sf);
	[tilespmem:s2+$0xCA30] =	vst v1  }
0x6af: {  	[tilespmem:s10+$0xCA40] =	vst v2;
	v1 =	vld [tilespmem:s12+$0x10800]  }
0x6b0: {  	v2 =	vld [tilespmem:s22+$0x10810];
	_ =	sdelay $0x1  }
0x6b1: {  	v9 =	vadd.f32 v9, v55  }
0x6b2: {  	v58 =	vld [tilespmem:s13+$0x4A50]  }
0x6b3: {  	v59 =	vld [tilespmem:s10+$0x4A60];
	[tilespmem:s13+$0xCA40] =	vst v9;
	v1 =	vadd.f32 v1, v57  }
0x6b4: {  	v9 =	vld [tilespmem:s5+$0x10810];
	v2 =	vadd.f32 v2, v56  }
0x6b5: {  	v60 =	vld [tilespmem:s2+$0x4A50];
	[tilespmem:s2+$0xCA40] =	vst v1  }
0x6b6: {  	[tilespmem:s10+$0xCA50] =	vst v2;
	v1 =	vld [tilespmem:s12+$0x10810]  }
0x6b7: {  	v2 =	vld [tilespmem:s22+$0x10820];
	_ =	sdelay $0x1  }
0x6b8: {  	v9 =	vadd.f32 v9, v58  }
0x6b9: {  	v61 =	vld [tilespmem:s13+$0x4A60]  }
0x6ba: {  	v62 =	vld [tilespmem:s10+$0x4A70];
	[tilespmem:s13+$0xCA50] =	vst v9;
	v1 =	vadd.f32 v1, v60  }
0x6bb: {  	v9 =	vld [tilespmem:s5+$0x10820];
	v2 =	vadd.f32 v2, v59  }
0x6bc: {  	v63 =	vld [tilespmem:s2+$0x4A60];
	(v2sf) =	vpush v3, $0xE;
	[tilespmem:s2+$0xCA50] =	vst v1  }
0x6bd: {  	(v2sf) =	vpush v5, $0xA;
	[tilespmem:s10+$0xCA60] =	vst v2;
	v1 =	vld [tilespmem:s12+$0x10820]  }
0x6be: {  	v2 =	vld [tilespmem:s22+$0x10830];
	_ =	sdelay $0x1  }
0x6bf: {  	v9 =	vadd.f32 v9, v61  }
0x6c0: {  	v13 =	vld [tilespmem:s10+$0x4A80]  }
0x6c1: {  	v12 =	vld [tilespmem:s13+$0x4A70];
	[tilespmem:s13+$0xCA60] =	vst v9;
	v1 =	vadd.f32 v1, v63  }
0x6c2: {  	v9 =	vld [tilespmem:s5+$0x10830];
	v2 =	vadd.f32 v2, v62  }
0x6c3: {  	v14 =	vld [tilespmem:s2+$0x4A70];
	[tilespmem:s2+$0xCA60] =	vst v1  }
0x6c4: {  	[tilespmem:s10+$0xCA70] =	vst v2;
	v1 =	vld [tilespmem:s12+$0x10830]  }
0x6c5: {  	v2 =	vld [tilespmem:s21+$0x10800];
	_ =	sdelay $0x1  }
0x6c6: {  	v9 =	vadd.f32 v9, v12  }
0x6c7: {  	v15 =	vld [tilespmem:s13+$0x4A80]  }
0x6c8: {  	v16 =	vld [tilespmem:s10+$0x4A90];
	[tilespmem:s13+$0xCA70] =	vst v9;
	v1 =	vadd.f32 v1, v14  }
0x6c9: {  	v9 =	vld [tilespmem:s8+$0x10800];
	s22 =	spop (v2sf);
	v2 =	vadd.f32 v2, v13  }
0x6ca: {  	v17 =	vld [tilespmem:s2+$0x4A80];
	s12 =	spop (v2sf);
	[tilespmem:s2+$0xCA70] =	vst v1  }
0x6cb: {  	[tilespmem:s10+$0xCA80] =	vst v2;
	v1 =	vld [tilespmem:s12+$0x10800]  }
0x6cc: {  	v2 =	vld [tilespmem:s21+$0x10810];
	_ =	sdelay $0x1  }
0x6cd: {  	v9 =	vadd.f32 v9, v15  }
0x6ce: {  	v18 =	vld [tilespmem:s13+$0x4A90]  }
0x6cf: {  	v19 =	vld [tilespmem:s10+$0x4AA0];
	[tilespmem:s13+$0xCA80] =	vst v9;
	v1 =	vadd.f32 v1, v17  }
0x6d0: {  	v9 =	vld [tilespmem:s8+$0x10810];
	v2 =	vadd.f32 v2, v16  }
0x6d1: {  	v20 =	vld [tilespmem:s2+$0x4A90];
	[tilespmem:s2+$0xCA80] =	vst v1  }
0x6d2: {  	[tilespmem:s10+$0xCA90] =	vst v2;
	v1 =	vld [tilespmem:s12+$0x10810]  }
0x6d3: {  	v2 =	vld [tilespmem:s21+$0x10820];
	_ =	sdelay $0x1  }
0x6d4: {  	v9 =	vadd.f32 v9, v18  }
0x6d5: {  	v21 =	vld [tilespmem:s13+$0x4AA0]  }
0x6d6: {  	v22 =	vld [tilespmem:s10+$0x4AB0];
	[tilespmem:s13+$0xCA90] =	vst v9;
	v1 =	vadd.f32 v1, v20  }
0x6d7: {  	v9 =	vld [tilespmem:s8+$0x10820];
	v2 =	vadd.f32 v2, v19  }
0x6d8: {  	v23 =	vld [tilespmem:s2+$0x4AA0];
	(v2sf) =	vpush v3, $0xF;
	[tilespmem:s2+$0xCA90] =	vst v1  }
0x6d9: {  	(v2sf) =	vpush v5, $0xB;
	[tilespmem:s10+$0xCAA0] =	vst v2;
	v1 =	vld [tilespmem:s12+$0x10820]  }
0x6da: {  	v2 =	vld [tilespmem:s21+$0x10830];
	_ =	sdelay $0x1  }
0x6db: {  	v3 =	vadd.f32 v9, v21  }
0x6dc: {  	v24 =	vld [tilespmem:s13+$0x4AB0]  }
0x6dd: {  	v25 =	vld [tilespmem:s10+$0x4AC0];
	[tilespmem:s13+$0xCAA0] =	vst v3;
	v1 =	vadd.f32 v1, v23  }
0x6de: {  	v3 =	vld [tilespmem:s8+$0x10830];
	v2 =	vadd.f32 v2, v22  }
0x6df: {  	v26 =	vld [tilespmem:s2+$0x4AB0];
	[tilespmem:s2+$0xCAA0] =	vst v1  }
0x6e0: {  	[tilespmem:s10+$0xCAB0] =	vst v2;
	v1 =	vld [tilespmem:s12+$0x10830]  }
0x6e1: {  	v2 =	vld [tilespmem:s20+$0x10800];
	_ =	sdelay $0x1  }
0x6e2: {  	v3 =	vadd.f32 v3, v24  }
0x6e3: {  	v27 =	vld [tilespmem:s13+$0x4AC0]  }
0x6e4: {  	v28 =	vld [tilespmem:s10+$0x4AD0];
	[tilespmem:s13+$0xCAB0] =	vst v3;
	v1 =	vadd.f32 v1, v26  }
0x6e5: {  	v3 =	vld [tilespmem:s31+$0x10800];
	s21 =	spop (v2sf);
	v2 =	vadd.f32 v2, v25  }
0x6e6: {  	v29 =	vld [tilespmem:s2+$0x4AC0];
	s12 =	spop (v2sf);
	[tilespmem:s2+$0xCAB0] =	vst v1  }
0x6e7: {  	[tilespmem:s10+$0xCAC0] =	vst v2;
	v1 =	vld [tilespmem:s12+$0x10800]  }
0x6e8: {  	v2 =	vld [tilespmem:s20+$0x10810];
	_ =	sdelay $0x1  }
0x6e9: {  	v3 =	vadd.f32 v3, v27  }
0x6ea: {  	v30 =	vld [tilespmem:s13+$0x4AD0]  }
0x6eb: {  	v31 =	vld [tilespmem:s10+$0x4AE0];
	[tilespmem:s13+$0xCAC0] =	vst v3;
	v1 =	vadd.f32 v1, v29  }
0x6ec: {  	v3 =	vld [tilespmem:s31+$0x10810];
	v2 =	vadd.f32 v2, v28  }
0x6ed: {  	v32 =	vld [tilespmem:s2+$0x4AD0];
	[tilespmem:s2+$0xCAC0] =	vst v1  }
0x6ee: {  	[tilespmem:s10+$0xCAD0] =	vst v2;
	v1 =	vld [tilespmem:s12+$0x10810]  }
0x6ef: {  	v2 =	vld [tilespmem:s20+$0x10820];
	_ =	sdelay $0x1  }
0x6f0: {  	v3 =	vadd.f32 v3, v30;
	_ =	sdelay $0x1  }
0x6f1: {  	v33 =	vld [tilespmem:s13+$0x4AE0];
	[tilespmem:s13+$0xCAD0] =	vst v3;
	v1 =	vadd.f32 v1, v32  }
0x6f2: {  	v3 =	vld [tilespmem:s31+$0x10820];
	v2 =	vadd.f32 v2, v31  }
0x6f3: {  	v35 =	vld [tilespmem:s2+$0x4AE0];
	[tilespmem:s2+$0xCAD0] =	vst v1  }
0x6f4: {  	(v2sf) =	vpush v5, $0xC;
	[tilespmem:s10+$0xCAE0] =	vst v2;
	v2 =	vld [tilespmem:s12+$0x10820];
	_ =	sdelay $0x2  }
0x6f5: {  	v34 =	vld [tilespmem:s10+$0x4AF0];
	v1 =	vadd.f32 v3, v33  }
0x6f6: {  	v36 =	vld [tilespmem:s20+$0x10830]  }
0x6f7: {  	v3 =	vld [tilespmem:s13+$0x4AF0];
	[tilespmem:s13+$0xCAE0] =	vst v1;
	v2 =	vadd.f32 v2, v35  }
0x6f8: {  	v37 =	vld [tilespmem:s31+$0x10830]  }
0x6f9: {  	v39 =	vld [tilespmem:s2+$0x4AF0];
	[tilespmem:s2+$0xCAE0] =	vst v2  }
0x6fa: {  	v40 =	vld [tilespmem:s12+$0x10830]  }
0x6fb: {  	v7 =	vadd.f32 v36, v34;
	_ =	sdelay $0x1  }
0x6fc: {  	v38 =	vld [tilespmem:s10+$0x4B00];
	[tilespmem:s10+$0xCAF0] =	vst v7;
	v3 =	vadd.f32 v37, v3  }
0x6fd: {  	v41 =	vld [tilespmem:s11+$0x10800]  }
0x6fe: {  	v42 =	vld [tilespmem:s13+$0x4B00];
	[tilespmem:s13+$0xCAF0] =	vst v3;
	v7 =	vadd.f32 v40, v39  }
0x6ff: {  	v3 =	vld [tilespmem:s26+$0x10800]  }
0x700: {  	v44 =	vld [tilespmem:s2+$0x4B00];
	s8 =	spop (v2sf);
	[tilespmem:s2+$0xCAF0] =	vst v7  }
0x701: {  	v7 =	vld [tilespmem:s8+$0x10800]  }
0x702: {  	v8 =	vadd.f32 v41, v38;
	_ =	sdelay $0x1  }
0x703: {  	v43 =	vld [tilespmem:s10+$0x4B10];
	[tilespmem:s10+$0xCB00] =	vst v8;
	v3 =	vadd.f32 v3, v42  }
0x704: {  	v8 =	vld [tilespmem:s11+$0x10810]  }
0x705: {  	v45 =	vld [tilespmem:s13+$0x4B10];
	[tilespmem:s13+$0xCB00] =	vst v3;
	v7 =	vadd.f32 v7, v44  }
0x706: {  	v3 =	vld [tilespmem:s26+$0x10810]  }
0x707: {  	v47 =	vld [tilespmem:s2+$0x4B10];
	[tilespmem:s2+$0xCB00] =	vst v7  }
0x708: {  	v7 =	vld [tilespmem:s8+$0x10810]  }
0x709: {  	v8 =	vadd.f32 v8, v43;
	_ =	sdelay $0x1  }
0x70a: {  	v46 =	vld [tilespmem:s10+$0x4B20];
	[tilespmem:s10+$0xCB10] =	vst v8;
	v3 =	vadd.f32 v3, v45  }
0x70b: {  	v8 =	vld [tilespmem:s11+$0x10820]  }
0x70c: {  	v48 =	vld [tilespmem:s13+$0x4B20];
	[tilespmem:s13+$0xCB10] =	vst v3;
	v7 =	vadd.f32 v7, v47  }
0x70d: {  	v3 =	vld [tilespmem:s26+$0x10820]  }
0x70e: {  	v50 =	vld [tilespmem:s2+$0x4B20];
	[tilespmem:s2+$0xCB10] =	vst v7  }
0x70f: {  	(v2sf) =	vpush v5, $0xD;
	v7 =	vld [tilespmem:s8+$0x10820]  }
0x710: {  	v8 =	vadd.f32 v8, v46  }
0x711: {  	v49 =	vld [tilespmem:s10+$0x4B30]  }
0x712: {  	v51 =	vld [tilespmem:s16+$0x10800];
	[tilespmem:s10+$0xCB20] =	vst v8;
	v3 =	vadd.f32 v3, v48  }
0x713: {  	v8 =	vld [tilespmem:s11+$0x10830]  }
0x714: {  	v52 =	vld [tilespmem:s13+$0x4B30];
	[tilespmem:s13+$0xCB20] =	vst v3;
	v7 =	vadd.f32 v7, v50  }
0x715: {  	v3 =	vld [tilespmem:s26+$0x10830]  }
0x716: {  	v54 =	vld [tilespmem:s2+$0x4B30];
	[tilespmem:s2+$0xCB20] =	vst v7  }
0x717: {  	v7 =	vld [tilespmem:s8+$0x10830]  }
0x718: {  	v55 =	vld [tilespmem:s9+$0x4B50];
	v8 =	vadd.f32 v8, v49  }
0x719: {  	v6 =	vadd.f32 v51, v6;
	v58 =	vld [tilespmem:s13+$0x4B40]  }
0x71a: {  	v53 =	vld [tilespmem:s10+$0x4B40];
	[tilespmem:s10+$0xCB30] =	vst v8;
	v3 =	vadd.f32 v3, v52  }
0x71b: {  	[tilespmem:s9+$0xCB40] =	vst v6;
	v56 =	vld [tilespmem:s4+$0x10800]  }
0x71c: {  	v57 =	vld [tilespmem:s16+$0x10810];
	[tilespmem:s13+$0xCB30] =	vst v3;
	v3 =	vadd.f32 v7, v54  }
0x71d: {  	v60 =	vld [tilespmem:s23+$0x10800]  }
0x71e: {  	v61 =	vld [tilespmem:s2+$0x4B40];
	s12 =	spop (v2sf);
	[tilespmem:s2+$0xCB30] =	vst v3  }
0x71f: {  	v62 =	vld [tilespmem:s12+$0x10800]  }
0x720: {  	v6 =	vadd.f32 v56, v53  }
0x721: {  	v3 =	vadd.f32 v57, v55  }
0x722: {  	v59 =	vld [tilespmem:s10+$0x4B50];
	[tilespmem:s10+$0xCB40] =	vst v6;
	v7 =	vadd.f32 v60, v58  }
0x723: {  	v17 =	vld [tilespmem:s13+$0x4B50];
	[tilespmem:s9+$0xCB50] =	vst v3  }
0x724: {  	v3 =	vld [tilespmem:s4+$0x10810];
	[tilespmem:s13+$0xCB40] =	vst v7;
	v19 =	vadd.f32 v62, v61  }
0x725: {  	v20 =	vld [tilespmem:s23+$0x10810]  }
0x726: {  	v21 =	vld [tilespmem:s2+$0x4B50];
	[tilespmem:s2+$0xCB40] =	vst v19  }
0x727: {  	v7 =	vld [tilespmem:s12+$0x10810]  }
0x728: {  	v18 =	vld [tilespmem:s10+$0x4B60]  }
0x729: {  	v63 =	vld [tilespmem:s9+$0x4B60];
	v3 =	vadd.f32 v3, v59  }
0x72a: {  	v16 =	vld [tilespmem:s16+$0x10820];
	v8 =	vadd.f32 v20, v17  }
0x72b: {  	v23 =	vld [tilespmem:s13+$0x4B60];
	[tilespmem:s10+$0xCB50] =	vst v3  }
0x72c: {  	v3 =	vld [tilespmem:s4+$0x10820];
	[tilespmem:s13+$0xCB50] =	vst v8;
	v7 =	vadd.f32 v7, v21  }
0x72d: {  	v8 =	vld [tilespmem:s23+$0x10820]  }
0x72e: {  	v25 =	vld [tilespmem:s2+$0x4B60];
	[tilespmem:s2+$0xCB50] =	vst v7  }
0x72f: {  	(v2sf) =	vpush v5, $0xE;
	v6 =	vadd.f32 v16, v63;
	v7 =	vld [tilespmem:s12+$0x10820]  }
0x730: {  	v24 =	vld [tilespmem:s10+$0x4B70]  }
0x731: {  	v22 =	vld [tilespmem:s9+$0x4B70];
	[tilespmem:s9+$0xCB60] =	vst v6;
	v3 =	vadd.f32 v3, v18  }
0x732: {  	v6 =	vld [tilespmem:s16+$0x10830];
	v8 =	vadd.f32 v8, v23  }
0x733: {  	v27 =	vld [tilespmem:s13+$0x4B70];
	[tilespmem:s10+$0xCB60] =	vst v3  }
0x734: {  	v3 =	vld [tilespmem:s4+$0x10830];
	[tilespmem:s13+$0xCB60] =	vst v8;
	v7 =	vadd.f32 v7, v25  }
0x735: {  	v8 =	vld [tilespmem:s23+$0x10830]  }
0x736: {  	v29 =	vld [tilespmem:s2+$0x4B70];
	[tilespmem:s2+$0xCB60] =	vst v7  }
0x737: {  	v6 =	vadd.f32 v6, v22;
	v7 =	vld [tilespmem:s12+$0x10830]  }
0x738: {  	v30 =	vld [tilespmem:s10+$0x4B80]  }
0x739: {  	v26 =	vld [tilespmem:s9+$0x4B80];
	[tilespmem:s9+$0xCB70] =	vst v6;
	v3 =	vadd.f32 v3, v24  }
0x73a: {  	v28 =	vld [tilespmem:s1+$0x10800];
	v6 =	vadd.f32 v8, v27  }
0x73b: {  	v32 =	vld [tilespmem:s13+$0x4B80];
	[tilespmem:s10+$0xCB70] =	vst v3  }
0x73c: {  	v3 =	vld [tilespmem:s19+$0x10800];
	[tilespmem:s13+$0xCB70] =	vst v6;
	v33 =	vadd.f32 v7, v29  }
0x73d: {  	v34 =	vld [tilespmem:s22+$0x10800]  }
0x73e: {  	v35 =	vld [tilespmem:s2+$0x4B80];
	s20 =	spop (v2sf);
	[tilespmem:s2+$0xCB70] =	vst v33  }
0x73f: {  	v9 =	vadd.f32 v28, v26;
	v6 =	vld [tilespmem:s20+$0x10800]  }
0x740: {  	v31 =	vld [tilespmem:s9+$0x4B90]  }
0x741: {  	v36 =	vld [tilespmem:s10+$0x4B90];
	[tilespmem:s9+$0xCB80] =	vst v9;
	v3 =	vadd.f32 v3, v30  }
0x742: {  	v9 =	vld [tilespmem:s1+$0x10810];
	v7 =	vadd.f32 v34, v32  }
0x743: {  	v38 =	vld [tilespmem:s13+$0x4B90];
	[tilespmem:s10+$0xCB80] =	vst v3  }
0x744: {  	v3 =	vld [tilespmem:s19+$0x10810];
	[tilespmem:s13+$0xCB80] =	vst v7;
	v6 =	vadd.f32 v6, v35  }
0x745: {  	v7 =	vld [tilespmem:s22+$0x10810]  }
0x746: {  	v39 =	vld [tilespmem:s2+$0x4B90];
	[tilespmem:s2+$0xCB80] =	vst v6  }
0x747: {  	v9 =	vadd.f32 v9, v31;
	v6 =	vld [tilespmem:s20+$0x10810]  }
0x748: {  	v37 =	vld [tilespmem:s9+$0x4BA0]  }
0x749: {  	v40 =	vld [tilespmem:s10+$0x4BA0];
	[tilespmem:s9+$0xCB90] =	vst v9;
	v3 =	vadd.f32 v3, v36  }
0x74a: {  	v9 =	vld [tilespmem:s1+$0x10820];
	v7 =	vadd.f32 v7, v38  }
0x74b: {  	v42 =	vld [tilespmem:s13+$0x4BA0];
	[tilespmem:s10+$0xCB90] =	vst v3  }
0x74c: {  	v3 =	vld [tilespmem:s19+$0x10820];
	[tilespmem:s13+$0xCB90] =	vst v7;
	v6 =	vadd.f32 v6, v39  }
0x74d: {  	v7 =	vld [tilespmem:s22+$0x10820]  }
0x74e: {  	v43 =	vld [tilespmem:s2+$0x4BA0];
	[tilespmem:s2+$0xCB90] =	vst v6  }
0x74f: {  	(v2sf) =	vpush v5, $0xF;
	v9 =	vadd.f32 v9, v37;
	v6 =	vld [tilespmem:s20+$0x10820]  }
0x750: {  	v41 =	vld [tilespmem:s9+$0x4BB0]  }
0x751: {  	v44 =	vld [tilespmem:s10+$0x4BB0];
	[tilespmem:s9+$0xCBA0] =	vst v9;
	v3 =	vadd.f32 v3, v40  }
0x752: {  	v9 =	vld [tilespmem:s1+$0x10830];
	v7 =	vadd.f32 v7, v42  }
0x753: {  	v45 =	vld [tilespmem:s13+$0x4BB0];
	[tilespmem:s10+$0xCBA0] =	vst v3  }
0x754: {  	v3 =	vld [tilespmem:s19+$0x10830];
	[tilespmem:s13+$0xCBA0] =	vst v7;
	v6 =	vadd.f32 v6, v43  }
0x755: {  	v48 =	vld [tilespmem:s22+$0x10830]  }
0x756: {  	v49 =	vld [tilespmem:s2+$0x4BB0];
	[tilespmem:s2+$0xCBA0] =	vst v6  }
0x757: {  	v47 =	vadd.f32 v9, v41;
	v6 =	vld [tilespmem:s20+$0x10830]  }
0x758: {  	v51 =	vld [tilespmem:s10+$0x4BC0]  }
0x759: {  	v46 =	vld [tilespmem:s9+$0x4BC0];
	[tilespmem:s9+$0xCBB0] =	vst v47;
	v3 =	vadd.f32 v3, v44  }
0x75a: {  	v7 =	vld [tilespmem:s0+$0x10800];
	v8 =	vadd.f32 v48, v45  }
0x75b: {  	[tilespmem:s10+$0xCBB0] =	vst v3;
	v3 =	vld [tilespmem:s13+$0x4BC0]  }
0x75c: {  	v52 =	vld [tilespmem:s18+$0x10800];
	[tilespmem:s13+$0xCBB0] =	vst v8;
	v6 =	vadd.f32 v6, v49  }
0x75d: {  	v8 =	vld [tilespmem:s21+$0x10800]  }
0x75e: {  	v53 =	vld [tilespmem:s2+$0x4BC0];
	s23 =	spop (v2sf);
	[tilespmem:s2+$0xCBB0] =	vst v6  }
0x75f: {  	v6 =	vld [tilespmem:s23+$0x10800]  }
0x760: {  	v50 =	vld [tilespmem:s9+$0x4BD0];
	v7 =	vadd.f32 v7, v46  }
0x761: {  	v54 =	vld [tilespmem:s10+$0x4BD0];
	v5 =	vadd.f32 v52, v51  }
0x762: {  	v55 =	vld [tilespmem:s13+$0x4BD0];
	[tilespmem:s9+$0xCBC0] =	vst v7;
	v3 =	vadd.f32 v8, v3  }
0x763: {  	v7 =	vld [tilespmem:s0+$0x10810];
	[tilespmem:s10+$0xCBC0] =	vst v5  }
0x764: {  	v56 =	vld [tilespmem:s18+$0x10810];
	[tilespmem:s13+$0xCBC0] =	vst v3;
	v3 =	vadd.f32 v6, v53  }
0x765: {  	v57 =	vld [tilespmem:s21+$0x10810]  }
0x766: {  	v58 =	vld [tilespmem:s2+$0x4BD0];
	[tilespmem:s2+$0xCBC0] =	vst v3  }
0x767: {  	v3 =	vld [tilespmem:s23+$0x10810]  }
0x768: {  	v7 =	vadd.f32 v7, v50  }
0x769: {  	v1 =	vld [tilespmem:s10+$0x4BE0];
	v8 =	vadd.f32 v56, v54  }
0x76a: {  	v2 =	vld [tilespmem:s13+$0x4BE0];
	[tilespmem:s9+$0xCBD0] =	vst v7;
	v5 =	vadd.f32 v57, v55  }
0x76b: {  	v7 =	vld [tilespmem:s0+$0x10820];
	[tilespmem:s10+$0xCBD0] =	vst v8  }
0x76c: {  	v8 =	vld [tilespmem:s18+$0x10820];
	[tilespmem:s13+$0xCBD0] =	vst v5;
	v3 =	vadd.f32 v3, v58  }
0x76d: {  	v5 =	vld [tilespmem:s21+$0x10820]  }
0x76e: {  	v60 =	vld [tilespmem:s2+$0x4BE0];
	[tilespmem:s2+$0xCBD0] =	vst v3  }
0x76f: {  	v3 =	vld [tilespmem:s23+$0x10820]  }
0x770: {  	v61 =	vld [tilespmem:s10+$0x4BF0];
	v4 =	vadd.f32 v7, v4  }
0x771: {  	v59 =	vld [tilespmem:s9+$0x4BF0];
	v1 =	vadd.f32 v8, v1  }
0x772: {  	v63 =	vld [tilespmem:s2+$0x4BF0];
	[tilespmem:s9+$0xCBE0] =	vst v4;
	v2 =	vadd.f32 v5, v2  }
0x773: {  	v4 =	vld [tilespmem:s0+$0x10830];
	[tilespmem:s10+$0xCBE0] =	vst v1  }
0x774: {  	v1 =	vld [tilespmem:s13+$0x4BF0];
	[tilespmem:s13+$0xCBE0] =	vst v2;
	v2 =	vadd.f32 v3, v60  }
0x775: {  	v62 =	vld [tilespmem:s18+$0x10830]  }
0x776: {  	v3 =	vld [tilespmem:s21+$0x10830];
	[tilespmem:s2+$0xCBE0] =	vst v2  }
0x777: {  	v2 =	vld [tilespmem:s23+$0x10830];
	_ =	sdelay $0x1  }
0x778: {  	v4 =	vadd.f32 v4, v59  }
0x779: {  	v5 =	vadd.f32 v62, v61  }
0x77a: {  	[tilespmem:s9+$0xCBF0] =	vst v4;
	v1 =	vadd.f32 v3, v1  }
0x77b: {  	[tilespmem:s10+$0xCBF0] =	vst v5;
	v2 =	vadd.f32 v2, v63  }
.Ltmp9:
0x77c: {  	[tilespmem:s13+$0xCBF0] =	vst v1;
	(pc) =	sbr.rel @p1 .LBB2_17-.Ltmp9, $4  }
0x77d: {  	[tilespmem:s2+$0xCBF0] =	vst v2  }
0x77e: {  	s26 =	rddreg [dreg:$0xa]  }
0x77f: {  	s31 =	simm.s32 $0xC800;
	s0 =	sadd.s32 s7, s26  }
0x780: {  	[hbm4b:s0+s3] =	stream.linear.scatter [tilespmem:s31], [sflag:$0x6], $0x4000, $0x38;
	[tilespmem:$0x18800] =	vst v63  }
.Ltmp10:
0x781: {  	(pc) =	sbr.rel .LBB2_4-.Ltmp10, $4  }
0x782: {  	s0 =	simm.s32 $0x100;
	s1 =	simm.s32 $0x4800  }
0x783: {  	[tilespmem:s1], [sflag:$0x3] =	stream.indirect.gather [hbm4b:s6+s17], $0x40, s0, s17, $0xb8;
	[tilespmem:$0x18800] =	vst v63  }
0x784: {  	s26 =	simm.s32 $0x180;
	s31 =	simm.s32 $0x6800;
	s14 =	sadd.s32 $0x1, s14  }
0x785: {  	[tilespmem:s31], [sflag:$0x4] =	stream.indirect.gather [hbm4b:s6+s17], $0x40, s26, s17, $0xb8;
	[tilespmem:$0x18800] =	vst v63  }
.LBB2_18:
0x786: {  	_ =	sfence.sel $0x180000  }
0x787: {  	[bflag:$0x0] =	sbarrier.arrive $0xFFFF  }
0x788: {  	_ =	strace $0x90000047  }
0x789: {  	s0 =	stileid.u32;
	[bflag:$0x2] =	sbarrier.arrive $0xFFFF  }
0x78a: {  	p0 =	sne.s32 s0, $0x0;
	s0 =	rddreg [dreg:$0x2]  }
0x78b: {  	s0 =	sadd.s32 @!p0 $0x100000, s0  }
0x78c: {  	[sflag:s0] =	ssyncadd.tile.s32 @!p0 $0x1;
	_ =	shalt  }
.Lfunc_end2:
_tile_overlayer_lowered:
.L_overlay_start_2:
0x78d: {  	(tag) =	ssettag $0x2  }
0x78e: {  	s0 =	rddreg [dreg:$0x0];
	s2 =	stileid.u32  }
0x78f: {  	s1 =	rddreg [dreg:$0x1];
	p0 =	sne.s32 s2, $0x0  }
0x790: {  	s3 =	rddreg [dreg:$0x2];
	[bflag:$0x3] =	sbarrier.arrive $0xFFFF;
	s2 =	simm.s32 @!p0 $0x1C07  }
0x791: {  	[timem:s3], [sflag:s2] =	dma.local @!p0 [hbm:s0], s1  }
0x792: {  	s0 =	simm.s32 @!p0 $0x7  }
0x793: {  	_ =	swait.ge @!p0 [sflag:s0], s1  }
0x794: {  	s1 =	ssub.s32 @!p0 $0x0, s1;
	[sflag:s0] =	ssyncset.done @!p0 $0x0  }
0x795: {  	[sflag:s0] =	ssyncadd.s32 @!p0 s1  }
0x796: {  	[bflag:$0x3] =	sbarrier.arrive $0xFFFF  }
0x797: {  	_ =	shalt  }

// kernel: sparse-core-data-format-call.cloned.1.call-start
scs
called_computation_lowered:
.L_overlay_start_0:
0x0: {  	s2 =	sld [smem:$0x3FD9]  }
0x1: {  	s3 =	sld [smem:$0x3FFE];
	_ =	sdelay $0x1  }
0x2: {  	s1 =	srdreg.scid  }
0x3: {  	s0 =	sand.u32 $0x1, s1  }
0x4: {  	s18 =	sshll.u32 s0, $0xA;
	s2 =	sadd.s32 s3, s2  }
0x5: {  	s2 =	sadd.s32 s2, s18  }
0x6: {  	[smem:$0x3FC2] =	sst s2  }
0x7: {  	_ = 	snop  }
0x8: {  	s2 =	sld [smem:$0x3FD0];
	(tm) =	ssettm $0x1  }
0x9: {  	s19 =	sld [smem:$0x3FFB];
	_ =	sdelay $0x3  }
0xa: {  	_ =	strace s19  }
0xb: {  	s3 =	sld [smem:$0x3FFC];
	_ =	sdelay $0x3  }
0xc: {  	_ =	strace s3  }
0xd: {  	s3 =	sld [smem:$0x3FFD];
	_ =	sdelay $0x3  }
0xe: {  	_ =	strace s3  }
0xf: {  	_ =	strace $0x8FFFFFFF  }
0x10: {  	s20 =	sld [smem:$0x3FDB];
	_ =	sdelay $0x1  }
0x11: {  	s4 =	simm.s32 $_scs_section_size  }
0x12: {  	s5 =	simm.s32 $_size__tile_overlayer_lowered;
	s6 =	simm.s32 $_tile_overlayer_lowered  }
0x13: {  	s23 =	simm.s32 $0x1BFF;
	s22 =	sshll.u32 s6, $0x1;
	s3 =	sadd.s32 s4, s20  }
0x14: {  	s7 =	simm.s32 $0x0;
	s21 =	sshll.u32 s5, $0x1;
	s5 =	sadd.s32 s22, s3  }
0x15: {  	[timem:s7], [sflag:s23] =	dma.local [hbm:s5], s21  }
0x16: {  	_ =	swait.ge [sflag:s23], s21  }
0x17: {  	s4 =	ssub.s32 $0x0, s21;
	[sflag:s23] =	ssyncset.done $0x0  }
0x18: {  	[sflag:s23] =	ssyncadd.s32 s4;
	_ =	sdelay $0x1  }
0x19: {  	s24 =	simm.s32 $0x1B8B  }
0x1a: {  	_ =	swait.ge [sflag:s24], $0x1  }
0x1b: {  	[sflag:s24] =	ssyncset.done $0x0  }
0x1c: {  	s26 =	simm.s32 $0x1B8E;
	s25 =	sld [smem:$0x3FFE];
	[sflag:s24] =	ssyncadd.s32 $0xFFFFFFFF  }
0x1d: {  	s27 =	simm.s32 $execute0_lowered;
	[smem:$0x3FD2] =	sst s26  }
0x1e: {  	s5 =	sshll.u32 s27, $0x1;
	_ =	strace $0x80000049;
	[dreg:$0x1] =	wrdreg $0xFFFFFFFF  }
0x1f: {  	s28 =	simm.s32 $_size_execute0_lowered;
	s3 =	sadd.s32 s3, s5;
	[dreg:$0x0] =	wrdreg $0x0  }
0x20: {  	s5 =	sshll.u32 s28, $0x1;
	[dreg:$0x2] =	wrdreg s3  }
0x21: {  	[dreg:$0x3] =	wrdreg s5  }
0x22: {  	[dreg:$0x4] =	wrdreg $0xC0  }
0x23: {  	_ =	task [dreg:s7], $0x5FFFF  }
0x24: {  	[dreg:$0x1] =	wrdreg $0xFFFFFFFF  }
0x25: {  	[dreg:$0x0] =	wrdreg $0x60  }
0x26: {  	[dreg:$0x2] =	wrdreg s25  }
0x27: {  	[dreg:$0x3] =	wrdreg s2  }
0x28: {  	[dreg:$0x4] =	wrdreg $0x9  }
0x29: {  	_ =	task.clear_ibuf [dreg:s7], $0x5FFFF;
	_ =	strace $0x90000049  }
0x2a: {  	s29 =	simm.s32 $0x9;
	_ =	strace $0x8000004B  }
0x2b: {  	_ =	swait.ge [sflag:s29], $0x1  }
0x2c: {  	[sflag:s29] =	ssyncadd.s32 $0xFFFFFFFF  }
0x2d: {  	_ =	strace $0x9000004B  }
0x2e: {  	_ =	sfence  }
0x2f: {  	s30 =	sld [smem:$0x0];
	_ =	sdelay $0x2  }
0x30: {  	s31 =	sshll.u32 s1, $0xD;
	s1 =	sshrl.u32 s1, $0x2  }
0x31: {  	s3 =	sand.u32 $0x4000, s31;
	s1 =	sadd.s32 s1, s30  }
0x32: {  	s0 =	sor.u32 s3, s0;
	s1 =	sshll.u32 s1, $0x11  }
0x33: {  	s0 =	sor.u32 s1, s0  }
0x34: {  	s0 =	sadd.s32 $0x8F2B, s0  }
0x35: {  	[sflag:s0] =	ssyncadd.remote.s32 $0x1  }
0x36: {  	_ =	sfence.sel $0xFFFF  }
0x37: {  	[dreg:$0x0] =	wrdreg $0xFFFFFFFF;
	(pc) =	sbr.abs _section_cstart, $3  }
0x38: {  	[dreg:$0x1] =	wrdreg $0xFFFFFFFF  }
0x39: {  	_ =	task.clear_ibuf [dreg:s7], $0x2FFFF;
	_ =	strace $0x9FFFFFFF  }
0x3a: {  	(tm) =	ssettm $0x7FFFFFFF  }
0x3b: {  	_ =	shalt  }
tec
execute0_lowered:
.L_overlay_start_1:
0x0: {  	(tag) =	ssettag $0x1  }
0x1: {  	s0 =	srdreg.scid  }
0x2: {  	s1 =	sshll.u32 s0, $0x4  }
0x3: {  	s0 =	stileid.u32;
	s1 =	sand.u32 $0x10, s1  }
0x4: {  	s1 =	sor.u32 s0, s1  }
0x5: {  	s6 =	rddreg [dreg:$0x0];
	s4 =	simm.s32 $0x1;
	s2 =	sshll.u32 s1, $0x7  }
0x6: {  	s7 =	simm.s32 $0x2;
	s12 =	simm.s32 $0x0;
	s1 =	ssub.s32 $0x1000, s2  }
0x7: {  	s8 =	simm.s32 $0x8000;
	s13 =	simm.s32 $0x0;
	s3 =	sand.u32 $0xF80, s1  }
0x8: {  	s9 =	simm.s32 $0x0;
	s5 =	sshrl.u32 s1, $0xC;
	p0 =	sne.s32 s3, $0x0  }
.Ltmp0:
0x9: {  	s1 =	rddreg [dreg:$0x2];
	s4 =	simm.s32 @!p0 $0x0;
	(pc) =	sbr.rel .LBB1_1-.Ltmp0, $4  }
0xa: {  	s11 =	simm.s32 $0x0;
	s3 =	rddreg [dreg:$0x1];
	s5 =	sadd.s32 s4, s5  }
0xb: {  	_ =	strace $0x8000004A;
	s4 =	simm.s32 $0x1;
	s5 =	smul.u32 $0xC8, s5  }
0xc: {  	s6 =	sadd.s32 $0x1200, s6;
	s10 =	smov.u32 s2;
	[sflag:s4] =	ssyncpa.u1 $0x0  }
0xd: {  	p0 =	por $0x0, $0x0;
	[sflag:s7] =	ssyncpa.u1 $0x0;
	s7 =	sor.u32 $0x1, s5  }
.LBB1_4:
0xe: {  	s16 =	sshll.u32 s13, $0x3;
	s17 =	sand.u32 $0x78, s13  }
0xf: {  	s30 =	sand.u32 $0x7E00, s13;
	s12 =	sshll.u32 s12, $0xF;
	s16 =	sand.u32 $0xC00, s16  }
0x10: {  	[tilespmem:s15+$0x810 ss:$0x81] =	vst.msk $0xffff, v2;
	s31 =	sand.u32 $0x7, s13;
	s16 =	sor.u32 s17, s16;
	s17 =	sadd.s32 s3, s30  }
0x11: {  	[tilespmem:s15+$0x1020 ss:$0x81] =	vst.msk $0xffff, v0;
	s13 =	sshll.u32 s31, $0x12;
	s12 =	sadd.s32 s12, s17;
	s16 =	sshrl.u32 s16, $0x3  }
0x12: {  	[tilespmem:s15+$0x0 ss:$0x81] =	vst.msk $0xffff, v1;
	s13 =	sor.u32 $0x400, s13;
	s12 =	sadd.s32 s16, s12  }
0x13: {  	[hbm4b:s12+s13] =	stream.strided.scatter [tilespmem:s14], [sflag:$0x2], $0x2000, s8, s13, $0x20;
	[tilespmem:$0x8080] =	vst v63  }
.LBB1_5:
0x14: {  	s14 =	sadd.s32 $0x1, s9  }
0x15: {  	s12 =	sadd.s32 $0x1000, s10;
	s16 =	smov.u32 s10;
	p2 =	sgt.s32 s14, $0xC7  }
0x16: {  	s16 =	smov.u32 @p2 s12  }
0x17: {  	s14 =	simm.s32 @p2 $0x0;
	p2 =	sgt.s32 s16, $0xFFF  }
0x18: {  	s16 =	smov.u32 @p2 s2;
	p2 =	sne.s32 s11, s7  }
.Ltmp1:
0x19: {  	p1 =	slt.u32 s11, $0x2;
	(pc) =	sbr.rel @!p2 .LBB1_6-.Ltmp1, $4  }
0x1a: {  	s15 =	simm.s32 @!p1 $0x2  }
0x1b: {  	s13 =	smov.u32 s10;
	p0 =	por !p0, !p0;
	_ =	swait.ge @!p1 [sflag:s15], $0x2000  }
0x1c: {  	s12 =	smov.u32 s9;
	[sflag:s15] =	ssyncset.done @!p1 $0x0;
	s9 =	smov.u32 s14  }
0x1d: {  	s11 =	sadd.s32 $0x1, s11;
	[sflag:s15] =	ssyncadd.s32 @!p1 $0xFFFFE000;
	s10 =	smov.u32 s16  }
.LBB1_1:
0x1e: {  	p1 =	sge.u32 s11, s5  }
0x1f: {  	s14 =	sand.u32 @!p1 $0x1FFFFFF, s9  }
0x20: {  	s15 =	smulhi.u32 @!p1 $0x147AE15, s14;
	_ =	sdelay $0x1  }
0x21: {  	s15 =	smul.u32 @!p1 $0xC8, s15  }
0x22: {  	s16 =	sxor.u32 @!p1 $0xFFFFFFFF, s11;
	s17 =	smul.u32 @!p1 $0xC80, s10  }
0x23: {  	s31 =	sadd.s32 $0xFFFFFFFF, s11;
	s16 =	sshll.u32 @!p1 s16, $0xD;
	s14 =	ssub.s32 @!p1 s14, s15  }
0x24: {  	s15 =	sand.u32 @!p1 $0x2000, s16;
	s16 =	sadd.s32 @!p1 s6, s17;
	s14 =	sshll.u32 @!p1 s14, $0x4  }
0x25: {  	s17 =	simm.s32 @!p1 $0x6400;
	s14 =	sadd.s32 @!p1 s14, s16;
	s16 =	simm.s32 @!p1 $0x40  }
0x26: {  	[tilespmem:s15], [sflag:$0x1] =	stream.strided.gather @!p1 [hbm4b:s14+s16], $0x2000, s17, s16, $0x38;
	[tilespmem:$0x8080] =	vst v63  }
0x27: {  	p1 =	sge.u32 s31, s5  }
.Ltmp2:
0x28: {  	_ = 	snop;
	(pc) =	sbr.rel @p1 .LBB1_5-.Ltmp2, $1  }
0x29: {  	_ =	sdelay $0x3  }
0x2a: {  	s14 =	simm.s32 $0x1  }
0x2b: {  	_ =	swait.ge [sflag:s4], $0x2000;
	s14 =	simm.s32 @!p0 $0x0  }
0x2c: {  	[sflag:s4] =	ssyncset.done $0x0;
	s15 =	sshll.u32 s14, $0xD  }
0x2d: {  	[sflag:s4] =	ssyncadd.s32 $0xFFFFE000;
	s18 =	sor.u32 $0x20, s15  }
0x2e: {  	s14 =	smul.u32 $0x8100, s14;
	v3 =	vld [tilespmem:s18+$0x10]  }
0x2f: {  	s30 =	sand.u32 $0x1, s11;
	v2 =	vld [tilespmem:s18+$0xFFFFFFF0]  }
0x30: {  	s15 =	smul.u32 $0x8100, s30;
	s14 =	sshrl.u32 s14, $0x2;
	v0 =	vld [tilespmem:s18+$0x0]  }
0x31: {  	v1 =	vld [tilespmem:s18+$0xFFFFFFE0];
	s16 =	sor.u32 $0x4000, s14  }
0x32: {  	s31 =	sshrl.u32 s15, $0x2;
	s15 =	sadd.s32 $0x0, s16  }
0x33: {  	s17 =	simm.s32 $0x4;
	s18 =	sadd.s32 $0x40, s18;
	s14 =	sor.u32 $0x4000, s31;
	[tilespmem:s15+$0x1830 ss:$0x81] =	vst.msk $0xffff, v3  }
.LBB1_3:
0x34: {  	v3 =	vld [tilespmem:s18+$0x10];
	p1 =	sne.s32 s17, $0x1FC;
	[tilespmem:s15+$0x810 ss:$0x81] =	vst.msk $0xffff, v2;
	s19 =	smov.u32 s17;
	s17 =	sadd.s32 $0x4, s17  }
.Ltmp3:
0x35: {  	v2 =	vld [tilespmem:s18+$0xFFFFFFF0];
	[tilespmem:s15+$0x1020 ss:$0x81] =	vst.msk $0xffff, v0;
	(pc) =	sbr.rel @p1 .LBB1_3-.Ltmp3, $4  }
0x36: {  	v0 =	vld [tilespmem:s18+$0x0];
	[tilespmem:s15+$0x0 ss:$0x81] =	vst.msk $0xffff, v1  }
0x37: {  	s15 =	sshra.s32 s19, $0x2;
	v1 =	vld [tilespmem:s18+$0xFFFFFFE0]  }
0x38: {  	s15 =	sadd.s32 s15, s16  }
0x39: {  	s18 =	sadd.s32 $0x40, s18;
	[tilespmem:s15+$0x1830 ss:$0x81] =	vst.msk $0xffff, v3  }
.Ltmp4:
0x3a: {  	_ = 	snop;
	(pc) =	sbr.rel .LBB1_4-.Ltmp4, $1  }
0x3b: {  	_ =	sdelay $0x3  }
.LBB1_6:
0x3c: {  	_ =	sfence.sel $0x180000  }
0x3d: {  	s2 =	simm.s32 $0x1;
	[bflag:$0x0] =	sbarrier.arrive $0xFFFF  }
0x3e: {  	s31 =	simm.s32 $0x2;
	[sflag:s2] =	ssyncpa.u1 $0x1  }
0x3f: {  	[sflag:s31] =	ssyncpa.u1 $0x1  }
0x40: {  	p0 =	sne.s32 s0, $0x0;
	_ =	strace $0x9000004A  }
0x41: {  	s0 =	sadd.s32 @!p0 $0x100000, s1;
	[bflag:$0x2] =	sbarrier.arrive $0xFFFF  }
0x42: {  	[sflag:s0] =	ssyncadd.tile.s32 @!p0 $0x1;
	_ =	shalt  }
.Lfunc_end1:
_tile_overlayer_lowered:
.L_overlay_start_2:
0x43: {  	(tag) =	ssettag $0x2  }
0x44: {  	s0 =	rddreg [dreg:$0x0];
	s2 =	stileid.u32  }
0x45: {  	s1 =	rddreg [dreg:$0x1];
	p0 =	sne.s32 s2, $0x0  }
0x46: {  	s3 =	rddreg [dreg:$0x2];
	[bflag:$0x3] =	sbarrier.arrive $0xFFFF;
	s2 =	simm.s32 @!p0 $0x1C01  }
0x47: {  	[timem:s3], [sflag:s2] =	dma.local @!p0 [hbm:s0], s1  }
0x48: {  	s0 =	simm.s32 @!p0 $0x1  }
0x49: {  	_ =	swait.ge @!p0 [sflag:s0], s1  }
0x4a: {  	s1 =	ssub.s32 @!p0 $0x0, s1;
	[sflag:s0] =	ssyncset.done @!p0 $0x0  }
0x4b: {  	[sflag:s0] =	ssyncadd.s32 @!p0 s1  }
0x4c: {  	[bflag:$0x3] =	sbarrier.arrive $0xFFFF  }
0x4d: {  	_ =	shalt  }

</sc_bundles>
